<compile_context>
chip_gen: v7x
topology: tpu7x:2x2x1
jax: 0.10.2.dev20260603
libtpu: 0.0.44.dev20260713+nightly
codegen_flags: <defaults>
</compile_context>

<pallas_src>
import functools

import jax
import jax.numpy as jnp
from jax import lax
from jax.experimental import pallas as pl
from jax.experimental.pallas import tpu as pltpu
from jax.experimental.pallas import tpu_sc as plsc

P = 32
K = 8
IN_DIM = 1024
OUT_DIM = 1024
M = 4 * K

_ROWS = 1024
_NW = 32
_RPW = 128
_WPB = _ROWS // _RPW


def _prep_body(q_ref, wax_ref, woffx_ref, woffy_ref, idx_ref, coef_ref):
    i = pl.program_id(0)
    q = q_ref[...]
    logits = jax.lax.dot_general(
        wax_ref[...], q, (((1,), (1,)), ((), ())),
        preferred_element_type=jnp.float32)
    att = jax.nn.softmax(logits, axis=0)
    offx = jax.lax.dot_general(
        woffx_ref[...], q, (((1,), (1,)), ((), ())),
        preferred_element_type=jnp.float32)
    offy = jax.lax.dot_general(
        woffy_ref[...], q, (((1,), (1,)), ((), ())),
        preferred_element_type=jnp.float32)

    rows = jax.lax.broadcasted_iota(jnp.int32, (K, _ROWS), 1) + i * _ROWS
    n = jax.lax.rem(rows, jnp.int32(P * P))
    ref_x = (n // P).astype(jnp.float32) / (P - 1.0)
    ref_y = jax.lax.rem(n, jnp.int32(P)).astype(jnp.float32) / (P - 1.0)

    ix = (ref_x + offx) * (P / (P - 1.0)) - 0.5
    iy = (ref_y + offy) * (P / (P - 1.0)) - 0.5
    ix0 = jnp.floor(ix)
    iy0 = jnp.floor(iy)
    wx1 = ix - ix0
    wy1 = iy - iy0

    def axis_parts(i0, w1):
        v0 = ((i0 >= 0) & (i0 <= P - 1)).astype(jnp.float32)
        v1 = ((i0 >= -1) & (i0 <= P - 2)).astype(jnp.float32)
        c0 = jnp.clip(i0, 0.0, P - 1.0).astype(jnp.int32)
        c1 = jnp.clip(i0 + 1.0, 0.0, P - 1.0).astype(jnp.int32)
        return (((1.0 - w1) * v0, c0), (w1 * v1, c1))

    xs = axis_parts(ix0, wx1)
    ys = axis_parts(iy0, wy1)
    idx_parts = []
    coef_parts = []
    for wy, cy in ys:
        for wx, cx in xs:
            idx_parts.append(cy * P + cx)
            coef_parts.append(att * wy * wx)
    idx_t = jnp.concatenate(idx_parts, axis=0)
    coef_t = jnp.concatenate(coef_parts, axis=0)
    idx_ref[...] = jnp.stack(
        [idx_t[:, w * _RPW:(w + 1) * _RPW].reshape(M * _RPW)
         for w in range(_WPB)])[None]
    coef_ref[...] = jnp.stack(
        [coef_t[:, w * _RPW:(w + 1) * _RPW].reshape(M * _RPW)
         for w in range(_WPB)])[None]


def _prep(query, W_off, W_att):
    BN = query.shape[0]
    w_off_x = W_off[0::2]
    w_off_y = W_off[1::2]
    grid = (BN // _ROWS,)
    idxT, coefT = pl.pallas_call(
        _prep_body,
        grid=grid,
        in_specs=[
            pl.BlockSpec((_ROWS, IN_DIM), lambda i: (i, 0)),
            pl.BlockSpec((K, IN_DIM), lambda i: (0, 0)),
            pl.BlockSpec((K, IN_DIM), lambda i: (0, 0)),
            pl.BlockSpec((K, IN_DIM), lambda i: (0, 0)),
        ],
        out_specs=[
            pl.BlockSpec((1, _WPB, M * _RPW), lambda i: (i, 0, 0)),
            pl.BlockSpec((1, _WPB, M * _RPW), lambda i: (i, 0, 0)),
        ],
        out_shape=[
            jax.ShapeDtypeStruct((_NW // _WPB, _WPB, M * _RPW), jnp.int32),
            jax.ShapeDtypeStruct((_NW // _WPB, _WPB, M * _RPW), jnp.float32),
        ],
    )(query, W_att, w_off_x, w_off_y)
    return idxT, coefT


_GROUP = 16


def _sc_scatter_body(idx_hbm, coef_hbm, s_hbm,
                     idx_v, coef_v, tile_a, tile_b, sem_a, sem_b):
    wid = lax.axis_index("s") * 2 + lax.axis_index("c")
    pltpu.sync_copy(idx_hbm.at[wid // _WPB, wid % _WPB], idx_v)
    pltpu.sync_copy(coef_hbm.at[wid // _WPB, wid % _WPB], coef_v)
    lane = lax.broadcasted_iota(jnp.int32, (16,), 0)
    zvec = jnp.zeros((16,), jnp.float32)
    tiles = (tile_a, tile_b)
    sems = (sem_a, sem_b)
    handles = [None, None]
    for g in range(_RPW // _GROUP):
        b = g & 1
        tile = tiles[b]
        if handles[b] is not None:
            handles[b].wait()

        def _zero(j, _, tile=tile):
            for r in range(_GROUP):
                tile[r, pl.ds(j * 16, 16)] = zvec
            return 0

        lax.fori_loop(0, (P * P) // 16, _zero, 0)
        for m in range(M):
            iv = idx_v[pl.ds(m * _RPW + g * _GROUP, _GROUP)]
            cv = coef_v[pl.ds(m * _RPW + g * _GROUP, _GROUP)]
            plsc.addupdate_scatter(tile, [lane, iv], cv)
        handles[b] = pltpu.async_copy(
            tile, s_hbm.at[pl.ds(wid * _RPW + g * _GROUP, _GROUP), :], sems[b])
    for b in (0, 1):
        if handles[b] is not None:
            handles[b].wait()


def _sc_scatter(idxT, coefT):
    BN = _NW * _RPW
    mesh = plsc.VectorSubcoreMesh(core_axis_name="c", subcore_axis_name="s",
                                  num_cores=2, num_subcores=16)
    f = pl.kernel(
        _sc_scatter_body,
        out_type=jax.ShapeDtypeStruct((BN, P * P), jnp.float32),
        mesh=mesh,
        compiler_params=pltpu.CompilerParams(needs_layout_passes=False),
        scratch_types=[
            pltpu.VMEM((M * _RPW,), jnp.int32),
            pltpu.VMEM((M * _RPW,), jnp.float32),
            pltpu.VMEM((_GROUP, P * P), jnp.float32),
            pltpu.VMEM((_GROUP, P * P), jnp.float32),
            pltpu.SemaphoreType.DMA,
            pltpu.SemaphoreType.DMA,
        ],
    )
    return f(idxT, coefT)


def _vp_body(wval_ref, val_ref, vpt_ref):
    vpt_ref[0] = jax.lax.dot_general(
        wval_ref[...].astype(jnp.bfloat16),
        val_ref[0].astype(jnp.bfloat16), (((1,), (1,)), ((), ())),
        preferred_element_type=jnp.float32).astype(jnp.bfloat16)


def _vp(W_val, value):
    B, N, _ = value.shape
    return pl.pallas_call(
        _vp_body,
        grid=(B,),
        in_specs=[
            pl.BlockSpec((OUT_DIM, IN_DIM), lambda b: (0, 0)),
            pl.BlockSpec((1, N, IN_DIM), lambda b: (b, 0, 0)),
        ],
        out_specs=pl.BlockSpec((1, OUT_DIM, N), lambda b: (b, 0, 0)),
        out_shape=jax.ShapeDtypeStruct((B, OUT_DIM, N), jnp.bfloat16),
    )(W_val, value)


_MT = 256


def _out_body(s_ref, vpt_ref, out_ref):
    out_ref[0] = jax.lax.dot_general(
        s_ref[...].astype(jnp.bfloat16),
        vpt_ref[0], (((1,), (0,)), ((), ())),
        preferred_element_type=jnp.float32)


def _out_mm(S, VpT):
    B, F, N = VpT.shape
    grid = (B, N // _MT)
    return pl.pallas_call(
        _out_body,
        grid=grid,
        in_specs=[
            pl.BlockSpec((_MT, P * P), lambda b, t: (b * (N // _MT) + t, 0)),
            pl.BlockSpec((1, F, N), lambda b, t: (b, 0, 0)),
        ],
        out_specs=pl.BlockSpec((1, _MT, N), lambda b, t: (b, t, 0)),
        out_shape=jax.ShapeDtypeStruct((B, N, N), jnp.float32),
    )(S, VpT)


def kernel(query, value, W_off, W_att, W_val):
    B, N, _ = query.shape
    q2 = query.reshape(B * N, IN_DIM)
    idxT, coefT = _prep(q2, W_off, W_att)
    S = _sc_scatter(idxT, coefT)
    VpT = _vp(W_val, value)
    return _out_mm(S, VpT)

# --- scband reference (transcript-rebuilt; emitter-appended) ---
"""Pipeline reference for scband-deformable-attention-82368882802778 (READ-ONLY COPY).

The authoritative reference and input builder live on the scoring server;
editing this copy changes nothing except your own understanding.
"""

import jax, jax.numpy as jnp
import numpy as np

P = 32
NUM_POINTS = 8
IN_DIM = 1024
OUT_DIM = 1024


def _reference_points(h, w):
    rx = jnp.linspace(0.0, 1.0, w)
    ry = jnp.linspace(0.0, 1.0, h)
    gx, gy = jnp.meshgrid(rx, ry, indexing='ij')
    gx = gx.reshape(-1)[None]
    gy = gy.reshape(-1)[None]
    return jnp.stack([gx, gy], axis=-1)


def _grid_sample_bilinear(inp, grid):
    # inp: [B, C, H, W], grid: [B, Hg, Wg, 2] normalized to [-1, 1], align_corners=False, zero padding
    B, C, H, W = inp.shape
    x = grid[..., 0]
    y = grid[..., 1]
    ix = ((x + 1.0) * W - 1.0) / 2.0
    iy = ((y + 1.0) * H - 1.0) / 2.0
    ix0 = jnp.floor(ix)
    iy0 = jnp.floor(iy)
    ix1 = ix0 + 1.0
    iy1 = iy0 + 1.0
    wx1 = ix - ix0
    wx0 = 1.0 - wx1
    wy1 = iy - iy0
    wy0 = 1.0 - wy1
    flat = inp.reshape(B, C, H * W)

    def gather(ixf, iyf):
        valid = ((ixf >= 0) & (ixf <= W - 1) & (iyf >= 0) & (iyf <= H - 1)).astype(inp.dtype)
        ixc = jnp.clip(ixf, 0, W - 1).astype(jnp.int32)
        iyc = jnp.clip(iyf, 0, H - 1).astype(jnp.int32)
        idx = (iyc * W + ixc).reshape(B, 1, -1)
        g = jnp.take_along_axis(flat, idx, axis=2).reshape(B, C, x.shape[1], x.shape[2])
        return g * valid[:, None, :, :]

    out = (gather(ix0, iy0) * (wx0 * wy0)[:, None, :, :]
           + gather(ix1, iy0) * (wx1 * wy0)[:, None, :, :]
           + gather(ix0, iy1) * (wx0 * wy1)[:, None, :, :]
           + gather(ix1, iy1) * (wx1 * wy1)[:, None, :, :])
    return out


def setup_inputs(seed: int = 0):
    key = jax.random.key(seed)
    k1, k2, k3, k4, k5 = jax.random.split(key, 5)
    B = 4
    N = P * P
    query = jax.random.normal(k1, (B, N, IN_DIM), dtype=jnp.float32)
    value = jax.random.normal(k2, (B, N, IN_DIM), dtype=jnp.float32)
    W_off = jax.random.normal(k3, (NUM_POINTS * 2, IN_DIM), dtype=jnp.float32) * 0.02
    W_att = jax.random.normal(k4, (NUM_POINTS, IN_DIM), dtype=jnp.float32) * 0.02
    W_val = jax.random.normal(k5, (OUT_DIM, IN_DIM), dtype=jnp.float32) * 0.02
    return {"query": query, "value": value, "W_off": W_off, "W_att": W_att, "W_val": W_val}


def reference(query, value, W_off, W_att, W_val):
    B, N, _ = query.shape
    att = jax.nn.softmax((query @ W_att.T).reshape(B, N, NUM_POINTS), axis=-1)
    offsets = (query @ W_off.T).reshape(B, N, NUM_POINTS, 2)
    ref = _reference_points(P, P)
    loc = ref[:, :, None, :] + offsets
    loc = (loc / (P - 1.0) - 0.5) * 2.0
    v = (value @ W_val.T).reshape(B, -1, P, P)
    sampled = _grid_sample_bilinear(v, loc)
    out = (sampled * att[:, None, :, :]).sum(axis=-1)
    return out.transpose(0, 2, 1)

if __name__ == "__main__":
    import jax
    _d = setup_inputs()
    print(jax.jit(kernel)(*tuple(_d.values())))

</pallas_src>

<mosaic_0001>
#map = affine_map<(d0, d1) -> (0, 0, 0)>
#map1 = affine_map<(d0, d1) -> (0, 0)>
module attributes {stable_mosaic.version = 14 : i64} {
  func.func @_sc_scatter_body(%arg0: i32, %arg1: i32, %arg2: memref<4x8x4096xi32, #tpu.memory_space<hbm>>, %arg3: memref<4x8x4096xf32, #tpu.memory_space<hbm>>, %arg4: memref<4096x1024xf32, #tpu.memory_space<hbm>>, %arg5: memref<4096xi32, #tpu.memory_space<vmem>>, %arg6: memref<4096xf32, #tpu.memory_space<vmem>>, %arg7: memref<16x1024xf32, #tpu.memory_space<vmem>>, %arg8: memref<16x1024xf32, #tpu.memory_space<vmem>>, %arg9: memref<!tpu.dma_semaphore, #tpu.memory_space<semaphore_mem>>, %arg10: memref<!tpu.dma_semaphore, #tpu.memory_space<semaphore_mem>>) attributes {dimension_semantics = [#tpu.dimension_semantics<core_parallel>, #tpu.dimension_semantics<subcore_parallel>], iteration_bounds = array<i64: 2, 16>, scalar_prefetch = 0 : i64, scratch_operands = 6 : i64, tpu.core_type = #tpu.core_type<sc_vector_subcore>, window_params = [{transform_indices = #map}, {transform_indices = #map}, {transform_indices = #map1}]} {
    %mul3A = arith.constant 2 : i32
    %mul3A_0 = arith.muli %arg1, %mul3A : i32
    %add3A = arith.addi %mul3A_0, %arg0 : i32
    %jit3A = arith.constant 8 : i32
    %div3A = arith.divsi %add3A, %jit3A : i32
    %sign3A = arith.constant 0 : i32
    %sign3A_1 = arith.cmpi sgt, %add3A, %sign3A : i32
    %sign3A_2 = arith.extui %sign3A_1 : i1 to i32
    %sign3A_3 = arith.constant 0 : i32
    %sign3A_4 = arith.cmpi slt, %add3A, %sign3A_3 : i32
    %sign3A_5 = arith.extui %sign3A_4 : i1 to i32
    %sign3A_6 = arith.subi %sign3A_2, %sign3A_5 : i32
    %sign3A_7 = arith.constant 0 : i32
    %sign3A_8 = arith.cmpi sgt, %jit3A, %sign3A_7 : i32
    %sign3A_9 = arith.extui %sign3A_8 : i1 to i32
    %sign3A_10 = arith.constant 0 : i32
    %sign3A_11 = arith.cmpi slt, %jit3A, %sign3A_10 : i32
    %sign3A_12 = arith.extui %sign3A_11 : i1 to i32
    %sign3A_13 = arith.subi %sign3A_9, %sign3A_12 : i32
    %ne3A = arith.cmpi ne, %sign3A_6, %sign3A_13 : i32
    %rem3A = arith.remsi %add3A, %jit3A : i32
    %ne3A_14 = arith.constant 0 : i32
    %ne3A_15 = arith.cmpi ne, %rem3A, %ne3A_14 : i32
    %and3A = arith.andi %ne3A, %ne3A_15 : i1
    %sub3A = arith.constant 1 : i32
    %sub3A_16 = arith.subi %div3A, %sub3A : i32
    %select_n3A = arith.select %and3A, %sub3A_16, %div3A : i32
    %jit3A_17 = arith.constant 8 : i32
    %eq3A = arith.constant 0 : i32
    %eq3A_18 = arith.cmpi eq, %jit3A_17, %eq3A : i32
    %jit3A_19 = arith.constant 1 : i32
    %select_n3A_20 = arith.select %eq3A_18, %jit3A_19, %jit3A_17 : i32
    %rem3A_21 = arith.remsi %add3A, %select_n3A_20 : i32
    %ne3A_22 = arith.constant 0 : i32
    %ne3A_23 = arith.cmpi ne, %rem3A_21, %ne3A_22 : i32
    %lt3A = arith.constant 0 : i32
    %lt3A_24 = arith.cmpi slt, %rem3A_21, %lt3A : i32
    %lt3A_25 = arith.constant 0 : i32
    %lt3A_26 = arith.cmpi slt, %select_n3A_20, %lt3A_25 : i32
    %ne3A_27 = arith.xori %lt3A_24, %lt3A_26 : i1
    %and3A_28 = arith.andi %ne3A_27, %ne3A_23 : i1
    %add3A_29 = arith.addi %rem3A_21, %select_n3A_20 : i32
    %select_n3A_30 = arith.select %and3A_28, %add3A_29, %rem3A_21 : i32
    "tpu.region"() ({
      %run_scoped3A = tpu.sem_alloc : memref<!tpu.dma_semaphore, #tpu.memory_space<semaphore_mem>>
      %dma_start3A_1244 = arith.constant 0 : i32
      %dma_start3A_1245 = tpu.memref_slice %arg2[%select_n3A, %select_n3A_30, %dma_start3A_1244] : memref<4x8x4096xi32, #tpu.memory_space<hbm>> -> memref<1x1x4096xi32, #tpu.memory_space<hbm>>
      %dma_start3A_1246 = tpu.memref_squeeze %dma_start3A_1245 : memref<1x1x4096xi32, #tpu.memory_space<hbm>> -> memref<4096xi32, #tpu.memory_space<hbm>>
      %dma_start3A_1247 = arith.constant 0 : i32
      %dma_start3A_1248 = tpu.memref_slice %arg2[%select_n3A, %select_n3A_30, %dma_start3A_1247] : memref<4x8x4096xi32, #tpu.memory_space<hbm>> -> memref<1x1x4096xi32, #tpu.memory_space<hbm>>
      %dma_start3A_1249 = tpu.memref_squeeze %dma_start3A_1248 : memref<1x1x4096xi32, #tpu.memory_space<hbm>> -> memref<4096xi32, #tpu.memory_space<hbm>>
      tpu.enqueue_dma source(%dma_start3A_1249 : memref<4096xi32, #tpu.memory_space<hbm>>) target(%arg5 : memref<4096xi32, #tpu.memory_space<vmem>>) target_semaphore(%run_scoped3A : memref<!tpu.dma_semaphore, #tpu.memory_space<semaphore_mem>>)
      %dma_wait3A_1250 = arith.constant 0 : i32
      %dma_wait3A_1251 = tpu.memref_slice %arg2[%select_n3A, %select_n3A_30, %dma_wait3A_1250] : memref<4x8x4096xi32, #tpu.memory_space<hbm>> -> memref<1x1x4096xi32, #tpu.memory_space<hbm>>
      %dma_wait3A_1252 = tpu.memref_squeeze %dma_wait3A_1251 : memref<1x1x4096xi32, #tpu.memory_space<hbm>> -> memref<4096xi32, #tpu.memory_space<hbm>>
      %dma_wait3A_1253 = arith.constant 0 : i32
      %dma_wait3A_1254 = tpu.memref_slice %arg2[%select_n3A, %select_n3A_30, %dma_wait3A_1253] : memref<4x8x4096xi32, #tpu.memory_space<hbm>> -> memref<1x1x4096xi32, #tpu.memory_space<hbm>>
      %dma_wait3A_1255 = tpu.memref_squeeze %dma_wait3A_1254 : memref<1x1x4096xi32, #tpu.memory_space<hbm>> -> memref<4096xi32, #tpu.memory_space<hbm>>
      tpu.wait_dma2 semaphore(%run_scoped3A : memref<!tpu.dma_semaphore, #tpu.memory_space<semaphore_mem>>) src(%dma_wait3A_1255 : memref<4096xi32, #tpu.memory_space<hbm>>) dst(%arg5 : memref<4096xi32, #tpu.memory_space<vmem>>)
      tpu.yield
    }) : () -> ()
    %jit3A_31 = arith.constant 8 : i32
    %div3A_32 = arith.divsi %add3A, %jit3A_31 : i32
    %sign3A_33 = arith.constant 0 : i32
    %sign3A_34 = arith.cmpi sgt, %add3A, %sign3A_33 : i32
    %sign3A_35 = arith.extui %sign3A_34 : i1 to i32
    %sign3A_36 = arith.constant 0 : i32
    %sign3A_37 = arith.cmpi slt, %add3A, %sign3A_36 : i32
    %sign3A_38 = arith.extui %sign3A_37 : i1 to i32
    %sign3A_39 = arith.subi %sign3A_35, %sign3A_38 : i32
    %sign3A_40 = arith.constant 0 : i32
    %sign3A_41 = arith.cmpi sgt, %jit3A_31, %sign3A_40 : i32
    %sign3A_42 = arith.extui %sign3A_41 : i1 to i32
    %sign3A_43 = arith.constant 0 : i32
    %sign3A_44 = arith.cmpi slt, %jit3A_31, %sign3A_43 : i32
    %sign3A_45 = arith.extui %sign3A_44 : i1 to i32
    %sign3A_46 = arith.subi %sign3A_42, %sign3A_45 : i32
    %ne3A_47 = arith.cmpi ne, %sign3A_39, %sign3A_46 : i32
    %rem3A_48 = arith.remsi %add3A, %jit3A_31 : i32
    %ne3A_49 = arith.constant 0 : i32
    %ne3A_50 = arith.cmpi ne, %rem3A_48, %ne3A_49 : i32
    %and3A_51 = arith.andi %ne3A_47, %ne3A_50 : i1
    %sub3A_52 = arith.constant 1 : i32
    %sub3A_53 = arith.subi %div3A_32, %sub3A_52 : i32
    %select_n3A_54 = arith.select %and3A_51, %sub3A_53, %div3A_32 : i32
    %jit3A_55 = arith.constant 8 : i32
    %eq3A_56 = arith.constant 0 : i32
    %eq3A_57 = arith.cmpi eq, %jit3A_55, %eq3A_56 : i32
    %jit3A_58 = arith.constant 1 : i32
    %select_n3A_59 = arith.select %eq3A_57, %jit3A_58, %jit3A_55 : i32
    %rem3A_60 = arith.remsi %add3A, %select_n3A_59 : i32
    %ne3A_61 = arith.constant 0 : i32
    %ne3A_62 = arith.cmpi ne, %rem3A_60, %ne3A_61 : i32
    %lt3A_63 = arith.constant 0 : i32
    %lt3A_64 = arith.cmpi slt, %rem3A_60, %lt3A_63 : i32
    %lt3A_65 = arith.constant 0 : i32
    %lt3A_66 = arith.cmpi slt, %select_n3A_59, %lt3A_65 : i32
    %ne3A_67 = arith.xori %lt3A_64, %lt3A_66 : i1
    %and3A_68 = arith.andi %ne3A_67, %ne3A_62 : i1
    %add3A_69 = arith.addi %rem3A_60, %select_n3A_59 : i32
    %select_n3A_70 = arith.select %and3A_68, %add3A_69, %rem3A_60 : i32
    "tpu.region"() ({
      %run_scoped3A = tpu.sem_alloc : memref<!tpu.dma_semaphore, #tpu.memory_space<semaphore_mem>>
      %dma_start3A_1244 = arith.constant 0 : i32
      %dma_start3A_1245 = tpu.memref_slice %arg3[%select_n3A_54, %select_n3A_70, %dma_start3A_1244] : memref<4x8x4096xf32, #tpu.memory_space<hbm>> -> memref<1x1x4096xf32, #tpu.memory_space<hbm>>
      %dma_start3A_1246 = tpu.memref_squeeze %dma_start3A_1245 : memref<1x1x4096xf32, #tpu.memory_space<hbm>> -> memref<4096xf32, #tpu.memory_space<hbm>>
      %dma_start3A_1247 = arith.constant 0 : i32
      %dma_start3A_1248 = tpu.memref_slice %arg3[%select_n3A_54, %select_n3A_70, %dma_start3A_1247] : memref<4x8x4096xf32, #tpu.memory_space<hbm>> -> memref<1x1x4096xf32, #tpu.memory_space<hbm>>
      %dma_start3A_1249 = tpu.memref_squeeze %dma_start3A_1248 : memref<1x1x4096xf32, #tpu.memory_space<hbm>> -> memref<4096xf32, #tpu.memory_space<hbm>>
      tpu.enqueue_dma source(%dma_start3A_1249 : memref<4096xf32, #tpu.memory_space<hbm>>) target(%arg6 : memref<4096xf32, #tpu.memory_space<vmem>>) target_semaphore(%run_scoped3A : memref<!tpu.dma_semaphore, #tpu.memory_space<semaphore_mem>>)
      %dma_wait3A_1250 = arith.constant 0 : i32
      %dma_wait3A_1251 = tpu.memref_slice %arg3[%select_n3A_54, %select_n3A_70, %dma_wait3A_1250] : memref<4x8x4096xf32, #tpu.memory_space<hbm>> -> memref<1x1x4096xf32, #tpu.memory_space<hbm>>
      %dma_wait3A_1252 = tpu.memref_squeeze %dma_wait3A_1251 : memref<1x1x4096xf32, #tpu.memory_space<hbm>> -> memref<4096xf32, #tpu.memory_space<hbm>>
      %dma_wait3A_1253 = arith.constant 0 : i32
      %dma_wait3A_1254 = tpu.memref_slice %arg3[%select_n3A_54, %select_n3A_70, %dma_wait3A_1253] : memref<4x8x4096xf32, #tpu.memory_space<hbm>> -> memref<1x1x4096xf32, #tpu.memory_space<hbm>>
      %dma_wait3A_1255 = tpu.memref_squeeze %dma_wait3A_1254 : memref<1x1x4096xf32, #tpu.memory_space<hbm>> -> memref<4096xf32, #tpu.memory_space<hbm>>
      tpu.wait_dma2 semaphore(%run_scoped3A : memref<!tpu.dma_semaphore, #tpu.memory_space<semaphore_mem>>) src(%dma_wait3A_1255 : memref<4096xf32, #tpu.memory_space<hbm>>) dst(%arg6 : memref<4096xf32, #tpu.memory_space<vmem>>)
      tpu.yield
    }) : () -> ()
    %iota3A = tpu.iota {dimensions = array<i32: 0>} : vector<16xi32>
    %broadcast_in_dim3A = arith.constant 0.000000e+00 : f32
    %broadcast_in_dim3A_71 = vector.broadcast %broadcast_in_dim3A : f32 to vector<16xf32>
    %scan3A = arith.constant 0 : i32
    %scan3A_72 = arith.constant 0 : i32
    %scan3A_73 = arith.constant 64 : i32
    %scan3A_74 = arith.addi %scan3A_72, %scan3A_73 : i32
    %scan3A_75 = arith.constant 1 : i32
    %scan3A_76 = scf.for %scan3A_1244 = %scan3A_72 to %scan3A_74 step %scan3A_75 iter_args(%scan3A_1245 = %scan3A) -> (i32)  : i32 {
      %mul3A_1246 = arith.constant 16 : i32
      %mul3A_1247 = arith.muli %scan3A_1244, %mul3A_1246 : i32
      %swap3A = arith.constant 0 : i32
      %swap3A_1248 = arith.index_cast %swap3A : i32 to index
      %swap3A_1249 = arith.index_cast %mul3A_1247 : i32 to index
      %swap3A_1250 = tpu.vector_load %arg7[%swap3A_1248, %swap3A_1249] {strides = array<i32>} : memref<16x1024xf32, #tpu.memory_space<vmem>>, vector<16xf32>,
      tpu.vector_store %arg7[%swap3A_1248, %swap3A_1249], %broadcast_in_dim3A_71 {strides = array<i32>} : memref<16x1024xf32, #tpu.memory_space<vmem>>, vector<16xf32>,
      %mul3A_1251 = arith.constant 16 : i32
      %mul3A_1252 = arith.muli %scan3A_1244, %mul3A_1251 : i32
      %swap3A_1253 = arith.constant 1 : i32
      %swap3A_1254 = arith.index_cast %swap3A_1253 : i32 to index
      %swap3A_1255 = arith.index_cast %mul3A_1252 : i32 to index
      %swap3A_1256 = tpu.vector_load %arg7[%swap3A_1254, %swap3A_1255] {strides = array<i32>} : memref<16x1024xf32, #tpu.memory_space<vmem>>, vector<16xf32>,
      tpu.vector_store %arg7[%swap3A_1254, %swap3A_1255], %broadcast_in_dim3A_71 {strides = array<i32>} : memref<16x1024xf32, #tpu.memory_space<vmem>>, vector<16xf32>,
      %mul3A_1257 = arith.constant 16 : i32
      %mul3A_1258 = arith.muli %scan3A_1244, %mul3A_1257 : i32
      %swap3A_1259 = arith.constant 2 : i32
      %swap3A_1260 = arith.index_cast %swap3A_1259 : i32 to index
      %swap3A_1261 = arith.index_cast %mul3A_1258 : i32 to index
      %swap3A_1262 = tpu.vector_load %arg7[%swap3A_1260, %swap3A_1261] {strides = array<i32>} : memref<16x1024xf32, #tpu.memory_space<vmem>>, vector<16xf32>,
      tpu.vector_store %arg7[%swap3A_1260, %swap3A_1261], %broadcast_in_dim3A_71 {strides = array<i32>} : memref<16x1024xf32, #tpu.memory_space<vmem>>, vector<16xf32>,
      %mul3A_1263 = arith.constant 16 : i32
      %mul3A_1264 = arith.muli %scan3A_1244, %mul3A_1263 : i32
      %swap3A_1265 = arith.constant 3 : i32
      %swap3A_1266 = arith.index_cast %swap3A_1265 : i32 to index
      %swap3A_1267 = arith.index_cast %mul3A_1264 : i32 to index
      %swap3A_1268 = tpu.vector_load %arg7[%swap3A_1266, %swap3A_1267] {strides = array<i32>} : memref<16x1024xf32, #tpu.memory_space<vmem>>, vector<16xf32>,
      tpu.vector_store %arg7[%swap3A_1266, %swap3A_1267], %broadcast_in_dim3A_71 {strides = array<i32>} : memref<16x1024xf32, #tpu.memory_space<vmem>>, vector<16xf32>,
      %mul3A_1269 = arith.constant 16 : i32
      %mul3A_1270 = arith.muli %scan3A_1244, %mul3A_1269 : i32
      %swap3A_1271 = arith.constant 4 : i32
      %swap3A_1272 = arith.index_cast %swap3A_1271 : i32 to index
      %swap3A_1273 = arith.index_cast %mul3A_1270 : i32 to index
      %swap3A_1274 = tpu.vector_load %arg7[%swap3A_1272, %swap3A_1273] {strides = array<i32>} : memref<16x1024xf32, #tpu.memory_space<vmem>>, vector<16xf32>,
      tpu.vector_store %arg7[%swap3A_1272, %swap3A_1273], %broadcast_in_dim3A_71 {strides = array<i32>} : memref<16x1024xf32, #tpu.memory_space<vmem>>, vector<16xf32>,
      %mul3A_1275 = arith.constant 16 : i32
      %mul3A_1276 = arith.muli %scan3A_1244, %mul3A_1275 : i32
      %swap3A_1277 = arith.constant 5 : i32
      %swap3A_1278 = arith.index_cast %swap3A_1277 : i32 to index
      %swap3A_1279 = arith.index_cast %mul3A_1276 : i32 to index
      %swap3A_1280 = tpu.vector_load %arg7[%swap3A_1278, %swap3A_1279] {strides = array<i32>} : memref<16x1024xf32, #tpu.memory_space<vmem>>, vector<16xf32>,
      tpu.vector_store %arg7[%swap3A_1278, %swap3A_1279], %broadcast_in_dim3A_71 {strides = array<i32>} : memref<16x1024xf32, #tpu.memory_space<vmem>>, vector<16xf32>,
      %mul3A_1281 = arith.constant 16 : i32
      %mul3A_1282 = arith.muli %scan3A_1244, %mul3A_1281 : i32
      %swap3A_1283 = arith.constant 6 : i32
      %swap3A_1284 = arith.index_cast %swap3A_1283 : i32 to index
      %swap3A_1285 = arith.index_cast %mul3A_1282 : i32 to index
      %swap3A_1286 = tpu.vector_load %arg7[%swap3A_1284, %swap3A_1285] {strides = array<i32>} : memref<16x1024xf32, #tpu.memory_space<vmem>>, vector<16xf32>,
      tpu.vector_store %arg7[%swap3A_1284, %swap3A_1285], %broadcast_in_dim3A_71 {strides = array<i32>} : memref<16x1024xf32, #tpu.memory_space<vmem>>, vector<16xf32>,
      %mul3A_1287 = arith.constant 16 : i32
      %mul3A_1288 = arith.muli %scan3A_1244, %mul3A_1287 : i32
      %swap3A_1289 = arith.constant 7 : i32
      %swap3A_1290 = arith.index_cast %swap3A_1289 : i32 to index
      %swap3A_1291 = arith.index_cast %mul3A_1288 : i32 to index
      %swap3A_1292 = tpu.vector_load %arg7[%swap3A_1290, %swap3A_1291] {strides = array<i32>} : memref<16x1024xf32, #tpu.memory_space<vmem>>, vector<16xf32>,
      tpu.vector_store %arg7[%swap3A_1290, %swap3A_1291], %broadcast_in_dim3A_71 {strides = array<i32>} : memref<16x1024xf32, #tpu.memory_space<vmem>>, vector<16xf32>,
      %mul3A_1293 = arith.constant 16 : i32
      %mul3A_1294 = arith.muli %scan3A_1244, %mul3A_1293 : i32
      %swap3A_1295 = arith.constant 8 : i32
      %swap3A_1296 = arith.index_cast %swap3A_1295 : i32 to index
      %swap3A_1297 = arith.index_cast %mul3A_1294 : i32 to index
      %swap3A_1298 = tpu.vector_load %arg7[%swap3A_1296, %swap3A_1297] {strides = array<i32>} : memref<16x1024xf32, #tpu.memory_space<vmem>>, vector<16xf32>,
      tpu.vector_store %arg7[%swap3A_1296, %swap3A_1297], %broadcast_in_dim3A_71 {strides = array<i32>} : memref<16x1024xf32, #tpu.memory_space<vmem>>, vector<16xf32>,
      %mul3A_1299 = arith.constant 16 : i32
      %mul3A_1300 = arith.muli %scan3A_1244, %mul3A_1299 : i32
      %swap3A_1301 = arith.constant 9 : i32
      %swap3A_1302 = arith.index_cast %swap3A_1301 : i32 to index
      %swap3A_1303 = arith.index_cast %mul3A_1300 : i32 to index
      %swap3A_1304 = tpu.vector_load %arg7[%swap3A_1302, %swap3A_1303] {strides = array<i32>} : memref<16x1024xf32, #tpu.memory_space<vmem>>, vector<16xf32>,
      tpu.vector_store %arg7[%swap3A_1302, %swap3A_1303], %broadcast_in_dim3A_71 {strides = array<i32>} : memref<16x1024xf32, #tpu.memory_space<vmem>>, vector<16xf32>,
      %mul3A_1305 = arith.constant 16 : i32
      %mul3A_1306 = arith.muli %scan3A_1244, %mul3A_1305 : i32
      %swap3A_1307 = arith.constant 10 : i32
      %swap3A_1308 = arith.index_cast %swap3A_1307 : i32 to index
      %swap3A_1309 = arith.index_cast %mul3A_1306 : i32 to index
      %swap3A_1310 = tpu.vector_load %arg7[%swap3A_1308, %swap3A_1309] {strides = array<i32>} : memref<16x1024xf32, #tpu.memory_space<vmem>>, vector<16xf32>,
      tpu.vector_store %arg7[%swap3A_1308, %swap3A_1309], %broadcast_in_dim3A_71 {strides = array<i32>} : memref<16x1024xf32, #tpu.memory_space<vmem>>, vector<16xf32>,
      %mul3A_1311 = arith.constant 16 : i32
      %mul3A_1312 = arith.muli %scan3A_1244, %mul3A_1311 : i32
      %swap3A_1313 = arith.constant 11 : i32
      %swap3A_1314 = arith.index_cast %swap3A_1313 : i32 to index
      %swap3A_1315 = arith.index_cast %mul3A_1312 : i32 to index
      %swap3A_1316 = tpu.vector_load %arg7[%swap3A_1314, %swap3A_1315] {strides = array<i32>} : memref<16x1024xf32, #tpu.memory_space<vmem>>, vector<16xf32>,
      tpu.vector_store %arg7[%swap3A_1314, %swap3A_1315], %broadcast_in_dim3A_71 {strides = array<i32>} : memref<16x1024xf32, #tpu.memory_space<vmem>>, vector<16xf32>,
      %mul3A_1317 = arith.constant 16 : i32
      %mul3A_1318 = arith.muli %scan3A_1244, %mul3A_1317 : i32
      %swap3A_1319 = arith.constant 12 : i32
      %swap3A_1320 = arith.index_cast %swap3A_1319 : i32 to index
      %swap3A_1321 = arith.index_cast %mul3A_1318 : i32 to index
      %swap3A_1322 = tpu.vector_load %arg7[%swap3A_1320, %swap3A_1321] {strides = array<i32>} : memref<16x1024xf32, #tpu.memory_space<vmem>>, vector<16xf32>,
      tpu.vector_store %arg7[%swap3A_1320, %swap3A_1321], %broadcast_in_dim3A_71 {strides = array<i32>} : memref<16x1024xf32, #tpu.memory_space<vmem>>, vector<16xf32>,
      %mul3A_1323 = arith.constant 16 : i32
      %mul3A_1324 = arith.muli %scan3A_1244, %mul3A_1323 : i32
      %swap3A_1325 = arith.constant 13 : i32
      %swap3A_1326 = arith.index_cast %swap3A_1325 : i32 to index
      %swap3A_1327 = arith.index_cast %mul3A_1324 : i32 to index
      %swap3A_1328 = tpu.vector_load %arg7[%swap3A_1326, %swap3A_1327] {strides = array<i32>} : memref<16x1024xf32, #tpu.memory_space<vmem>>, vector<16xf32>,
      tpu.vector_store %arg7[%swap3A_1326, %swap3A_1327], %broadcast_in_dim3A_71 {strides = array<i32>} : memref<16x1024xf32, #tpu.memory_space<vmem>>, vector<16xf32>,
      %mul3A_1329 = arith.constant 16 : i32
      %mul3A_1330 = arith.muli %scan3A_1244, %mul3A_1329 : i32
      %swap3A_1331 = arith.constant 14 : i32
      %swap3A_1332 = arith.index_cast %swap3A_1331 : i32 to index
      %swap3A_1333 = arith.index_cast %mul3A_1330 : i32 to index
      %swap3A_1334 = tpu.vector_load %arg7[%swap3A_1332, %swap3A_1333] {strides = array<i32>} : memref<16x1024xf32, #tpu.memory_space<vmem>>, vector<16xf32>,
      tpu.vector_store %arg7[%swap3A_1332, %swap3A_1333], %broadcast_in_dim3A_71 {strides = array<i32>} : memref<16x1024xf32, #tpu.memory_space<vmem>>, vector<16xf32>,
      %mul3A_1335 = arith.constant 16 : i32
      %mul3A_1336 = arith.muli %scan3A_1244, %mul3A_1335 : i32
      %swap3A_1337 = arith.constant 15 : i32
      %swap3A_1338 = arith.index_cast %swap3A_1337 : i32 to index
      %swap3A_1339 = arith.index_cast %mul3A_1336 : i32 to index
      %swap3A_1340 = tpu.vector_load %arg7[%swap3A_1338, %swap3A_1339] {strides = array<i32>} : memref<16x1024xf32, #tpu.memory_space<vmem>>, vector<16xf32>,
      tpu.vector_store %arg7[%swap3A_1338, %swap3A_1339], %broadcast_in_dim3A_71 {strides = array<i32>} : memref<16x1024xf32, #tpu.memory_space<vmem>>, vector<16xf32>,
      %scan3A_1341 = arith.constant 0 : i32
      scf.yield %scan3A_1341 : i32
    }
    %scan3A_77 = arith.constant 64 : i32
    %get3A = arith.constant 0 : index
    %get3A_78 = tpu.vector_load %arg5[%get3A] {strides = array<i32>} : memref<4096xi32, #tpu.memory_space<vmem>>, vector<16xi32>,
    %get3A_79 = arith.constant 0 : index
    %get3A_80 = tpu.vector_load %arg6[%get3A_79] {strides = array<i32>} : memref<4096xf32, #tpu.memory_space<vmem>>, vector<16xf32>,
    tpu.vector_store_idx %arg7[%iota3A, %get3A_78], %get3A_80 {add = true} : memref<16x1024xf32, #tpu.memory_space<vmem>>[vector<16xi32>, vector<16xi32>], vector<16xf32>,
    %get3A_81 = arith.constant 128 : index
    %get3A_82 = tpu.vector_load %arg5[%get3A_81] {strides = array<i32>} : memref<4096xi32, #tpu.memory_space<vmem>>, vector<16xi32>,
    %get3A_83 = arith.constant 128 : index
    %get3A_84 = tpu.vector_load %arg6[%get3A_83] {strides = array<i32>} : memref<4096xf32, #tpu.memory_space<vmem>>, vector<16xf32>,
    tpu.vector_store_idx %arg7[%iota3A, %get3A_82], %get3A_84 {add = true} : memref<16x1024xf32, #tpu.memory_space<vmem>>[vector<16xi32>, vector<16xi32>], vector<16xf32>,
    %get3A_85 = arith.constant 256 : index
    %get3A_86 = tpu.vector_load %arg5[%get3A_85] {strides = array<i32>} : memref<4096xi32, #tpu.memory_space<vmem>>, vector<16xi32>,
    %get3A_87 = arith.constant 256 : index
    %get3A_88 = tpu.vector_load %arg6[%get3A_87] {strides = array<i32>} : memref<4096xf32, #tpu.memory_space<vmem>>, vector<16xf32>,
    tpu.vector_store_idx %arg7[%iota3A, %get3A_86], %get3A_88 {add = true} : memref<16x1024xf32, #tpu.memory_space<vmem>>[vector<16xi32>, vector<16xi32>], vector<16xf32>,
    %get3A_89 = arith.constant 384 : index
    %get3A_90 = tpu.vector_load %arg5[%get3A_89] {strides = array<i32>} : memref<4096xi32, #tpu.memory_space<vmem>>, vector<16xi32>,
    %get3A_91 = arith.constant 384 : index
    %get3A_92 = tpu.vector_load %arg6[%get3A_91] {strides = array<i32>} : memref<4096xf32, #tpu.memory_space<vmem>>, vector<16xf32>,
    tpu.vector_store_idx %arg7[%iota3A, %get3A_90], %get3A_92 {add = true} : memref<16x1024xf32, #tpu.memory_space<vmem>>[vector<16xi32>, vector<16xi32>], vector<16xf32>,
    %get3A_93 = arith.constant 512 : index
    %get3A_94 = tpu.vector_load %arg5[%get3A_93] {strides = array<i32>} : memref<4096xi32, #tpu.memory_space<vmem>>, vector<16xi32>,
    %get3A_95 = arith.constant 512 : index
    %get3A_96 = tpu.vector_load %arg6[%get3A_95] {strides = array<i32>} : memref<4096xf32, #tpu.memory_space<vmem>>, vector<16xf32>,
    tpu.vector_store_idx %arg7[%iota3A, %get3A_94], %get3A_96 {add = true} : memref<16x1024xf32, #tpu.memory_space<vmem>>[vector<16xi32>, vector<16xi32>], vector<16xf32>,
    %get3A_97 = arith.constant 640 : index
    %get3A_98 = tpu.vector_load %arg5[%get3A_97] {strides = array<i32>} : memref<4096xi32, #tpu.memory_space<vmem>>, vector<16xi32>,
    %get3A_99 = arith.constant 640 : index
    %get3A_100 = tpu.vector_load %arg6[%get3A_99] {strides = array<i32>} : memref<4096xf32, #tpu.memory_space<vmem>>, vector<16xf32>,
    tpu.vector_store_idx %arg7[%iota3A, %get3A_98], %get3A_100 {add = true} : memref<16x1024xf32, #tpu.memory_space<vmem>>[vector<16xi32>, vector<16xi32>], vector<16xf32>,
    %get3A_101 = arith.constant 768 : index
    %get3A_102 = tpu.vector_load %arg5[%get3A_101] {strides = array<i32>} : memref<4096xi32, #tpu.memory_space<vmem>>, vector<16xi32>,
    %get3A_103 = arith.constant 768 : index
    %get3A_104 = tpu.vector_load %arg6[%get3A_103] {strides = array<i32>} : memref<4096xf32, #tpu.memory_space<vmem>>, vector<16xf32>,
    tpu.vector_store_idx %arg7[%iota3A, %get3A_102], %get3A_104 {add = true} : memref<16x1024xf32, #tpu.memory_space<vmem>>[vector<16xi32>, vector<16xi32>], vector<16xf32>,
    %get3A_105 = arith.constant 896 : index
    %get3A_106 = tpu.vector_load %arg5[%get3A_105] {strides = array<i32>} : memref<4096xi32, #tpu.memory_space<vmem>>, vector<16xi32>,
    %get3A_107 = arith.constant 896 : index
    %get3A_108 = tpu.vector_load %arg6[%get3A_107] {strides = array<i32>} : memref<4096xf32, #tpu.memory_space<vmem>>, vector<16xf32>,
    tpu.vector_store_idx %arg7[%iota3A, %get3A_106], %get3A_108 {add = true} : memref<16x1024xf32, #tpu.memory_space<vmem>>[vector<16xi32>, vector<16xi32>], vector<16xf32>,
    %get3A_109 = arith.constant 1024 : index
    %get3A_110 = tpu.vector_load %arg5[%get3A_109] {strides = array<i32>} : memref<4096xi32, #tpu.memory_space<vmem>>, vector<16xi32>,
    %get3A_111 = arith.constant 1024 : index
    %get3A_112 = tpu.vector_load %arg6[%get3A_111] {strides = array<i32>} : memref<4096xf32, #tpu.memory_space<vmem>>, vector<16xf32>,
    tpu.vector_store_idx %arg7[%iota3A, %get3A_110], %get3A_112 {add = true} : memref<16x1024xf32, #tpu.memory_space<vmem>>[vector<16xi32>, vector<16xi32>], vector<16xf32>,
    %get3A_113 = arith.constant 1152 : index
    %get3A_114 = tpu.vector_load %arg5[%get3A_113] {strides = array<i32>} : memref<4096xi32, #tpu.memory_space<vmem>>, vector<16xi32>,
    %get3A_115 = arith.constant 1152 : index
    %get3A_116 = tpu.vector_load %arg6[%get3A_115] {strides = array<i32>} : memref<4096xf32, #tpu.memory_space<vmem>>, vector<16xf32>,
    tpu.vector_store_idx %arg7[%iota3A, %get3A_114], %get3A_116 {add = true} : memref<16x1024xf32, #tpu.memory_space<vmem>>[vector<16xi32>, vector<16xi32>], vector<16xf32>,
    %get3A_117 = arith.constant 1280 : index
    %get3A_118 = tpu.vector_load %arg5[%get3A_117] {strides = array<i32>} : memref<4096xi32, #tpu.memory_space<vmem>>, vector<16xi32>,
    %get3A_119 = arith.constant 1280 : index
    %get3A_120 = tpu.vector_load %arg6[%get3A_119] {strides = array<i32>} : memref<4096xf32, #tpu.memory_space<vmem>>, vector<16xf32>,
    tpu.vector_store_idx %arg7[%iota3A, %get3A_118], %get3A_120 {add = true} : memref<16x1024xf32, #tpu.memory_space<vmem>>[vector<16xi32>, vector<16xi32>], vector<16xf32>,
    %get3A_121 = arith.constant 1408 : index
    %get3A_122 = tpu.vector_load %arg5[%get3A_121] {strides = array<i32>} : memref<4096xi32, #tpu.memory_space<vmem>>, vector<16xi32>,
    %get3A_123 = arith.constant 1408 : index
    %get3A_124 = tpu.vector_load %arg6[%get3A_123] {strides = array<i32>} : memref<4096xf32, #tpu.memory_space<vmem>>, vector<16xf32>,
    tpu.vector_store_idx %arg7[%iota3A, %get3A_122], %get3A_124 {add = true} : memref<16x1024xf32, #tpu.memory_space<vmem>>[vector<16xi32>, vector<16xi32>], vector<16xf32>,
    %get3A_125 = arith.constant 1536 : index
    %get3A_126 = tpu.vector_load %arg5[%get3A_125] {strides = array<i32>} : memref<4096xi32, #tpu.memory_space<vmem>>, vector<16xi32>,
    %get3A_127 = arith.constant 1536 : index
    %get3A_128 = tpu.vector_load %arg6[%get3A_127] {strides = array<i32>} : memref<4096xf32, #tpu.memory_space<vmem>>, vector<16xf32>,
    tpu.vector_store_idx %arg7[%iota3A, %get3A_126], %get3A_128 {add = true} : memref<16x1024xf32, #tpu.memory_space<vmem>>[vector<16xi32>, vector<16xi32>], vector<16xf32>,
    %get3A_129 = arith.constant 1664 : index
    %get3A_130 = tpu.vector_load %arg5[%get3A_129] {strides = array<i32>} : memref<4096xi32, #tpu.memory_space<vmem>>, vector<16xi32>,
    %get3A_131 = arith.constant 1664 : index
    %get3A_132 = tpu.vector_load %arg6[%get3A_131] {strides = array<i32>} : memref<4096xf32, #tpu.memory_space<vmem>>, vector<16xf32>,
    tpu.vector_store_idx %arg7[%iota3A, %get3A_130], %get3A_132 {add = true} : memref<16x1024xf32, #tpu.memory_space<vmem>>[vector<16xi32>, vector<16xi32>], vector<16xf32>,
    %get3A_133 = arith.constant 1792 : index
    %get3A_134 = tpu.vector_load %arg5[%get3A_133] {strides = array<i32>} : memref<4096xi32, #tpu.memory_space<vmem>>, vector<16xi32>,
    %get3A_135 = arith.constant 1792 : index
    %get3A_136 = tpu.vector_load %arg6[%get3A_135] {strides = array<i32>} : memref<4096xf32, #tpu.memory_space<vmem>>, vector<16xf32>,
    tpu.vector_store_idx %arg7[%iota3A, %get3A_134], %get3A_136 {add = true} : memref<16x1024xf32, #tpu.memory_space<vmem>>[vector<16xi32>, vector<16xi32>], vector<16xf32>,
    %get3A_137 = arith.constant 1920 : index
    %get3A_138 = tpu.vector_load %arg5[%get3A_137] {strides = array<i32>} : memref<4096xi32, #tpu.memory_space<vmem>>, vector<16xi32>,
    %get3A_139 = arith.constant 1920 : index
    %get3A_140 = tpu.vector_load %arg6[%get3A_139] {strides = array<i32>} : memref<4096xf32, #tpu.memory_space<vmem>>, vector<16xf32>,
    tpu.vector_store_idx %arg7[%iota3A, %get3A_138], %get3A_140 {add = true} : memref<16x1024xf32, #tpu.memory_space<vmem>>[vector<16xi32>, vector<16xi32>], vector<16xf32>,
    %get3A_141 = arith.constant 2048 : index
    %get3A_142 = tpu.vector_load %arg5[%get3A_141] {strides = array<i32>} : memref<4096xi32, #tpu.memory_space<vmem>>, vector<16xi32>,
    %get3A_143 = arith.constant 2048 : index
    %get3A_144 = tpu.vector_load %arg6[%get3A_143] {strides = array<i32>} : memref<4096xf32, #tpu.memory_space<vmem>>, vector<16xf32>,
    tpu.vector_store_idx %arg7[%iota3A, %get3A_142], %get3A_144 {add = true} : memref<16x1024xf32, #tpu.memory_space<vmem>>[vector<16xi32>, vector<16xi32>], vector<16xf32>,
    %get3A_145 = arith.constant 2176 : index
    %get3A_146 = tpu.vector_load %arg5[%get3A_145] {strides = array<i32>} : memref<4096xi32, #tpu.memory_space<vmem>>, vector<16xi32>,
    %get3A_147 = arith.constant 2176 : index
    %get3A_148 = tpu.vector_load %arg6[%get3A_147] {strides = array<i32>} : memref<4096xf32, #tpu.memory_space<vmem>>, vector<16xf32>,
    tpu.vector_store_idx %arg7[%iota3A, %get3A_146], %get3A_148 {add = true} : memref<16x1024xf32, #tpu.memory_space<vmem>>[vector<16xi32>, vector<16xi32>], vector<16xf32>,
    %get3A_149 = arith.constant 2304 : index
    %get3A_150 = tpu.vector_load %arg5[%get3A_149] {strides = array<i32>} : memref<4096xi32, #tpu.memory_space<vmem>>, vector<16xi32>,
    %get3A_151 = arith.constant 2304 : index
    %get3A_152 = tpu.vector_load %arg6[%get3A_151] {strides = array<i32>} : memref<4096xf32, #tpu.memory_space<vmem>>, vector<16xf32>,
    tpu.vector_store_idx %arg7[%iota3A, %get3A_150], %get3A_152 {add = true} : memref<16x1024xf32, #tpu.memory_space<vmem>>[vector<16xi32>, vector<16xi32>], vector<16xf32>,
    %get3A_153 = arith.constant 2432 : index
    %get3A_154 = tpu.vector_load %arg5[%get3A_153] {strides = array<i32>} : memref<4096xi32, #tpu.memory_space<vmem>>, vector<16xi32>,
    %get3A_155 = arith.constant 2432 : index
    %get3A_156 = tpu.vector_load %arg6[%get3A_155] {strides = array<i32>} : memref<4096xf32, #tpu.memory_space<vmem>>, vector<16xf32>,
    tpu.vector_store_idx %arg7[%iota3A, %get3A_154], %get3A_156 {add = true} : memref<16x1024xf32, #tpu.memory_space<vmem>>[vector<16xi32>, vector<16xi32>], vector<16xf32>,
    %get3A_157 = arith.constant 2560 : index
    %get3A_158 = tpu.vector_load %arg5[%get3A_157] {strides = array<i32>} : memref<4096xi32, #tpu.memory_space<vmem>>, vector<16xi32>,
    %get3A_159 = arith.constant 2560 : index
    %get3A_160 = tpu.vector_load %arg6[%get3A_159] {strides = array<i32>} : memref<4096xf32, #tpu.memory_space<vmem>>, vector<16xf32>,
    tpu.vector_store_idx %arg7[%iota3A, %get3A_158], %get3A_160 {add = true} : memref<16x1024xf32, #tpu.memory_space<vmem>>[vector<16xi32>, vector<16xi32>], vector<16xf32>,
    %get3A_161 = arith.constant 2688 : index
    %get3A_162 = tpu.vector_load %arg5[%get3A_161] {strides = array<i32>} : memref<4096xi32, #tpu.memory_space<vmem>>, vector<16xi32>,
    %get3A_163 = arith.constant 2688 : index
    %get3A_164 = tpu.vector_load %arg6[%get3A_163] {strides = array<i32>} : memref<4096xf32, #tpu.memory_space<vmem>>, vector<16xf32>,
    tpu.vector_store_idx %arg7[%iota3A, %get3A_162], %get3A_164 {add = true} : memref<16x1024xf32, #tpu.memory_space<vmem>>[vector<16xi32>, vector<16xi32>], vector<16xf32>,
    %get3A_165 = arith.constant 2816 : index
    %get3A_166 = tpu.vector_load %arg5[%get3A_165] {strides = array<i32>} : memref<4096xi32, #tpu.memory_space<vmem>>, vector<16xi32>,
    %get3A_167 = arith.constant 2816 : index
    %get3A_168 = tpu.vector_load %arg6[%get3A_167] {strides = array<i32>} : memref<4096xf32, #tpu.memory_space<vmem>>, vector<16xf32>,
    tpu.vector_store_idx %arg7[%iota3A, %get3A_166], %get3A_168 {add = true} : memref<16x1024xf32, #tpu.memory_space<vmem>>[vector<16xi32>, vector<16xi32>], vector<16xf32>,
    %get3A_169 = arith.constant 2944 : index
    %get3A_170 = tpu.vector_load %arg5[%get3A_169] {strides = array<i32>} : memref<4096xi32, #tpu.memory_space<vmem>>, vector<16xi32>,
    %get3A_171 = arith.constant 2944 : index
    %get3A_172 = tpu.vector_load %arg6[%get3A_171] {strides = array<i32>} : memref<4096xf32, #tpu.memory_space<vmem>>, vector<16xf32>,
    tpu.vector_store_idx %arg7[%iota3A, %get3A_170], %get3A_172 {add = true} : memref<16x1024xf32, #tpu.memory_space<vmem>>[vector<16xi32>, vector<16xi32>], vector<16xf32>,
    %get3A_173 = arith.constant 3072 : index
    %get3A_174 = tpu.vector_load %arg5[%get3A_173] {strides = array<i32>} : memref<4096xi32, #tpu.memory_space<vmem>>, vector<16xi32>,
    %get3A_175 = arith.constant 3072 : index
    %get3A_176 = tpu.vector_load %arg6[%get3A_175] {strides = array<i32>} : memref<4096xf32, #tpu.memory_space<vmem>>, vector<16xf32>,
    tpu.vector_store_idx %arg7[%iota3A, %get3A_174], %get3A_176 {add = true} : memref<16x1024xf32, #tpu.memory_space<vmem>>[vector<16xi32>, vector<16xi32>], vector<16xf32>,
    %get3A_177 = arith.constant 3200 : index
    %get3A_178 = tpu.vector_load %arg5[%get3A_177] {strides = array<i32>} : memref<4096xi32, #tpu.memory_space<vmem>>, vector<16xi32>,
    %get3A_179 = arith.constant 3200 : index
    %get3A_180 = tpu.vector_load %arg6[%get3A_179] {strides = array<i32>} : memref<4096xf32, #tpu.memory_space<vmem>>, vector<16xf32>,
    tpu.vector_store_idx %arg7[%iota3A, %get3A_178], %get3A_180 {add = true} : memref<16x1024xf32, #tpu.memory_space<vmem>>[vector<16xi32>, vector<16xi32>], vector<16xf32>,
    %get3A_181 = arith.constant 3328 : index
    %get3A_182 = tpu.vector_load %arg5[%get3A_181] {strides = array<i32>} : memref<4096xi32, #tpu.memory_space<vmem>>, vector<16xi32>,
    %get3A_183 = arith.constant 3328 : index
    %get3A_184 = tpu.vector_load %arg6[%get3A_183] {strides = array<i32>} : memref<4096xf32, #tpu.memory_space<vmem>>, vector<16xf32>,
    tpu.vector_store_idx %arg7[%iota3A, %get3A_182], %get3A_184 {add = true} : memref<16x1024xf32, #tpu.memory_space<vmem>>[vector<16xi32>, vector<16xi32>], vector<16xf32>,
    %get3A_185 = arith.constant 3456 : index
    %get3A_186 = tpu.vector_load %arg5[%get3A_185] {strides = array<i32>} : memref<4096xi32, #tpu.memory_space<vmem>>, vector<16xi32>,
    %get3A_187 = arith.constant 3456 : index
    %get3A_188 = tpu.vector_load %arg6[%get3A_187] {strides = array<i32>} : memref<4096xf32, #tpu.memory_space<vmem>>, vector<16xf32>,
    tpu.vector_store_idx %arg7[%iota3A, %get3A_186], %get3A_188 {add = true} : memref<16x1024xf32, #tpu.memory_space<vmem>>[vector<16xi32>, vector<16xi32>], vector<16xf32>,
    %get3A_189 = arith.constant 3584 : index
    %get3A_190 = tpu.vector_load %arg5[%get3A_189] {strides = array<i32>} : memref<4096xi32, #tpu.memory_space<vmem>>, vector<16xi32>,
    %get3A_191 = arith.constant 3584 : index
    %get3A_192 = tpu.vector_load %arg6[%get3A_191] {strides = array<i32>} : memref<4096xf32, #tpu.memory_space<vmem>>, vector<16xf32>,
    tpu.vector_store_idx %arg7[%iota3A, %get3A_190], %get3A_192 {add = true} : memref<16x1024xf32, #tpu.memory_space<vmem>>[vector<16xi32>, vector<16xi32>], vector<16xf32>,
    %get3A_193 = arith.constant 3712 : index
    %get3A_194 = tpu.vector_load %arg5[%get3A_193] {strides = array<i32>} : memref<4096xi32, #tpu.memory_space<vmem>>, vector<16xi32>,
    %get3A_195 = arith.constant 3712 : index
    %get3A_196 = tpu.vector_load %arg6[%get3A_195] {strides = array<i32>} : memref<4096xf32, #tpu.memory_space<vmem>>, vector<16xf32>,
    tpu.vector_store_idx %arg7[%iota3A, %get3A_194], %get3A_196 {add = true} : memref<16x1024xf32, #tpu.memory_space<vmem>>[vector<16xi32>, vector<16xi32>], vector<16xf32>,
    %get3A_197 = arith.constant 3840 : index
    %get3A_198 = tpu.vector_load %arg5[%get3A_197] {strides = array<i32>} : memref<4096xi32, #tpu.memory_space<vmem>>, vector<16xi32>,
    %get3A_199 = arith.constant 3840 : index
    %get3A_200 = tpu.vector_load %arg6[%get3A_199] {strides = array<i32>} : memref<4096xf32, #tpu.memory_space<vmem>>, vector<16xf32>,
    tpu.vector_store_idx %arg7[%iota3A, %get3A_198], %get3A_200 {add = true} : memref<16x1024xf32, #tpu.memory_space<vmem>>[vector<16xi32>, vector<16xi32>], vector<16xf32>,
    %get3A_201 = arith.constant 3968 : index
    %get3A_202 = tpu.vector_load %arg5[%get3A_201] {strides = array<i32>} : memref<4096xi32, #tpu.memory_space<vmem>>, vector<16xi32>,
    %get3A_203 = arith.constant 3968 : index
    %get3A_204 = tpu.vector_load %arg6[%get3A_203] {strides = array<i32>} : memref<4096xf32, #tpu.memory_space<vmem>>, vector<16xf32>,
    tpu.vector_store_idx %arg7[%iota3A, %get3A_202], %get3A_204 {add = true} : memref<16x1024xf32, #tpu.memory_space<vmem>>[vector<16xi32>, vector<16xi32>], vector<16xf32>,
    %mul3A_205 = arith.constant 128 : i32
    %mul3A_206 = arith.muli %add3A, %mul3A_205 : i32
    %add3A_207 = arith.constant 0 : i32
    %add3A_208 = arith.addi %mul3A_206, %add3A_207 : i32
    %dma_start3A = arith.constant 0 : i32
    %dma_start3A_209 = tpu.memref_slice %arg4[%add3A_208, %dma_start3A] : memref<4096x1024xf32, #tpu.memory_space<hbm>> -> memref<16x1024xf32, #tpu.memory_space<hbm>>
    %dma_start3A_210 = arith.constant 0 : i32
    %dma_start3A_211 = tpu.memref_slice %arg4[%add3A_208, %dma_start3A_210] : memref<4096x1024xf32, #tpu.memory_space<hbm>> -> memref<16x1024xf32, #tpu.memory_space<hbm>>
    tpu.enqueue_dma source(%arg7 : memref<16x1024xf32, #tpu.memory_space<vmem>>) target(%dma_start3A_211 : memref<16x1024xf32, #tpu.memory_space<hbm>>) target_semaphore(%arg9 : memref<!tpu.dma_semaphore, #tpu.memory_space<semaphore_mem>>)
    %scan3A_212 = arith.constant 0 : i32
    %scan3A_213 = arith.constant 0 : i32
    %scan3A_214 = arith.constant 64 : i32
    %scan3A_215 = arith.addi %scan3A_213, %scan3A_214 : i32
    %scan3A_216 = arith.constant 1 : i32
    %scan3A_217 = scf.for %scan3A_1244 = %scan3A_213 to %scan3A_215 step %scan3A_216 iter_args(%scan3A_1245 = %scan3A_212) -> (i32)  : i32 {
      %mul3A_1246 = arith.constant 16 : i32
      %mul3A_1247 = arith.muli %scan3A_1244, %mul3A_1246 : i32
      %swap3A = arith.constant 0 : i32
      %swap3A_1248 = arith.index_cast %swap3A : i32 to index
      %swap3A_1249 = arith.index_cast %mul3A_1247 : i32 to index
      %swap3A_1250 = tpu.vector_load %arg8[%swap3A_1248, %swap3A_1249] {strides = array<i32>} : memref<16x1024xf32, #tpu.memory_space<vmem>>, vector<16xf32>,
      tpu.vector_store %arg8[%swap3A_1248, %swap3A_1249], %broadcast_in_dim3A_71 {strides = array<i32>} : memref<16x1024xf32, #tpu.memory_space<vmem>>, vector<16xf32>,
      %mul3A_1251 = arith.constant 16 : i32
      %mul3A_1252 = arith.muli %scan3A_1244, %mul3A_1251 : i32
      %swap3A_1253 = arith.constant 1 : i32
      %swap3A_1254 = arith.index_cast %swap3A_1253 : i32 to index
      %swap3A_1255 = arith.index_cast %mul3A_1252 : i32 to index
      %swap3A_1256 = tpu.vector_load %arg8[%swap3A_1254, %swap3A_1255] {strides = array<i32>} : memref<16x1024xf32, #tpu.memory_space<vmem>>, vector<16xf32>,
      tpu.vector_store %arg8[%swap3A_1254, %swap3A_1255], %broadcast_in_dim3A_71 {strides = array<i32>} : memref<16x1024xf32, #tpu.memory_space<vmem>>, vector<16xf32>,
      %mul3A_1257 = arith.constant 16 : i32
      %mul3A_1258 = arith.muli %scan3A_1244, %mul3A_1257 : i32
      %swap3A_1259 = arith.constant 2 : i32
      %swap3A_1260 = arith.index_cast %swap3A_1259 : i32 to index
      %swap3A_1261 = arith.index_cast %mul3A_1258 : i32 to index
      %swap3A_1262 = tpu.vector_load %arg8[%swap3A_1260, %swap3A_1261] {strides = array<i32>} : memref<16x1024xf32, #tpu.memory_space<vmem>>, vector<16xf32>,
      tpu.vector_store %arg8[%swap3A_1260, %swap3A_1261], %broadcast_in_dim3A_71 {strides = array<i32>} : memref<16x1024xf32, #tpu.memory_space<vmem>>, vector<16xf32>,
      %mul3A_1263 = arith.constant 16 : i32
      %mul3A_1264 = arith.muli %scan3A_1244, %mul3A_1263 : i32
      %swap3A_1265 = arith.constant 3 : i32
      %swap3A_1266 = arith.index_cast %swap3A_1265 : i32 to index
      %swap3A_1267 = arith.index_cast %mul3A_1264 : i32 to index
      %swap3A_1268 = tpu.vector_load %arg8[%swap3A_1266, %swap3A_1267] {strides = array<i32>} : memref<16x1024xf32, #tpu.memory_space<vmem>>, vector<16xf32>,
      tpu.vector_store %arg8[%swap3A_1266, %swap3A_1267], %broadcast_in_dim3A_71 {strides = array<i32>} : memref<16x1024xf32, #tpu.memory_space<vmem>>, vector<16xf32>,
      %mul3A_1269 = arith.constant 16 : i32
      %mul3A_1270 = arith.muli %scan3A_1244, %mul3A_1269 : i32
      %swap3A_1271 = arith.constant 4 : i32
      %swap3A_1272 = arith.index_cast %swap3A_1271 : i32 to index
      %swap3A_1273 = arith.index_cast %mul3A_1270 : i32 to index
      %swap3A_1274 = tpu.vector_load %arg8[%swap3A_1272, %swap3A_1273] {strides = array<i32>} : memref<16x1024xf32, #tpu.memory_space<vmem>>, vector<16xf32>,
      tpu.vector_store %arg8[%swap3A_1272, %swap3A_1273], %broadcast_in_dim3A_71 {strides = array<i32>} : memref<16x1024xf32, #tpu.memory_space<vmem>>, vector<16xf32>,
      %mul3A_1275 = arith.constant 16 : i32
      %mul3A_1276 = arith.muli %scan3A_1244, %mul3A_1275 : i32
      %swap3A_1277 = arith.constant 5 : i32
      %swap3A_1278 = arith.index_cast %swap3A_1277 : i32 to index
      %swap3A_1279 = arith.index_cast %mul3A_1276 : i32 to index
      %swap3A_1280 = tpu.vector_load %arg8[%swap3A_1278, %swap3A_1279] {strides = array<i32>} : memref<16x1024xf32, #tpu.memory_space<vmem>>, vector<16xf32>,
      tpu.vector_store %arg8[%swap3A_1278, %swap3A_1279], %broadcast_in_dim3A_71 {strides = array<i32>} : memref<16x1024xf32, #tpu.memory_space<vmem>>, vector<16xf32>,
      %mul3A_1281 = arith.constant 16 : i32
      %mul3A_1282 = arith.muli %scan3A_1244, %mul3A_1281 : i32
      %swap3A_1283 = arith.constant 6 : i32
      %swap3A_1284 = arith.index_cast %swap3A_1283 : i32 to index
      %swap3A_1285 = arith.index_cast %mul3A_1282 : i32 to index
      %swap3A_1286 = tpu.vector_load %arg8[%swap3A_1284, %swap3A_1285] {strides = array<i32>} : memref<16x1024xf32, #tpu.memory_space<vmem>>, vector<16xf32>,
      tpu.vector_store %arg8[%swap3A_1284, %swap3A_1285], %broadcast_in_dim3A_71 {strides = array<i32>} : memref<16x1024xf32, #tpu.memory_space<vmem>>, vector<16xf32>,
      %mul3A_1287 = arith.constant 16 : i32
      %mul3A_1288 = arith.muli %scan3A_1244, %mul3A_1287 : i32
      %swap3A_1289 = arith.constant 7 : i32
      %swap3A_1290 = arith.index_cast %swap3A_1289 : i32 to index
      %swap3A_1291 = arith.index_cast %mul3A_1288 : i32 to index
      %swap3A_1292 = tpu.vector_load %arg8[%swap3A_1290, %swap3A_1291] {strides = array<i32>} : memref<16x1024xf32, #tpu.memory_space<vmem>>, vector<16xf32>,
      tpu.vector_store %arg8[%swap3A_1290, %swap3A_1291], %broadcast_in_dim3A_71 {strides = array<i32>} : memref<16x1024xf32, #tpu.memory_space<vmem>>, vector<16xf32>,
      %mul3A_1293 = arith.constant 16 : i32
      %mul3A_1294 = arith.muli %scan3A_1244, %mul3A_1293 : i32
      %swap3A_1295 = arith.constant 8 : i32
      %swap3A_1296 = arith.index_cast %swap3A_1295 : i32 to index
      %swap3A_1297 = arith.index_cast %mul3A_1294 : i32 to index
      %swap3A_1298 = tpu.vector_load %arg8[%swap3A_1296, %swap3A_1297] {strides = array<i32>} : memref<16x1024xf32, #tpu.memory_space<vmem>>, vector<16xf32>,
      tpu.vector_store %arg8[%swap3A_1296, %swap3A_1297], %broadcast_in_dim3A_71 {strides = array<i32>} : memref<16x1024xf32, #tpu.memory_space<vmem>>, vector<16xf32>,
      %mul3A_1299 = arith.constant 16 : i32
      %mul3A_1300 = arith.muli %scan3A_1244, %mul3A_1299 : i32
      %swap3A_1301 = arith.constant 9 : i32
      %swap3A_1302 = arith.index_cast %swap3A_1301 : i32 to index
      %swap3A_1303 = arith.index_cast %mul3A_1300 : i32 to index
      %swap3A_1304 = tpu.vector_load %arg8[%swap3A_1302, %swap3A_1303] {strides = array<i32>} : memref<16x1024xf32, #tpu.memory_space<vmem>>, vector<16xf32>,
      tpu.vector_store %arg8[%swap3A_1302, %swap3A_1303], %broadcast_in_dim3A_71 {strides = array<i32>} : memref<16x1024xf32, #tpu.memory_space<vmem>>, vector<16xf32>,
      %mul3A_1305 = arith.constant 16 : i32
      %mul3A_1306 = arith.muli %scan3A_1244, %mul3A_1305 : i32
      %swap3A_1307 = arith.constant 10 : i32
      %swap3A_1308 = arith.index_cast %swap3A_1307 : i32 to index
      %swap3A_1309 = arith.index_cast %mul3A_1306 : i32 to index
      %swap3A_1310 = tpu.vector_load %arg8[%swap3A_1308, %swap3A_1309] {strides = array<i32>} : memref<16x1024xf32, #tpu.memory_space<vmem>>, vector<16xf32>,
      tpu.vector_store %arg8[%swap3A_1308, %swap3A_1309], %broadcast_in_dim3A_71 {strides = array<i32>} : memref<16x1024xf32, #tpu.memory_space<vmem>>, vector<16xf32>,
      %mul3A_1311 = arith.constant 16 : i32
      %mul3A_1312 = arith.muli %scan3A_1244, %mul3A_1311 : i32
      %swap3A_1313 = arith.constant 11 : i32
      %swap3A_1314 = arith.index_cast %swap3A_1313 : i32 to index
      %swap3A_1315 = arith.index_cast %mul3A_1312 : i32 to index
      %swap3A_1316 = tpu.vector_load %arg8[%swap3A_1314, %swap3A_1315] {strides = array<i32>} : memref<16x1024xf32, #tpu.memory_space<vmem>>, vector<16xf32>,
      tpu.vector_store %arg8[%swap3A_1314, %swap3A_1315], %broadcast_in_dim3A_71 {strides = array<i32>} : memref<16x1024xf32, #tpu.memory_space<vmem>>, vector<16xf32>,
      %mul3A_1317 = arith.constant 16 : i32
      %mul3A_1318 = arith.muli %scan3A_1244, %mul3A_1317 : i32
      %swap3A_1319 = arith.constant 12 : i32
      %swap3A_1320 = arith.index_cast %swap3A_1319 : i32 to index
      %swap3A_1321 = arith.index_cast %mul3A_1318 : i32 to index
      %swap3A_1322 = tpu.vector_load %arg8[%swap3A_1320, %swap3A_1321] {strides = array<i32>} : memref<16x1024xf32, #tpu.memory_space<vmem>>, vector<16xf32>,
      tpu.vector_store %arg8[%swap3A_1320, %swap3A_1321], %broadcast_in_dim3A_71 {strides = array<i32>} : memref<16x1024xf32, #tpu.memory_space<vmem>>, vector<16xf32>,
      %mul3A_1323 = arith.constant 16 : i32
      %mul3A_1324 = arith.muli %scan3A_1244, %mul3A_1323 : i32
      %swap3A_1325 = arith.constant 13 : i32
      %swap3A_1326 = arith.index_cast %swap3A_1325 : i32 to index
      %swap3A_1327 = arith.index_cast %mul3A_1324 : i32 to index
      %swap3A_1328 = tpu.vector_load %arg8[%swap3A_1326, %swap3A_1327] {strides = array<i32>} : memref<16x1024xf32, #tpu.memory_space<vmem>>, vector<16xf32>,
      tpu.vector_store %arg8[%swap3A_1326, %swap3A_1327], %broadcast_in_dim3A_71 {strides = array<i32>} : memref<16x1024xf32, #tpu.memory_space<vmem>>, vector<16xf32>,
      %mul3A_1329 = arith.constant 16 : i32
      %mul3A_1330 = arith.muli %scan3A_1244, %mul3A_1329 : i32
      %swap3A_1331 = arith.constant 14 : i32
      %swap3A_1332 = arith.index_cast %swap3A_1331 : i32 to index
      %swap3A_1333 = arith.index_cast %mul3A_1330 : i32 to index
      %swap3A_1334 = tpu.vector_load %arg8[%swap3A_1332, %swap3A_1333] {strides = array<i32>} : memref<16x1024xf32, #tpu.memory_space<vmem>>, vector<16xf32>,
      tpu.vector_store %arg8[%swap3A_1332, %swap3A_1333], %broadcast_in_dim3A_71 {strides = array<i32>} : memref<16x1024xf32, #tpu.memory_space<vmem>>, vector<16xf32>,
      %mul3A_1335 = arith.constant 16 : i32
      %mul3A_1336 = arith.muli %scan3A_1244, %mul3A_1335 : i32
      %swap3A_1337 = arith.constant 15 : i32
      %swap3A_1338 = arith.index_cast %swap3A_1337 : i32 to index
      %swap3A_1339 = arith.index_cast %mul3A_1336 : i32 to index
      %swap3A_1340 = tpu.vector_load %arg8[%swap3A_1338, %swap3A_1339] {strides = array<i32>} : memref<16x1024xf32, #tpu.memory_space<vmem>>, vector<16xf32>,
      tpu.vector_store %arg8[%swap3A_1338, %swap3A_1339], %broadcast_in_dim3A_71 {strides = array<i32>} : memref<16x1024xf32, #tpu.memory_space<vmem>>, vector<16xf32>,
      %scan3A_1341 = arith.constant 0 : i32
      scf.yield %scan3A_1341 : i32
    }
    %scan3A_218 = arith.constant 64 : i32
    %get3A_219 = arith.constant 16 : index
    %get3A_220 = tpu.vector_load %arg5[%get3A_219] {strides = array<i32>} : memref<4096xi32, #tpu.memory_space<vmem>>, vector<16xi32>,
    %get3A_221 = arith.constant 16 : index
    %get3A_222 = tpu.vector_load %arg6[%get3A_221] {strides = array<i32>} : memref<4096xf32, #tpu.memory_space<vmem>>, vector<16xf32>,
    tpu.vector_store_idx %arg8[%iota3A, %get3A_220], %get3A_222 {add = true} : memref<16x1024xf32, #tpu.memory_space<vmem>>[vector<16xi32>, vector<16xi32>], vector<16xf32>,
    %get3A_223 = arith.constant 144 : index
    %get3A_224 = tpu.vector_load %arg5[%get3A_223] {strides = array<i32>} : memref<4096xi32, #tpu.memory_space<vmem>>, vector<16xi32>,
    %get3A_225 = arith.constant 144 : index
    %get3A_226 = tpu.vector_load %arg6[%get3A_225] {strides = array<i32>} : memref<4096xf32, #tpu.memory_space<vmem>>, vector<16xf32>,
    tpu.vector_store_idx %arg8[%iota3A, %get3A_224], %get3A_226 {add = true} : memref<16x1024xf32, #tpu.memory_space<vmem>>[vector<16xi32>, vector<16xi32>], vector<16xf32>,
    %get3A_227 = arith.constant 272 : index
    %get3A_228 = tpu.vector_load %arg5[%get3A_227] {strides = array<i32>} : memref<4096xi32, #tpu.memory_space<vmem>>, vector<16xi32>,
    %get3A_229 = arith.constant 272 : index
    %get3A_230 = tpu.vector_load %arg6[%get3A_229] {strides = array<i32>} : memref<4096xf32, #tpu.memory_space<vmem>>, vector<16xf32>,
    tpu.vector_store_idx %arg8[%iota3A, %get3A_228], %get3A_230 {add = true} : memref<16x1024xf32, #tpu.memory_space<vmem>>[vector<16xi32>, vector<16xi32>], vector<16xf32>,
    %get3A_231 = arith.constant 400 : index
    %get3A_232 = tpu.vector_load %arg5[%get3A_231] {strides = array<i32>} : memref<4096xi32, #tpu.memory_space<vmem>>, vector<16xi32>,
    %get3A_233 = arith.constant 400 : index
    %get3A_234 = tpu.vector_load %arg6[%get3A_233] {strides = array<i32>} : memref<4096xf32, #tpu.memory_space<vmem>>, vector<16xf32>,
    tpu.vector_store_idx %arg8[%iota3A, %get3A_232], %get3A_234 {add = true} : memref<16x1024xf32, #tpu.memory_space<vmem>>[vector<16xi32>, vector<16xi32>], vector<16xf32>,
    %get3A_235 = arith.constant 528 : index
    %get3A_236 = tpu.vector_load %arg5[%get3A_235] {strides = array<i32>} : memref<4096xi32, #tpu.memory_space<vmem>>, vector<16xi32>,
    %get3A_237 = arith.constant 528 : index
    %get3A_238 = tpu.vector_load %arg6[%get3A_237] {strides = array<i32>} : memref<4096xf32, #tpu.memory_space<vmem>>, vector<16xf32>,
    tpu.vector_store_idx %arg8[%iota3A, %get3A_236], %get3A_238 {add = true} : memref<16x1024xf32, #tpu.memory_space<vmem>>[vector<16xi32>, vector<16xi32>], vector<16xf32>,
    %get3A_239 = arith.constant 656 : index
    %get3A_240 = tpu.vector_load %arg5[%get3A_239] {strides = array<i32>} : memref<4096xi32, #tpu.memory_space<vmem>>, vector<16xi32>,
    %get3A_241 = arith.constant 656 : index
    %get3A_242 = tpu.vector_load %arg6[%get3A_241] {strides = array<i32>} : memref<4096xf32, #tpu.memory_space<vmem>>, vector<16xf32>,
    tpu.vector_store_idx %arg8[%iota3A, %get3A_240], %get3A_242 {add = true} : memref<16x1024xf32, #tpu.memory_space<vmem>>[vector<16xi32>, vector<16xi32>], vector<16xf32>,
    %get3A_243 = arith.constant 784 : index
    %get3A_244 = tpu.vector_load %arg5[%get3A_243] {strides = array<i32>} : memref<4096xi32, #tpu.memory_space<vmem>>, vector<16xi32>,
    %get3A_245 = arith.constant 784 : index
    %get3A_246 = tpu.vector_load %arg6[%get3A_245] {strides = array<i32>} : memref<4096xf32, #tpu.memory_space<vmem>>, vector<16xf32>,
    tpu.vector_store_idx %arg8[%iota3A, %get3A_244], %get3A_246 {add = true} : memref<16x1024xf32, #tpu.memory_space<vmem>>[vector<16xi32>, vector<16xi32>], vector<16xf32>,
    %get3A_247 = arith.constant 912 : index
    %get3A_248 = tpu.vector_load %arg5[%get3A_247] {strides = array<i32>} : memref<4096xi32, #tpu.memory_space<vmem>>, vector<16xi32>,
    %get3A_249 = arith.constant 912 : index
    %get3A_250 = tpu.vector_load %arg6[%get3A_249] {strides = array<i32>} : memref<4096xf32, #tpu.memory_space<vmem>>, vector<16xf32>,
    tpu.vector_store_idx %arg8[%iota3A, %get3A_248], %get3A_250 {add = true} : memref<16x1024xf32, #tpu.memory_space<vmem>>[vector<16xi32>, vector<16xi32>], vector<16xf32>,
    %get3A_251 = arith.constant 1040 : index
    %get3A_252 = tpu.vector_load %arg5[%get3A_251] {strides = array<i32>} : memref<4096xi32, #tpu.memory_space<vmem>>, vector<16xi32>,
    %get3A_253 = arith.constant 1040 : index
    %get3A_254 = tpu.vector_load %arg6[%get3A_253] {strides = array<i32>} : memref<4096xf32, #tpu.memory_space<vmem>>, vector<16xf32>,
    tpu.vector_store_idx %arg8[%iota3A, %get3A_252], %get3A_254 {add = true} : memref<16x1024xf32, #tpu.memory_space<vmem>>[vector<16xi32>, vector<16xi32>], vector<16xf32>,
    %get3A_255 = arith.constant 1168 : index
    %get3A_256 = tpu.vector_load %arg5[%get3A_255] {strides = array<i32>} : memref<4096xi32, #tpu.memory_space<vmem>>, vector<16xi32>,
    %get3A_257 = arith.constant 1168 : index
    %get3A_258 = tpu.vector_load %arg6[%get3A_257] {strides = array<i32>} : memref<4096xf32, #tpu.memory_space<vmem>>, vector<16xf32>,
    tpu.vector_store_idx %arg8[%iota3A, %get3A_256], %get3A_258 {add = true} : memref<16x1024xf32, #tpu.memory_space<vmem>>[vector<16xi32>, vector<16xi32>], vector<16xf32>,
    %get3A_259 = arith.constant 1296 : index
    %get3A_260 = tpu.vector_load %arg5[%get3A_259] {strides = array<i32>} : memref<4096xi32, #tpu.memory_space<vmem>>, vector<16xi32>,
    %get3A_261 = arith.constant 1296 : index
    %get3A_262 = tpu.vector_load %arg6[%get3A_261] {strides = array<i32>} : memref<4096xf32, #tpu.memory_space<vmem>>, vector<16xf32>,
    tpu.vector_store_idx %arg8[%iota3A, %get3A_260], %get3A_262 {add = true} : memref<16x1024xf32, #tpu.memory_space<vmem>>[vector<16xi32>, vector<16xi32>], vector<16xf32>,
    %get3A_263 = arith.constant 1424 : index
    %get3A_264 = tpu.vector_load %arg5[%get3A_263] {strides = array<i32>} : memref<4096xi32, #tpu.memory_space<vmem>>, vector<16xi32>,
    %get3A_265 = arith.constant 1424 : index
    %get3A_266 = tpu.vector_load %arg6[%get3A_265] {strides = array<i32>} : memref<4096xf32, #tpu.memory_space<vmem>>, vector<16xf32>,
    tpu.vector_store_idx %arg8[%iota3A, %get3A_264], %get3A_266 {add = true} : memref<16x1024xf32, #tpu.memory_space<vmem>>[vector<16xi32>, vector<16xi32>], vector<16xf32>,
    %get3A_267 = arith.constant 1552 : index
    %get3A_268 = tpu.vector_load %arg5[%get3A_267] {strides = array<i32>} : memref<4096xi32, #tpu.memory_space<vmem>>, vector<16xi32>,
    %get3A_269 = arith.constant 1552 : index
    %get3A_270 = tpu.vector_load %arg6[%get3A_269] {strides = array<i32>} : memref<4096xf32, #tpu.memory_space<vmem>>, vector<16xf32>,
    tpu.vector_store_idx %arg8[%iota3A, %get3A_268], %get3A_270 {add = true} : memref<16x1024xf32, #tpu.memory_space<vmem>>[vector<16xi32>, vector<16xi32>], vector<16xf32>,
    %get3A_271 = arith.constant 1680 : index
    %get3A_272 = tpu.vector_load %arg5[%get3A_271] {strides = array<i32>} : memref<4096xi32, #tpu.memory_space<vmem>>, vector<16xi32>,
    %get3A_273 = arith.constant 1680 : index
    %get3A_274 = tpu.vector_load %arg6[%get3A_273] {strides = array<i32>} : memref<4096xf32, #tpu.memory_space<vmem>>, vector<16xf32>,
    tpu.vector_store_idx %arg8[%iota3A, %get3A_272], %get3A_274 {add = true} : memref<16x1024xf32, #tpu.memory_space<vmem>>[vector<16xi32>, vector<16xi32>], vector<16xf32>,
    %get3A_275 = arith.constant 1808 : index
    %get3A_276 = tpu.vector_load %arg5[%get3A_275] {strides = array<i32>} : memref<4096xi32, #tpu.memory_space<vmem>>, vector<16xi32>,
    %get3A_277 = arith.constant 1808 : index
    %get3A_278 = tpu.vector_load %arg6[%get3A_277] {strides = array<i32>} : memref<4096xf32, #tpu.memory_space<vmem>>, vector<16xf32>,
    tpu.vector_store_idx %arg8[%iota3A, %get3A_276], %get3A_278 {add = true} : memref<16x1024xf32, #tpu.memory_space<vmem>>[vector<16xi32>, vector<16xi32>], vector<16xf32>,
    %get3A_279 = arith.constant 1936 : index
    %get3A_280 = tpu.vector_load %arg5[%get3A_279] {strides = array<i32>} : memref<4096xi32, #tpu.memory_space<vmem>>, vector<16xi32>,
    %get3A_281 = arith.constant 1936 : index
    %get3A_282 = tpu.vector_load %arg6[%get3A_281] {strides = array<i32>} : memref<4096xf32, #tpu.memory_space<vmem>>, vector<16xf32>,
    tpu.vector_store_idx %arg8[%iota3A, %get3A_280], %get3A_282 {add = true} : memref<16x1024xf32, #tpu.memory_space<vmem>>[vector<16xi32>, vector<16xi32>], vector<16xf32>,
    %get3A_283 = arith.constant 2064 : index
    %get3A_284 = tpu.vector_load %arg5[%get3A_283] {strides = array<i32>} : memref<4096xi32, #tpu.memory_space<vmem>>, vector<16xi32>,
    %get3A_285 = arith.constant 2064 : index
    %get3A_286 = tpu.vector_load %arg6[%get3A_285] {strides = array<i32>} : memref<4096xf32, #tpu.memory_space<vmem>>, vector<16xf32>,
    tpu.vector_store_idx %arg8[%iota3A, %get3A_284], %get3A_286 {add = true} : memref<16x1024xf32, #tpu.memory_space<vmem>>[vector<16xi32>, vector<16xi32>], vector<16xf32>,
    %get3A_287 = arith.constant 2192 : index
    %get3A_288 = tpu.vector_load %arg5[%get3A_287] {strides = array<i32>} : memref<4096xi32, #tpu.memory_space<vmem>>, vector<16xi32>,
    %get3A_289 = arith.constant 2192 : index
    %get3A_290 = tpu.vector_load %arg6[%get3A_289] {strides = array<i32>} : memref<4096xf32, #tpu.memory_space<vmem>>, vector<16xf32>,
    tpu.vector_store_idx %arg8[%iota3A, %get3A_288], %get3A_290 {add = true} : memref<16x1024xf32, #tpu.memory_space<vmem>>[vector<16xi32>, vector<16xi32>], vector<16xf32>,
    %get3A_291 = arith.constant 2320 : index
    %get3A_292 = tpu.vector_load %arg5[%get3A_291] {strides = array<i32>} : memref<4096xi32, #tpu.memory_space<vmem>>, vector<16xi32>,
    %get3A_293 = arith.constant 2320 : index
    %get3A_294 = tpu.vector_load %arg6[%get3A_293] {strides = array<i32>} : memref<4096xf32, #tpu.memory_space<vmem>>, vector<16xf32>,
    tpu.vector_store_idx %arg8[%iota3A, %get3A_292], %get3A_294 {add = true} : memref<16x1024xf32, #tpu.memory_space<vmem>>[vector<16xi32>, vector<16xi32>], vector<16xf32>,
    %get3A_295 = arith.constant 2448 : index
    %get3A_296 = tpu.vector_load %arg5[%get3A_295] {strides = array<i32>} : memref<4096xi32, #tpu.memory_space<vmem>>, vector<16xi32>,
    %get3A_297 = arith.constant 2448 : index
    %get3A_298 = tpu.vector_load %arg6[%get3A_297] {strides = array<i32>} : memref<4096xf32, #tpu.memory_space<vmem>>, vector<16xf32>,
    tpu.vector_store_idx %arg8[%iota3A, %get3A_296], %get3A_298 {add = true} : memref<16x1024xf32, #tpu.memory_space<vmem>>[vector<16xi32>, vector<16xi32>], vector<16xf32>,
    %get3A_299 = arith.constant 2576 : index
    %get3A_300 = tpu.vector_load %arg5[%get3A_299] {strides = array<i32>} : memref<4096xi32, #tpu.memory_space<vmem>>, vector<16xi32>,
    %get3A_301 = arith.constant 2576 : index
    %get3A_302 = tpu.vector_load %arg6[%get3A_301] {strides = array<i32>} : memref<4096xf32, #tpu.memory_space<vmem>>, vector<16xf32>,
    tpu.vector_store_idx %arg8[%iota3A, %get3A_300], %get3A_302 {add = true} : memref<16x1024xf32, #tpu.memory_space<vmem>>[vector<16xi32>, vector<16xi32>], vector<16xf32>,
    %get3A_303 = arith.constant 2704 : index
    %get3A_304 = tpu.vector_load %arg5[%get3A_303] {strides = array<i32>} : memref<4096xi32, #tpu.memory_space<vmem>>, vector<16xi32>,
    %get3A_305 = arith.constant 2704 : index
    %get3A_306 = tpu.vector_load %arg6[%get3A_305] {strides = array<i32>} : memref<4096xf32, #tpu.memory_space<vmem>>, vector<16xf32>,
    tpu.vector_store_idx %arg8[%iota3A, %get3A_304], %get3A_306 {add = true} : memref<16x1024xf32, #tpu.memory_space<vmem>>[vector<16xi32>, vector<16xi32>], vector<16xf32>,
    %get3A_307 = arith.constant 2832 : index
    %get3A_308 = tpu.vector_load %arg5[%get3A_307] {strides = array<i32>} : memref<4096xi32, #tpu.memory_space<vmem>>, vector<16xi32>,
    %get3A_309 = arith.constant 2832 : index
    %get3A_310 = tpu.vector_load %arg6[%get3A_309] {strides = array<i32>} : memref<4096xf32, #tpu.memory_space<vmem>>, vector<16xf32>,
    tpu.vector_store_idx %arg8[%iota3A, %get3A_308], %get3A_310 {add = true} : memref<16x1024xf32, #tpu.memory_space<vmem>>[vector<16xi32>, vector<16xi32>], vector<16xf32>,
    %get3A_311 = arith.constant 2960 : index
    %get3A_312 = tpu.vector_load %arg5[%get3A_311] {strides = array<i32>} : memref<4096xi32, #tpu.memory_space<vmem>>, vector<16xi32>,
    %get3A_313 = arith.constant 2960 : index
    %get3A_314 = tpu.vector_load %arg6[%get3A_313] {strides = array<i32>} : memref<4096xf32, #tpu.memory_space<vmem>>, vector<16xf32>,
    tpu.vector_store_idx %arg8[%iota3A, %get3A_312], %get3A_314 {add = true} : memref<16x1024xf32, #tpu.memory_space<vmem>>[vector<16xi32>, vector<16xi32>], vector<16xf32>,
    %get3A_315 = arith.constant 3088 : index
    %get3A_316 = tpu.vector_load %arg5[%get3A_315] {strides = array<i32>} : memref<4096xi32, #tpu.memory_space<vmem>>, vector<16xi32>,
    %get3A_317 = arith.constant 3088 : index
    %get3A_318 = tpu.vector_load %arg6[%get3A_317] {strides = array<i32>} : memref<4096xf32, #tpu.memory_space<vmem>>, vector<16xf32>,
    tpu.vector_store_idx %arg8[%iota3A, %get3A_316], %get3A_318 {add = true} : memref<16x1024xf32, #tpu.memory_space<vmem>>[vector<16xi32>, vector<16xi32>], vector<16xf32>,
    %get3A_319 = arith.constant 3216 : index
    %get3A_320 = tpu.vector_load %arg5[%get3A_319] {strides = array<i32>} : memref<4096xi32, #tpu.memory_space<vmem>>, vector<16xi32>,
    %get3A_321 = arith.constant 3216 : index
    %get3A_322 = tpu.vector_load %arg6[%get3A_321] {strides = array<i32>} : memref<4096xf32, #tpu.memory_space<vmem>>, vector<16xf32>,
    tpu.vector_store_idx %arg8[%iota3A, %get3A_320], %get3A_322 {add = true} : memref<16x1024xf32, #tpu.memory_space<vmem>>[vector<16xi32>, vector<16xi32>], vector<16xf32>,
    %get3A_323 = arith.constant 3344 : index
    %get3A_324 = tpu.vector_load %arg5[%get3A_323] {strides = array<i32>} : memref<4096xi32, #tpu.memory_space<vmem>>, vector<16xi32>,
    %get3A_325 = arith.constant 3344 : index
    %get3A_326 = tpu.vector_load %arg6[%get3A_325] {strides = array<i32>} : memref<4096xf32, #tpu.memory_space<vmem>>, vector<16xf32>,
    tpu.vector_store_idx %arg8[%iota3A, %get3A_324], %get3A_326 {add = true} : memref<16x1024xf32, #tpu.memory_space<vmem>>[vector<16xi32>, vector<16xi32>], vector<16xf32>,
    %get3A_327 = arith.constant 3472 : index
    %get3A_328 = tpu.vector_load %arg5[%get3A_327] {strides = array<i32>} : memref<4096xi32, #tpu.memory_space<vmem>>, vector<16xi32>,
    %get3A_329 = arith.constant 3472 : index
    %get3A_330 = tpu.vector_load %arg6[%get3A_329] {strides = array<i32>} : memref<4096xf32, #tpu.memory_space<vmem>>, vector<16xf32>,
    tpu.vector_store_idx %arg8[%iota3A, %get3A_328], %get3A_330 {add = true} : memref<16x1024xf32, #tpu.memory_space<vmem>>[vector<16xi32>, vector<16xi32>], vector<16xf32>,
    %get3A_331 = arith.constant 3600 : index
    %get3A_332 = tpu.vector_load %arg5[%get3A_331] {strides = array<i32>} : memref<4096xi32, #tpu.memory_space<vmem>>, vector<16xi32>,
    %get3A_333 = arith.constant 3600 : index
    %get3A_334 = tpu.vector_load %arg6[%get3A_333] {strides = array<i32>} : memref<4096xf32, #tpu.memory_space<vmem>>, vector<16xf32>,
    tpu.vector_store_idx %arg8[%iota3A, %get3A_332], %get3A_334 {add = true} : memref<16x1024xf32, #tpu.memory_space<vmem>>[vector<16xi32>, vector<16xi32>], vector<16xf32>,
    %get3A_335 = arith.constant 3728 : index
    %get3A_336 = tpu.vector_load %arg5[%get3A_335] {strides = array<i32>} : memref<4096xi32, #tpu.memory_space<vmem>>, vector<16xi32>,
    %get3A_337 = arith.constant 3728 : index
    %get3A_338 = tpu.vector_load %arg6[%get3A_337] {strides = array<i32>} : memref<4096xf32, #tpu.memory_space<vmem>>, vector<16xf32>,
    tpu.vector_store_idx %arg8[%iota3A, %get3A_336], %get3A_338 {add = true} : memref<16x1024xf32, #tpu.memory_space<vmem>>[vector<16xi32>, vector<16xi32>], vector<16xf32>,
    %get3A_339 = arith.constant 3856 : index
    %get3A_340 = tpu.vector_load %arg5[%get3A_339] {strides = array<i32>} : memref<4096xi32, #tpu.memory_space<vmem>>, vector<16xi32>,
    %get3A_341 = arith.constant 3856 : index
    %get3A_342 = tpu.vector_load %arg6[%get3A_341] {strides = array<i32>} : memref<4096xf32, #tpu.memory_space<vmem>>, vector<16xf32>,
    tpu.vector_store_idx %arg8[%iota3A, %get3A_340], %get3A_342 {add = true} : memref<16x1024xf32, #tpu.memory_space<vmem>>[vector<16xi32>, vector<16xi32>], vector<16xf32>,
    %get3A_343 = arith.constant 3984 : index
    %get3A_344 = tpu.vector_load %arg5[%get3A_343] {strides = array<i32>} : memref<4096xi32, #tpu.memory_space<vmem>>, vector<16xi32>,
    %get3A_345 = arith.constant 3984 : index
    %get3A_346 = tpu.vector_load %arg6[%get3A_345] {strides = array<i32>} : memref<4096xf32, #tpu.memory_space<vmem>>, vector<16xf32>,
    tpu.vector_store_idx %arg8[%iota3A, %get3A_344], %get3A_346 {add = true} : memref<16x1024xf32, #tpu.memory_space<vmem>>[vector<16xi32>, vector<16xi32>], vector<16xf32>,
    %mul3A_347 = arith.constant 128 : i32
    %mul3A_348 = arith.muli %add3A, %mul3A_347 : i32
    %add3A_349 = arith.constant 16 : i32
    %add3A_350 = arith.addi %mul3A_348, %add3A_349 : i32
    %dma_start3A_351 = arith.constant 0 : i32
    %dma_start3A_352 = tpu.memref_slice %arg4[%add3A_350, %dma_start3A_351] : memref<4096x1024xf32, #tpu.memory_space<hbm>> -> memref<16x1024xf32, #tpu.memory_space<hbm>>
    %dma_start3A_353 = arith.constant 0 : i32
    %dma_start3A_354 = tpu.memref_slice %arg4[%add3A_350, %dma_start3A_353] : memref<4096x1024xf32, #tpu.memory_space<hbm>> -> memref<16x1024xf32, #tpu.memory_space<hbm>>
    tpu.enqueue_dma source(%arg8 : memref<16x1024xf32, #tpu.memory_space<vmem>>) target(%dma_start3A_354 : memref<16x1024xf32, #tpu.memory_space<hbm>>) target_semaphore(%arg10 : memref<!tpu.dma_semaphore, #tpu.memory_space<semaphore_mem>>)
    %dma_wait3A = arith.constant 0 : i32
    %dma_wait3A_355 = tpu.memref_slice %arg4[%add3A_208, %dma_wait3A] : memref<4096x1024xf32, #tpu.memory_space<hbm>> -> memref<16x1024xf32, #tpu.memory_space<hbm>>
    %dma_wait3A_356 = arith.constant 0 : i32
    %dma_wait3A_357 = tpu.memref_slice %arg4[%add3A_208, %dma_wait3A_356] : memref<4096x1024xf32, #tpu.memory_space<hbm>> -> memref<16x1024xf32, #tpu.memory_space<hbm>>
    tpu.wait_dma2 semaphore(%arg9 : memref<!tpu.dma_semaphore, #tpu.memory_space<semaphore_mem>>) src(%arg7 : memref<16x1024xf32, #tpu.memory_space<vmem>>) dst(%dma_wait3A_357 : memref<16x1024xf32, #tpu.memory_space<hbm>>)
    %scan3A_358 = arith.constant 0 : i32
    %scan3A_359 = arith.constant 0 : i32
    %scan3A_360 = arith.constant 64 : i32
    %scan3A_361 = arith.addi %scan3A_359, %scan3A_360 : i32
    %scan3A_362 = arith.constant 1 : i32
    %scan3A_363 = scf.for %scan3A_1244 = %scan3A_359 to %scan3A_361 step %scan3A_362 iter_args(%scan3A_1245 = %scan3A_358) -> (i32)  : i32 {
      %mul3A_1246 = arith.constant 16 : i32
      %mul3A_1247 = arith.muli %scan3A_1244, %mul3A_1246 : i32
      %swap3A = arith.constant 0 : i32
      %swap3A_1248 = arith.index_cast %swap3A : i32 to index
      %swap3A_1249 = arith.index_cast %mul3A_1247 : i32 to index
      %swap3A_1250 = tpu.vector_load %arg7[%swap3A_1248, %swap3A_1249] {strides = array<i32>} : memref<16x1024xf32, #tpu.memory_space<vmem>>, vector<16xf32>,
      tpu.vector_store %arg7[%swap3A_1248, %swap3A_1249], %broadcast_in_dim3A_71 {strides = array<i32>} : memref<16x1024xf32, #tpu.memory_space<vmem>>, vector<16xf32>,
      %mul3A_1251 = arith.constant 16 : i32
      %mul3A_1252 = arith.muli %scan3A_1244, %mul3A_1251 : i32
      %swap3A_1253 = arith.constant 1 : i32
      %swap3A_1254 = arith.index_cast %swap3A_1253 : i32 to index
      %swap3A_1255 = arith.index_cast %mul3A_1252 : i32 to index
      %swap3A_1256 = tpu.vector_load %arg7[%swap3A_1254, %swap3A_1255] {strides = array<i32>} : memref<16x1024xf32, #tpu.memory_space<vmem>>, vector<16xf32>,
      tpu.vector_store %arg7[%swap3A_1254, %swap3A_1255], %broadcast_in_dim3A_71 {strides = array<i32>} : memref<16x1024xf32, #tpu.memory_space<vmem>>, vector<16xf32>,
      %mul3A_1257 = arith.constant 16 : i32
      %mul3A_1258 = arith.muli %scan3A_1244, %mul3A_1257 : i32
      %swap3A_1259 = arith.constant 2 : i32
      %swap3A_1260 = arith.index_cast %swap3A_1259 : i32 to index
      %swap3A_1261 = arith.index_cast %mul3A_1258 : i32 to index
      %swap3A_1262 = tpu.vector_load %arg7[%swap3A_1260, %swap3A_1261] {strides = array<i32>} : memref<16x1024xf32, #tpu.memory_space<vmem>>, vector<16xf32>,
      tpu.vector_store %arg7[%swap3A_1260, %swap3A_1261], %broadcast_in_dim3A_71 {strides = array<i32>} : memref<16x1024xf32, #tpu.memory_space<vmem>>, vector<16xf32>,
      %mul3A_1263 = arith.constant 16 : i32
      %mul3A_1264 = arith.muli %scan3A_1244, %mul3A_1263 : i32
      %swap3A_1265 = arith.constant 3 : i32
      %swap3A_1266 = arith.index_cast %swap3A_1265 : i32 to index
      %swap3A_1267 = arith.index_cast %mul3A_1264 : i32 to index
      %swap3A_1268 = tpu.vector_load %arg7[%swap3A_1266, %swap3A_1267] {strides = array<i32>} : memref<16x1024xf32, #tpu.memory_space<vmem>>, vector<16xf32>,
      tpu.vector_store %arg7[%swap3A_1266, %swap3A_1267], %broadcast_in_dim3A_71 {strides = array<i32>} : memref<16x1024xf32, #tpu.memory_space<vmem>>, vector<16xf32>,
      %mul3A_1269 = arith.constant 16 : i32
      %mul3A_1270 = arith.muli %scan3A_1244, %mul3A_1269 : i32
      %swap3A_1271 = arith.constant 4 : i32
      %swap3A_1272 = arith.index_cast %swap3A_1271 : i32 to index
      %swap3A_1273 = arith.index_cast %mul3A_1270 : i32 to index
      %swap3A_1274 = tpu.vector_load %arg7[%swap3A_1272, %swap3A_1273] {strides = array<i32>} : memref<16x1024xf32, #tpu.memory_space<vmem>>, vector<16xf32>,
      tpu.vector_store %arg7[%swap3A_1272, %swap3A_1273], %broadcast_in_dim3A_71 {strides = array<i32>} : memref<16x1024xf32, #tpu.memory_space<vmem>>, vector<16xf32>,
      %mul3A_1275 = arith.constant 16 : i32
      %mul3A_1276 = arith.muli %scan3A_1244, %mul3A_1275 : i32
      %swap3A_1277 = arith.constant 5 : i32
      %swap3A_1278 = arith.index_cast %swap3A_1277 : i32 to index
      %swap3A_1279 = arith.index_cast %mul3A_1276 : i32 to index
      %swap3A_1280 = tpu.vector_load %arg7[%swap3A_1278, %swap3A_1279] {strides = array<i32>} : memref<16x1024xf32, #tpu.memory_space<vmem>>, vector<16xf32>,
      tpu.vector_store %arg7[%swap3A_1278, %swap3A_1279], %broadcast_in_dim3A_71 {strides = array<i32>} : memref<16x1024xf32, #tpu.memory_space<vmem>>, vector<16xf32>,
      %mul3A_1281 = arith.constant 16 : i32
      %mul3A_1282 = arith.muli %scan3A_1244, %mul3A_1281 : i32
      %swap3A_1283 = arith.constant 6 : i32
      %swap3A_1284 = arith.index_cast %swap3A_1283 : i32 to index
      %swap3A_1285 = arith.index_cast %mul3A_1282 : i32 to index
      %swap3A_1286 = tpu.vector_load %arg7[%swap3A_1284, %swap3A_1285] {strides = array<i32>} : memref<16x1024xf32, #tpu.memory_space<vmem>>, vector<16xf32>,
      tpu.vector_store %arg7[%swap3A_1284, %swap3A_1285], %broadcast_in_dim3A_71 {strides = array<i32>} : memref<16x1024xf32, #tpu.memory_space<vmem>>, vector<16xf32>,
      %mul3A_1287 = arith.constant 16 : i32
      %mul3A_1288 = arith.muli %scan3A_1244, %mul3A_1287 : i32
      %swap3A_1289 = arith.constant 7 : i32
      %swap3A_1290 = arith.index_cast %swap3A_1289 : i32 to index
      %swap3A_1291 = arith.index_cast %mul3A_1288 : i32 to index
      %swap3A_1292 = tpu.vector_load %arg7[%swap3A_1290, %swap3A_1291] {strides = array<i32>} : memref<16x1024xf32, #tpu.memory_space<vmem>>, vector<16xf32>,
      tpu.vector_store %arg7[%swap3A_1290, %swap3A_1291], %broadcast_in_dim3A_71 {strides = array<i32>} : memref<16x1024xf32, #tpu.memory_space<vmem>>, vector<16xf32>,
      %mul3A_1293 = arith.constant 16 : i32
      %mul3A_1294 = arith.muli %scan3A_1244, %mul3A_1293 : i32
      %swap3A_1295 = arith.constant 8 : i32
      %swap3A_1296 = arith.index_cast %swap3A_1295 : i32 to index
      %swap3A_1297 = arith.index_cast %mul3A_1294 : i32 to index
      %swap3A_1298 = tpu.vector_load %arg7[%swap3A_1296, %swap3A_1297] {strides = array<i32>} : memref<16x1024xf32, #tpu.memory_space<vmem>>, vector<16xf32>,
      tpu.vector_store %arg7[%swap3A_1296, %swap3A_1297], %broadcast_in_dim3A_71 {strides = array<i32>} : memref<16x1024xf32, #tpu.memory_space<vmem>>, vector<16xf32>,
      %mul3A_1299 = arith.constant 16 : i32
      %mul3A_1300 = arith.muli %scan3A_1244, %mul3A_1299 : i32
      %swap3A_1301 = arith.constant 9 : i32
      %swap3A_1302 = arith.index_cast %swap3A_1301 : i32 to index
      %swap3A_1303 = arith.index_cast %mul3A_1300 : i32 to index
      %swap3A_1304 = tpu.vector_load %arg7[%swap3A_1302, %swap3A_1303] {strides = array<i32>} : memref<16x1024xf32, #tpu.memory_space<vmem>>, vector<16xf32>,
      tpu.vector_store %arg7[%swap3A_1302, %swap3A_1303], %broadcast_in_dim3A_71 {strides = array<i32>} : memref<16x1024xf32, #tpu.memory_space<vmem>>, vector<16xf32>,
      %mul3A_1305 = arith.constant 16 : i32
      %mul3A_1306 = arith.muli %scan3A_1244, %mul3A_1305 : i32
      %swap3A_1307 = arith.constant 10 : i32
      %swap3A_1308 = arith.index_cast %swap3A_1307 : i32 to index
      %swap3A_1309 = arith.index_cast %mul3A_1306 : i32 to index
      %swap3A_1310 = tpu.vector_load %arg7[%swap3A_1308, %swap3A_1309] {strides = array<i32>} : memref<16x1024xf32, #tpu.memory_space<vmem>>, vector<16xf32>,
      tpu.vector_store %arg7[%swap3A_1308, %swap3A_1309], %broadcast_in_dim3A_71 {strides = array<i32>} : memref<16x1024xf32, #tpu.memory_space<vmem>>, vector<16xf32>,
      %mul3A_1311 = arith.constant 16 : i32
      %mul3A_1312 = arith.muli %scan3A_1244, %mul3A_1311 : i32
      %swap3A_1313 = arith.constant 11 : i32
      %swap3A_1314 = arith.index_cast %swap3A_1313 : i32 to index
      %swap3A_1315 = arith.index_cast %mul3A_1312 : i32 to index
      %swap3A_1316 = tpu.vector_load %arg7[%swap3A_1314, %swap3A_1315] {strides = array<i32>} : memref<16x1024xf32, #tpu.memory_space<vmem>>, vector<16xf32>,
      tpu.vector_store %arg7[%swap3A_1314, %swap3A_1315], %broadcast_in_dim3A_71 {strides = array<i32>} : memref<16x1024xf32, #tpu.memory_space<vmem>>, vector<16xf32>,
      %mul3A_1317 = arith.constant 16 : i32
      %mul3A_1318 = arith.muli %scan3A_1244, %mul3A_1317 : i32
      %swap3A_1319 = arith.constant 12 : i32
      %swap3A_1320 = arith.index_cast %swap3A_1319 : i32 to index
      %swap3A_1321 = arith.index_cast %mul3A_1318 : i32 to index
      %swap3A_1322 = tpu.vector_load %arg7[%swap3A_1320, %swap3A_1321] {strides = array<i32>} : memref<16x1024xf32, #tpu.memory_space<vmem>>, vector<16xf32>,
      tpu.vector_store %arg7[%swap3A_1320, %swap3A_1321], %broadcast_in_dim3A_71 {strides = array<i32>} : memref<16x1024xf32, #tpu.memory_space<vmem>>, vector<16xf32>,
      %mul3A_1323 = arith.constant 16 : i32
      %mul3A_1324 = arith.muli %scan3A_1244, %mul3A_1323 : i32
      %swap3A_1325 = arith.constant 13 : i32
      %swap3A_1326 = arith.index_cast %swap3A_1325 : i32 to index
      %swap3A_1327 = arith.index_cast %mul3A_1324 : i32 to index
      %swap3A_1328 = tpu.vector_load %arg7[%swap3A_1326, %swap3A_1327] {strides = array<i32>} : memref<16x1024xf32, #tpu.memory_space<vmem>>, vector<16xf32>,
      tpu.vector_store %arg7[%swap3A_1326, %swap3A_1327], %broadcast_in_dim3A_71 {strides = array<i32>} : memref<16x1024xf32, #tpu.memory_space<vmem>>, vector<16xf32>,
      %mul3A_1329 = arith.constant 16 : i32
      %mul3A_1330 = arith.muli %scan3A_1244, %mul3A_1329 : i32
      %swap3A_1331 = arith.constant 14 : i32
      %swap3A_1332 = arith.index_cast %swap3A_1331 : i32 to index
      %swap3A_1333 = arith.index_cast %mul3A_1330 : i32 to index
      %swap3A_1334 = tpu.vector_load %arg7[%swap3A_1332, %swap3A_1333] {strides = array<i32>} : memref<16x1024xf32, #tpu.memory_space<vmem>>, vector<16xf32>,
      tpu.vector_store %arg7[%swap3A_1332, %swap3A_1333], %broadcast_in_dim3A_71 {strides = array<i32>} : memref<16x1024xf32, #tpu.memory_space<vmem>>, vector<16xf32>,
      %mul3A_1335 = arith.constant 16 : i32
      %mul3A_1336 = arith.muli %scan3A_1244, %mul3A_1335 : i32
      %swap3A_1337 = arith.constant 15 : i32
      %swap3A_1338 = arith.index_cast %swap3A_1337 : i32 to index
      %swap3A_1339 = arith.index_cast %mul3A_1336 : i32 to index
      %swap3A_1340 = tpu.vector_load %arg7[%swap3A_1338, %swap3A_1339] {strides = array<i32>} : memref<16x1024xf32, #tpu.memory_space<vmem>>, vector<16xf32>,
      tpu.vector_store %arg7[%swap3A_1338, %swap3A_1339], %broadcast_in_dim3A_71 {strides = array<i32>} : memref<16x1024xf32, #tpu.memory_space<vmem>>, vector<16xf32>,
      %scan3A_1341 = arith.constant 0 : i32
      scf.yield %scan3A_1341 : i32
    }
    %scan3A_364 = arith.constant 64 : i32
    %get3A_365 = arith.constant 32 : index
    %get3A_366 = tpu.vector_load %arg5[%get3A_365] {strides = array<i32>} : memref<4096xi32, #tpu.memory_space<vmem>>, vector<16xi32>,
    %get3A_367 = arith.constant 32 : index
    %get3A_368 = tpu.vector_load %arg6[%get3A_367] {strides = array<i32>} : memref<4096xf32, #tpu.memory_space<vmem>>, vector<16xf32>,
    tpu.vector_store_idx %arg7[%iota3A, %get3A_366], %get3A_368 {add = true} : memref<16x1024xf32, #tpu.memory_space<vmem>>[vector<16xi32>, vector<16xi32>], vector<16xf32>,
    %get3A_369 = arith.constant 160 : index
    %get3A_370 = tpu.vector_load %arg5[%get3A_369] {strides = array<i32>} : memref<4096xi32, #tpu.memory_space<vmem>>, vector<16xi32>,
    %get3A_371 = arith.constant 160 : index
    %get3A_372 = tpu.vector_load %arg6[%get3A_371] {strides = array<i32>} : memref<4096xf32, #tpu.memory_space<vmem>>, vector<16xf32>,
    tpu.vector_store_idx %arg7[%iota3A, %get3A_370], %get3A_372 {add = true} : memref<16x1024xf32, #tpu.memory_space<vmem>>[vector<16xi32>, vector<16xi32>], vector<16xf32>,
    %get3A_373 = arith.constant 288 : index
    %get3A_374 = tpu.vector_load %arg5[%get3A_373] {strides = array<i32>} : memref<4096xi32, #tpu.memory_space<vmem>>, vector<16xi32>,
    %get3A_375 = arith.constant 288 : index
    %get3A_376 = tpu.vector_load %arg6[%get3A_375] {strides = array<i32>} : memref<4096xf32, #tpu.memory_space<vmem>>, vector<16xf32>,
    tpu.vector_store_idx %arg7[%iota3A, %get3A_374], %get3A_376 {add = true} : memref<16x1024xf32, #tpu.memory_space<vmem>>[vector<16xi32>, vector<16xi32>], vector<16xf32>,
    %get3A_377 = arith.constant 416 : index
    %get3A_378 = tpu.vector_load %arg5[%get3A_377] {strides = array<i32>} : memref<4096xi32, #tpu.memory_space<vmem>>, vector<16xi32>,
    %get3A_379 = arith.constant 416 : index
    %get3A_380 = tpu.vector_load %arg6[%get3A_379] {strides = array<i32>} : memref<4096xf32, #tpu.memory_space<vmem>>, vector<16xf32>,
    tpu.vector_store_idx %arg7[%iota3A, %get3A_378], %get3A_380 {add = true} : memref<16x1024xf32, #tpu.memory_space<vmem>>[vector<16xi32>, vector<16xi32>], vector<16xf32>,
    %get3A_381 = arith.constant 544 : index
    %get3A_382 = tpu.vector_load %arg5[%get3A_381] {strides = array<i32>} : memref<4096xi32, #tpu.memory_space<vmem>>, vector<16xi32>,
    %get3A_383 = arith.constant 544 : index
    %get3A_384 = tpu.vector_load %arg6[%get3A_383] {strides = array<i32>} : memref<4096xf32, #tpu.memory_space<vmem>>, vector<16xf32>,
    tpu.vector_store_idx %arg7[%iota3A, %get3A_382], %get3A_384 {add = true} : memref<16x1024xf32, #tpu.memory_space<vmem>>[vector<16xi32>, vector<16xi32>], vector<16xf32>,
    %get3A_385 = arith.constant 672 : index
    %get3A_386 = tpu.vector_load %arg5[%get3A_385] {strides = array<i32>} : memref<4096xi32, #tpu.memory_space<vmem>>, vector<16xi32>,
    %get3A_387 = arith.constant 672 : index
    %get3A_388 = tpu.vector_load %arg6[%get3A_387] {strides = array<i32>} : memref<4096xf32, #tpu.memory_space<vmem>>, vector<16xf32>,
    tpu.vector_store_idx %arg7[%iota3A, %get3A_386], %get3A_388 {add = true} : memref<16x1024xf32, #tpu.memory_space<vmem>>[vector<16xi32>, vector<16xi32>], vector<16xf32>,
    %get3A_389 = arith.constant 800 : index
    %get3A_390 = tpu.vector_load %arg5[%get3A_389] {strides = array<i32>} : memref<4096xi32, #tpu.memory_space<vmem>>, vector<16xi32>,
    %get3A_391 = arith.constant 800 : index
    %get3A_392 = tpu.vector_load %arg6[%get3A_391] {strides = array<i32>} : memref<4096xf32, #tpu.memory_space<vmem>>, vector<16xf32>,
    tpu.vector_store_idx %arg7[%iota3A, %get3A_390], %get3A_392 {add = true} : memref<16x1024xf32, #tpu.memory_space<vmem>>[vector<16xi32>, vector<16xi32>], vector<16xf32>,
    %get3A_393 = arith.constant 928 : index
    %get3A_394 = tpu.vector_load %arg5[%get3A_393] {strides = array<i32>} : memref<4096xi32, #tpu.memory_space<vmem>>, vector<16xi32>,
    %get3A_395 = arith.constant 928 : index
    %get3A_396 = tpu.vector_load %arg6[%get3A_395] {strides = array<i32>} : memref<4096xf32, #tpu.memory_space<vmem>>, vector<16xf32>,
    tpu.vector_store_idx %arg7[%iota3A, %get3A_394], %get3A_396 {add = true} : memref<16x1024xf32, #tpu.memory_space<vmem>>[vector<16xi32>, vector<16xi32>], vector<16xf32>,
    %get3A_397 = arith.constant 1056 : index
    %get3A_398 = tpu.vector_load %arg5[%get3A_397] {strides = array<i32>} : memref<4096xi32, #tpu.memory_space<vmem>>, vector<16xi32>,
    %get3A_399 = arith.constant 1056 : index
    %get3A_400 = tpu.vector_load %arg6[%get3A_399] {strides = array<i32>} : memref<4096xf32, #tpu.memory_space<vmem>>, vector<16xf32>,
    tpu.vector_store_idx %arg7[%iota3A, %get3A_398], %get3A_400 {add = true} : memref<16x1024xf32, #tpu.memory_space<vmem>>[vector<16xi32>, vector<16xi32>], vector<16xf32>,
    %get3A_401 = arith.constant 1184 : index
    %get3A_402 = tpu.vector_load %arg5[%get3A_401] {strides = array<i32>} : memref<4096xi32, #tpu.memory_space<vmem>>, vector<16xi32>,
    %get3A_403 = arith.constant 1184 : index
    %get3A_404 = tpu.vector_load %arg6[%get3A_403] {strides = array<i32>} : memref<4096xf32, #tpu.memory_space<vmem>>, vector<16xf32>,
    tpu.vector_store_idx %arg7[%iota3A, %get3A_402], %get3A_404 {add = true} : memref<16x1024xf32, #tpu.memory_space<vmem>>[vector<16xi32>, vector<16xi32>], vector<16xf32>,
    %get3A_405 = arith.constant 1312 : index
    %get3A_406 = tpu.vector_load %arg5[%get3A_405] {strides = array<i32>} : memref<4096xi32, #tpu.memory_space<vmem>>, vector<16xi32>,
    %get3A_407 = arith.constant 1312 : index
    %get3A_408 = tpu.vector_load %arg6[%get3A_407] {strides = array<i32>} : memref<4096xf32, #tpu.memory_space<vmem>>, vector<16xf32>,
    tpu.vector_store_idx %arg7[%iota3A, %get3A_406], %get3A_408 {add = true} : memref<16x1024xf32, #tpu.memory_space<vmem>>[vector<16xi32>, vector<16xi32>], vector<16xf32>,
    %get3A_409 = arith.constant 1440 : index
    %get3A_410 = tpu.vector_load %arg5[%get3A_409] {strides = array<i32>} : memref<4096xi32, #tpu.memory_space<vmem>>, vector<16xi32>,
    %get3A_411 = arith.constant 1440 : index
    %get3A_412 = tpu.vector_load %arg6[%get3A_411] {strides = array<i32>} : memref<4096xf32, #tpu.memory_space<vmem>>, vector<16xf32>,
    tpu.vector_store_idx %arg7[%iota3A, %get3A_410], %get3A_412 {add = true} : memref<16x1024xf32, #tpu.memory_space<vmem>>[vector<16xi32>, vector<16xi32>], vector<16xf32>,
    %get3A_413 = arith.constant 1568 : index
    %get3A_414 = tpu.vector_load %arg5[%get3A_413] {strides = array<i32>} : memref<4096xi32, #tpu.memory_space<vmem>>, vector<16xi32>,
    %get3A_415 = arith.constant 1568 : index
    %get3A_416 = tpu.vector_load %arg6[%get3A_415] {strides = array<i32>} : memref<4096xf32, #tpu.memory_space<vmem>>, vector<16xf32>,
    tpu.vector_store_idx %arg7[%iota3A, %get3A_414], %get3A_416 {add = true} : memref<16x1024xf32, #tpu.memory_space<vmem>>[vector<16xi32>, vector<16xi32>], vector<16xf32>,
    %get3A_417 = arith.constant 1696 : index
    %get3A_418 = tpu.vector_load %arg5[%get3A_417] {strides = array<i32>} : memref<4096xi32, #tpu.memory_space<vmem>>, vector<16xi32>,
    %get3A_419 = arith.constant 1696 : index
    %get3A_420 = tpu.vector_load %arg6[%get3A_419] {strides = array<i32>} : memref<4096xf32, #tpu.memory_space<vmem>>, vector<16xf32>,
    tpu.vector_store_idx %arg7[%iota3A, %get3A_418], %get3A_420 {add = true} : memref<16x1024xf32, #tpu.memory_space<vmem>>[vector<16xi32>, vector<16xi32>], vector<16xf32>,
    %get3A_421 = arith.constant 1824 : index
    %get3A_422 = tpu.vector_load %arg5[%get3A_421] {strides = array<i32>} : memref<4096xi32, #tpu.memory_space<vmem>>, vector<16xi32>,
    %get3A_423 = arith.constant 1824 : index
    %get3A_424 = tpu.vector_load %arg6[%get3A_423] {strides = array<i32>} : memref<4096xf32, #tpu.memory_space<vmem>>, vector<16xf32>,
    tpu.vector_store_idx %arg7[%iota3A, %get3A_422], %get3A_424 {add = true} : memref<16x1024xf32, #tpu.memory_space<vmem>>[vector<16xi32>, vector<16xi32>], vector<16xf32>,
    %get3A_425 = arith.constant 1952 : index
    %get3A_426 = tpu.vector_load %arg5[%get3A_425] {strides = array<i32>} : memref<4096xi32, #tpu.memory_space<vmem>>, vector<16xi32>,
    %get3A_427 = arith.constant 1952 : index
    %get3A_428 = tpu.vector_load %arg6[%get3A_427] {strides = array<i32>} : memref<4096xf32, #tpu.memory_space<vmem>>, vector<16xf32>,
    tpu.vector_store_idx %arg7[%iota3A, %get3A_426], %get3A_428 {add = true} : memref<16x1024xf32, #tpu.memory_space<vmem>>[vector<16xi32>, vector<16xi32>], vector<16xf32>,
    %get3A_429 = arith.constant 2080 : index
    %get3A_430 = tpu.vector_load %arg5[%get3A_429] {strides = array<i32>} : memref<4096xi32, #tpu.memory_space<vmem>>, vector<16xi32>,
    %get3A_431 = arith.constant 2080 : index
    %get3A_432 = tpu.vector_load %arg6[%get3A_431] {strides = array<i32>} : memref<4096xf32, #tpu.memory_space<vmem>>, vector<16xf32>,
    tpu.vector_store_idx %arg7[%iota3A, %get3A_430], %get3A_432 {add = true} : memref<16x1024xf32, #tpu.memory_space<vmem>>[vector<16xi32>, vector<16xi32>], vector<16xf32>,
    %get3A_433 = arith.constant 2208 : index
    %get3A_434 = tpu.vector_load %arg5[%get3A_433] {strides = array<i32>} : memref<4096xi32, #tpu.memory_space<vmem>>, vector<16xi32>,
    %get3A_435 = arith.constant 2208 : index
    %get3A_436 = tpu.vector_load %arg6[%get3A_435] {strides = array<i32>} : memref<4096xf32, #tpu.memory_space<vmem>>, vector<16xf32>,
    tpu.vector_store_idx %arg7[%iota3A, %get3A_434], %get3A_436 {add = true} : memref<16x1024xf32, #tpu.memory_space<vmem>>[vector<16xi32>, vector<16xi32>], vector<16xf32>,
    %get3A_437 = arith.constant 2336 : index
    %get3A_438 = tpu.vector_load %arg5[%get3A_437] {strides = array<i32>} : memref<4096xi32, #tpu.memory_space<vmem>>, vector<16xi32>,
    %get3A_439 = arith.constant 2336 : index
    %get3A_440 = tpu.vector_load %arg6[%get3A_439] {strides = array<i32>} : memref<4096xf32, #tpu.memory_space<vmem>>, vector<16xf32>,
    tpu.vector_store_idx %arg7[%iota3A, %get3A_438], %get3A_440 {add = true} : memref<16x1024xf32, #tpu.memory_space<vmem>>[vector<16xi32>, vector<16xi32>], vector<16xf32>,
    %get3A_441 = arith.constant 2464 : index
    %get3A_442 = tpu.vector_load %arg5[%get3A_441] {strides = array<i32>} : memref<4096xi32, #tpu.memory_space<vmem>>, vector<16xi32>,
    %get3A_443 = arith.constant 2464 : index
    %get3A_444 = tpu.vector_load %arg6[%get3A_443] {strides = array<i32>} : memref<4096xf32, #tpu.memory_space<vmem>>, vector<16xf32>,
    tpu.vector_store_idx %arg7[%iota3A, %get3A_442], %get3A_444 {add = true} : memref<16x1024xf32, #tpu.memory_space<vmem>>[vector<16xi32>, vector<16xi32>], vector<16xf32>,
    %get3A_445 = arith.constant 2592 : index
    %get3A_446 = tpu.vector_load %arg5[%get3A_445] {strides = array<i32>} : memref<4096xi32, #tpu.memory_space<vmem>>, vector<16xi32>,
    %get3A_447 = arith.constant 2592 : index
    %get3A_448 = tpu.vector_load %arg6[%get3A_447] {strides = array<i32>} : memref<4096xf32, #tpu.memory_space<vmem>>, vector<16xf32>,
    tpu.vector_store_idx %arg7[%iota3A, %get3A_446], %get3A_448 {add = true} : memref<16x1024xf32, #tpu.memory_space<vmem>>[vector<16xi32>, vector<16xi32>], vector<16xf32>,
    %get3A_449 = arith.constant 2720 : index
    %get3A_450 = tpu.vector_load %arg5[%get3A_449] {strides = array<i32>} : memref<4096xi32, #tpu.memory_space<vmem>>, vector<16xi32>,
    %get3A_451 = arith.constant 2720 : index
    %get3A_452 = tpu.vector_load %arg6[%get3A_451] {strides = array<i32>} : memref<4096xf32, #tpu.memory_space<vmem>>, vector<16xf32>,
    tpu.vector_store_idx %arg7[%iota3A, %get3A_450], %get3A_452 {add = true} : memref<16x1024xf32, #tpu.memory_space<vmem>>[vector<16xi32>, vector<16xi32>], vector<16xf32>,
    %get3A_453 = arith.constant 2848 : index
    %get3A_454 = tpu.vector_load %arg5[%get3A_453] {strides = array<i32>} : memref<4096xi32, #tpu.memory_space<vmem>>, vector<16xi32>,
    %get3A_455 = arith.constant 2848 : index
    %get3A_456 = tpu.vector_load %arg6[%get3A_455] {strides = array<i32>} : memref<4096xf32, #tpu.memory_space<vmem>>, vector<16xf32>,
    tpu.vector_store_idx %arg7[%iota3A, %get3A_454], %get3A_456 {add = true} : memref<16x1024xf32, #tpu.memory_space<vmem>>[vector<16xi32>, vector<16xi32>], vector<16xf32>,
    %get3A_457 = arith.constant 2976 : index
    %get3A_458 = tpu.vector_load %arg5[%get3A_457] {strides = array<i32>} : memref<4096xi32, #tpu.memory_space<vmem>>, vector<16xi32>,
    %get3A_459 = arith.constant 2976 : index
    %get3A_460 = tpu.vector_load %arg6[%get3A_459] {strides = array<i32>} : memref<4096xf32, #tpu.memory_space<vmem>>, vector<16xf32>,
    tpu.vector_store_idx %arg7[%iota3A, %get3A_458], %get3A_460 {add = true} : memref<16x1024xf32, #tpu.memory_space<vmem>>[vector<16xi32>, vector<16xi32>], vector<16xf32>,
    %get3A_461 = arith.constant 3104 : index
    %get3A_462 = tpu.vector_load %arg5[%get3A_461] {strides = array<i32>} : memref<4096xi32, #tpu.memory_space<vmem>>, vector<16xi32>,
    %get3A_463 = arith.constant 3104 : index
    %get3A_464 = tpu.vector_load %arg6[%get3A_463] {strides = array<i32>} : memref<4096xf32, #tpu.memory_space<vmem>>, vector<16xf32>,
    tpu.vector_store_idx %arg7[%iota3A, %get3A_462], %get3A_464 {add = true} : memref<16x1024xf32, #tpu.memory_space<vmem>>[vector<16xi32>, vector<16xi32>], vector<16xf32>,
    %get3A_465 = arith.constant 3232 : index
    %get3A_466 = tpu.vector_load %arg5[%get3A_465] {strides = array<i32>} : memref<4096xi32, #tpu.memory_space<vmem>>, vector<16xi32>,
    %get3A_467 = arith.constant 3232 : index
    %get3A_468 = tpu.vector_load %arg6[%get3A_467] {strides = array<i32>} : memref<4096xf32, #tpu.memory_space<vmem>>, vector<16xf32>,
    tpu.vector_store_idx %arg7[%iota3A, %get3A_466], %get3A_468 {add = true} : memref<16x1024xf32, #tpu.memory_space<vmem>>[vector<16xi32>, vector<16xi32>], vector<16xf32>,
    %get3A_469 = arith.constant 3360 : index
    %get3A_470 = tpu.vector_load %arg5[%get3A_469] {strides = array<i32>} : memref<4096xi32, #tpu.memory_space<vmem>>, vector<16xi32>,
    %get3A_471 = arith.constant 3360 : index
    %get3A_472 = tpu.vector_load %arg6[%get3A_471] {strides = array<i32>} : memref<4096xf32, #tpu.memory_space<vmem>>, vector<16xf32>,
    tpu.vector_store_idx %arg7[%iota3A, %get3A_470], %get3A_472 {add = true} : memref<16x1024xf32, #tpu.memory_space<vmem>>[vector<16xi32>, vector<16xi32>], vector<16xf32>,
    %get3A_473 = arith.constant 3488 : index
    %get3A_474 = tpu.vector_load %arg5[%get3A_473] {strides = array<i32>} : memref<4096xi32, #tpu.memory_space<vmem>>, vector<16xi32>,
    %get3A_475 = arith.constant 3488 : index
    %get3A_476 = tpu.vector_load %arg6[%get3A_475] {strides = array<i32>} : memref<4096xf32, #tpu.memory_space<vmem>>, vector<16xf32>,
    tpu.vector_store_idx %arg7[%iota3A, %get3A_474], %get3A_476 {add = true} : memref<16x1024xf32, #tpu.memory_space<vmem>>[vector<16xi32>, vector<16xi32>], vector<16xf32>,
    %get3A_477 = arith.constant 3616 : index
    %get3A_478 = tpu.vector_load %arg5[%get3A_477] {strides = array<i32>} : memref<4096xi32, #tpu.memory_space<vmem>>, vector<16xi32>,
    %get3A_479 = arith.constant 3616 : index
    %get3A_480 = tpu.vector_load %arg6[%get3A_479] {strides = array<i32>} : memref<4096xf32, #tpu.memory_space<vmem>>, vector<16xf32>,
    tpu.vector_store_idx %arg7[%iota3A, %get3A_478], %get3A_480 {add = true} : memref<16x1024xf32, #tpu.memory_space<vmem>>[vector<16xi32>, vector<16xi32>], vector<16xf32>,
    %get3A_481 = arith.constant 3744 : index
    %get3A_482 = tpu.vector_load %arg5[%get3A_481] {strides = array<i32>} : memref<4096xi32, #tpu.memory_space<vmem>>, vector<16xi32>,
    %get3A_483 = arith.constant 3744 : index
    %get3A_484 = tpu.vector_load %arg6[%get3A_483] {strides = array<i32>} : memref<4096xf32, #tpu.memory_space<vmem>>, vector<16xf32>,
    tpu.vector_store_idx %arg7[%iota3A, %get3A_482], %get3A_484 {add = true} : memref<16x1024xf32, #tpu.memory_space<vmem>>[vector<16xi32>, vector<16xi32>], vector<16xf32>,
    %get3A_485 = arith.constant 3872 : index
    %get3A_486 = tpu.vector_load %arg5[%get3A_485] {strides = array<i32>} : memref<4096xi32, #tpu.memory_space<vmem>>, vector<16xi32>,
    %get3A_487 = arith.constant 3872 : index
    %get3A_488 = tpu.vector_load %arg6[%get3A_487] {strides = array<i32>} : memref<4096xf32, #tpu.memory_space<vmem>>, vector<16xf32>,
    tpu.vector_store_idx %arg7[%iota3A, %get3A_486], %get3A_488 {add = true} : memref<16x1024xf32, #tpu.memory_space<vmem>>[vector<16xi32>, vector<16xi32>], vector<16xf32>,
    %get3A_489 = arith.constant 4000 : index
    %get3A_490 = tpu.vector_load %arg5[%get3A_489] {strides = array<i32>} : memref<4096xi32, #tpu.memory_space<vmem>>, vector<16xi32>,
    %get3A_491 = arith.constant 4000 : index
    %get3A_492 = tpu.vector_load %arg6[%get3A_491] {strides = array<i32>} : memref<4096xf32, #tpu.memory_space<vmem>>, vector<16xf32>,
    tpu.vector_store_idx %arg7[%iota3A, %get3A_490], %get3A_492 {add = true} : memref<16x1024xf32, #tpu.memory_space<vmem>>[vector<16xi32>, vector<16xi32>], vector<16xf32>,
    %mul3A_493 = arith.constant 128 : i32
    %mul3A_494 = arith.muli %add3A, %mul3A_493 : i32
    %add3A_495 = arith.constant 32 : i32
    %add3A_496 = arith.addi %mul3A_494, %add3A_495 : i32
    %dma_start3A_497 = arith.constant 0 : i32
    %dma_start3A_498 = tpu.memref_slice %arg4[%add3A_496, %dma_start3A_497] : memref<4096x1024xf32, #tpu.memory_space<hbm>> -> memref<16x1024xf32, #tpu.memory_space<hbm>>
    %dma_start3A_499 = arith.constant 0 : i32
    %dma_start3A_500 = tpu.memref_slice %arg4[%add3A_496, %dma_start3A_499] : memref<4096x1024xf32, #tpu.memory_space<hbm>> -> memref<16x1024xf32, #tpu.memory_space<hbm>>
    tpu.enqueue_dma source(%arg7 : memref<16x1024xf32, #tpu.memory_space<vmem>>) target(%dma_start3A_500 : memref<16x1024xf32, #tpu.memory_space<hbm>>) target_semaphore(%arg9 : memref<!tpu.dma_semaphore, #tpu.memory_space<semaphore_mem>>)
    %dma_wait3A_501 = arith.constant 0 : i32
    %dma_wait3A_502 = tpu.memref_slice %arg4[%add3A_350, %dma_wait3A_501] : memref<4096x1024xf32, #tpu.memory_space<hbm>> -> memref<16x1024xf32, #tpu.memory_space<hbm>>
    %dma_wait3A_503 = arith.constant 0 : i32
    %dma_wait3A_504 = tpu.memref_slice %arg4[%add3A_350, %dma_wait3A_503] : memref<4096x1024xf32, #tpu.memory_space<hbm>> -> memref<16x1024xf32, #tpu.memory_space<hbm>>
    tpu.wait_dma2 semaphore(%arg10 : memref<!tpu.dma_semaphore, #tpu.memory_space<semaphore_mem>>) src(%arg8 : memref<16x1024xf32, #tpu.memory_space<vmem>>) dst(%dma_wait3A_504 : memref<16x1024xf32, #tpu.memory_space<hbm>>)
    %scan3A_505 = arith.constant 0 : i32
    %scan3A_506 = arith.constant 0 : i32
    %scan3A_507 = arith.constant 64 : i32
    %scan3A_508 = arith.addi %scan3A_506, %scan3A_507 : i32
    %scan3A_509 = arith.constant 1 : i32
    %scan3A_510 = scf.for %scan3A_1244 = %scan3A_506 to %scan3A_508 step %scan3A_509 iter_args(%scan3A_1245 = %scan3A_505) -> (i32)  : i32 {
      %mul3A_1246 = arith.constant 16 : i32
      %mul3A_1247 = arith.muli %scan3A_1244, %mul3A_1246 : i32
      %swap3A = arith.constant 0 : i32
      %swap3A_1248 = arith.index_cast %swap3A : i32 to index
      %swap3A_1249 = arith.index_cast %mul3A_1247 : i32 to index
      %swap3A_1250 = tpu.vector_load %arg8[%swap3A_1248, %swap3A_1249] {strides = array<i32>} : memref<16x1024xf32, #tpu.memory_space<vmem>>, vector<16xf32>,
      tpu.vector_store %arg8[%swap3A_1248, %swap3A_1249], %broadcast_in_dim3A_71 {strides = array<i32>} : memref<16x1024xf32, #tpu.memory_space<vmem>>, vector<16xf32>,
      %mul3A_1251 = arith.constant 16 : i32
      %mul3A_1252 = arith.muli %scan3A_1244, %mul3A_1251 : i32
      %swap3A_1253 = arith.constant 1 : i32
      %swap3A_1254 = arith.index_cast %swap3A_1253 : i32 to index
      %swap3A_1255 = arith.index_cast %mul3A_1252 : i32 to index
      %swap3A_1256 = tpu.vector_load %arg8[%swap3A_1254, %swap3A_1255] {strides = array<i32>} : memref<16x1024xf32, #tpu.memory_space<vmem>>, vector<16xf32>,
      tpu.vector_store %arg8[%swap3A_1254, %swap3A_1255], %broadcast_in_dim3A_71 {strides = array<i32>} : memref<16x1024xf32, #tpu.memory_space<vmem>>, vector<16xf32>,
      %mul3A_1257 = arith.constant 16 : i32
      %mul3A_1258 = arith.muli %scan3A_1244, %mul3A_1257 : i32
      %swap3A_1259 = arith.constant 2 : i32
      %swap3A_1260 = arith.index_cast %swap3A_1259 : i32 to index
      %swap3A_1261 = arith.index_cast %mul3A_1258 : i32 to index
      %swap3A_1262 = tpu.vector_load %arg8[%swap3A_1260, %swap3A_1261] {strides = array<i32>} : memref<16x1024xf32, #tpu.memory_space<vmem>>, vector<16xf32>,
      tpu.vector_store %arg8[%swap3A_1260, %swap3A_1261], %broadcast_in_dim3A_71 {strides = array<i32>} : memref<16x1024xf32, #tpu.memory_space<vmem>>, vector<16xf32>,
      %mul3A_1263 = arith.constant 16 : i32
      %mul3A_1264 = arith.muli %scan3A_1244, %mul3A_1263 : i32
      %swap3A_1265 = arith.constant 3 : i32
      %swap3A_1266 = arith.index_cast %swap3A_1265 : i32 to index
      %swap3A_1267 = arith.index_cast %mul3A_1264 : i32 to index
      %swap3A_1268 = tpu.vector_load %arg8[%swap3A_1266, %swap3A_1267] {strides = array<i32>} : memref<16x1024xf32, #tpu.memory_space<vmem>>, vector<16xf32>,
      tpu.vector_store %arg8[%swap3A_1266, %swap3A_1267], %broadcast_in_dim3A_71 {strides = array<i32>} : memref<16x1024xf32, #tpu.memory_space<vmem>>, vector<16xf32>,
      %mul3A_1269 = arith.constant 16 : i32
      %mul3A_1270 = arith.muli %scan3A_1244, %mul3A_1269 : i32
      %swap3A_1271 = arith.constant 4 : i32
      %swap3A_1272 = arith.index_cast %swap3A_1271 : i32 to index
      %swap3A_1273 = arith.index_cast %mul3A_1270 : i32 to index
      %swap3A_1274 = tpu.vector_load %arg8[%swap3A_1272, %swap3A_1273] {strides = array<i32>} : memref<16x1024xf32, #tpu.memory_space<vmem>>, vector<16xf32>,
      tpu.vector_store %arg8[%swap3A_1272, %swap3A_1273], %broadcast_in_dim3A_71 {strides = array<i32>} : memref<16x1024xf32, #tpu.memory_space<vmem>>, vector<16xf32>,
      %mul3A_1275 = arith.constant 16 : i32
      %mul3A_1276 = arith.muli %scan3A_1244, %mul3A_1275 : i32
      %swap3A_1277 = arith.constant 5 : i32
      %swap3A_1278 = arith.index_cast %swap3A_1277 : i32 to index
      %swap3A_1279 = arith.index_cast %mul3A_1276 : i32 to index
      %swap3A_1280 = tpu.vector_load %arg8[%swap3A_1278, %swap3A_1279] {strides = array<i32>} : memref<16x1024xf32, #tpu.memory_space<vmem>>, vector<16xf32>,
      tpu.vector_store %arg8[%swap3A_1278, %swap3A_1279], %broadcast_in_dim3A_71 {strides = array<i32>} : memref<16x1024xf32, #tpu.memory_space<vmem>>, vector<16xf32>,
      %mul3A_1281 = arith.constant 16 : i32
      %mul3A_1282 = arith.muli %scan3A_1244, %mul3A_1281 : i32
      %swap3A_1283 = arith.constant 6 : i32
      %swap3A_1284 = arith.index_cast %swap3A_1283 : i32 to index
      %swap3A_1285 = arith.index_cast %mul3A_1282 : i32 to index
      %swap3A_1286 = tpu.vector_load %arg8[%swap3A_1284, %swap3A_1285] {strides = array<i32>} : memref<16x1024xf32, #tpu.memory_space<vmem>>, vector<16xf32>,
      tpu.vector_store %arg8[%swap3A_1284, %swap3A_1285], %broadcast_in_dim3A_71 {strides = array<i32>} : memref<16x1024xf32, #tpu.memory_space<vmem>>, vector<16xf32>,
      %mul3A_1287 = arith.constant 16 : i32
      %mul3A_1288 = arith.muli %scan3A_1244, %mul3A_1287 : i32
      %swap3A_1289 = arith.constant 7 : i32
      %swap3A_1290 = arith.index_cast %swap3A_1289 : i32 to index
      %swap3A_1291 = arith.index_cast %mul3A_1288 : i32 to index
      %swap3A_1292 = tpu.vector_load %arg8[%swap3A_1290, %swap3A_1291] {strides = array<i32>} : memref<16x1024xf32, #tpu.memory_space<vmem>>, vector<16xf32>,
      tpu.vector_store %arg8[%swap3A_1290, %swap3A_1291], %broadcast_in_dim3A_71 {strides = array<i32>} : memref<16x1024xf32, #tpu.memory_space<vmem>>, vector<16xf32>,
      %mul3A_1293 = arith.constant 16 : i32
      %mul3A_1294 = arith.muli %scan3A_1244, %mul3A_1293 : i32
      %swap3A_1295 = arith.constant 8 : i32
      %swap3A_1296 = arith.index_cast %swap3A_1295 : i32 to index
      %swap3A_1297 = arith.index_cast %mul3A_1294 : i32 to index
      %swap3A_1298 = tpu.vector_load %arg8[%swap3A_1296, %swap3A_1297] {strides = array<i32>} : memref<16x1024xf32, #tpu.memory_space<vmem>>, vector<16xf32>,
      tpu.vector_store %arg8[%swap3A_1296, %swap3A_1297], %broadcast_in_dim3A_71 {strides = array<i32>} : memref<16x1024xf32, #tpu.memory_space<vmem>>, vector<16xf32>,
      %mul3A_1299 = arith.constant 16 : i32
      %mul3A_1300 = arith.muli %scan3A_1244, %mul3A_1299 : i32
      %swap3A_1301 = arith.constant 9 : i32
      %swap3A_1302 = arith.index_cast %swap3A_1301 : i32 to index
      %swap3A_1303 = arith.index_cast %mul3A_1300 : i32 to index
      %swap3A_1304 = tpu.vector_load %arg8[%swap3A_1302, %swap3A_1303] {strides = array<i32>} : memref<16x1024xf32, #tpu.memory_space<vmem>>, vector<16xf32>,
      tpu.vector_store %arg8[%swap3A_1302, %swap3A_1303], %broadcast_in_dim3A_71 {strides = array<i32>} : memref<16x1024xf32, #tpu.memory_space<vmem>>, vector<16xf32>,
      %mul3A_1305 = arith.constant 16 : i32
      %mul3A_1306 = arith.muli %scan3A_1244, %mul3A_1305 : i32
      %swap3A_1307 = arith.constant 10 : i32
      %swap3A_1308 = arith.index_cast %swap3A_1307 : i32 to index
      %swap3A_1309 = arith.index_cast %mul3A_1306 : i32 to index
      %swap3A_1310 = tpu.vector_load %arg8[%swap3A_1308, %swap3A_1309] {strides = array<i32>} : memref<16x1024xf32, #tpu.memory_space<vmem>>, vector<16xf32>,
      tpu.vector_store %arg8[%swap3A_1308, %swap3A_1309], %broadcast_in_dim3A_71 {strides = array<i32>} : memref<16x1024xf32, #tpu.memory_space<vmem>>, vector<16xf32>,
      %mul3A_1311 = arith.constant 16 : i32
      %mul3A_1312 = arith.muli %scan3A_1244, %mul3A_1311 : i32
      %swap3A_1313 = arith.constant 11 : i32
      %swap3A_1314 = arith.index_cast %swap3A_1313 : i32 to index
      %swap3A_1315 = arith.index_cast %mul3A_1312 : i32 to index
      %swap3A_1316 = tpu.vector_load %arg8[%swap3A_1314, %swap3A_1315] {strides = array<i32>} : memref<16x1024xf32, #tpu.memory_space<vmem>>, vector<16xf32>,
      tpu.vector_store %arg8[%swap3A_1314, %swap3A_1315], %broadcast_in_dim3A_71 {strides = array<i32>} : memref<16x1024xf32, #tpu.memory_space<vmem>>, vector<16xf32>,
      %mul3A_1317 = arith.constant 16 : i32
      %mul3A_1318 = arith.muli %scan3A_1244, %mul3A_1317 : i32
      %swap3A_1319 = arith.constant 12 : i32
      %swap3A_1320 = arith.index_cast %swap3A_1319 : i32 to index
      %swap3A_1321 = arith.index_cast %mul3A_1318 : i32 to index
      %swap3A_1322 = tpu.vector_load %arg8[%swap3A_1320, %swap3A_1321] {strides = array<i32>} : memref<16x1024xf32, #tpu.memory_space<vmem>>, vector<16xf32>,
      tpu.vector_store %arg8[%swap3A_1320, %swap3A_1321], %broadcast_in_dim3A_71 {strides = array<i32>} : memref<16x1024xf32, #tpu.memory_space<vmem>>, vector<16xf32>,
      %mul3A_1323 = arith.constant 16 : i32
      %mul3A_1324 = arith.muli %scan3A_1244, %mul3A_1323 : i32
      %swap3A_1325 = arith.constant 13 : i32
      %swap3A_1326 = arith.index_cast %swap3A_1325 : i32 to index
      %swap3A_1327 = arith.index_cast %mul3A_1324 : i32 to index
      %swap3A_1328 = tpu.vector_load %arg8[%swap3A_1326, %swap3A_1327] {strides = array<i32>} : memref<16x1024xf32, #tpu.memory_space<vmem>>, vector<16xf32>,
      tpu.vector_store %arg8[%swap3A_1326, %swap3A_1327], %broadcast_in_dim3A_71 {strides = array<i32>} : memref<16x1024xf32, #tpu.memory_space<vmem>>, vector<16xf32>,
      %mul3A_1329 = arith.constant 16 : i32
      %mul3A_1330 = arith.muli %scan3A_1244, %mul3A_1329 : i32
      %swap3A_1331 = arith.constant 14 : i32
      %swap3A_1332 = arith.index_cast %swap3A_1331 : i32 to index
      %swap3A_1333 = arith.index_cast %mul3A_1330 : i32 to index
      %swap3A_1334 = tpu.vector_load %arg8[%swap3A_1332, %swap3A_1333] {strides = array<i32>} : memref<16x1024xf32, #tpu.memory_space<vmem>>, vector<16xf32>,
      tpu.vector_store %arg8[%swap3A_1332, %swap3A_1333], %broadcast_in_dim3A_71 {strides = array<i32>} : memref<16x1024xf32, #tpu.memory_space<vmem>>, vector<16xf32>,
      %mul3A_1335 = arith.constant 16 : i32
      %mul3A_1336 = arith.muli %scan3A_1244, %mul3A_1335 : i32
      %swap3A_1337 = arith.constant 15 : i32
      %swap3A_1338 = arith.index_cast %swap3A_1337 : i32 to index
      %swap3A_1339 = arith.index_cast %mul3A_1336 : i32 to index
      %swap3A_1340 = tpu.vector_load %arg8[%swap3A_1338, %swap3A_1339] {strides = array<i32>} : memref<16x1024xf32, #tpu.memory_space<vmem>>, vector<16xf32>,
      tpu.vector_store %arg8[%swap3A_1338, %swap3A_1339], %broadcast_in_dim3A_71 {strides = array<i32>} : memref<16x1024xf32, #tpu.memory_space<vmem>>, vector<16xf32>,
      %scan3A_1341 = arith.constant 0 : i32
      scf.yield %scan3A_1341 : i32
    }
    %scan3A_511 = arith.constant 64 : i32
    %get3A_512 = arith.constant 48 : index
    %get3A_513 = tpu.vector_load %arg5[%get3A_512] {strides = array<i32>} : memref<4096xi32, #tpu.memory_space<vmem>>, vector<16xi32>,
    %get3A_514 = arith.constant 48 : index
    %get3A_515 = tpu.vector_load %arg6[%get3A_514] {strides = array<i32>} : memref<4096xf32, #tpu.memory_space<vmem>>, vector<16xf32>,
    tpu.vector_store_idx %arg8[%iota3A, %get3A_513], %get3A_515 {add = true} : memref<16x1024xf32, #tpu.memory_space<vmem>>[vector<16xi32>, vector<16xi32>], vector<16xf32>,
    %get3A_516 = arith.constant 176 : index
    %get3A_517 = tpu.vector_load %arg5[%get3A_516] {strides = array<i32>} : memref<4096xi32, #tpu.memory_space<vmem>>, vector<16xi32>,
    %get3A_518 = arith.constant 176 : index
    %get3A_519 = tpu.vector_load %arg6[%get3A_518] {strides = array<i32>} : memref<4096xf32, #tpu.memory_space<vmem>>, vector<16xf32>,
    tpu.vector_store_idx %arg8[%iota3A, %get3A_517], %get3A_519 {add = true} : memref<16x1024xf32, #tpu.memory_space<vmem>>[vector<16xi32>, vector<16xi32>], vector<16xf32>,
    %get3A_520 = arith.constant 304 : index
    %get3A_521 = tpu.vector_load %arg5[%get3A_520] {strides = array<i32>} : memref<4096xi32, #tpu.memory_space<vmem>>, vector<16xi32>,
    %get3A_522 = arith.constant 304 : index
    %get3A_523 = tpu.vector_load %arg6[%get3A_522] {strides = array<i32>} : memref<4096xf32, #tpu.memory_space<vmem>>, vector<16xf32>,
    tpu.vector_store_idx %arg8[%iota3A, %get3A_521], %get3A_523 {add = true} : memref<16x1024xf32, #tpu.memory_space<vmem>>[vector<16xi32>, vector<16xi32>], vector<16xf32>,
    %get3A_524 = arith.constant 432 : index
    %get3A_525 = tpu.vector_load %arg5[%get3A_524] {strides = array<i32>} : memref<4096xi32, #tpu.memory_space<vmem>>, vector<16xi32>,
    %get3A_526 = arith.constant 432 : index
    %get3A_527 = tpu.vector_load %arg6[%get3A_526] {strides = array<i32>} : memref<4096xf32, #tpu.memory_space<vmem>>, vector<16xf32>,
    tpu.vector_store_idx %arg8[%iota3A, %get3A_525], %get3A_527 {add = true} : memref<16x1024xf32, #tpu.memory_space<vmem>>[vector<16xi32>, vector<16xi32>], vector<16xf32>,
    %get3A_528 = arith.constant 560 : index
    %get3A_529 = tpu.vector_load %arg5[%get3A_528] {strides = array<i32>} : memref<4096xi32, #tpu.memory_space<vmem>>, vector<16xi32>,
    %get3A_530 = arith.constant 560 : index
    %get3A_531 = tpu.vector_load %arg6[%get3A_530] {strides = array<i32>} : memref<4096xf32, #tpu.memory_space<vmem>>, vector<16xf32>,
    tpu.vector_store_idx %arg8[%iota3A, %get3A_529], %get3A_531 {add = true} : memref<16x1024xf32, #tpu.memory_space<vmem>>[vector<16xi32>, vector<16xi32>], vector<16xf32>,
    %get3A_532 = arith.constant 688 : index
    %get3A_533 = tpu.vector_load %arg5[%get3A_532] {strides = array<i32>} : memref<4096xi32, #tpu.memory_space<vmem>>, vector<16xi32>,
    %get3A_534 = arith.constant 688 : index
    %get3A_535 = tpu.vector_load %arg6[%get3A_534] {strides = array<i32>} : memref<4096xf32, #tpu.memory_space<vmem>>, vector<16xf32>,
    tpu.vector_store_idx %arg8[%iota3A, %get3A_533], %get3A_535 {add = true} : memref<16x1024xf32, #tpu.memory_space<vmem>>[vector<16xi32>, vector<16xi32>], vector<16xf32>,
    %get3A_536 = arith.constant 816 : index
    %get3A_537 = tpu.vector_load %arg5[%get3A_536] {strides = array<i32>} : memref<4096xi32, #tpu.memory_space<vmem>>, vector<16xi32>,
    %get3A_538 = arith.constant 816 : index
    %get3A_539 = tpu.vector_load %arg6[%get3A_538] {strides = array<i32>} : memref<4096xf32, #tpu.memory_space<vmem>>, vector<16xf32>,
    tpu.vector_store_idx %arg8[%iota3A, %get3A_537], %get3A_539 {add = true} : memref<16x1024xf32, #tpu.memory_space<vmem>>[vector<16xi32>, vector<16xi32>], vector<16xf32>,
    %get3A_540 = arith.constant 944 : index
    %get3A_541 = tpu.vector_load %arg5[%get3A_540] {strides = array<i32>} : memref<4096xi32, #tpu.memory_space<vmem>>, vector<16xi32>,
    %get3A_542 = arith.constant 944 : index
    %get3A_543 = tpu.vector_load %arg6[%get3A_542] {strides = array<i32>} : memref<4096xf32, #tpu.memory_space<vmem>>, vector<16xf32>,
    tpu.vector_store_idx %arg8[%iota3A, %get3A_541], %get3A_543 {add = true} : memref<16x1024xf32, #tpu.memory_space<vmem>>[vector<16xi32>, vector<16xi32>], vector<16xf32>,
    %get3A_544 = arith.constant 1072 : index
    %get3A_545 = tpu.vector_load %arg5[%get3A_544] {strides = array<i32>} : memref<4096xi32, #tpu.memory_space<vmem>>, vector<16xi32>,
    %get3A_546 = arith.constant 1072 : index
    %get3A_547 = tpu.vector_load %arg6[%get3A_546] {strides = array<i32>} : memref<4096xf32, #tpu.memory_space<vmem>>, vector<16xf32>,
    tpu.vector_store_idx %arg8[%iota3A, %get3A_545], %get3A_547 {add = true} : memref<16x1024xf32, #tpu.memory_space<vmem>>[vector<16xi32>, vector<16xi32>], vector<16xf32>,
    %get3A_548 = arith.constant 1200 : index
    %get3A_549 = tpu.vector_load %arg5[%get3A_548] {strides = array<i32>} : memref<4096xi32, #tpu.memory_space<vmem>>, vector<16xi32>,
    %get3A_550 = arith.constant 1200 : index
    %get3A_551 = tpu.vector_load %arg6[%get3A_550] {strides = array<i32>} : memref<4096xf32, #tpu.memory_space<vmem>>, vector<16xf32>,
    tpu.vector_store_idx %arg8[%iota3A, %get3A_549], %get3A_551 {add = true} : memref<16x1024xf32, #tpu.memory_space<vmem>>[vector<16xi32>, vector<16xi32>], vector<16xf32>,
    %get3A_552 = arith.constant 1328 : index
    %get3A_553 = tpu.vector_load %arg5[%get3A_552] {strides = array<i32>} : memref<4096xi32, #tpu.memory_space<vmem>>, vector<16xi32>,
    %get3A_554 = arith.constant 1328 : index
    %get3A_555 = tpu.vector_load %arg6[%get3A_554] {strides = array<i32>} : memref<4096xf32, #tpu.memory_space<vmem>>, vector<16xf32>,
    tpu.vector_store_idx %arg8[%iota3A, %get3A_553], %get3A_555 {add = true} : memref<16x1024xf32, #tpu.memory_space<vmem>>[vector<16xi32>, vector<16xi32>], vector<16xf32>,
    %get3A_556 = arith.constant 1456 : index
    %get3A_557 = tpu.vector_load %arg5[%get3A_556] {strides = array<i32>} : memref<4096xi32, #tpu.memory_space<vmem>>, vector<16xi32>,
    %get3A_558 = arith.constant 1456 : index
    %get3A_559 = tpu.vector_load %arg6[%get3A_558] {strides = array<i32>} : memref<4096xf32, #tpu.memory_space<vmem>>, vector<16xf32>,
    tpu.vector_store_idx %arg8[%iota3A, %get3A_557], %get3A_559 {add = true} : memref<16x1024xf32, #tpu.memory_space<vmem>>[vector<16xi32>, vector<16xi32>], vector<16xf32>,
    %get3A_560 = arith.constant 1584 : index
    %get3A_561 = tpu.vector_load %arg5[%get3A_560] {strides = array<i32>} : memref<4096xi32, #tpu.memory_space<vmem>>, vector<16xi32>,
    %get3A_562 = arith.constant 1584 : index
    %get3A_563 = tpu.vector_load %arg6[%get3A_562] {strides = array<i32>} : memref<4096xf32, #tpu.memory_space<vmem>>, vector<16xf32>,
    tpu.vector_store_idx %arg8[%iota3A, %get3A_561], %get3A_563 {add = true} : memref<16x1024xf32, #tpu.memory_space<vmem>>[vector<16xi32>, vector<16xi32>], vector<16xf32>,
    %get3A_564 = arith.constant 1712 : index
    %get3A_565 = tpu.vector_load %arg5[%get3A_564] {strides = array<i32>} : memref<4096xi32, #tpu.memory_space<vmem>>, vector<16xi32>,
    %get3A_566 = arith.constant 1712 : index
    %get3A_567 = tpu.vector_load %arg6[%get3A_566] {strides = array<i32>} : memref<4096xf32, #tpu.memory_space<vmem>>, vector<16xf32>,
    tpu.vector_store_idx %arg8[%iota3A, %get3A_565], %get3A_567 {add = true} : memref<16x1024xf32, #tpu.memory_space<vmem>>[vector<16xi32>, vector<16xi32>], vector<16xf32>,
    %get3A_568 = arith.constant 1840 : index
    %get3A_569 = tpu.vector_load %arg5[%get3A_568] {strides = array<i32>} : memref<4096xi32, #tpu.memory_space<vmem>>, vector<16xi32>,
    %get3A_570 = arith.constant 1840 : index
    %get3A_571 = tpu.vector_load %arg6[%get3A_570] {strides = array<i32>} : memref<4096xf32, #tpu.memory_space<vmem>>, vector<16xf32>,
    tpu.vector_store_idx %arg8[%iota3A, %get3A_569], %get3A_571 {add = true} : memref<16x1024xf32, #tpu.memory_space<vmem>>[vector<16xi32>, vector<16xi32>], vector<16xf32>,
    %get3A_572 = arith.constant 1968 : index
    %get3A_573 = tpu.vector_load %arg5[%get3A_572] {strides = array<i32>} : memref<4096xi32, #tpu.memory_space<vmem>>, vector<16xi32>,
    %get3A_574 = arith.constant 1968 : index
    %get3A_575 = tpu.vector_load %arg6[%get3A_574] {strides = array<i32>} : memref<4096xf32, #tpu.memory_space<vmem>>, vector<16xf32>,
    tpu.vector_store_idx %arg8[%iota3A, %get3A_573], %get3A_575 {add = true} : memref<16x1024xf32, #tpu.memory_space<vmem>>[vector<16xi32>, vector<16xi32>], vector<16xf32>,
    %get3A_576 = arith.constant 2096 : index
    %get3A_577 = tpu.vector_load %arg5[%get3A_576] {strides = array<i32>} : memref<4096xi32, #tpu.memory_space<vmem>>, vector<16xi32>,
    %get3A_578 = arith.constant 2096 : index
    %get3A_579 = tpu.vector_load %arg6[%get3A_578] {strides = array<i32>} : memref<4096xf32, #tpu.memory_space<vmem>>, vector<16xf32>,
    tpu.vector_store_idx %arg8[%iota3A, %get3A_577], %get3A_579 {add = true} : memref<16x1024xf32, #tpu.memory_space<vmem>>[vector<16xi32>, vector<16xi32>], vector<16xf32>,
    %get3A_580 = arith.constant 2224 : index
    %get3A_581 = tpu.vector_load %arg5[%get3A_580] {strides = array<i32>} : memref<4096xi32, #tpu.memory_space<vmem>>, vector<16xi32>,
    %get3A_582 = arith.constant 2224 : index
    %get3A_583 = tpu.vector_load %arg6[%get3A_582] {strides = array<i32>} : memref<4096xf32, #tpu.memory_space<vmem>>, vector<16xf32>,
    tpu.vector_store_idx %arg8[%iota3A, %get3A_581], %get3A_583 {add = true} : memref<16x1024xf32, #tpu.memory_space<vmem>>[vector<16xi32>, vector<16xi32>], vector<16xf32>,
    %get3A_584 = arith.constant 2352 : index
    %get3A_585 = tpu.vector_load %arg5[%get3A_584] {strides = array<i32>} : memref<4096xi32, #tpu.memory_space<vmem>>, vector<16xi32>,
    %get3A_586 = arith.constant 2352 : index
    %get3A_587 = tpu.vector_load %arg6[%get3A_586] {strides = array<i32>} : memref<4096xf32, #tpu.memory_space<vmem>>, vector<16xf32>,
    tpu.vector_store_idx %arg8[%iota3A, %get3A_585], %get3A_587 {add = true} : memref<16x1024xf32, #tpu.memory_space<vmem>>[vector<16xi32>, vector<16xi32>], vector<16xf32>,
    %get3A_588 = arith.constant 2480 : index
    %get3A_589 = tpu.vector_load %arg5[%get3A_588] {strides = array<i32>} : memref<4096xi32, #tpu.memory_space<vmem>>, vector<16xi32>,
    %get3A_590 = arith.constant 2480 : index
    %get3A_591 = tpu.vector_load %arg6[%get3A_590] {strides = array<i32>} : memref<4096xf32, #tpu.memory_space<vmem>>, vector<16xf32>,
    tpu.vector_store_idx %arg8[%iota3A, %get3A_589], %get3A_591 {add = true} : memref<16x1024xf32, #tpu.memory_space<vmem>>[vector<16xi32>, vector<16xi32>], vector<16xf32>,
    %get3A_592 = arith.constant 2608 : index
    %get3A_593 = tpu.vector_load %arg5[%get3A_592] {strides = array<i32>} : memref<4096xi32, #tpu.memory_space<vmem>>, vector<16xi32>,
    %get3A_594 = arith.constant 2608 : index
    %get3A_595 = tpu.vector_load %arg6[%get3A_594] {strides = array<i32>} : memref<4096xf32, #tpu.memory_space<vmem>>, vector<16xf32>,
    tpu.vector_store_idx %arg8[%iota3A, %get3A_593], %get3A_595 {add = true} : memref<16x1024xf32, #tpu.memory_space<vmem>>[vector<16xi32>, vector<16xi32>], vector<16xf32>,
    %get3A_596 = arith.constant 2736 : index
    %get3A_597 = tpu.vector_load %arg5[%get3A_596] {strides = array<i32>} : memref<4096xi32, #tpu.memory_space<vmem>>, vector<16xi32>,
    %get3A_598 = arith.constant 2736 : index
    %get3A_599 = tpu.vector_load %arg6[%get3A_598] {strides = array<i32>} : memref<4096xf32, #tpu.memory_space<vmem>>, vector<16xf32>,
    tpu.vector_store_idx %arg8[%iota3A, %get3A_597], %get3A_599 {add = true} : memref<16x1024xf32, #tpu.memory_space<vmem>>[vector<16xi32>, vector<16xi32>], vector<16xf32>,
    %get3A_600 = arith.constant 2864 : index
    %get3A_601 = tpu.vector_load %arg5[%get3A_600] {strides = array<i32>} : memref<4096xi32, #tpu.memory_space<vmem>>, vector<16xi32>,
    %get3A_602 = arith.constant 2864 : index
    %get3A_603 = tpu.vector_load %arg6[%get3A_602] {strides = array<i32>} : memref<4096xf32, #tpu.memory_space<vmem>>, vector<16xf32>,
    tpu.vector_store_idx %arg8[%iota3A, %get3A_601], %get3A_603 {add = true} : memref<16x1024xf32, #tpu.memory_space<vmem>>[vector<16xi32>, vector<16xi32>], vector<16xf32>,
    %get3A_604 = arith.constant 2992 : index
    %get3A_605 = tpu.vector_load %arg5[%get3A_604] {strides = array<i32>} : memref<4096xi32, #tpu.memory_space<vmem>>, vector<16xi32>,
    %get3A_606 = arith.constant 2992 : index
    %get3A_607 = tpu.vector_load %arg6[%get3A_606] {strides = array<i32>} : memref<4096xf32, #tpu.memory_space<vmem>>, vector<16xf32>,
    tpu.vector_store_idx %arg8[%iota3A, %get3A_605], %get3A_607 {add = true} : memref<16x1024xf32, #tpu.memory_space<vmem>>[vector<16xi32>, vector<16xi32>], vector<16xf32>,
    %get3A_608 = arith.constant 3120 : index
    %get3A_609 = tpu.vector_load %arg5[%get3A_608] {strides = array<i32>} : memref<4096xi32, #tpu.memory_space<vmem>>, vector<16xi32>,
    %get3A_610 = arith.constant 3120 : index
    %get3A_611 = tpu.vector_load %arg6[%get3A_610] {strides = array<i32>} : memref<4096xf32, #tpu.memory_space<vmem>>, vector<16xf32>,
    tpu.vector_store_idx %arg8[%iota3A, %get3A_609], %get3A_611 {add = true} : memref<16x1024xf32, #tpu.memory_space<vmem>>[vector<16xi32>, vector<16xi32>], vector<16xf32>,
    %get3A_612 = arith.constant 3248 : index
    %get3A_613 = tpu.vector_load %arg5[%get3A_612] {strides = array<i32>} : memref<4096xi32, #tpu.memory_space<vmem>>, vector<16xi32>,
    %get3A_614 = arith.constant 3248 : index
    %get3A_615 = tpu.vector_load %arg6[%get3A_614] {strides = array<i32>} : memref<4096xf32, #tpu.memory_space<vmem>>, vector<16xf32>,
    tpu.vector_store_idx %arg8[%iota3A, %get3A_613], %get3A_615 {add = true} : memref<16x1024xf32, #tpu.memory_space<vmem>>[vector<16xi32>, vector<16xi32>], vector<16xf32>,
    %get3A_616 = arith.constant 3376 : index
    %get3A_617 = tpu.vector_load %arg5[%get3A_616] {strides = array<i32>} : memref<4096xi32, #tpu.memory_space<vmem>>, vector<16xi32>,
    %get3A_618 = arith.constant 3376 : index
    %get3A_619 = tpu.vector_load %arg6[%get3A_618] {strides = array<i32>} : memref<4096xf32, #tpu.memory_space<vmem>>, vector<16xf32>,
    tpu.vector_store_idx %arg8[%iota3A, %get3A_617], %get3A_619 {add = true} : memref<16x1024xf32, #tpu.memory_space<vmem>>[vector<16xi32>, vector<16xi32>], vector<16xf32>,
    %get3A_620 = arith.constant 3504 : index
    %get3A_621 = tpu.vector_load %arg5[%get3A_620] {strides = array<i32>} : memref<4096xi32, #tpu.memory_space<vmem>>, vector<16xi32>,
    %get3A_622 = arith.constant 3504 : index
    %get3A_623 = tpu.vector_load %arg6[%get3A_622] {strides = array<i32>} : memref<4096xf32, #tpu.memory_space<vmem>>, vector<16xf32>,
    tpu.vector_store_idx %arg8[%iota3A, %get3A_621], %get3A_623 {add = true} : memref<16x1024xf32, #tpu.memory_space<vmem>>[vector<16xi32>, vector<16xi32>], vector<16xf32>,
    %get3A_624 = arith.constant 3632 : index
    %get3A_625 = tpu.vector_load %arg5[%get3A_624] {strides = array<i32>} : memref<4096xi32, #tpu.memory_space<vmem>>, vector<16xi32>,
    %get3A_626 = arith.constant 3632 : index
    %get3A_627 = tpu.vector_load %arg6[%get3A_626] {strides = array<i32>} : memref<4096xf32, #tpu.memory_space<vmem>>, vector<16xf32>,
    tpu.vector_store_idx %arg8[%iota3A, %get3A_625], %get3A_627 {add = true} : memref<16x1024xf32, #tpu.memory_space<vmem>>[vector<16xi32>, vector<16xi32>], vector<16xf32>,
    %get3A_628 = arith.constant 3760 : index
    %get3A_629 = tpu.vector_load %arg5[%get3A_628] {strides = array<i32>} : memref<4096xi32, #tpu.memory_space<vmem>>, vector<16xi32>,
    %get3A_630 = arith.constant 3760 : index
    %get3A_631 = tpu.vector_load %arg6[%get3A_630] {strides = array<i32>} : memref<4096xf32, #tpu.memory_space<vmem>>, vector<16xf32>,
    tpu.vector_store_idx %arg8[%iota3A, %get3A_629], %get3A_631 {add = true} : memref<16x1024xf32, #tpu.memory_space<vmem>>[vector<16xi32>, vector<16xi32>], vector<16xf32>,
    %get3A_632 = arith.constant 3888 : index
    %get3A_633 = tpu.vector_load %arg5[%get3A_632] {strides = array<i32>} : memref<4096xi32, #tpu.memory_space<vmem>>, vector<16xi32>,
    %get3A_634 = arith.constant 3888 : index
    %get3A_635 = tpu.vector_load %arg6[%get3A_634] {strides = array<i32>} : memref<4096xf32, #tpu.memory_space<vmem>>, vector<16xf32>,
    tpu.vector_store_idx %arg8[%iota3A, %get3A_633], %get3A_635 {add = true} : memref<16x1024xf32, #tpu.memory_space<vmem>>[vector<16xi32>, vector<16xi32>], vector<16xf32>,
    %get3A_636 = arith.constant 4016 : index
    %get3A_637 = tpu.vector_load %arg5[%get3A_636] {strides = array<i32>} : memref<4096xi32, #tpu.memory_space<vmem>>, vector<16xi32>,
    %get3A_638 = arith.constant 4016 : index
    %get3A_639 = tpu.vector_load %arg6[%get3A_638] {strides = array<i32>} : memref<4096xf32, #tpu.memory_space<vmem>>, vector<16xf32>,
    tpu.vector_store_idx %arg8[%iota3A, %get3A_637], %get3A_639 {add = true} : memref<16x1024xf32, #tpu.memory_space<vmem>>[vector<16xi32>, vector<16xi32>], vector<16xf32>,
    %mul3A_640 = arith.constant 128 : i32
    %mul3A_641 = arith.muli %add3A, %mul3A_640 : i32
    %add3A_642 = arith.constant 48 : i32
    %add3A_643 = arith.addi %mul3A_641, %add3A_642 : i32
    %dma_start3A_644 = arith.constant 0 : i32
    %dma_start3A_645 = tpu.memref_slice %arg4[%add3A_643, %dma_start3A_644] : memref<4096x1024xf32, #tpu.memory_space<hbm>> -> memref<16x1024xf32, #tpu.memory_space<hbm>>
    %dma_start3A_646 = arith.constant 0 : i32
    %dma_start3A_647 = tpu.memref_slice %arg4[%add3A_643, %dma_start3A_646] : memref<4096x1024xf32, #tpu.memory_space<hbm>> -> memref<16x1024xf32, #tpu.memory_space<hbm>>
    tpu.enqueue_dma source(%arg8 : memref<16x1024xf32, #tpu.memory_space<vmem>>) target(%dma_start3A_647 : memref<16x1024xf32, #tpu.memory_space<hbm>>) target_semaphore(%arg10 : memref<!tpu.dma_semaphore, #tpu.memory_space<semaphore_mem>>)
    %dma_wait3A_648 = arith.constant 0 : i32
    %dma_wait3A_649 = tpu.memref_slice %arg4[%add3A_496, %dma_wait3A_648] : memref<4096x1024xf32, #tpu.memory_space<hbm>> -> memref<16x1024xf32, #tpu.memory_space<hbm>>
    %dma_wait3A_650 = arith.constant 0 : i32
    %dma_wait3A_651 = tpu.memref_slice %arg4[%add3A_496, %dma_wait3A_650] : memref<4096x1024xf32, #tpu.memory_space<hbm>> -> memref<16x1024xf32, #tpu.memory_space<hbm>>
    tpu.wait_dma2 semaphore(%arg9 : memref<!tpu.dma_semaphore, #tpu.memory_space<semaphore_mem>>) src(%arg7 : memref<16x1024xf32, #tpu.memory_space<vmem>>) dst(%dma_wait3A_651 : memref<16x1024xf32, #tpu.memory_space<hbm>>)
    %scan3A_652 = arith.constant 0 : i32
    %scan3A_653 = arith.constant 0 : i32
    %scan3A_654 = arith.constant 64 : i32
    %scan3A_655 = arith.addi %scan3A_653, %scan3A_654 : i32
    %scan3A_656 = arith.constant 1 : i32
    %scan3A_657 = scf.for %scan3A_1244 = %scan3A_653 to %scan3A_655 step %scan3A_656 iter_args(%scan3A_1245 = %scan3A_652) -> (i32)  : i32 {
      %mul3A_1246 = arith.constant 16 : i32
      %mul3A_1247 = arith.muli %scan3A_1244, %mul3A_1246 : i32
      %swap3A = arith.constant 0 : i32
      %swap3A_1248 = arith.index_cast %swap3A : i32 to index
      %swap3A_1249 = arith.index_cast %mul3A_1247 : i32 to index
      %swap3A_1250 = tpu.vector_load %arg7[%swap3A_1248, %swap3A_1249] {strides = array<i32>} : memref<16x1024xf32, #tpu.memory_space<vmem>>, vector<16xf32>,
      tpu.vector_store %arg7[%swap3A_1248, %swap3A_1249], %broadcast_in_dim3A_71 {strides = array<i32>} : memref<16x1024xf32, #tpu.memory_space<vmem>>, vector<16xf32>,
      %mul3A_1251 = arith.constant 16 : i32
      %mul3A_1252 = arith.muli %scan3A_1244, %mul3A_1251 : i32
      %swap3A_1253 = arith.constant 1 : i32
      %swap3A_1254 = arith.index_cast %swap3A_1253 : i32 to index
      %swap3A_1255 = arith.index_cast %mul3A_1252 : i32 to index
      %swap3A_1256 = tpu.vector_load %arg7[%swap3A_1254, %swap3A_1255] {strides = array<i32>} : memref<16x1024xf32, #tpu.memory_space<vmem>>, vector<16xf32>,
      tpu.vector_store %arg7[%swap3A_1254, %swap3A_1255], %broadcast_in_dim3A_71 {strides = array<i32>} : memref<16x1024xf32, #tpu.memory_space<vmem>>, vector<16xf32>,
      %mul3A_1257 = arith.constant 16 : i32
      %mul3A_1258 = arith.muli %scan3A_1244, %mul3A_1257 : i32
      %swap3A_1259 = arith.constant 2 : i32
      %swap3A_1260 = arith.index_cast %swap3A_1259 : i32 to index
      %swap3A_1261 = arith.index_cast %mul3A_1258 : i32 to index
      %swap3A_1262 = tpu.vector_load %arg7[%swap3A_1260, %swap3A_1261] {strides = array<i32>} : memref<16x1024xf32, #tpu.memory_space<vmem>>, vector<16xf32>,
      tpu.vector_store %arg7[%swap3A_1260, %swap3A_1261], %broadcast_in_dim3A_71 {strides = array<i32>} : memref<16x1024xf32, #tpu.memory_space<vmem>>, vector<16xf32>,
      %mul3A_1263 = arith.constant 16 : i32
      %mul3A_1264 = arith.muli %scan3A_1244, %mul3A_1263 : i32
      %swap3A_1265 = arith.constant 3 : i32
      %swap3A_1266 = arith.index_cast %swap3A_1265 : i32 to index
      %swap3A_1267 = arith.index_cast %mul3A_1264 : i32 to index
      %swap3A_1268 = tpu.vector_load %arg7[%swap3A_1266, %swap3A_1267] {strides = array<i32>} : memref<16x1024xf32, #tpu.memory_space<vmem>>, vector<16xf32>,
      tpu.vector_store %arg7[%swap3A_1266, %swap3A_1267], %broadcast_in_dim3A_71 {strides = array<i32>} : memref<16x1024xf32, #tpu.memory_space<vmem>>, vector<16xf32>,
      %mul3A_1269 = arith.constant 16 : i32
      %mul3A_1270 = arith.muli %scan3A_1244, %mul3A_1269 : i32
      %swap3A_1271 = arith.constant 4 : i32
      %swap3A_1272 = arith.index_cast %swap3A_1271 : i32 to index
      %swap3A_1273 = arith.index_cast %mul3A_1270 : i32 to index
      %swap3A_1274 = tpu.vector_load %arg7[%swap3A_1272, %swap3A_1273] {strides = array<i32>} : memref<16x1024xf32, #tpu.memory_space<vmem>>, vector<16xf32>,
      tpu.vector_store %arg7[%swap3A_1272, %swap3A_1273], %broadcast_in_dim3A_71 {strides = array<i32>} : memref<16x1024xf32, #tpu.memory_space<vmem>>, vector<16xf32>,
      %mul3A_1275 = arith.constant 16 : i32
      %mul3A_1276 = arith.muli %scan3A_1244, %mul3A_1275 : i32
      %swap3A_1277 = arith.constant 5 : i32
      %swap3A_1278 = arith.index_cast %swap3A_1277 : i32 to index
      %swap3A_1279 = arith.index_cast %mul3A_1276 : i32 to index
      %swap3A_1280 = tpu.vector_load %arg7[%swap3A_1278, %swap3A_1279] {strides = array<i32>} : memref<16x1024xf32, #tpu.memory_space<vmem>>, vector<16xf32>,
      tpu.vector_store %arg7[%swap3A_1278, %swap3A_1279], %broadcast_in_dim3A_71 {strides = array<i32>} : memref<16x1024xf32, #tpu.memory_space<vmem>>, vector<16xf32>,
      %mul3A_1281 = arith.constant 16 : i32
      %mul3A_1282 = arith.muli %scan3A_1244, %mul3A_1281 : i32
      %swap3A_1283 = arith.constant 6 : i32
      %swap3A_1284 = arith.index_cast %swap3A_1283 : i32 to index
      %swap3A_1285 = arith.index_cast %mul3A_1282 : i32 to index
      %swap3A_1286 = tpu.vector_load %arg7[%swap3A_1284, %swap3A_1285] {strides = array<i32>} : memref<16x1024xf32, #tpu.memory_space<vmem>>, vector<16xf32>,
      tpu.vector_store %arg7[%swap3A_1284, %swap3A_1285], %broadcast_in_dim3A_71 {strides = array<i32>} : memref<16x1024xf32, #tpu.memory_space<vmem>>, vector<16xf32>,
      %mul3A_1287 = arith.constant 16 : i32
      %mul3A_1288 = arith.muli %scan3A_1244, %mul3A_1287 : i32
      %swap3A_1289 = arith.constant 7 : i32
      %swap3A_1290 = arith.index_cast %swap3A_1289 : i32 to index
      %swap3A_1291 = arith.index_cast %mul3A_1288 : i32 to index
      %swap3A_1292 = tpu.vector_load %arg7[%swap3A_1290, %swap3A_1291] {strides = array<i32>} : memref<16x1024xf32, #tpu.memory_space<vmem>>, vector<16xf32>,
      tpu.vector_store %arg7[%swap3A_1290, %swap3A_1291], %broadcast_in_dim3A_71 {strides = array<i32>} : memref<16x1024xf32, #tpu.memory_space<vmem>>, vector<16xf32>,
      %mul3A_1293 = arith.constant 16 : i32
      %mul3A_1294 = arith.muli %scan3A_1244, %mul3A_1293 : i32
      %swap3A_1295 = arith.constant 8 : i32
      %swap3A_1296 = arith.index_cast %swap3A_1295 : i32 to index
      %swap3A_1297 = arith.index_cast %mul3A_1294 : i32 to index
      %swap3A_1298 = tpu.vector_load %arg7[%swap3A_1296, %swap3A_1297] {strides = array<i32>} : memref<16x1024xf32, #tpu.memory_space<vmem>>, vector<16xf32>,
      tpu.vector_store %arg7[%swap3A_1296, %swap3A_1297], %broadcast_in_dim3A_71 {strides = array<i32>} : memref<16x1024xf32, #tpu.memory_space<vmem>>, vector<16xf32>,
      %mul3A_1299 = arith.constant 16 : i32
      %mul3A_1300 = arith.muli %scan3A_1244, %mul3A_1299 : i32
      %swap3A_1301 = arith.constant 9 : i32
      %swap3A_1302 = arith.index_cast %swap3A_1301 : i32 to index
      %swap3A_1303 = arith.index_cast %mul3A_1300 : i32 to index
      %swap3A_1304 = tpu.vector_load %arg7[%swap3A_1302, %swap3A_1303] {strides = array<i32>} : memref<16x1024xf32, #tpu.memory_space<vmem>>, vector<16xf32>,
      tpu.vector_store %arg7[%swap3A_1302, %swap3A_1303], %broadcast_in_dim3A_71 {strides = array<i32>} : memref<16x1024xf32, #tpu.memory_space<vmem>>, vector<16xf32>,
      %mul3A_1305 = arith.constant 16 : i32
      %mul3A_1306 = arith.muli %scan3A_1244, %mul3A_1305 : i32
      %swap3A_1307 = arith.constant 10 : i32
      %swap3A_1308 = arith.index_cast %swap3A_1307 : i32 to index
      %swap3A_1309 = arith.index_cast %mul3A_1306 : i32 to index
      %swap3A_1310 = tpu.vector_load %arg7[%swap3A_1308, %swap3A_1309] {strides = array<i32>} : memref<16x1024xf32, #tpu.memory_space<vmem>>, vector<16xf32>,
      tpu.vector_store %arg7[%swap3A_1308, %swap3A_1309], %broadcast_in_dim3A_71 {strides = array<i32>} : memref<16x1024xf32, #tpu.memory_space<vmem>>, vector<16xf32>,
      %mul3A_1311 = arith.constant 16 : i32
      %mul3A_1312 = arith.muli %scan3A_1244, %mul3A_1311 : i32
      %swap3A_1313 = arith.constant 11 : i32
      %swap3A_1314 = arith.index_cast %swap3A_1313 : i32 to index
      %swap3A_1315 = arith.index_cast %mul3A_1312 : i32 to index
      %swap3A_1316 = tpu.vector_load %arg7[%swap3A_1314, %swap3A_1315] {strides = array<i32>} : memref<16x1024xf32, #tpu.memory_space<vmem>>, vector<16xf32>,
      tpu.vector_store %arg7[%swap3A_1314, %swap3A_1315], %broadcast_in_dim3A_71 {strides = array<i32>} : memref<16x1024xf32, #tpu.memory_space<vmem>>, vector<16xf32>,
      %mul3A_1317 = arith.constant 16 : i32
      %mul3A_1318 = arith.muli %scan3A_1244, %mul3A_1317 : i32
      %swap3A_1319 = arith.constant 12 : i32
      %swap3A_1320 = arith.index_cast %swap3A_1319 : i32 to index
      %swap3A_1321 = arith.index_cast %mul3A_1318 : i32 to index
      %swap3A_1322 = tpu.vector_load %arg7[%swap3A_1320, %swap3A_1321] {strides = array<i32>} : memref<16x1024xf32, #tpu.memory_space<vmem>>, vector<16xf32>,
      tpu.vector_store %arg7[%swap3A_1320, %swap3A_1321], %broadcast_in_dim3A_71 {strides = array<i32>} : memref<16x1024xf32, #tpu.memory_space<vmem>>, vector<16xf32>,
      %mul3A_1323 = arith.constant 16 : i32
      %mul3A_1324 = arith.muli %scan3A_1244, %mul3A_1323 : i32
      %swap3A_1325 = arith.constant 13 : i32
      %swap3A_1326 = arith.index_cast %swap3A_1325 : i32 to index
      %swap3A_1327 = arith.index_cast %mul3A_1324 : i32 to index
      %swap3A_1328 = tpu.vector_load %arg7[%swap3A_1326, %swap3A_1327] {strides = array<i32>} : memref<16x1024xf32, #tpu.memory_space<vmem>>, vector<16xf32>,
      tpu.vector_store %arg7[%swap3A_1326, %swap3A_1327], %broadcast_in_dim3A_71 {strides = array<i32>} : memref<16x1024xf32, #tpu.memory_space<vmem>>, vector<16xf32>,
      %mul3A_1329 = arith.constant 16 : i32
      %mul3A_1330 = arith.muli %scan3A_1244, %mul3A_1329 : i32
      %swap3A_1331 = arith.constant 14 : i32
      %swap3A_1332 = arith.index_cast %swap3A_1331 : i32 to index
      %swap3A_1333 = arith.index_cast %mul3A_1330 : i32 to index
      %swap3A_1334 = tpu.vector_load %arg7[%swap3A_1332, %swap3A_1333] {strides = array<i32>} : memref<16x1024xf32, #tpu.memory_space<vmem>>, vector<16xf32>,
      tpu.vector_store %arg7[%swap3A_1332, %swap3A_1333], %broadcast_in_dim3A_71 {strides = array<i32>} : memref<16x1024xf32, #tpu.memory_space<vmem>>, vector<16xf32>,
      %mul3A_1335 = arith.constant 16 : i32
      %mul3A_1336 = arith.muli %scan3A_1244, %mul3A_1335 : i32
      %swap3A_1337 = arith.constant 15 : i32
      %swap3A_1338 = arith.index_cast %swap3A_1337 : i32 to index
      %swap3A_1339 = arith.index_cast %mul3A_1336 : i32 to index
      %swap3A_1340 = tpu.vector_load %arg7[%swap3A_1338, %swap3A_1339] {strides = array<i32>} : memref<16x1024xf32, #tpu.memory_space<vmem>>, vector<16xf32>,
      tpu.vector_store %arg7[%swap3A_1338, %swap3A_1339], %broadcast_in_dim3A_71 {strides = array<i32>} : memref<16x1024xf32, #tpu.memory_space<vmem>>, vector<16xf32>,
      %scan3A_1341 = arith.constant 0 : i32
      scf.yield %scan3A_1341 : i32
    }
    %scan3A_658 = arith.constant 64 : i32
    %get3A_659 = arith.constant 64 : index
    %get3A_660 = tpu.vector_load %arg5[%get3A_659] {strides = array<i32>} : memref<4096xi32, #tpu.memory_space<vmem>>, vector<16xi32>,
    %get3A_661 = arith.constant 64 : index
    %get3A_662 = tpu.vector_load %arg6[%get3A_661] {strides = array<i32>} : memref<4096xf32, #tpu.memory_space<vmem>>, vector<16xf32>,
    tpu.vector_store_idx %arg7[%iota3A, %get3A_660], %get3A_662 {add = true} : memref<16x1024xf32, #tpu.memory_space<vmem>>[vector<16xi32>, vector<16xi32>], vector<16xf32>,
    %get3A_663 = arith.constant 192 : index
    %get3A_664 = tpu.vector_load %arg5[%get3A_663] {strides = array<i32>} : memref<4096xi32, #tpu.memory_space<vmem>>, vector<16xi32>,
    %get3A_665 = arith.constant 192 : index
    %get3A_666 = tpu.vector_load %arg6[%get3A_665] {strides = array<i32>} : memref<4096xf32, #tpu.memory_space<vmem>>, vector<16xf32>,
    tpu.vector_store_idx %arg7[%iota3A, %get3A_664], %get3A_666 {add = true} : memref<16x1024xf32, #tpu.memory_space<vmem>>[vector<16xi32>, vector<16xi32>], vector<16xf32>,
    %get3A_667 = arith.constant 320 : index
    %get3A_668 = tpu.vector_load %arg5[%get3A_667] {strides = array<i32>} : memref<4096xi32, #tpu.memory_space<vmem>>, vector<16xi32>,
    %get3A_669 = arith.constant 320 : index
    %get3A_670 = tpu.vector_load %arg6[%get3A_669] {strides = array<i32>} : memref<4096xf32, #tpu.memory_space<vmem>>, vector<16xf32>,
    tpu.vector_store_idx %arg7[%iota3A, %get3A_668], %get3A_670 {add = true} : memref<16x1024xf32, #tpu.memory_space<vmem>>[vector<16xi32>, vector<16xi32>], vector<16xf32>,
    %get3A_671 = arith.constant 448 : index
    %get3A_672 = tpu.vector_load %arg5[%get3A_671] {strides = array<i32>} : memref<4096xi32, #tpu.memory_space<vmem>>, vector<16xi32>,
    %get3A_673 = arith.constant 448 : index
    %get3A_674 = tpu.vector_load %arg6[%get3A_673] {strides = array<i32>} : memref<4096xf32, #tpu.memory_space<vmem>>, vector<16xf32>,
    tpu.vector_store_idx %arg7[%iota3A, %get3A_672], %get3A_674 {add = true} : memref<16x1024xf32, #tpu.memory_space<vmem>>[vector<16xi32>, vector<16xi32>], vector<16xf32>,
    %get3A_675 = arith.constant 576 : index
    %get3A_676 = tpu.vector_load %arg5[%get3A_675] {strides = array<i32>} : memref<4096xi32, #tpu.memory_space<vmem>>, vector<16xi32>,
    %get3A_677 = arith.constant 576 : index
    %get3A_678 = tpu.vector_load %arg6[%get3A_677] {strides = array<i32>} : memref<4096xf32, #tpu.memory_space<vmem>>, vector<16xf32>,
    tpu.vector_store_idx %arg7[%iota3A, %get3A_676], %get3A_678 {add = true} : memref<16x1024xf32, #tpu.memory_space<vmem>>[vector<16xi32>, vector<16xi32>], vector<16xf32>,
    %get3A_679 = arith.constant 704 : index
    %get3A_680 = tpu.vector_load %arg5[%get3A_679] {strides = array<i32>} : memref<4096xi32, #tpu.memory_space<vmem>>, vector<16xi32>,
    %get3A_681 = arith.constant 704 : index
    %get3A_682 = tpu.vector_load %arg6[%get3A_681] {strides = array<i32>} : memref<4096xf32, #tpu.memory_space<vmem>>, vector<16xf32>,
    tpu.vector_store_idx %arg7[%iota3A, %get3A_680], %get3A_682 {add = true} : memref<16x1024xf32, #tpu.memory_space<vmem>>[vector<16xi32>, vector<16xi32>], vector<16xf32>,
    %get3A_683 = arith.constant 832 : index
    %get3A_684 = tpu.vector_load %arg5[%get3A_683] {strides = array<i32>} : memref<4096xi32, #tpu.memory_space<vmem>>, vector<16xi32>,
    %get3A_685 = arith.constant 832 : index
    %get3A_686 = tpu.vector_load %arg6[%get3A_685] {strides = array<i32>} : memref<4096xf32, #tpu.memory_space<vmem>>, vector<16xf32>,
    tpu.vector_store_idx %arg7[%iota3A, %get3A_684], %get3A_686 {add = true} : memref<16x1024xf32, #tpu.memory_space<vmem>>[vector<16xi32>, vector<16xi32>], vector<16xf32>,
    %get3A_687 = arith.constant 960 : index
    %get3A_688 = tpu.vector_load %arg5[%get3A_687] {strides = array<i32>} : memref<4096xi32, #tpu.memory_space<vmem>>, vector<16xi32>,
    %get3A_689 = arith.constant 960 : index
    %get3A_690 = tpu.vector_load %arg6[%get3A_689] {strides = array<i32>} : memref<4096xf32, #tpu.memory_space<vmem>>, vector<16xf32>,
    tpu.vector_store_idx %arg7[%iota3A, %get3A_688], %get3A_690 {add = true} : memref<16x1024xf32, #tpu.memory_space<vmem>>[vector<16xi32>, vector<16xi32>], vector<16xf32>,
    %get3A_691 = arith.constant 1088 : index
    %get3A_692 = tpu.vector_load %arg5[%get3A_691] {strides = array<i32>} : memref<4096xi32, #tpu.memory_space<vmem>>, vector<16xi32>,
    %get3A_693 = arith.constant 1088 : index
    %get3A_694 = tpu.vector_load %arg6[%get3A_693] {strides = array<i32>} : memref<4096xf32, #tpu.memory_space<vmem>>, vector<16xf32>,
    tpu.vector_store_idx %arg7[%iota3A, %get3A_692], %get3A_694 {add = true} : memref<16x1024xf32, #tpu.memory_space<vmem>>[vector<16xi32>, vector<16xi32>], vector<16xf32>,
    %get3A_695 = arith.constant 1216 : index
    %get3A_696 = tpu.vector_load %arg5[%get3A_695] {strides = array<i32>} : memref<4096xi32, #tpu.memory_space<vmem>>, vector<16xi32>,
    %get3A_697 = arith.constant 1216 : index
    %get3A_698 = tpu.vector_load %arg6[%get3A_697] {strides = array<i32>} : memref<4096xf32, #tpu.memory_space<vmem>>, vector<16xf32>,
    tpu.vector_store_idx %arg7[%iota3A, %get3A_696], %get3A_698 {add = true} : memref<16x1024xf32, #tpu.memory_space<vmem>>[vector<16xi32>, vector<16xi32>], vector<16xf32>,
    %get3A_699 = arith.constant 1344 : index
    %get3A_700 = tpu.vector_load %arg5[%get3A_699] {strides = array<i32>} : memref<4096xi32, #tpu.memory_space<vmem>>, vector<16xi32>,
    %get3A_701 = arith.constant 1344 : index
    %get3A_702 = tpu.vector_load %arg6[%get3A_701] {strides = array<i32>} : memref<4096xf32, #tpu.memory_space<vmem>>, vector<16xf32>,
    tpu.vector_store_idx %arg7[%iota3A, %get3A_700], %get3A_702 {add = true} : memref<16x1024xf32, #tpu.memory_space<vmem>>[vector<16xi32>, vector<16xi32>], vector<16xf32>,
    %get3A_703 = arith.constant 1472 : index
    %get3A_704 = tpu.vector_load %arg5[%get3A_703] {strides = array<i32>} : memref<4096xi32, #tpu.memory_space<vmem>>, vector<16xi32>,
    %get3A_705 = arith.constant 1472 : index
    %get3A_706 = tpu.vector_load %arg6[%get3A_705] {strides = array<i32>} : memref<4096xf32, #tpu.memory_space<vmem>>, vector<16xf32>,
    tpu.vector_store_idx %arg7[%iota3A, %get3A_704], %get3A_706 {add = true} : memref<16x1024xf32, #tpu.memory_space<vmem>>[vector<16xi32>, vector<16xi32>], vector<16xf32>,
    %get3A_707 = arith.constant 1600 : index
    %get3A_708 = tpu.vector_load %arg5[%get3A_707] {strides = array<i32>} : memref<4096xi32, #tpu.memory_space<vmem>>, vector<16xi32>,
    %get3A_709 = arith.constant 1600 : index
    %get3A_710 = tpu.vector_load %arg6[%get3A_709] {strides = array<i32>} : memref<4096xf32, #tpu.memory_space<vmem>>, vector<16xf32>,
    tpu.vector_store_idx %arg7[%iota3A, %get3A_708], %get3A_710 {add = true} : memref<16x1024xf32, #tpu.memory_space<vmem>>[vector<16xi32>, vector<16xi32>], vector<16xf32>,
    %get3A_711 = arith.constant 1728 : index
    %get3A_712 = tpu.vector_load %arg5[%get3A_711] {strides = array<i32>} : memref<4096xi32, #tpu.memory_space<vmem>>, vector<16xi32>,
    %get3A_713 = arith.constant 1728 : index
    %get3A_714 = tpu.vector_load %arg6[%get3A_713] {strides = array<i32>} : memref<4096xf32, #tpu.memory_space<vmem>>, vector<16xf32>,
    tpu.vector_store_idx %arg7[%iota3A, %get3A_712], %get3A_714 {add = true} : memref<16x1024xf32, #tpu.memory_space<vmem>>[vector<16xi32>, vector<16xi32>], vector<16xf32>,
    %get3A_715 = arith.constant 1856 : index
    %get3A_716 = tpu.vector_load %arg5[%get3A_715] {strides = array<i32>} : memref<4096xi32, #tpu.memory_space<vmem>>, vector<16xi32>,
    %get3A_717 = arith.constant 1856 : index
    %get3A_718 = tpu.vector_load %arg6[%get3A_717] {strides = array<i32>} : memref<4096xf32, #tpu.memory_space<vmem>>, vector<16xf32>,
    tpu.vector_store_idx %arg7[%iota3A, %get3A_716], %get3A_718 {add = true} : memref<16x1024xf32, #tpu.memory_space<vmem>>[vector<16xi32>, vector<16xi32>], vector<16xf32>,
    %get3A_719 = arith.constant 1984 : index
    %get3A_720 = tpu.vector_load %arg5[%get3A_719] {strides = array<i32>} : memref<4096xi32, #tpu.memory_space<vmem>>, vector<16xi32>,
    %get3A_721 = arith.constant 1984 : index
    %get3A_722 = tpu.vector_load %arg6[%get3A_721] {strides = array<i32>} : memref<4096xf32, #tpu.memory_space<vmem>>, vector<16xf32>,
    tpu.vector_store_idx %arg7[%iota3A, %get3A_720], %get3A_722 {add = true} : memref<16x1024xf32, #tpu.memory_space<vmem>>[vector<16xi32>, vector<16xi32>], vector<16xf32>,
    %get3A_723 = arith.constant 2112 : index
    %get3A_724 = tpu.vector_load %arg5[%get3A_723] {strides = array<i32>} : memref<4096xi32, #tpu.memory_space<vmem>>, vector<16xi32>,
    %get3A_725 = arith.constant 2112 : index
    %get3A_726 = tpu.vector_load %arg6[%get3A_725] {strides = array<i32>} : memref<4096xf32, #tpu.memory_space<vmem>>, vector<16xf32>,
    tpu.vector_store_idx %arg7[%iota3A, %get3A_724], %get3A_726 {add = true} : memref<16x1024xf32, #tpu.memory_space<vmem>>[vector<16xi32>, vector<16xi32>], vector<16xf32>,
    %get3A_727 = arith.constant 2240 : index
    %get3A_728 = tpu.vector_load %arg5[%get3A_727] {strides = array<i32>} : memref<4096xi32, #tpu.memory_space<vmem>>, vector<16xi32>,
    %get3A_729 = arith.constant 2240 : index
    %get3A_730 = tpu.vector_load %arg6[%get3A_729] {strides = array<i32>} : memref<4096xf32, #tpu.memory_space<vmem>>, vector<16xf32>,
    tpu.vector_store_idx %arg7[%iota3A, %get3A_728], %get3A_730 {add = true} : memref<16x1024xf32, #tpu.memory_space<vmem>>[vector<16xi32>, vector<16xi32>], vector<16xf32>,
    %get3A_731 = arith.constant 2368 : index
    %get3A_732 = tpu.vector_load %arg5[%get3A_731] {strides = array<i32>} : memref<4096xi32, #tpu.memory_space<vmem>>, vector<16xi32>,
    %get3A_733 = arith.constant 2368 : index
    %get3A_734 = tpu.vector_load %arg6[%get3A_733] {strides = array<i32>} : memref<4096xf32, #tpu.memory_space<vmem>>, vector<16xf32>,
    tpu.vector_store_idx %arg7[%iota3A, %get3A_732], %get3A_734 {add = true} : memref<16x1024xf32, #tpu.memory_space<vmem>>[vector<16xi32>, vector<16xi32>], vector<16xf32>,
    %get3A_735 = arith.constant 2496 : index
    %get3A_736 = tpu.vector_load %arg5[%get3A_735] {strides = array<i32>} : memref<4096xi32, #tpu.memory_space<vmem>>, vector<16xi32>,
    %get3A_737 = arith.constant 2496 : index
    %get3A_738 = tpu.vector_load %arg6[%get3A_737] {strides = array<i32>} : memref<4096xf32, #tpu.memory_space<vmem>>, vector<16xf32>,
    tpu.vector_store_idx %arg7[%iota3A, %get3A_736], %get3A_738 {add = true} : memref<16x1024xf32, #tpu.memory_space<vmem>>[vector<16xi32>, vector<16xi32>], vector<16xf32>,
    %get3A_739 = arith.constant 2624 : index
    %get3A_740 = tpu.vector_load %arg5[%get3A_739] {strides = array<i32>} : memref<4096xi32, #tpu.memory_space<vmem>>, vector<16xi32>,
    %get3A_741 = arith.constant 2624 : index
    %get3A_742 = tpu.vector_load %arg6[%get3A_741] {strides = array<i32>} : memref<4096xf32, #tpu.memory_space<vmem>>, vector<16xf32>,
    tpu.vector_store_idx %arg7[%iota3A, %get3A_740], %get3A_742 {add = true} : memref<16x1024xf32, #tpu.memory_space<vmem>>[vector<16xi32>, vector<16xi32>], vector<16xf32>,
    %get3A_743 = arith.constant 2752 : index
    %get3A_744 = tpu.vector_load %arg5[%get3A_743] {strides = array<i32>} : memref<4096xi32, #tpu.memory_space<vmem>>, vector<16xi32>,
    %get3A_745 = arith.constant 2752 : index
    %get3A_746 = tpu.vector_load %arg6[%get3A_745] {strides = array<i32>} : memref<4096xf32, #tpu.memory_space<vmem>>, vector<16xf32>,
    tpu.vector_store_idx %arg7[%iota3A, %get3A_744], %get3A_746 {add = true} : memref<16x1024xf32, #tpu.memory_space<vmem>>[vector<16xi32>, vector<16xi32>], vector<16xf32>,
    %get3A_747 = arith.constant 2880 : index
    %get3A_748 = tpu.vector_load %arg5[%get3A_747] {strides = array<i32>} : memref<4096xi32, #tpu.memory_space<vmem>>, vector<16xi32>,
    %get3A_749 = arith.constant 2880 : index
    %get3A_750 = tpu.vector_load %arg6[%get3A_749] {strides = array<i32>} : memref<4096xf32, #tpu.memory_space<vmem>>, vector<16xf32>,
    tpu.vector_store_idx %arg7[%iota3A, %get3A_748], %get3A_750 {add = true} : memref<16x1024xf32, #tpu.memory_space<vmem>>[vector<16xi32>, vector<16xi32>], vector<16xf32>,
    %get3A_751 = arith.constant 3008 : index
    %get3A_752 = tpu.vector_load %arg5[%get3A_751] {strides = array<i32>} : memref<4096xi32, #tpu.memory_space<vmem>>, vector<16xi32>,
    %get3A_753 = arith.constant 3008 : index
    %get3A_754 = tpu.vector_load %arg6[%get3A_753] {strides = array<i32>} : memref<4096xf32, #tpu.memory_space<vmem>>, vector<16xf32>,
    tpu.vector_store_idx %arg7[%iota3A, %get3A_752], %get3A_754 {add = true} : memref<16x1024xf32, #tpu.memory_space<vmem>>[vector<16xi32>, vector<16xi32>], vector<16xf32>,
    %get3A_755 = arith.constant 3136 : index
    %get3A_756 = tpu.vector_load %arg5[%get3A_755] {strides = array<i32>} : memref<4096xi32, #tpu.memory_space<vmem>>, vector<16xi32>,
    %get3A_757 = arith.constant 3136 : index
    %get3A_758 = tpu.vector_load %arg6[%get3A_757] {strides = array<i32>} : memref<4096xf32, #tpu.memory_space<vmem>>, vector<16xf32>,
    tpu.vector_store_idx %arg7[%iota3A, %get3A_756], %get3A_758 {add = true} : memref<16x1024xf32, #tpu.memory_space<vmem>>[vector<16xi32>, vector<16xi32>], vector<16xf32>,
    %get3A_759 = arith.constant 3264 : index
    %get3A_760 = tpu.vector_load %arg5[%get3A_759] {strides = array<i32>} : memref<4096xi32, #tpu.memory_space<vmem>>, vector<16xi32>,
    %get3A_761 = arith.constant 3264 : index
    %get3A_762 = tpu.vector_load %arg6[%get3A_761] {strides = array<i32>} : memref<4096xf32, #tpu.memory_space<vmem>>, vector<16xf32>,
    tpu.vector_store_idx %arg7[%iota3A, %get3A_760], %get3A_762 {add = true} : memref<16x1024xf32, #tpu.memory_space<vmem>>[vector<16xi32>, vector<16xi32>], vector<16xf32>,
    %get3A_763 = arith.constant 3392 : index
    %get3A_764 = tpu.vector_load %arg5[%get3A_763] {strides = array<i32>} : memref<4096xi32, #tpu.memory_space<vmem>>, vector<16xi32>,
    %get3A_765 = arith.constant 3392 : index
    %get3A_766 = tpu.vector_load %arg6[%get3A_765] {strides = array<i32>} : memref<4096xf32, #tpu.memory_space<vmem>>, vector<16xf32>,
    tpu.vector_store_idx %arg7[%iota3A, %get3A_764], %get3A_766 {add = true} : memref<16x1024xf32, #tpu.memory_space<vmem>>[vector<16xi32>, vector<16xi32>], vector<16xf32>,
    %get3A_767 = arith.constant 3520 : index
    %get3A_768 = tpu.vector_load %arg5[%get3A_767] {strides = array<i32>} : memref<4096xi32, #tpu.memory_space<vmem>>, vector<16xi32>,
    %get3A_769 = arith.constant 3520 : index
    %get3A_770 = tpu.vector_load %arg6[%get3A_769] {strides = array<i32>} : memref<4096xf32, #tpu.memory_space<vmem>>, vector<16xf32>,
    tpu.vector_store_idx %arg7[%iota3A, %get3A_768], %get3A_770 {add = true} : memref<16x1024xf32, #tpu.memory_space<vmem>>[vector<16xi32>, vector<16xi32>], vector<16xf32>,
    %get3A_771 = arith.constant 3648 : index
    %get3A_772 = tpu.vector_load %arg5[%get3A_771] {strides = array<i32>} : memref<4096xi32, #tpu.memory_space<vmem>>, vector<16xi32>,
    %get3A_773 = arith.constant 3648 : index
    %get3A_774 = tpu.vector_load %arg6[%get3A_773] {strides = array<i32>} : memref<4096xf32, #tpu.memory_space<vmem>>, vector<16xf32>,
    tpu.vector_store_idx %arg7[%iota3A, %get3A_772], %get3A_774 {add = true} : memref<16x1024xf32, #tpu.memory_space<vmem>>[vector<16xi32>, vector<16xi32>], vector<16xf32>,
    %get3A_775 = arith.constant 3776 : index
    %get3A_776 = tpu.vector_load %arg5[%get3A_775] {strides = array<i32>} : memref<4096xi32, #tpu.memory_space<vmem>>, vector<16xi32>,
    %get3A_777 = arith.constant 3776 : index
    %get3A_778 = tpu.vector_load %arg6[%get3A_777] {strides = array<i32>} : memref<4096xf32, #tpu.memory_space<vmem>>, vector<16xf32>,
    tpu.vector_store_idx %arg7[%iota3A, %get3A_776], %get3A_778 {add = true} : memref<16x1024xf32, #tpu.memory_space<vmem>>[vector<16xi32>, vector<16xi32>], vector<16xf32>,
    %get3A_779 = arith.constant 3904 : index
    %get3A_780 = tpu.vector_load %arg5[%get3A_779] {strides = array<i32>} : memref<4096xi32, #tpu.memory_space<vmem>>, vector<16xi32>,
    %get3A_781 = arith.constant 3904 : index
    %get3A_782 = tpu.vector_load %arg6[%get3A_781] {strides = array<i32>} : memref<4096xf32, #tpu.memory_space<vmem>>, vector<16xf32>,
    tpu.vector_store_idx %arg7[%iota3A, %get3A_780], %get3A_782 {add = true} : memref<16x1024xf32, #tpu.memory_space<vmem>>[vector<16xi32>, vector<16xi32>], vector<16xf32>,
    %get3A_783 = arith.constant 4032 : index
    %get3A_784 = tpu.vector_load %arg5[%get3A_783] {strides = array<i32>} : memref<4096xi32, #tpu.memory_space<vmem>>, vector<16xi32>,
    %get3A_785 = arith.constant 4032 : index
    %get3A_786 = tpu.vector_load %arg6[%get3A_785] {strides = array<i32>} : memref<4096xf32, #tpu.memory_space<vmem>>, vector<16xf32>,
    tpu.vector_store_idx %arg7[%iota3A, %get3A_784], %get3A_786 {add = true} : memref<16x1024xf32, #tpu.memory_space<vmem>>[vector<16xi32>, vector<16xi32>], vector<16xf32>,
    %mul3A_787 = arith.constant 128 : i32
    %mul3A_788 = arith.muli %add3A, %mul3A_787 : i32
    %add3A_789 = arith.constant 64 : i32
    %add3A_790 = arith.addi %mul3A_788, %add3A_789 : i32
    %dma_start3A_791 = arith.constant 0 : i32
    %dma_start3A_792 = tpu.memref_slice %arg4[%add3A_790, %dma_start3A_791] : memref<4096x1024xf32, #tpu.memory_space<hbm>> -> memref<16x1024xf32, #tpu.memory_space<hbm>>
    %dma_start3A_793 = arith.constant 0 : i32
    %dma_start3A_794 = tpu.memref_slice %arg4[%add3A_790, %dma_start3A_793] : memref<4096x1024xf32, #tpu.memory_space<hbm>> -> memref<16x1024xf32, #tpu.memory_space<hbm>>
    tpu.enqueue_dma source(%arg7 : memref<16x1024xf32, #tpu.memory_space<vmem>>) target(%dma_start3A_794 : memref<16x1024xf32, #tpu.memory_space<hbm>>) target_semaphore(%arg9 : memref<!tpu.dma_semaphore, #tpu.memory_space<semaphore_mem>>)
    %dma_wait3A_795 = arith.constant 0 : i32
    %dma_wait3A_796 = tpu.memref_slice %arg4[%add3A_643, %dma_wait3A_795] : memref<4096x1024xf32, #tpu.memory_space<hbm>> -> memref<16x1024xf32, #tpu.memory_space<hbm>>
    %dma_wait3A_797 = arith.constant 0 : i32
    %dma_wait3A_798 = tpu.memref_slice %arg4[%add3A_643, %dma_wait3A_797] : memref<4096x1024xf32, #tpu.memory_space<hbm>> -> memref<16x1024xf32, #tpu.memory_space<hbm>>
    tpu.wait_dma2 semaphore(%arg10 : memref<!tpu.dma_semaphore, #tpu.memory_space<semaphore_mem>>) src(%arg8 : memref<16x1024xf32, #tpu.memory_space<vmem>>) dst(%dma_wait3A_798 : memref<16x1024xf32, #tpu.memory_space<hbm>>)
    %scan3A_799 = arith.constant 0 : i32
    %scan3A_800 = arith.constant 0 : i32
    %scan3A_801 = arith.constant 64 : i32
    %scan3A_802 = arith.addi %scan3A_800, %scan3A_801 : i32
    %scan3A_803 = arith.constant 1 : i32
    %scan3A_804 = scf.for %scan3A_1244 = %scan3A_800 to %scan3A_802 step %scan3A_803 iter_args(%scan3A_1245 = %scan3A_799) -> (i32)  : i32 {
      %mul3A_1246 = arith.constant 16 : i32
      %mul3A_1247 = arith.muli %scan3A_1244, %mul3A_1246 : i32
      %swap3A = arith.constant 0 : i32
      %swap3A_1248 = arith.index_cast %swap3A : i32 to index
      %swap3A_1249 = arith.index_cast %mul3A_1247 : i32 to index
      %swap3A_1250 = tpu.vector_load %arg8[%swap3A_1248, %swap3A_1249] {strides = array<i32>} : memref<16x1024xf32, #tpu.memory_space<vmem>>, vector<16xf32>,
      tpu.vector_store %arg8[%swap3A_1248, %swap3A_1249], %broadcast_in_dim3A_71 {strides = array<i32>} : memref<16x1024xf32, #tpu.memory_space<vmem>>, vector<16xf32>,
      %mul3A_1251 = arith.constant 16 : i32
      %mul3A_1252 = arith.muli %scan3A_1244, %mul3A_1251 : i32
      %swap3A_1253 = arith.constant 1 : i32
      %swap3A_1254 = arith.index_cast %swap3A_1253 : i32 to index
      %swap3A_1255 = arith.index_cast %mul3A_1252 : i32 to index
      %swap3A_1256 = tpu.vector_load %arg8[%swap3A_1254, %swap3A_1255] {strides = array<i32>} : memref<16x1024xf32, #tpu.memory_space<vmem>>, vector<16xf32>,
      tpu.vector_store %arg8[%swap3A_1254, %swap3A_1255], %broadcast_in_dim3A_71 {strides = array<i32>} : memref<16x1024xf32, #tpu.memory_space<vmem>>, vector<16xf32>,
      %mul3A_1257 = arith.constant 16 : i32
      %mul3A_1258 = arith.muli %scan3A_1244, %mul3A_1257 : i32
      %swap3A_1259 = arith.constant 2 : i32
      %swap3A_1260 = arith.index_cast %swap3A_1259 : i32 to index
      %swap3A_1261 = arith.index_cast %mul3A_1258 : i32 to index
      %swap3A_1262 = tpu.vector_load %arg8[%swap3A_1260, %swap3A_1261] {strides = array<i32>} : memref<16x1024xf32, #tpu.memory_space<vmem>>, vector<16xf32>,
      tpu.vector_store %arg8[%swap3A_1260, %swap3A_1261], %broadcast_in_dim3A_71 {strides = array<i32>} : memref<16x1024xf32, #tpu.memory_space<vmem>>, vector<16xf32>,
      %mul3A_1263 = arith.constant 16 : i32
      %mul3A_1264 = arith.muli %scan3A_1244, %mul3A_1263 : i32
      %swap3A_1265 = arith.constant 3 : i32
      %swap3A_1266 = arith.index_cast %swap3A_1265 : i32 to index
      %swap3A_1267 = arith.index_cast %mul3A_1264 : i32 to index
      %swap3A_1268 = tpu.vector_load %arg8[%swap3A_1266, %swap3A_1267] {strides = array<i32>} : memref<16x1024xf32, #tpu.memory_space<vmem>>, vector<16xf32>,
      tpu.vector_store %arg8[%swap3A_1266, %swap3A_1267], %broadcast_in_dim3A_71 {strides = array<i32>} : memref<16x1024xf32, #tpu.memory_space<vmem>>, vector<16xf32>,
      %mul3A_1269 = arith.constant 16 : i32
      %mul3A_1270 = arith.muli %scan3A_1244, %mul3A_1269 : i32
      %swap3A_1271 = arith.constant 4 : i32
      %swap3A_1272 = arith.index_cast %swap3A_1271 : i32 to index
      %swap3A_1273 = arith.index_cast %mul3A_1270 : i32 to index
      %swap3A_1274 = tpu.vector_load %arg8[%swap3A_1272, %swap3A_1273] {strides = array<i32>} : memref<16x1024xf32, #tpu.memory_space<vmem>>, vector<16xf32>,
      tpu.vector_store %arg8[%swap3A_1272, %swap3A_1273], %broadcast_in_dim3A_71 {strides = array<i32>} : memref<16x1024xf32, #tpu.memory_space<vmem>>, vector<16xf32>,
      %mul3A_1275 = arith.constant 16 : i32
      %mul3A_1276 = arith.muli %scan3A_1244, %mul3A_1275 : i32
      %swap3A_1277 = arith.constant 5 : i32
      %swap3A_1278 = arith.index_cast %swap3A_1277 : i32 to index
      %swap3A_1279 = arith.index_cast %mul3A_1276 : i32 to index
      %swap3A_1280 = tpu.vector_load %arg8[%swap3A_1278, %swap3A_1279] {strides = array<i32>} : memref<16x1024xf32, #tpu.memory_space<vmem>>, vector<16xf32>,
      tpu.vector_store %arg8[%swap3A_1278, %swap3A_1279], %broadcast_in_dim3A_71 {strides = array<i32>} : memref<16x1024xf32, #tpu.memory_space<vmem>>, vector<16xf32>,
      %mul3A_1281 = arith.constant 16 : i32
      %mul3A_1282 = arith.muli %scan3A_1244, %mul3A_1281 : i32
      %swap3A_1283 = arith.constant 6 : i32
      %swap3A_1284 = arith.index_cast %swap3A_1283 : i32 to index
      %swap3A_1285 = arith.index_cast %mul3A_1282 : i32 to index
      %swap3A_1286 = tpu.vector_load %arg8[%swap3A_1284, %swap3A_1285] {strides = array<i32>} : memref<16x1024xf32, #tpu.memory_space<vmem>>, vector<16xf32>,
      tpu.vector_store %arg8[%swap3A_1284, %swap3A_1285], %broadcast_in_dim3A_71 {strides = array<i32>} : memref<16x1024xf32, #tpu.memory_space<vmem>>, vector<16xf32>,
      %mul3A_1287 = arith.constant 16 : i32
      %mul3A_1288 = arith.muli %scan3A_1244, %mul3A_1287 : i32
      %swap3A_1289 = arith.constant 7 : i32
      %swap3A_1290 = arith.index_cast %swap3A_1289 : i32 to index
      %swap3A_1291 = arith.index_cast %mul3A_1288 : i32 to index
      %swap3A_1292 = tpu.vector_load %arg8[%swap3A_1290, %swap3A_1291] {strides = array<i32>} : memref<16x1024xf32, #tpu.memory_space<vmem>>, vector<16xf32>,
      tpu.vector_store %arg8[%swap3A_1290, %swap3A_1291], %broadcast_in_dim3A_71 {strides = array<i32>} : memref<16x1024xf32, #tpu.memory_space<vmem>>, vector<16xf32>,
      %mul3A_1293 = arith.constant 16 : i32
      %mul3A_1294 = arith.muli %scan3A_1244, %mul3A_1293 : i32
      %swap3A_1295 = arith.constant 8 : i32
      %swap3A_1296 = arith.index_cast %swap3A_1295 : i32 to index
      %swap3A_1297 = arith.index_cast %mul3A_1294 : i32 to index
      %swap3A_1298 = tpu.vector_load %arg8[%swap3A_1296, %swap3A_1297] {strides = array<i32>} : memref<16x1024xf32, #tpu.memory_space<vmem>>, vector<16xf32>,
      tpu.vector_store %arg8[%swap3A_1296, %swap3A_1297], %broadcast_in_dim3A_71 {strides = array<i32>} : memref<16x1024xf32, #tpu.memory_space<vmem>>, vector<16xf32>,
      %mul3A_1299 = arith.constant 16 : i32
      %mul3A_1300 = arith.muli %scan3A_1244, %mul3A_1299 : i32
      %swap3A_1301 = arith.constant 9 : i32
      %swap3A_1302 = arith.index_cast %swap3A_1301 : i32 to index
      %swap3A_1303 = arith.index_cast %mul3A_1300 : i32 to index
      %swap3A_1304 = tpu.vector_load %arg8[%swap3A_1302, %swap3A_1303] {strides = array<i32>} : memref<16x1024xf32, #tpu.memory_space<vmem>>, vector<16xf32>,
      tpu.vector_store %arg8[%swap3A_1302, %swap3A_1303], %broadcast_in_dim3A_71 {strides = array<i32>} : memref<16x1024xf32, #tpu.memory_space<vmem>>, vector<16xf32>,
      %mul3A_1305 = arith.constant 16 : i32
      %mul3A_1306 = arith.muli %scan3A_1244, %mul3A_1305 : i32
      %swap3A_1307 = arith.constant 10 : i32
      %swap3A_1308 = arith.index_cast %swap3A_1307 : i32 to index
      %swap3A_1309 = arith.index_cast %mul3A_1306 : i32 to index
      %swap3A_1310 = tpu.vector_load %arg8[%swap3A_1308, %swap3A_1309] {strides = array<i32>} : memref<16x1024xf32, #tpu.memory_space<vmem>>, vector<16xf32>,
      tpu.vector_store %arg8[%swap3A_1308, %swap3A_1309], %broadcast_in_dim3A_71 {strides = array<i32>} : memref<16x1024xf32, #tpu.memory_space<vmem>>, vector<16xf32>,
      %mul3A_1311 = arith.constant 16 : i32
      %mul3A_1312 = arith.muli %scan3A_1244, %mul3A_1311 : i32
      %swap3A_1313 = arith.constant 11 : i32
      %swap3A_1314 = arith.index_cast %swap3A_1313 : i32 to index
      %swap3A_1315 = arith.index_cast %mul3A_1312 : i32 to index
      %swap3A_1316 = tpu.vector_load %arg8[%swap3A_1314, %swap3A_1315] {strides = array<i32>} : memref<16x1024xf32, #tpu.memory_space<vmem>>, vector<16xf32>,
      tpu.vector_store %arg8[%swap3A_1314, %swap3A_1315], %broadcast_in_dim3A_71 {strides = array<i32>} : memref<16x1024xf32, #tpu.memory_space<vmem>>, vector<16xf32>,
      %mul3A_1317 = arith.constant 16 : i32
      %mul3A_1318 = arith.muli %scan3A_1244, %mul3A_1317 : i32
      %swap3A_1319 = arith.constant 12 : i32
      %swap3A_1320 = arith.index_cast %swap3A_1319 : i32 to index
      %swap3A_1321 = arith.index_cast %mul3A_1318 : i32 to index
      %swap3A_1322 = tpu.vector_load %arg8[%swap3A_1320, %swap3A_1321] {strides = array<i32>} : memref<16x1024xf32, #tpu.memory_space<vmem>>, vector<16xf32>,
      tpu.vector_store %arg8[%swap3A_1320, %swap3A_1321], %broadcast_in_dim3A_71 {strides = array<i32>} : memref<16x1024xf32, #tpu.memory_space<vmem>>, vector<16xf32>,
      %mul3A_1323 = arith.constant 16 : i32
      %mul3A_1324 = arith.muli %scan3A_1244, %mul3A_1323 : i32
      %swap3A_1325 = arith.constant 13 : i32
      %swap3A_1326 = arith.index_cast %swap3A_1325 : i32 to index
      %swap3A_1327 = arith.index_cast %mul3A_1324 : i32 to index
      %swap3A_1328 = tpu.vector_load %arg8[%swap3A_1326, %swap3A_1327] {strides = array<i32>} : memref<16x1024xf32, #tpu.memory_space<vmem>>, vector<16xf32>,
      tpu.vector_store %arg8[%swap3A_1326, %swap3A_1327], %broadcast_in_dim3A_71 {strides = array<i32>} : memref<16x1024xf32, #tpu.memory_space<vmem>>, vector<16xf32>,
      %mul3A_1329 = arith.constant 16 : i32
      %mul3A_1330 = arith.muli %scan3A_1244, %mul3A_1329 : i32
      %swap3A_1331 = arith.constant 14 : i32
      %swap3A_1332 = arith.index_cast %swap3A_1331 : i32 to index
      %swap3A_1333 = arith.index_cast %mul3A_1330 : i32 to index
      %swap3A_1334 = tpu.vector_load %arg8[%swap3A_1332, %swap3A_1333] {strides = array<i32>} : memref<16x1024xf32, #tpu.memory_space<vmem>>, vector<16xf32>,
      tpu.vector_store %arg8[%swap3A_1332, %swap3A_1333], %broadcast_in_dim3A_71 {strides = array<i32>} : memref<16x1024xf32, #tpu.memory_space<vmem>>, vector<16xf32>,
      %mul3A_1335 = arith.constant 16 : i32
      %mul3A_1336 = arith.muli %scan3A_1244, %mul3A_1335 : i32
      %swap3A_1337 = arith.constant 15 : i32
      %swap3A_1338 = arith.index_cast %swap3A_1337 : i32 to index
      %swap3A_1339 = arith.index_cast %mul3A_1336 : i32 to index
      %swap3A_1340 = tpu.vector_load %arg8[%swap3A_1338, %swap3A_1339] {strides = array<i32>} : memref<16x1024xf32, #tpu.memory_space<vmem>>, vector<16xf32>,
      tpu.vector_store %arg8[%swap3A_1338, %swap3A_1339], %broadcast_in_dim3A_71 {strides = array<i32>} : memref<16x1024xf32, #tpu.memory_space<vmem>>, vector<16xf32>,
      %scan3A_1341 = arith.constant 0 : i32
      scf.yield %scan3A_1341 : i32
    }
    %scan3A_805 = arith.constant 64 : i32
    %get3A_806 = arith.constant 80 : index
    %get3A_807 = tpu.vector_load %arg5[%get3A_806] {strides = array<i32>} : memref<4096xi32, #tpu.memory_space<vmem>>, vector<16xi32>,
    %get3A_808 = arith.constant 80 : index
    %get3A_809 = tpu.vector_load %arg6[%get3A_808] {strides = array<i32>} : memref<4096xf32, #tpu.memory_space<vmem>>, vector<16xf32>,
    tpu.vector_store_idx %arg8[%iota3A, %get3A_807], %get3A_809 {add = true} : memref<16x1024xf32, #tpu.memory_space<vmem>>[vector<16xi32>, vector<16xi32>], vector<16xf32>,
    %get3A_810 = arith.constant 208 : index
    %get3A_811 = tpu.vector_load %arg5[%get3A_810] {strides = array<i32>} : memref<4096xi32, #tpu.memory_space<vmem>>, vector<16xi32>,
    %get3A_812 = arith.constant 208 : index
    %get3A_813 = tpu.vector_load %arg6[%get3A_812] {strides = array<i32>} : memref<4096xf32, #tpu.memory_space<vmem>>, vector<16xf32>,
    tpu.vector_store_idx %arg8[%iota3A, %get3A_811], %get3A_813 {add = true} : memref<16x1024xf32, #tpu.memory_space<vmem>>[vector<16xi32>, vector<16xi32>], vector<16xf32>,
    %get3A_814 = arith.constant 336 : index
    %get3A_815 = tpu.vector_load %arg5[%get3A_814] {strides = array<i32>} : memref<4096xi32, #tpu.memory_space<vmem>>, vector<16xi32>,
    %get3A_816 = arith.constant 336 : index
    %get3A_817 = tpu.vector_load %arg6[%get3A_816] {strides = array<i32>} : memref<4096xf32, #tpu.memory_space<vmem>>, vector<16xf32>,
    tpu.vector_store_idx %arg8[%iota3A, %get3A_815], %get3A_817 {add = true} : memref<16x1024xf32, #tpu.memory_space<vmem>>[vector<16xi32>, vector<16xi32>], vector<16xf32>,
    %get3A_818 = arith.constant 464 : index
    %get3A_819 = tpu.vector_load %arg5[%get3A_818] {strides = array<i32>} : memref<4096xi32, #tpu.memory_space<vmem>>, vector<16xi32>,
    %get3A_820 = arith.constant 464 : index
    %get3A_821 = tpu.vector_load %arg6[%get3A_820] {strides = array<i32>} : memref<4096xf32, #tpu.memory_space<vmem>>, vector<16xf32>,
    tpu.vector_store_idx %arg8[%iota3A, %get3A_819], %get3A_821 {add = true} : memref<16x1024xf32, #tpu.memory_space<vmem>>[vector<16xi32>, vector<16xi32>], vector<16xf32>,
    %get3A_822 = arith.constant 592 : index
    %get3A_823 = tpu.vector_load %arg5[%get3A_822] {strides = array<i32>} : memref<4096xi32, #tpu.memory_space<vmem>>, vector<16xi32>,
    %get3A_824 = arith.constant 592 : index
    %get3A_825 = tpu.vector_load %arg6[%get3A_824] {strides = array<i32>} : memref<4096xf32, #tpu.memory_space<vmem>>, vector<16xf32>,
    tpu.vector_store_idx %arg8[%iota3A, %get3A_823], %get3A_825 {add = true} : memref<16x1024xf32, #tpu.memory_space<vmem>>[vector<16xi32>, vector<16xi32>], vector<16xf32>,
    %get3A_826 = arith.constant 720 : index
    %get3A_827 = tpu.vector_load %arg5[%get3A_826] {strides = array<i32>} : memref<4096xi32, #tpu.memory_space<vmem>>, vector<16xi32>,
    %get3A_828 = arith.constant 720 : index
    %get3A_829 = tpu.vector_load %arg6[%get3A_828] {strides = array<i32>} : memref<4096xf32, #tpu.memory_space<vmem>>, vector<16xf32>,
    tpu.vector_store_idx %arg8[%iota3A, %get3A_827], %get3A_829 {add = true} : memref<16x1024xf32, #tpu.memory_space<vmem>>[vector<16xi32>, vector<16xi32>], vector<16xf32>,
    %get3A_830 = arith.constant 848 : index
    %get3A_831 = tpu.vector_load %arg5[%get3A_830] {strides = array<i32>} : memref<4096xi32, #tpu.memory_space<vmem>>, vector<16xi32>,
    %get3A_832 = arith.constant 848 : index
    %get3A_833 = tpu.vector_load %arg6[%get3A_832] {strides = array<i32>} : memref<4096xf32, #tpu.memory_space<vmem>>, vector<16xf32>,
    tpu.vector_store_idx %arg8[%iota3A, %get3A_831], %get3A_833 {add = true} : memref<16x1024xf32, #tpu.memory_space<vmem>>[vector<16xi32>, vector<16xi32>], vector<16xf32>,
    %get3A_834 = arith.constant 976 : index
    %get3A_835 = tpu.vector_load %arg5[%get3A_834] {strides = array<i32>} : memref<4096xi32, #tpu.memory_space<vmem>>, vector<16xi32>,
    %get3A_836 = arith.constant 976 : index
    %get3A_837 = tpu.vector_load %arg6[%get3A_836] {strides = array<i32>} : memref<4096xf32, #tpu.memory_space<vmem>>, vector<16xf32>,
    tpu.vector_store_idx %arg8[%iota3A, %get3A_835], %get3A_837 {add = true} : memref<16x1024xf32, #tpu.memory_space<vmem>>[vector<16xi32>, vector<16xi32>], vector<16xf32>,
    %get3A_838 = arith.constant 1104 : index
    %get3A_839 = tpu.vector_load %arg5[%get3A_838] {strides = array<i32>} : memref<4096xi32, #tpu.memory_space<vmem>>, vector<16xi32>,
    %get3A_840 = arith.constant 1104 : index
    %get3A_841 = tpu.vector_load %arg6[%get3A_840] {strides = array<i32>} : memref<4096xf32, #tpu.memory_space<vmem>>, vector<16xf32>,
    tpu.vector_store_idx %arg8[%iota3A, %get3A_839], %get3A_841 {add = true} : memref<16x1024xf32, #tpu.memory_space<vmem>>[vector<16xi32>, vector<16xi32>], vector<16xf32>,
    %get3A_842 = arith.constant 1232 : index
    %get3A_843 = tpu.vector_load %arg5[%get3A_842] {strides = array<i32>} : memref<4096xi32, #tpu.memory_space<vmem>>, vector<16xi32>,
    %get3A_844 = arith.constant 1232 : index
    %get3A_845 = tpu.vector_load %arg6[%get3A_844] {strides = array<i32>} : memref<4096xf32, #tpu.memory_space<vmem>>, vector<16xf32>,
    tpu.vector_store_idx %arg8[%iota3A, %get3A_843], %get3A_845 {add = true} : memref<16x1024xf32, #tpu.memory_space<vmem>>[vector<16xi32>, vector<16xi32>], vector<16xf32>,
    %get3A_846 = arith.constant 1360 : index
    %get3A_847 = tpu.vector_load %arg5[%get3A_846] {strides = array<i32>} : memref<4096xi32, #tpu.memory_space<vmem>>, vector<16xi32>,
    %get3A_848 = arith.constant 1360 : index
    %get3A_849 = tpu.vector_load %arg6[%get3A_848] {strides = array<i32>} : memref<4096xf32, #tpu.memory_space<vmem>>, vector<16xf32>,
    tpu.vector_store_idx %arg8[%iota3A, %get3A_847], %get3A_849 {add = true} : memref<16x1024xf32, #tpu.memory_space<vmem>>[vector<16xi32>, vector<16xi32>], vector<16xf32>,
    %get3A_850 = arith.constant 1488 : index
    %get3A_851 = tpu.vector_load %arg5[%get3A_850] {strides = array<i32>} : memref<4096xi32, #tpu.memory_space<vmem>>, vector<16xi32>,
    %get3A_852 = arith.constant 1488 : index
    %get3A_853 = tpu.vector_load %arg6[%get3A_852] {strides = array<i32>} : memref<4096xf32, #tpu.memory_space<vmem>>, vector<16xf32>,
    tpu.vector_store_idx %arg8[%iota3A, %get3A_851], %get3A_853 {add = true} : memref<16x1024xf32, #tpu.memory_space<vmem>>[vector<16xi32>, vector<16xi32>], vector<16xf32>,
    %get3A_854 = arith.constant 1616 : index
    %get3A_855 = tpu.vector_load %arg5[%get3A_854] {strides = array<i32>} : memref<4096xi32, #tpu.memory_space<vmem>>, vector<16xi32>,
    %get3A_856 = arith.constant 1616 : index
    %get3A_857 = tpu.vector_load %arg6[%get3A_856] {strides = array<i32>} : memref<4096xf32, #tpu.memory_space<vmem>>, vector<16xf32>,
    tpu.vector_store_idx %arg8[%iota3A, %get3A_855], %get3A_857 {add = true} : memref<16x1024xf32, #tpu.memory_space<vmem>>[vector<16xi32>, vector<16xi32>], vector<16xf32>,
    %get3A_858 = arith.constant 1744 : index
    %get3A_859 = tpu.vector_load %arg5[%get3A_858] {strides = array<i32>} : memref<4096xi32, #tpu.memory_space<vmem>>, vector<16xi32>,
    %get3A_860 = arith.constant 1744 : index
    %get3A_861 = tpu.vector_load %arg6[%get3A_860] {strides = array<i32>} : memref<4096xf32, #tpu.memory_space<vmem>>, vector<16xf32>,
    tpu.vector_store_idx %arg8[%iota3A, %get3A_859], %get3A_861 {add = true} : memref<16x1024xf32, #tpu.memory_space<vmem>>[vector<16xi32>, vector<16xi32>], vector<16xf32>,
    %get3A_862 = arith.constant 1872 : index
    %get3A_863 = tpu.vector_load %arg5[%get3A_862] {strides = array<i32>} : memref<4096xi32, #tpu.memory_space<vmem>>, vector<16xi32>,
    %get3A_864 = arith.constant 1872 : index
    %get3A_865 = tpu.vector_load %arg6[%get3A_864] {strides = array<i32>} : memref<4096xf32, #tpu.memory_space<vmem>>, vector<16xf32>,
    tpu.vector_store_idx %arg8[%iota3A, %get3A_863], %get3A_865 {add = true} : memref<16x1024xf32, #tpu.memory_space<vmem>>[vector<16xi32>, vector<16xi32>], vector<16xf32>,
    %get3A_866 = arith.constant 2000 : index
    %get3A_867 = tpu.vector_load %arg5[%get3A_866] {strides = array<i32>} : memref<4096xi32, #tpu.memory_space<vmem>>, vector<16xi32>,
    %get3A_868 = arith.constant 2000 : index
    %get3A_869 = tpu.vector_load %arg6[%get3A_868] {strides = array<i32>} : memref<4096xf32, #tpu.memory_space<vmem>>, vector<16xf32>,
    tpu.vector_store_idx %arg8[%iota3A, %get3A_867], %get3A_869 {add = true} : memref<16x1024xf32, #tpu.memory_space<vmem>>[vector<16xi32>, vector<16xi32>], vector<16xf32>,
    %get3A_870 = arith.constant 2128 : index
    %get3A_871 = tpu.vector_load %arg5[%get3A_870] {strides = array<i32>} : memref<4096xi32, #tpu.memory_space<vmem>>, vector<16xi32>,
    %get3A_872 = arith.constant 2128 : index
    %get3A_873 = tpu.vector_load %arg6[%get3A_872] {strides = array<i32>} : memref<4096xf32, #tpu.memory_space<vmem>>, vector<16xf32>,
    tpu.vector_store_idx %arg8[%iota3A, %get3A_871], %get3A_873 {add = true} : memref<16x1024xf32, #tpu.memory_space<vmem>>[vector<16xi32>, vector<16xi32>], vector<16xf32>,
    %get3A_874 = arith.constant 2256 : index
    %get3A_875 = tpu.vector_load %arg5[%get3A_874] {strides = array<i32>} : memref<4096xi32, #tpu.memory_space<vmem>>, vector<16xi32>,
    %get3A_876 = arith.constant 2256 : index
    %get3A_877 = tpu.vector_load %arg6[%get3A_876] {strides = array<i32>} : memref<4096xf32, #tpu.memory_space<vmem>>, vector<16xf32>,
    tpu.vector_store_idx %arg8[%iota3A, %get3A_875], %get3A_877 {add = true} : memref<16x1024xf32, #tpu.memory_space<vmem>>[vector<16xi32>, vector<16xi32>], vector<16xf32>,
    %get3A_878 = arith.constant 2384 : index
    %get3A_879 = tpu.vector_load %arg5[%get3A_878] {strides = array<i32>} : memref<4096xi32, #tpu.memory_space<vmem>>, vector<16xi32>,
    %get3A_880 = arith.constant 2384 : index
    %get3A_881 = tpu.vector_load %arg6[%get3A_880] {strides = array<i32>} : memref<4096xf32, #tpu.memory_space<vmem>>, vector<16xf32>,
    tpu.vector_store_idx %arg8[%iota3A, %get3A_879], %get3A_881 {add = true} : memref<16x1024xf32, #tpu.memory_space<vmem>>[vector<16xi32>, vector<16xi32>], vector<16xf32>,
    %get3A_882 = arith.constant 2512 : index
    %get3A_883 = tpu.vector_load %arg5[%get3A_882] {strides = array<i32>} : memref<4096xi32, #tpu.memory_space<vmem>>, vector<16xi32>,
    %get3A_884 = arith.constant 2512 : index
    %get3A_885 = tpu.vector_load %arg6[%get3A_884] {strides = array<i32>} : memref<4096xf32, #tpu.memory_space<vmem>>, vector<16xf32>,
    tpu.vector_store_idx %arg8[%iota3A, %get3A_883], %get3A_885 {add = true} : memref<16x1024xf32, #tpu.memory_space<vmem>>[vector<16xi32>, vector<16xi32>], vector<16xf32>,
    %get3A_886 = arith.constant 2640 : index
    %get3A_887 = tpu.vector_load %arg5[%get3A_886] {strides = array<i32>} : memref<4096xi32, #tpu.memory_space<vmem>>, vector<16xi32>,
    %get3A_888 = arith.constant 2640 : index
    %get3A_889 = tpu.vector_load %arg6[%get3A_888] {strides = array<i32>} : memref<4096xf32, #tpu.memory_space<vmem>>, vector<16xf32>,
    tpu.vector_store_idx %arg8[%iota3A, %get3A_887], %get3A_889 {add = true} : memref<16x1024xf32, #tpu.memory_space<vmem>>[vector<16xi32>, vector<16xi32>], vector<16xf32>,
    %get3A_890 = arith.constant 2768 : index
    %get3A_891 = tpu.vector_load %arg5[%get3A_890] {strides = array<i32>} : memref<4096xi32, #tpu.memory_space<vmem>>, vector<16xi32>,
    %get3A_892 = arith.constant 2768 : index
    %get3A_893 = tpu.vector_load %arg6[%get3A_892] {strides = array<i32>} : memref<4096xf32, #tpu.memory_space<vmem>>, vector<16xf32>,
    tpu.vector_store_idx %arg8[%iota3A, %get3A_891], %get3A_893 {add = true} : memref<16x1024xf32, #tpu.memory_space<vmem>>[vector<16xi32>, vector<16xi32>], vector<16xf32>,
    %get3A_894 = arith.constant 2896 : index
    %get3A_895 = tpu.vector_load %arg5[%get3A_894] {strides = array<i32>} : memref<4096xi32, #tpu.memory_space<vmem>>, vector<16xi32>,
    %get3A_896 = arith.constant 2896 : index
    %get3A_897 = tpu.vector_load %arg6[%get3A_896] {strides = array<i32>} : memref<4096xf32, #tpu.memory_space<vmem>>, vector<16xf32>,
    tpu.vector_store_idx %arg8[%iota3A, %get3A_895], %get3A_897 {add = true} : memref<16x1024xf32, #tpu.memory_space<vmem>>[vector<16xi32>, vector<16xi32>], vector<16xf32>,
    %get3A_898 = arith.constant 3024 : index
    %get3A_899 = tpu.vector_load %arg5[%get3A_898] {strides = array<i32>} : memref<4096xi32, #tpu.memory_space<vmem>>, vector<16xi32>,
    %get3A_900 = arith.constant 3024 : index
    %get3A_901 = tpu.vector_load %arg6[%get3A_900] {strides = array<i32>} : memref<4096xf32, #tpu.memory_space<vmem>>, vector<16xf32>,
    tpu.vector_store_idx %arg8[%iota3A, %get3A_899], %get3A_901 {add = true} : memref<16x1024xf32, #tpu.memory_space<vmem>>[vector<16xi32>, vector<16xi32>], vector<16xf32>,
    %get3A_902 = arith.constant 3152 : index
    %get3A_903 = tpu.vector_load %arg5[%get3A_902] {strides = array<i32>} : memref<4096xi32, #tpu.memory_space<vmem>>, vector<16xi32>,
    %get3A_904 = arith.constant 3152 : index
    %get3A_905 = tpu.vector_load %arg6[%get3A_904] {strides = array<i32>} : memref<4096xf32, #tpu.memory_space<vmem>>, vector<16xf32>,
    tpu.vector_store_idx %arg8[%iota3A, %get3A_903], %get3A_905 {add = true} : memref<16x1024xf32, #tpu.memory_space<vmem>>[vector<16xi32>, vector<16xi32>], vector<16xf32>,
    %get3A_906 = arith.constant 3280 : index
    %get3A_907 = tpu.vector_load %arg5[%get3A_906] {strides = array<i32>} : memref<4096xi32, #tpu.memory_space<vmem>>, vector<16xi32>,
    %get3A_908 = arith.constant 3280 : index
    %get3A_909 = tpu.vector_load %arg6[%get3A_908] {strides = array<i32>} : memref<4096xf32, #tpu.memory_space<vmem>>, vector<16xf32>,
    tpu.vector_store_idx %arg8[%iota3A, %get3A_907], %get3A_909 {add = true} : memref<16x1024xf32, #tpu.memory_space<vmem>>[vector<16xi32>, vector<16xi32>], vector<16xf32>,
    %get3A_910 = arith.constant 3408 : index
    %get3A_911 = tpu.vector_load %arg5[%get3A_910] {strides = array<i32>} : memref<4096xi32, #tpu.memory_space<vmem>>, vector<16xi32>,
    %get3A_912 = arith.constant 3408 : index
    %get3A_913 = tpu.vector_load %arg6[%get3A_912] {strides = array<i32>} : memref<4096xf32, #tpu.memory_space<vmem>>, vector<16xf32>,
    tpu.vector_store_idx %arg8[%iota3A, %get3A_911], %get3A_913 {add = true} : memref<16x1024xf32, #tpu.memory_space<vmem>>[vector<16xi32>, vector<16xi32>], vector<16xf32>,
    %get3A_914 = arith.constant 3536 : index
    %get3A_915 = tpu.vector_load %arg5[%get3A_914] {strides = array<i32>} : memref<4096xi32, #tpu.memory_space<vmem>>, vector<16xi32>,
    %get3A_916 = arith.constant 3536 : index
    %get3A_917 = tpu.vector_load %arg6[%get3A_916] {strides = array<i32>} : memref<4096xf32, #tpu.memory_space<vmem>>, vector<16xf32>,
    tpu.vector_store_idx %arg8[%iota3A, %get3A_915], %get3A_917 {add = true} : memref<16x1024xf32, #tpu.memory_space<vmem>>[vector<16xi32>, vector<16xi32>], vector<16xf32>,
    %get3A_918 = arith.constant 3664 : index
    %get3A_919 = tpu.vector_load %arg5[%get3A_918] {strides = array<i32>} : memref<4096xi32, #tpu.memory_space<vmem>>, vector<16xi32>,
    %get3A_920 = arith.constant 3664 : index
    %get3A_921 = tpu.vector_load %arg6[%get3A_920] {strides = array<i32>} : memref<4096xf32, #tpu.memory_space<vmem>>, vector<16xf32>,
    tpu.vector_store_idx %arg8[%iota3A, %get3A_919], %get3A_921 {add = true} : memref<16x1024xf32, #tpu.memory_space<vmem>>[vector<16xi32>, vector<16xi32>], vector<16xf32>,
    %get3A_922 = arith.constant 3792 : index
    %get3A_923 = tpu.vector_load %arg5[%get3A_922] {strides = array<i32>} : memref<4096xi32, #tpu.memory_space<vmem>>, vector<16xi32>,
    %get3A_924 = arith.constant 3792 : index
    %get3A_925 = tpu.vector_load %arg6[%get3A_924] {strides = array<i32>} : memref<4096xf32, #tpu.memory_space<vmem>>, vector<16xf32>,
    tpu.vector_store_idx %arg8[%iota3A, %get3A_923], %get3A_925 {add = true} : memref<16x1024xf32, #tpu.memory_space<vmem>>[vector<16xi32>, vector<16xi32>], vector<16xf32>,
    %get3A_926 = arith.constant 3920 : index
    %get3A_927 = tpu.vector_load %arg5[%get3A_926] {strides = array<i32>} : memref<4096xi32, #tpu.memory_space<vmem>>, vector<16xi32>,
    %get3A_928 = arith.constant 3920 : index
    %get3A_929 = tpu.vector_load %arg6[%get3A_928] {strides = array<i32>} : memref<4096xf32, #tpu.memory_space<vmem>>, vector<16xf32>,
    tpu.vector_store_idx %arg8[%iota3A, %get3A_927], %get3A_929 {add = true} : memref<16x1024xf32, #tpu.memory_space<vmem>>[vector<16xi32>, vector<16xi32>], vector<16xf32>,
    %get3A_930 = arith.constant 4048 : index
    %get3A_931 = tpu.vector_load %arg5[%get3A_930] {strides = array<i32>} : memref<4096xi32, #tpu.memory_space<vmem>>, vector<16xi32>,
    %get3A_932 = arith.constant 4048 : index
    %get3A_933 = tpu.vector_load %arg6[%get3A_932] {strides = array<i32>} : memref<4096xf32, #tpu.memory_space<vmem>>, vector<16xf32>,
    tpu.vector_store_idx %arg8[%iota3A, %get3A_931], %get3A_933 {add = true} : memref<16x1024xf32, #tpu.memory_space<vmem>>[vector<16xi32>, vector<16xi32>], vector<16xf32>,
    %mul3A_934 = arith.constant 128 : i32
    %mul3A_935 = arith.muli %add3A, %mul3A_934 : i32
    %add3A_936 = arith.constant 80 : i32
    %add3A_937 = arith.addi %mul3A_935, %add3A_936 : i32
    %dma_start3A_938 = arith.constant 0 : i32
    %dma_start3A_939 = tpu.memref_slice %arg4[%add3A_937, %dma_start3A_938] : memref<4096x1024xf32, #tpu.memory_space<hbm>> -> memref<16x1024xf32, #tpu.memory_space<hbm>>
    %dma_start3A_940 = arith.constant 0 : i32
    %dma_start3A_941 = tpu.memref_slice %arg4[%add3A_937, %dma_start3A_940] : memref<4096x1024xf32, #tpu.memory_space<hbm>> -> memref<16x1024xf32, #tpu.memory_space<hbm>>
    tpu.enqueue_dma source(%arg8 : memref<16x1024xf32, #tpu.memory_space<vmem>>) target(%dma_start3A_941 : memref<16x1024xf32, #tpu.memory_space<hbm>>) target_semaphore(%arg10 : memref<!tpu.dma_semaphore, #tpu.memory_space<semaphore_mem>>)
    %dma_wait3A_942 = arith.constant 0 : i32
    %dma_wait3A_943 = tpu.memref_slice %arg4[%add3A_790, %dma_wait3A_942] : memref<4096x1024xf32, #tpu.memory_space<hbm>> -> memref<16x1024xf32, #tpu.memory_space<hbm>>
    %dma_wait3A_944 = arith.constant 0 : i32
    %dma_wait3A_945 = tpu.memref_slice %arg4[%add3A_790, %dma_wait3A_944] : memref<4096x1024xf32, #tpu.memory_space<hbm>> -> memref<16x1024xf32, #tpu.memory_space<hbm>>
    tpu.wait_dma2 semaphore(%arg9 : memref<!tpu.dma_semaphore, #tpu.memory_space<semaphore_mem>>) src(%arg7 : memref<16x1024xf32, #tpu.memory_space<vmem>>) dst(%dma_wait3A_945 : memref<16x1024xf32, #tpu.memory_space<hbm>>)
    %scan3A_946 = arith.constant 0 : i32
    %scan3A_947 = arith.constant 0 : i32
    %scan3A_948 = arith.constant 64 : i32
    %scan3A_949 = arith.addi %scan3A_947, %scan3A_948 : i32
    %scan3A_950 = arith.constant 1 : i32
    %scan3A_951 = scf.for %scan3A_1244 = %scan3A_947 to %scan3A_949 step %scan3A_950 iter_args(%scan3A_1245 = %scan3A_946) -> (i32)  : i32 {
      %mul3A_1246 = arith.constant 16 : i32
      %mul3A_1247 = arith.muli %scan3A_1244, %mul3A_1246 : i32
      %swap3A = arith.constant 0 : i32
      %swap3A_1248 = arith.index_cast %swap3A : i32 to index
      %swap3A_1249 = arith.index_cast %mul3A_1247 : i32 to index
      %swap3A_1250 = tpu.vector_load %arg7[%swap3A_1248, %swap3A_1249] {strides = array<i32>} : memref<16x1024xf32, #tpu.memory_space<vmem>>, vector<16xf32>,
      tpu.vector_store %arg7[%swap3A_1248, %swap3A_1249], %broadcast_in_dim3A_71 {strides = array<i32>} : memref<16x1024xf32, #tpu.memory_space<vmem>>, vector<16xf32>,
      %mul3A_1251 = arith.constant 16 : i32
      %mul3A_1252 = arith.muli %scan3A_1244, %mul3A_1251 : i32
      %swap3A_1253 = arith.constant 1 : i32
      %swap3A_1254 = arith.index_cast %swap3A_1253 : i32 to index
      %swap3A_1255 = arith.index_cast %mul3A_1252 : i32 to index
      %swap3A_1256 = tpu.vector_load %arg7[%swap3A_1254, %swap3A_1255] {strides = array<i32>} : memref<16x1024xf32, #tpu.memory_space<vmem>>, vector<16xf32>,
      tpu.vector_store %arg7[%swap3A_1254, %swap3A_1255], %broadcast_in_dim3A_71 {strides = array<i32>} : memref<16x1024xf32, #tpu.memory_space<vmem>>, vector<16xf32>,
      %mul3A_1257 = arith.constant 16 : i32
      %mul3A_1258 = arith.muli %scan3A_1244, %mul3A_1257 : i32
      %swap3A_1259 = arith.constant 2 : i32
      %swap3A_1260 = arith.index_cast %swap3A_1259 : i32 to index
      %swap3A_1261 = arith.index_cast %mul3A_1258 : i32 to index
      %swap3A_1262 = tpu.vector_load %arg7[%swap3A_1260, %swap3A_1261] {strides = array<i32>} : memref<16x1024xf32, #tpu.memory_space<vmem>>, vector<16xf32>,
      tpu.vector_store %arg7[%swap3A_1260, %swap3A_1261], %broadcast_in_dim3A_71 {strides = array<i32>} : memref<16x1024xf32, #tpu.memory_space<vmem>>, vector<16xf32>,
      %mul3A_1263 = arith.constant 16 : i32
      %mul3A_1264 = arith.muli %scan3A_1244, %mul3A_1263 : i32
      %swap3A_1265 = arith.constant 3 : i32
      %swap3A_1266 = arith.index_cast %swap3A_1265 : i32 to index
      %swap3A_1267 = arith.index_cast %mul3A_1264 : i32 to index
      %swap3A_1268 = tpu.vector_load %arg7[%swap3A_1266, %swap3A_1267] {strides = array<i32>} : memref<16x1024xf32, #tpu.memory_space<vmem>>, vector<16xf32>,
      tpu.vector_store %arg7[%swap3A_1266, %swap3A_1267], %broadcast_in_dim3A_71 {strides = array<i32>} : memref<16x1024xf32, #tpu.memory_space<vmem>>, vector<16xf32>,
      %mul3A_1269 = arith.constant 16 : i32
      %mul3A_1270 = arith.muli %scan3A_1244, %mul3A_1269 : i32
      %swap3A_1271 = arith.constant 4 : i32
      %swap3A_1272 = arith.index_cast %swap3A_1271 : i32 to index
      %swap3A_1273 = arith.index_cast %mul3A_1270 : i32 to index
      %swap3A_1274 = tpu.vector_load %arg7[%swap3A_1272, %swap3A_1273] {strides = array<i32>} : memref<16x1024xf32, #tpu.memory_space<vmem>>, vector<16xf32>,
      tpu.vector_store %arg7[%swap3A_1272, %swap3A_1273], %broadcast_in_dim3A_71 {strides = array<i32>} : memref<16x1024xf32, #tpu.memory_space<vmem>>, vector<16xf32>,
      %mul3A_1275 = arith.constant 16 : i32
      %mul3A_1276 = arith.muli %scan3A_1244, %mul3A_1275 : i32
      %swap3A_1277 = arith.constant 5 : i32
      %swap3A_1278 = arith.index_cast %swap3A_1277 : i32 to index
      %swap3A_1279 = arith.index_cast %mul3A_1276 : i32 to index
      %swap3A_1280 = tpu.vector_load %arg7[%swap3A_1278, %swap3A_1279] {strides = array<i32>} : memref<16x1024xf32, #tpu.memory_space<vmem>>, vector<16xf32>,
      tpu.vector_store %arg7[%swap3A_1278, %swap3A_1279], %broadcast_in_dim3A_71 {strides = array<i32>} : memref<16x1024xf32, #tpu.memory_space<vmem>>, vector<16xf32>,
      %mul3A_1281 = arith.constant 16 : i32
      %mul3A_1282 = arith.muli %scan3A_1244, %mul3A_1281 : i32
      %swap3A_1283 = arith.constant 6 : i32
      %swap3A_1284 = arith.index_cast %swap3A_1283 : i32 to index
      %swap3A_1285 = arith.index_cast %mul3A_1282 : i32 to index
      %swap3A_1286 = tpu.vector_load %arg7[%swap3A_1284, %swap3A_1285] {strides = array<i32>} : memref<16x1024xf32, #tpu.memory_space<vmem>>, vector<16xf32>,
      tpu.vector_store %arg7[%swap3A_1284, %swap3A_1285], %broadcast_in_dim3A_71 {strides = array<i32>} : memref<16x1024xf32, #tpu.memory_space<vmem>>, vector<16xf32>,
      %mul3A_1287 = arith.constant 16 : i32
      %mul3A_1288 = arith.muli %scan3A_1244, %mul3A_1287 : i32
      %swap3A_1289 = arith.constant 7 : i32
      %swap3A_1290 = arith.index_cast %swap3A_1289 : i32 to index
      %swap3A_1291 = arith.index_cast %mul3A_1288 : i32 to index
      %swap3A_1292 = tpu.vector_load %arg7[%swap3A_1290, %swap3A_1291] {strides = array<i32>} : memref<16x1024xf32, #tpu.memory_space<vmem>>, vector<16xf32>,
      tpu.vector_store %arg7[%swap3A_1290, %swap3A_1291], %broadcast_in_dim3A_71 {strides = array<i32>} : memref<16x1024xf32, #tpu.memory_space<vmem>>, vector<16xf32>,
      %mul3A_1293 = arith.constant 16 : i32
      %mul3A_1294 = arith.muli %scan3A_1244, %mul3A_1293 : i32
      %swap3A_1295 = arith.constant 8 : i32
      %swap3A_1296 = arith.index_cast %swap3A_1295 : i32 to index
      %swap3A_1297 = arith.index_cast %mul3A_1294 : i32 to index
      %swap3A_1298 = tpu.vector_load %arg7[%swap3A_1296, %swap3A_1297] {strides = array<i32>} : memref<16x1024xf32, #tpu.memory_space<vmem>>, vector<16xf32>,
      tpu.vector_store %arg7[%swap3A_1296, %swap3A_1297], %broadcast_in_dim3A_71 {strides = array<i32>} : memref<16x1024xf32, #tpu.memory_space<vmem>>, vector<16xf32>,
      %mul3A_1299 = arith.constant 16 : i32
      %mul3A_1300 = arith.muli %scan3A_1244, %mul3A_1299 : i32
      %swap3A_1301 = arith.constant 9 : i32
      %swap3A_1302 = arith.index_cast %swap3A_1301 : i32 to index
      %swap3A_1303 = arith.index_cast %mul3A_1300 : i32 to index
      %swap3A_1304 = tpu.vector_load %arg7[%swap3A_1302, %swap3A_1303] {strides = array<i32>} : memref<16x1024xf32, #tpu.memory_space<vmem>>, vector<16xf32>,
      tpu.vector_store %arg7[%swap3A_1302, %swap3A_1303], %broadcast_in_dim3A_71 {strides = array<i32>} : memref<16x1024xf32, #tpu.memory_space<vmem>>, vector<16xf32>,
      %mul3A_1305 = arith.constant 16 : i32
      %mul3A_1306 = arith.muli %scan3A_1244, %mul3A_1305 : i32
      %swap3A_1307 = arith.constant 10 : i32
      %swap3A_1308 = arith.index_cast %swap3A_1307 : i32 to index
      %swap3A_1309 = arith.index_cast %mul3A_1306 : i32 to index
      %swap3A_1310 = tpu.vector_load %arg7[%swap3A_1308, %swap3A_1309] {strides = array<i32>} : memref<16x1024xf32, #tpu.memory_space<vmem>>, vector<16xf32>,
      tpu.vector_store %arg7[%swap3A_1308, %swap3A_1309], %broadcast_in_dim3A_71 {strides = array<i32>} : memref<16x1024xf32, #tpu.memory_space<vmem>>, vector<16xf32>,
      %mul3A_1311 = arith.constant 16 : i32
      %mul3A_1312 = arith.muli %scan3A_1244, %mul3A_1311 : i32
      %swap3A_1313 = arith.constant 11 : i32
      %swap3A_1314 = arith.index_cast %swap3A_1313 : i32 to index
      %swap3A_1315 = arith.index_cast %mul3A_1312 : i32 to index
      %swap3A_1316 = tpu.vector_load %arg7[%swap3A_1314, %swap3A_1315] {strides = array<i32>} : memref<16x1024xf32, #tpu.memory_space<vmem>>, vector<16xf32>,
      tpu.vector_store %arg7[%swap3A_1314, %swap3A_1315], %broadcast_in_dim3A_71 {strides = array<i32>} : memref<16x1024xf32, #tpu.memory_space<vmem>>, vector<16xf32>,
      %mul3A_1317 = arith.constant 16 : i32
      %mul3A_1318 = arith.muli %scan3A_1244, %mul3A_1317 : i32
      %swap3A_1319 = arith.constant 12 : i32
      %swap3A_1320 = arith.index_cast %swap3A_1319 : i32 to index
      %swap3A_1321 = arith.index_cast %mul3A_1318 : i32 to index
      %swap3A_1322 = tpu.vector_load %arg7[%swap3A_1320, %swap3A_1321] {strides = array<i32>} : memref<16x1024xf32, #tpu.memory_space<vmem>>, vector<16xf32>,
      tpu.vector_store %arg7[%swap3A_1320, %swap3A_1321], %broadcast_in_dim3A_71 {strides = array<i32>} : memref<16x1024xf32, #tpu.memory_space<vmem>>, vector<16xf32>,
      %mul3A_1323 = arith.constant 16 : i32
      %mul3A_1324 = arith.muli %scan3A_1244, %mul3A_1323 : i32
      %swap3A_1325 = arith.constant 13 : i32
      %swap3A_1326 = arith.index_cast %swap3A_1325 : i32 to index
      %swap3A_1327 = arith.index_cast %mul3A_1324 : i32 to index
      %swap3A_1328 = tpu.vector_load %arg7[%swap3A_1326, %swap3A_1327] {strides = array<i32>} : memref<16x1024xf32, #tpu.memory_space<vmem>>, vector<16xf32>,
      tpu.vector_store %arg7[%swap3A_1326, %swap3A_1327], %broadcast_in_dim3A_71 {strides = array<i32>} : memref<16x1024xf32, #tpu.memory_space<vmem>>, vector<16xf32>,
      %mul3A_1329 = arith.constant 16 : i32
      %mul3A_1330 = arith.muli %scan3A_1244, %mul3A_1329 : i32
      %swap3A_1331 = arith.constant 14 : i32
      %swap3A_1332 = arith.index_cast %swap3A_1331 : i32 to index
      %swap3A_1333 = arith.index_cast %mul3A_1330 : i32 to index
      %swap3A_1334 = tpu.vector_load %arg7[%swap3A_1332, %swap3A_1333] {strides = array<i32>} : memref<16x1024xf32, #tpu.memory_space<vmem>>, vector<16xf32>,
      tpu.vector_store %arg7[%swap3A_1332, %swap3A_1333], %broadcast_in_dim3A_71 {strides = array<i32>} : memref<16x1024xf32, #tpu.memory_space<vmem>>, vector<16xf32>,
      %mul3A_1335 = arith.constant 16 : i32
      %mul3A_1336 = arith.muli %scan3A_1244, %mul3A_1335 : i32
      %swap3A_1337 = arith.constant 15 : i32
      %swap3A_1338 = arith.index_cast %swap3A_1337 : i32 to index
      %swap3A_1339 = arith.index_cast %mul3A_1336 : i32 to index
      %swap3A_1340 = tpu.vector_load %arg7[%swap3A_1338, %swap3A_1339] {strides = array<i32>} : memref<16x1024xf32, #tpu.memory_space<vmem>>, vector<16xf32>,
      tpu.vector_store %arg7[%swap3A_1338, %swap3A_1339], %broadcast_in_dim3A_71 {strides = array<i32>} : memref<16x1024xf32, #tpu.memory_space<vmem>>, vector<16xf32>,
      %scan3A_1341 = arith.constant 0 : i32
      scf.yield %scan3A_1341 : i32
    }
    %scan3A_952 = arith.constant 64 : i32
    %get3A_953 = arith.constant 96 : index
    %get3A_954 = tpu.vector_load %arg5[%get3A_953] {strides = array<i32>} : memref<4096xi32, #tpu.memory_space<vmem>>, vector<16xi32>,
    %get3A_955 = arith.constant 96 : index
    %get3A_956 = tpu.vector_load %arg6[%get3A_955] {strides = array<i32>} : memref<4096xf32, #tpu.memory_space<vmem>>, vector<16xf32>,
    tpu.vector_store_idx %arg7[%iota3A, %get3A_954], %get3A_956 {add = true} : memref<16x1024xf32, #tpu.memory_space<vmem>>[vector<16xi32>, vector<16xi32>], vector<16xf32>,
    %get3A_957 = arith.constant 224 : index
    %get3A_958 = tpu.vector_load %arg5[%get3A_957] {strides = array<i32>} : memref<4096xi32, #tpu.memory_space<vmem>>, vector<16xi32>,
    %get3A_959 = arith.constant 224 : index
    %get3A_960 = tpu.vector_load %arg6[%get3A_959] {strides = array<i32>} : memref<4096xf32, #tpu.memory_space<vmem>>, vector<16xf32>,
    tpu.vector_store_idx %arg7[%iota3A, %get3A_958], %get3A_960 {add = true} : memref<16x1024xf32, #tpu.memory_space<vmem>>[vector<16xi32>, vector<16xi32>], vector<16xf32>,
    %get3A_961 = arith.constant 352 : index
    %get3A_962 = tpu.vector_load %arg5[%get3A_961] {strides = array<i32>} : memref<4096xi32, #tpu.memory_space<vmem>>, vector<16xi32>,
    %get3A_963 = arith.constant 352 : index
    %get3A_964 = tpu.vector_load %arg6[%get3A_963] {strides = array<i32>} : memref<4096xf32, #tpu.memory_space<vmem>>, vector<16xf32>,
    tpu.vector_store_idx %arg7[%iota3A, %get3A_962], %get3A_964 {add = true} : memref<16x1024xf32, #tpu.memory_space<vmem>>[vector<16xi32>, vector<16xi32>], vector<16xf32>,
    %get3A_965 = arith.constant 480 : index
    %get3A_966 = tpu.vector_load %arg5[%get3A_965] {strides = array<i32>} : memref<4096xi32, #tpu.memory_space<vmem>>, vector<16xi32>,
    %get3A_967 = arith.constant 480 : index
    %get3A_968 = tpu.vector_load %arg6[%get3A_967] {strides = array<i32>} : memref<4096xf32, #tpu.memory_space<vmem>>, vector<16xf32>,
    tpu.vector_store_idx %arg7[%iota3A, %get3A_966], %get3A_968 {add = true} : memref<16x1024xf32, #tpu.memory_space<vmem>>[vector<16xi32>, vector<16xi32>], vector<16xf32>,
    %get3A_969 = arith.constant 608 : index
    %get3A_970 = tpu.vector_load %arg5[%get3A_969] {strides = array<i32>} : memref<4096xi32, #tpu.memory_space<vmem>>, vector<16xi32>,
    %get3A_971 = arith.constant 608 : index
    %get3A_972 = tpu.vector_load %arg6[%get3A_971] {strides = array<i32>} : memref<4096xf32, #tpu.memory_space<vmem>>, vector<16xf32>,
    tpu.vector_store_idx %arg7[%iota3A, %get3A_970], %get3A_972 {add = true} : memref<16x1024xf32, #tpu.memory_space<vmem>>[vector<16xi32>, vector<16xi32>], vector<16xf32>,
    %get3A_973 = arith.constant 736 : index
    %get3A_974 = tpu.vector_load %arg5[%get3A_973] {strides = array<i32>} : memref<4096xi32, #tpu.memory_space<vmem>>, vector<16xi32>,
    %get3A_975 = arith.constant 736 : index
    %get3A_976 = tpu.vector_load %arg6[%get3A_975] {strides = array<i32>} : memref<4096xf32, #tpu.memory_space<vmem>>, vector<16xf32>,
    tpu.vector_store_idx %arg7[%iota3A, %get3A_974], %get3A_976 {add = true} : memref<16x1024xf32, #tpu.memory_space<vmem>>[vector<16xi32>, vector<16xi32>], vector<16xf32>,
    %get3A_977 = arith.constant 864 : index
    %get3A_978 = tpu.vector_load %arg5[%get3A_977] {strides = array<i32>} : memref<4096xi32, #tpu.memory_space<vmem>>, vector<16xi32>,
    %get3A_979 = arith.constant 864 : index
    %get3A_980 = tpu.vector_load %arg6[%get3A_979] {strides = array<i32>} : memref<4096xf32, #tpu.memory_space<vmem>>, vector<16xf32>,
    tpu.vector_store_idx %arg7[%iota3A, %get3A_978], %get3A_980 {add = true} : memref<16x1024xf32, #tpu.memory_space<vmem>>[vector<16xi32>, vector<16xi32>], vector<16xf32>,
    %get3A_981 = arith.constant 992 : index
    %get3A_982 = tpu.vector_load %arg5[%get3A_981] {strides = array<i32>} : memref<4096xi32, #tpu.memory_space<vmem>>, vector<16xi32>,
    %get3A_983 = arith.constant 992 : index
    %get3A_984 = tpu.vector_load %arg6[%get3A_983] {strides = array<i32>} : memref<4096xf32, #tpu.memory_space<vmem>>, vector<16xf32>,
    tpu.vector_store_idx %arg7[%iota3A, %get3A_982], %get3A_984 {add = true} : memref<16x1024xf32, #tpu.memory_space<vmem>>[vector<16xi32>, vector<16xi32>], vector<16xf32>,
    %get3A_985 = arith.constant 1120 : index
    %get3A_986 = tpu.vector_load %arg5[%get3A_985] {strides = array<i32>} : memref<4096xi32, #tpu.memory_space<vmem>>, vector<16xi32>,
    %get3A_987 = arith.constant 1120 : index
    %get3A_988 = tpu.vector_load %arg6[%get3A_987] {strides = array<i32>} : memref<4096xf32, #tpu.memory_space<vmem>>, vector<16xf32>,
    tpu.vector_store_idx %arg7[%iota3A, %get3A_986], %get3A_988 {add = true} : memref<16x1024xf32, #tpu.memory_space<vmem>>[vector<16xi32>, vector<16xi32>], vector<16xf32>,
    %get3A_989 = arith.constant 1248 : index
    %get3A_990 = tpu.vector_load %arg5[%get3A_989] {strides = array<i32>} : memref<4096xi32, #tpu.memory_space<vmem>>, vector<16xi32>,
    %get3A_991 = arith.constant 1248 : index
    %get3A_992 = tpu.vector_load %arg6[%get3A_991] {strides = array<i32>} : memref<4096xf32, #tpu.memory_space<vmem>>, vector<16xf32>,
    tpu.vector_store_idx %arg7[%iota3A, %get3A_990], %get3A_992 {add = true} : memref<16x1024xf32, #tpu.memory_space<vmem>>[vector<16xi32>, vector<16xi32>], vector<16xf32>,
    %get3A_993 = arith.constant 1376 : index
    %get3A_994 = tpu.vector_load %arg5[%get3A_993] {strides = array<i32>} : memref<4096xi32, #tpu.memory_space<vmem>>, vector<16xi32>,
    %get3A_995 = arith.constant 1376 : index
    %get3A_996 = tpu.vector_load %arg6[%get3A_995] {strides = array<i32>} : memref<4096xf32, #tpu.memory_space<vmem>>, vector<16xf32>,
    tpu.vector_store_idx %arg7[%iota3A, %get3A_994], %get3A_996 {add = true} : memref<16x1024xf32, #tpu.memory_space<vmem>>[vector<16xi32>, vector<16xi32>], vector<16xf32>,
    %get3A_997 = arith.constant 1504 : index
    %get3A_998 = tpu.vector_load %arg5[%get3A_997] {strides = array<i32>} : memref<4096xi32, #tpu.memory_space<vmem>>, vector<16xi32>,
    %get3A_999 = arith.constant 1504 : index
    %get3A_1000 = tpu.vector_load %arg6[%get3A_999] {strides = array<i32>} : memref<4096xf32, #tpu.memory_space<vmem>>, vector<16xf32>,
    tpu.vector_store_idx %arg7[%iota3A, %get3A_998], %get3A_1000 {add = true} : memref<16x1024xf32, #tpu.memory_space<vmem>>[vector<16xi32>, vector<16xi32>], vector<16xf32>,
    %get3A_1001 = arith.constant 1632 : index
    %get3A_1002 = tpu.vector_load %arg5[%get3A_1001] {strides = array<i32>} : memref<4096xi32, #tpu.memory_space<vmem>>, vector<16xi32>,
    %get3A_1003 = arith.constant 1632 : index
    %get3A_1004 = tpu.vector_load %arg6[%get3A_1003] {strides = array<i32>} : memref<4096xf32, #tpu.memory_space<vmem>>, vector<16xf32>,
    tpu.vector_store_idx %arg7[%iota3A, %get3A_1002], %get3A_1004 {add = true} : memref<16x1024xf32, #tpu.memory_space<vmem>>[vector<16xi32>, vector<16xi32>], vector<16xf32>,
    %get3A_1005 = arith.constant 1760 : index
    %get3A_1006 = tpu.vector_load %arg5[%get3A_1005] {strides = array<i32>} : memref<4096xi32, #tpu.memory_space<vmem>>, vector<16xi32>,
    %get3A_1007 = arith.constant 1760 : index
    %get3A_1008 = tpu.vector_load %arg6[%get3A_1007] {strides = array<i32>} : memref<4096xf32, #tpu.memory_space<vmem>>, vector<16xf32>,
    tpu.vector_store_idx %arg7[%iota3A, %get3A_1006], %get3A_1008 {add = true} : memref<16x1024xf32, #tpu.memory_space<vmem>>[vector<16xi32>, vector<16xi32>], vector<16xf32>,
    %get3A_1009 = arith.constant 1888 : index
    %get3A_1010 = tpu.vector_load %arg5[%get3A_1009] {strides = array<i32>} : memref<4096xi32, #tpu.memory_space<vmem>>, vector<16xi32>,
    %get3A_1011 = arith.constant 1888 : index
    %get3A_1012 = tpu.vector_load %arg6[%get3A_1011] {strides = array<i32>} : memref<4096xf32, #tpu.memory_space<vmem>>, vector<16xf32>,
    tpu.vector_store_idx %arg7[%iota3A, %get3A_1010], %get3A_1012 {add = true} : memref<16x1024xf32, #tpu.memory_space<vmem>>[vector<16xi32>, vector<16xi32>], vector<16xf32>,
    %get3A_1013 = arith.constant 2016 : index
    %get3A_1014 = tpu.vector_load %arg5[%get3A_1013] {strides = array<i32>} : memref<4096xi32, #tpu.memory_space<vmem>>, vector<16xi32>,
    %get3A_1015 = arith.constant 2016 : index
    %get3A_1016 = tpu.vector_load %arg6[%get3A_1015] {strides = array<i32>} : memref<4096xf32, #tpu.memory_space<vmem>>, vector<16xf32>,
    tpu.vector_store_idx %arg7[%iota3A, %get3A_1014], %get3A_1016 {add = true} : memref<16x1024xf32, #tpu.memory_space<vmem>>[vector<16xi32>, vector<16xi32>], vector<16xf32>,
    %get3A_1017 = arith.constant 2144 : index
    %get3A_1018 = tpu.vector_load %arg5[%get3A_1017] {strides = array<i32>} : memref<4096xi32, #tpu.memory_space<vmem>>, vector<16xi32>,
    %get3A_1019 = arith.constant 2144 : index
    %get3A_1020 = tpu.vector_load %arg6[%get3A_1019] {strides = array<i32>} : memref<4096xf32, #tpu.memory_space<vmem>>, vector<16xf32>,
    tpu.vector_store_idx %arg7[%iota3A, %get3A_1018], %get3A_1020 {add = true} : memref<16x1024xf32, #tpu.memory_space<vmem>>[vector<16xi32>, vector<16xi32>], vector<16xf32>,
    %get3A_1021 = arith.constant 2272 : index
    %get3A_1022 = tpu.vector_load %arg5[%get3A_1021] {strides = array<i32>} : memref<4096xi32, #tpu.memory_space<vmem>>, vector<16xi32>,
    %get3A_1023 = arith.constant 2272 : index
    %get3A_1024 = tpu.vector_load %arg6[%get3A_1023] {strides = array<i32>} : memref<4096xf32, #tpu.memory_space<vmem>>, vector<16xf32>,
    tpu.vector_store_idx %arg7[%iota3A, %get3A_1022], %get3A_1024 {add = true} : memref<16x1024xf32, #tpu.memory_space<vmem>>[vector<16xi32>, vector<16xi32>], vector<16xf32>,
    %get3A_1025 = arith.constant 2400 : index
    %get3A_1026 = tpu.vector_load %arg5[%get3A_1025] {strides = array<i32>} : memref<4096xi32, #tpu.memory_space<vmem>>, vector<16xi32>,
    %get3A_1027 = arith.constant 2400 : index
    %get3A_1028 = tpu.vector_load %arg6[%get3A_1027] {strides = array<i32>} : memref<4096xf32, #tpu.memory_space<vmem>>, vector<16xf32>,
    tpu.vector_store_idx %arg7[%iota3A, %get3A_1026], %get3A_1028 {add = true} : memref<16x1024xf32, #tpu.memory_space<vmem>>[vector<16xi32>, vector<16xi32>], vector<16xf32>,
    %get3A_1029 = arith.constant 2528 : index
    %get3A_1030 = tpu.vector_load %arg5[%get3A_1029] {strides = array<i32>} : memref<4096xi32, #tpu.memory_space<vmem>>, vector<16xi32>,
    %get3A_1031 = arith.constant 2528 : index
    %get3A_1032 = tpu.vector_load %arg6[%get3A_1031] {strides = array<i32>} : memref<4096xf32, #tpu.memory_space<vmem>>, vector<16xf32>,
    tpu.vector_store_idx %arg7[%iota3A, %get3A_1030], %get3A_1032 {add = true} : memref<16x1024xf32, #tpu.memory_space<vmem>>[vector<16xi32>, vector<16xi32>], vector<16xf32>,
    %get3A_1033 = arith.constant 2656 : index
    %get3A_1034 = tpu.vector_load %arg5[%get3A_1033] {strides = array<i32>} : memref<4096xi32, #tpu.memory_space<vmem>>, vector<16xi32>,
    %get3A_1035 = arith.constant 2656 : index
    %get3A_1036 = tpu.vector_load %arg6[%get3A_1035] {strides = array<i32>} : memref<4096xf32, #tpu.memory_space<vmem>>, vector<16xf32>,
    tpu.vector_store_idx %arg7[%iota3A, %get3A_1034], %get3A_1036 {add = true} : memref<16x1024xf32, #tpu.memory_space<vmem>>[vector<16xi32>, vector<16xi32>], vector<16xf32>,
    %get3A_1037 = arith.constant 2784 : index
    %get3A_1038 = tpu.vector_load %arg5[%get3A_1037] {strides = array<i32>} : memref<4096xi32, #tpu.memory_space<vmem>>, vector<16xi32>,
    %get3A_1039 = arith.constant 2784 : index
    %get3A_1040 = tpu.vector_load %arg6[%get3A_1039] {strides = array<i32>} : memref<4096xf32, #tpu.memory_space<vmem>>, vector<16xf32>,
    tpu.vector_store_idx %arg7[%iota3A, %get3A_1038], %get3A_1040 {add = true} : memref<16x1024xf32, #tpu.memory_space<vmem>>[vector<16xi32>, vector<16xi32>], vector<16xf32>,
    %get3A_1041 = arith.constant 2912 : index
    %get3A_1042 = tpu.vector_load %arg5[%get3A_1041] {strides = array<i32>} : memref<4096xi32, #tpu.memory_space<vmem>>, vector<16xi32>,
    %get3A_1043 = arith.constant 2912 : index
    %get3A_1044 = tpu.vector_load %arg6[%get3A_1043] {strides = array<i32>} : memref<4096xf32, #tpu.memory_space<vmem>>, vector<16xf32>,
    tpu.vector_store_idx %arg7[%iota3A, %get3A_1042], %get3A_1044 {add = true} : memref<16x1024xf32, #tpu.memory_space<vmem>>[vector<16xi32>, vector<16xi32>], vector<16xf32>,
    %get3A_1045 = arith.constant 3040 : index
    %get3A_1046 = tpu.vector_load %arg5[%get3A_1045] {strides = array<i32>} : memref<4096xi32, #tpu.memory_space<vmem>>, vector<16xi32>,
    %get3A_1047 = arith.constant 3040 : index
    %get3A_1048 = tpu.vector_load %arg6[%get3A_1047] {strides = array<i32>} : memref<4096xf32, #tpu.memory_space<vmem>>, vector<16xf32>,
    tpu.vector_store_idx %arg7[%iota3A, %get3A_1046], %get3A_1048 {add = true} : memref<16x1024xf32, #tpu.memory_space<vmem>>[vector<16xi32>, vector<16xi32>], vector<16xf32>,
    %get3A_1049 = arith.constant 3168 : index
    %get3A_1050 = tpu.vector_load %arg5[%get3A_1049] {strides = array<i32>} : memref<4096xi32, #tpu.memory_space<vmem>>, vector<16xi32>,
    %get3A_1051 = arith.constant 3168 : index
    %get3A_1052 = tpu.vector_load %arg6[%get3A_1051] {strides = array<i32>} : memref<4096xf32, #tpu.memory_space<vmem>>, vector<16xf32>,
    tpu.vector_store_idx %arg7[%iota3A, %get3A_1050], %get3A_1052 {add = true} : memref<16x1024xf32, #tpu.memory_space<vmem>>[vector<16xi32>, vector<16xi32>], vector<16xf32>,
    %get3A_1053 = arith.constant 3296 : index
    %get3A_1054 = tpu.vector_load %arg5[%get3A_1053] {strides = array<i32>} : memref<4096xi32, #tpu.memory_space<vmem>>, vector<16xi32>,
    %get3A_1055 = arith.constant 3296 : index
    %get3A_1056 = tpu.vector_load %arg6[%get3A_1055] {strides = array<i32>} : memref<4096xf32, #tpu.memory_space<vmem>>, vector<16xf32>,
    tpu.vector_store_idx %arg7[%iota3A, %get3A_1054], %get3A_1056 {add = true} : memref<16x1024xf32, #tpu.memory_space<vmem>>[vector<16xi32>, vector<16xi32>], vector<16xf32>,
    %get3A_1057 = arith.constant 3424 : index
    %get3A_1058 = tpu.vector_load %arg5[%get3A_1057] {strides = array<i32>} : memref<4096xi32, #tpu.memory_space<vmem>>, vector<16xi32>,
    %get3A_1059 = arith.constant 3424 : index
    %get3A_1060 = tpu.vector_load %arg6[%get3A_1059] {strides = array<i32>} : memref<4096xf32, #tpu.memory_space<vmem>>, vector<16xf32>,
    tpu.vector_store_idx %arg7[%iota3A, %get3A_1058], %get3A_1060 {add = true} : memref<16x1024xf32, #tpu.memory_space<vmem>>[vector<16xi32>, vector<16xi32>], vector<16xf32>,
    %get3A_1061 = arith.constant 3552 : index
    %get3A_1062 = tpu.vector_load %arg5[%get3A_1061] {strides = array<i32>} : memref<4096xi32, #tpu.memory_space<vmem>>, vector<16xi32>,
    %get3A_1063 = arith.constant 3552 : index
    %get3A_1064 = tpu.vector_load %arg6[%get3A_1063] {strides = array<i32>} : memref<4096xf32, #tpu.memory_space<vmem>>, vector<16xf32>,
    tpu.vector_store_idx %arg7[%iota3A, %get3A_1062], %get3A_1064 {add = true} : memref<16x1024xf32, #tpu.memory_space<vmem>>[vector<16xi32>, vector<16xi32>], vector<16xf32>,
    %get3A_1065 = arith.constant 3680 : index
    %get3A_1066 = tpu.vector_load %arg5[%get3A_1065] {strides = array<i32>} : memref<4096xi32, #tpu.memory_space<vmem>>, vector<16xi32>,
    %get3A_1067 = arith.constant 3680 : index
    %get3A_1068 = tpu.vector_load %arg6[%get3A_1067] {strides = array<i32>} : memref<4096xf32, #tpu.memory_space<vmem>>, vector<16xf32>,
    tpu.vector_store_idx %arg7[%iota3A, %get3A_1066], %get3A_1068 {add = true} : memref<16x1024xf32, #tpu.memory_space<vmem>>[vector<16xi32>, vector<16xi32>], vector<16xf32>,
    %get3A_1069 = arith.constant 3808 : index
    %get3A_1070 = tpu.vector_load %arg5[%get3A_1069] {strides = array<i32>} : memref<4096xi32, #tpu.memory_space<vmem>>, vector<16xi32>,
    %get3A_1071 = arith.constant 3808 : index
    %get3A_1072 = tpu.vector_load %arg6[%get3A_1071] {strides = array<i32>} : memref<4096xf32, #tpu.memory_space<vmem>>, vector<16xf32>,
    tpu.vector_store_idx %arg7[%iota3A, %get3A_1070], %get3A_1072 {add = true} : memref<16x1024xf32, #tpu.memory_space<vmem>>[vector<16xi32>, vector<16xi32>], vector<16xf32>,
    %get3A_1073 = arith.constant 3936 : index
    %get3A_1074 = tpu.vector_load %arg5[%get3A_1073] {strides = array<i32>} : memref<4096xi32, #tpu.memory_space<vmem>>, vector<16xi32>,
    %get3A_1075 = arith.constant 3936 : index
    %get3A_1076 = tpu.vector_load %arg6[%get3A_1075] {strides = array<i32>} : memref<4096xf32, #tpu.memory_space<vmem>>, vector<16xf32>,
    tpu.vector_store_idx %arg7[%iota3A, %get3A_1074], %get3A_1076 {add = true} : memref<16x1024xf32, #tpu.memory_space<vmem>>[vector<16xi32>, vector<16xi32>], vector<16xf32>,
    %get3A_1077 = arith.constant 4064 : index
    %get3A_1078 = tpu.vector_load %arg5[%get3A_1077] {strides = array<i32>} : memref<4096xi32, #tpu.memory_space<vmem>>, vector<16xi32>,
    %get3A_1079 = arith.constant 4064 : index
    %get3A_1080 = tpu.vector_load %arg6[%get3A_1079] {strides = array<i32>} : memref<4096xf32, #tpu.memory_space<vmem>>, vector<16xf32>,
    tpu.vector_store_idx %arg7[%iota3A, %get3A_1078], %get3A_1080 {add = true} : memref<16x1024xf32, #tpu.memory_space<vmem>>[vector<16xi32>, vector<16xi32>], vector<16xf32>,
    %mul3A_1081 = arith.constant 128 : i32
    %mul3A_1082 = arith.muli %add3A, %mul3A_1081 : i32
    %add3A_1083 = arith.constant 96 : i32
    %add3A_1084 = arith.addi %mul3A_1082, %add3A_1083 : i32
    %dma_start3A_1085 = arith.constant 0 : i32
    %dma_start3A_1086 = tpu.memref_slice %arg4[%add3A_1084, %dma_start3A_1085] : memref<4096x1024xf32, #tpu.memory_space<hbm>> -> memref<16x1024xf32, #tpu.memory_space<hbm>>
    %dma_start3A_1087 = arith.constant 0 : i32
    %dma_start3A_1088 = tpu.memref_slice %arg4[%add3A_1084, %dma_start3A_1087] : memref<4096x1024xf32, #tpu.memory_space<hbm>> -> memref<16x1024xf32, #tpu.memory_space<hbm>>
    tpu.enqueue_dma source(%arg7 : memref<16x1024xf32, #tpu.memory_space<vmem>>) target(%dma_start3A_1088 : memref<16x1024xf32, #tpu.memory_space<hbm>>) target_semaphore(%arg9 : memref<!tpu.dma_semaphore, #tpu.memory_space<semaphore_mem>>)
    %dma_wait3A_1089 = arith.constant 0 : i32
    %dma_wait3A_1090 = tpu.memref_slice %arg4[%add3A_937, %dma_wait3A_1089] : memref<4096x1024xf32, #tpu.memory_space<hbm>> -> memref<16x1024xf32, #tpu.memory_space<hbm>>
    %dma_wait3A_1091 = arith.constant 0 : i32
    %dma_wait3A_1092 = tpu.memref_slice %arg4[%add3A_937, %dma_wait3A_1091] : memref<4096x1024xf32, #tpu.memory_space<hbm>> -> memref<16x1024xf32, #tpu.memory_space<hbm>>
    tpu.wait_dma2 semaphore(%arg10 : memref<!tpu.dma_semaphore, #tpu.memory_space<semaphore_mem>>) src(%arg8 : memref<16x1024xf32, #tpu.memory_space<vmem>>) dst(%dma_wait3A_1092 : memref<16x1024xf32, #tpu.memory_space<hbm>>)
    %scan3A_1093 = arith.constant 0 : i32
    %scan3A_1094 = arith.constant 0 : i32
    %scan3A_1095 = arith.constant 64 : i32
    %scan3A_1096 = arith.addi %scan3A_1094, %scan3A_1095 : i32
    %scan3A_1097 = arith.constant 1 : i32
    %scan3A_1098 = scf.for %scan3A_1244 = %scan3A_1094 to %scan3A_1096 step %scan3A_1097 iter_args(%scan3A_1245 = %scan3A_1093) -> (i32)  : i32 {
      %mul3A_1246 = arith.constant 16 : i32
      %mul3A_1247 = arith.muli %scan3A_1244, %mul3A_1246 : i32
      %swap3A = arith.constant 0 : i32
      %swap3A_1248 = arith.index_cast %swap3A : i32 to index
      %swap3A_1249 = arith.index_cast %mul3A_1247 : i32 to index
      %swap3A_1250 = tpu.vector_load %arg8[%swap3A_1248, %swap3A_1249] {strides = array<i32>} : memref<16x1024xf32, #tpu.memory_space<vmem>>, vector<16xf32>,
      tpu.vector_store %arg8[%swap3A_1248, %swap3A_1249], %broadcast_in_dim3A_71 {strides = array<i32>} : memref<16x1024xf32, #tpu.memory_space<vmem>>, vector<16xf32>,
      %mul3A_1251 = arith.constant 16 : i32
      %mul3A_1252 = arith.muli %scan3A_1244, %mul3A_1251 : i32
      %swap3A_1253 = arith.constant 1 : i32
      %swap3A_1254 = arith.index_cast %swap3A_1253 : i32 to index
      %swap3A_1255 = arith.index_cast %mul3A_1252 : i32 to index
      %swap3A_1256 = tpu.vector_load %arg8[%swap3A_1254, %swap3A_1255] {strides = array<i32>} : memref<16x1024xf32, #tpu.memory_space<vmem>>, vector<16xf32>,
      tpu.vector_store %arg8[%swap3A_1254, %swap3A_1255], %broadcast_in_dim3A_71 {strides = array<i32>} : memref<16x1024xf32, #tpu.memory_space<vmem>>, vector<16xf32>,
      %mul3A_1257 = arith.constant 16 : i32
      %mul3A_1258 = arith.muli %scan3A_1244, %mul3A_1257 : i32
      %swap3A_1259 = arith.constant 2 : i32
      %swap3A_1260 = arith.index_cast %swap3A_1259 : i32 to index
      %swap3A_1261 = arith.index_cast %mul3A_1258 : i32 to index
      %swap3A_1262 = tpu.vector_load %arg8[%swap3A_1260, %swap3A_1261] {strides = array<i32>} : memref<16x1024xf32, #tpu.memory_space<vmem>>, vector<16xf32>,
      tpu.vector_store %arg8[%swap3A_1260, %swap3A_1261], %broadcast_in_dim3A_71 {strides = array<i32>} : memref<16x1024xf32, #tpu.memory_space<vmem>>, vector<16xf32>,
      %mul3A_1263 = arith.constant 16 : i32
      %mul3A_1264 = arith.muli %scan3A_1244, %mul3A_1263 : i32
      %swap3A_1265 = arith.constant 3 : i32
      %swap3A_1266 = arith.index_cast %swap3A_1265 : i32 to index
      %swap3A_1267 = arith.index_cast %mul3A_1264 : i32 to index
      %swap3A_1268 = tpu.vector_load %arg8[%swap3A_1266, %swap3A_1267] {strides = array<i32>} : memref<16x1024xf32, #tpu.memory_space<vmem>>, vector<16xf32>,
      tpu.vector_store %arg8[%swap3A_1266, %swap3A_1267], %broadcast_in_dim3A_71 {strides = array<i32>} : memref<16x1024xf32, #tpu.memory_space<vmem>>, vector<16xf32>,
      %mul3A_1269 = arith.constant 16 : i32
      %mul3A_1270 = arith.muli %scan3A_1244, %mul3A_1269 : i32
      %swap3A_1271 = arith.constant 4 : i32
      %swap3A_1272 = arith.index_cast %swap3A_1271 : i32 to index
      %swap3A_1273 = arith.index_cast %mul3A_1270 : i32 to index
      %swap3A_1274 = tpu.vector_load %arg8[%swap3A_1272, %swap3A_1273] {strides = array<i32>} : memref<16x1024xf32, #tpu.memory_space<vmem>>, vector<16xf32>,
      tpu.vector_store %arg8[%swap3A_1272, %swap3A_1273], %broadcast_in_dim3A_71 {strides = array<i32>} : memref<16x1024xf32, #tpu.memory_space<vmem>>, vector<16xf32>,
      %mul3A_1275 = arith.constant 16 : i32
      %mul3A_1276 = arith.muli %scan3A_1244, %mul3A_1275 : i32
      %swap3A_1277 = arith.constant 5 : i32
      %swap3A_1278 = arith.index_cast %swap3A_1277 : i32 to index
      %swap3A_1279 = arith.index_cast %mul3A_1276 : i32 to index
      %swap3A_1280 = tpu.vector_load %arg8[%swap3A_1278, %swap3A_1279] {strides = array<i32>} : memref<16x1024xf32, #tpu.memory_space<vmem>>, vector<16xf32>,
      tpu.vector_store %arg8[%swap3A_1278, %swap3A_1279], %broadcast_in_dim3A_71 {strides = array<i32>} : memref<16x1024xf32, #tpu.memory_space<vmem>>, vector<16xf32>,
      %mul3A_1281 = arith.constant 16 : i32
      %mul3A_1282 = arith.muli %scan3A_1244, %mul3A_1281 : i32
      %swap3A_1283 = arith.constant 6 : i32
      %swap3A_1284 = arith.index_cast %swap3A_1283 : i32 to index
      %swap3A_1285 = arith.index_cast %mul3A_1282 : i32 to index
      %swap3A_1286 = tpu.vector_load %arg8[%swap3A_1284, %swap3A_1285] {strides = array<i32>} : memref<16x1024xf32, #tpu.memory_space<vmem>>, vector<16xf32>,
      tpu.vector_store %arg8[%swap3A_1284, %swap3A_1285], %broadcast_in_dim3A_71 {strides = array<i32>} : memref<16x1024xf32, #tpu.memory_space<vmem>>, vector<16xf32>,
      %mul3A_1287 = arith.constant 16 : i32
      %mul3A_1288 = arith.muli %scan3A_1244, %mul3A_1287 : i32
      %swap3A_1289 = arith.constant 7 : i32
      %swap3A_1290 = arith.index_cast %swap3A_1289 : i32 to index
      %swap3A_1291 = arith.index_cast %mul3A_1288 : i32 to index
      %swap3A_1292 = tpu.vector_load %arg8[%swap3A_1290, %swap3A_1291] {strides = array<i32>} : memref<16x1024xf32, #tpu.memory_space<vmem>>, vector<16xf32>,
      tpu.vector_store %arg8[%swap3A_1290, %swap3A_1291], %broadcast_in_dim3A_71 {strides = array<i32>} : memref<16x1024xf32, #tpu.memory_space<vmem>>, vector<16xf32>,
      %mul3A_1293 = arith.constant 16 : i32
      %mul3A_1294 = arith.muli %scan3A_1244, %mul3A_1293 : i32
      %swap3A_1295 = arith.constant 8 : i32
      %swap3A_1296 = arith.index_cast %swap3A_1295 : i32 to index
      %swap3A_1297 = arith.index_cast %mul3A_1294 : i32 to index
      %swap3A_1298 = tpu.vector_load %arg8[%swap3A_1296, %swap3A_1297] {strides = array<i32>} : memref<16x1024xf32, #tpu.memory_space<vmem>>, vector<16xf32>,
      tpu.vector_store %arg8[%swap3A_1296, %swap3A_1297], %broadcast_in_dim3A_71 {strides = array<i32>} : memref<16x1024xf32, #tpu.memory_space<vmem>>, vector<16xf32>,
      %mul3A_1299 = arith.constant 16 : i32
      %mul3A_1300 = arith.muli %scan3A_1244, %mul3A_1299 : i32
      %swap3A_1301 = arith.constant 9 : i32
      %swap3A_1302 = arith.index_cast %swap3A_1301 : i32 to index
      %swap3A_1303 = arith.index_cast %mul3A_1300 : i32 to index
      %swap3A_1304 = tpu.vector_load %arg8[%swap3A_1302, %swap3A_1303] {strides = array<i32>} : memref<16x1024xf32, #tpu.memory_space<vmem>>, vector<16xf32>,
      tpu.vector_store %arg8[%swap3A_1302, %swap3A_1303], %broadcast_in_dim3A_71 {strides = array<i32>} : memref<16x1024xf32, #tpu.memory_space<vmem>>, vector<16xf32>,
      %mul3A_1305 = arith.constant 16 : i32
      %mul3A_1306 = arith.muli %scan3A_1244, %mul3A_1305 : i32
      %swap3A_1307 = arith.constant 10 : i32
      %swap3A_1308 = arith.index_cast %swap3A_1307 : i32 to index
      %swap3A_1309 = arith.index_cast %mul3A_1306 : i32 to index
      %swap3A_1310 = tpu.vector_load %arg8[%swap3A_1308, %swap3A_1309] {strides = array<i32>} : memref<16x1024xf32, #tpu.memory_space<vmem>>, vector<16xf32>,
      tpu.vector_store %arg8[%swap3A_1308, %swap3A_1309], %broadcast_in_dim3A_71 {strides = array<i32>} : memref<16x1024xf32, #tpu.memory_space<vmem>>, vector<16xf32>,
      %mul3A_1311 = arith.constant 16 : i32
      %mul3A_1312 = arith.muli %scan3A_1244, %mul3A_1311 : i32
      %swap3A_1313 = arith.constant 11 : i32
      %swap3A_1314 = arith.index_cast %swap3A_1313 : i32 to index
      %swap3A_1315 = arith.index_cast %mul3A_1312 : i32 to index
      %swap3A_1316 = tpu.vector_load %arg8[%swap3A_1314, %swap3A_1315] {strides = array<i32>} : memref<16x1024xf32, #tpu.memory_space<vmem>>, vector<16xf32>,
      tpu.vector_store %arg8[%swap3A_1314, %swap3A_1315], %broadcast_in_dim3A_71 {strides = array<i32>} : memref<16x1024xf32, #tpu.memory_space<vmem>>, vector<16xf32>,
      %mul3A_1317 = arith.constant 16 : i32
      %mul3A_1318 = arith.muli %scan3A_1244, %mul3A_1317 : i32
      %swap3A_1319 = arith.constant 12 : i32
      %swap3A_1320 = arith.index_cast %swap3A_1319 : i32 to index
      %swap3A_1321 = arith.index_cast %mul3A_1318 : i32 to index
      %swap3A_1322 = tpu.vector_load %arg8[%swap3A_1320, %swap3A_1321] {strides = array<i32>} : memref<16x1024xf32, #tpu.memory_space<vmem>>, vector<16xf32>,
      tpu.vector_store %arg8[%swap3A_1320, %swap3A_1321], %broadcast_in_dim3A_71 {strides = array<i32>} : memref<16x1024xf32, #tpu.memory_space<vmem>>, vector<16xf32>,
      %mul3A_1323 = arith.constant 16 : i32
      %mul3A_1324 = arith.muli %scan3A_1244, %mul3A_1323 : i32
      %swap3A_1325 = arith.constant 13 : i32
      %swap3A_1326 = arith.index_cast %swap3A_1325 : i32 to index
      %swap3A_1327 = arith.index_cast %mul3A_1324 : i32 to index
      %swap3A_1328 = tpu.vector_load %arg8[%swap3A_1326, %swap3A_1327] {strides = array<i32>} : memref<16x1024xf32, #tpu.memory_space<vmem>>, vector<16xf32>,
      tpu.vector_store %arg8[%swap3A_1326, %swap3A_1327], %broadcast_in_dim3A_71 {strides = array<i32>} : memref<16x1024xf32, #tpu.memory_space<vmem>>, vector<16xf32>,
      %mul3A_1329 = arith.constant 16 : i32
      %mul3A_1330 = arith.muli %scan3A_1244, %mul3A_1329 : i32
      %swap3A_1331 = arith.constant 14 : i32
      %swap3A_1332 = arith.index_cast %swap3A_1331 : i32 to index
      %swap3A_1333 = arith.index_cast %mul3A_1330 : i32 to index
      %swap3A_1334 = tpu.vector_load %arg8[%swap3A_1332, %swap3A_1333] {strides = array<i32>} : memref<16x1024xf32, #tpu.memory_space<vmem>>, vector<16xf32>,
      tpu.vector_store %arg8[%swap3A_1332, %swap3A_1333], %broadcast_in_dim3A_71 {strides = array<i32>} : memref<16x1024xf32, #tpu.memory_space<vmem>>, vector<16xf32>,
      %mul3A_1335 = arith.constant 16 : i32
      %mul3A_1336 = arith.muli %scan3A_1244, %mul3A_1335 : i32
      %swap3A_1337 = arith.constant 15 : i32
      %swap3A_1338 = arith.index_cast %swap3A_1337 : i32 to index
      %swap3A_1339 = arith.index_cast %mul3A_1336 : i32 to index
      %swap3A_1340 = tpu.vector_load %arg8[%swap3A_1338, %swap3A_1339] {strides = array<i32>} : memref<16x1024xf32, #tpu.memory_space<vmem>>, vector<16xf32>,
      tpu.vector_store %arg8[%swap3A_1338, %swap3A_1339], %broadcast_in_dim3A_71 {strides = array<i32>} : memref<16x1024xf32, #tpu.memory_space<vmem>>, vector<16xf32>,
      %scan3A_1341 = arith.constant 0 : i32
      scf.yield %scan3A_1341 : i32
    }
    %scan3A_1099 = arith.constant 64 : i32
    %get3A_1100 = arith.constant 112 : index
    %get3A_1101 = tpu.vector_load %arg5[%get3A_1100] {strides = array<i32>} : memref<4096xi32, #tpu.memory_space<vmem>>, vector<16xi32>,
    %get3A_1102 = arith.constant 112 : index
    %get3A_1103 = tpu.vector_load %arg6[%get3A_1102] {strides = array<i32>} : memref<4096xf32, #tpu.memory_space<vmem>>, vector<16xf32>,
    tpu.vector_store_idx %arg8[%iota3A, %get3A_1101], %get3A_1103 {add = true} : memref<16x1024xf32, #tpu.memory_space<vmem>>[vector<16xi32>, vector<16xi32>], vector<16xf32>,
    %get3A_1104 = arith.constant 240 : index
    %get3A_1105 = tpu.vector_load %arg5[%get3A_1104] {strides = array<i32>} : memref<4096xi32, #tpu.memory_space<vmem>>, vector<16xi32>,
    %get3A_1106 = arith.constant 240 : index
    %get3A_1107 = tpu.vector_load %arg6[%get3A_1106] {strides = array<i32>} : memref<4096xf32, #tpu.memory_space<vmem>>, vector<16xf32>,
    tpu.vector_store_idx %arg8[%iota3A, %get3A_1105], %get3A_1107 {add = true} : memref<16x1024xf32, #tpu.memory_space<vmem>>[vector<16xi32>, vector<16xi32>], vector<16xf32>,
    %get3A_1108 = arith.constant 368 : index
    %get3A_1109 = tpu.vector_load %arg5[%get3A_1108] {strides = array<i32>} : memref<4096xi32, #tpu.memory_space<vmem>>, vector<16xi32>,
    %get3A_1110 = arith.constant 368 : index
    %get3A_1111 = tpu.vector_load %arg6[%get3A_1110] {strides = array<i32>} : memref<4096xf32, #tpu.memory_space<vmem>>, vector<16xf32>,
    tpu.vector_store_idx %arg8[%iota3A, %get3A_1109], %get3A_1111 {add = true} : memref<16x1024xf32, #tpu.memory_space<vmem>>[vector<16xi32>, vector<16xi32>], vector<16xf32>,
    %get3A_1112 = arith.constant 496 : index
    %get3A_1113 = tpu.vector_load %arg5[%get3A_1112] {strides = array<i32>} : memref<4096xi32, #tpu.memory_space<vmem>>, vector<16xi32>,
    %get3A_1114 = arith.constant 496 : index
    %get3A_1115 = tpu.vector_load %arg6[%get3A_1114] {strides = array<i32>} : memref<4096xf32, #tpu.memory_space<vmem>>, vector<16xf32>,
    tpu.vector_store_idx %arg8[%iota3A, %get3A_1113], %get3A_1115 {add = true} : memref<16x1024xf32, #tpu.memory_space<vmem>>[vector<16xi32>, vector<16xi32>], vector<16xf32>,
    %get3A_1116 = arith.constant 624 : index
    %get3A_1117 = tpu.vector_load %arg5[%get3A_1116] {strides = array<i32>} : memref<4096xi32, #tpu.memory_space<vmem>>, vector<16xi32>,
    %get3A_1118 = arith.constant 624 : index
    %get3A_1119 = tpu.vector_load %arg6[%get3A_1118] {strides = array<i32>} : memref<4096xf32, #tpu.memory_space<vmem>>, vector<16xf32>,
    tpu.vector_store_idx %arg8[%iota3A, %get3A_1117], %get3A_1119 {add = true} : memref<16x1024xf32, #tpu.memory_space<vmem>>[vector<16xi32>, vector<16xi32>], vector<16xf32>,
    %get3A_1120 = arith.constant 752 : index
    %get3A_1121 = tpu.vector_load %arg5[%get3A_1120] {strides = array<i32>} : memref<4096xi32, #tpu.memory_space<vmem>>, vector<16xi32>,
    %get3A_1122 = arith.constant 752 : index
    %get3A_1123 = tpu.vector_load %arg6[%get3A_1122] {strides = array<i32>} : memref<4096xf32, #tpu.memory_space<vmem>>, vector<16xf32>,
    tpu.vector_store_idx %arg8[%iota3A, %get3A_1121], %get3A_1123 {add = true} : memref<16x1024xf32, #tpu.memory_space<vmem>>[vector<16xi32>, vector<16xi32>], vector<16xf32>,
    %get3A_1124 = arith.constant 880 : index
    %get3A_1125 = tpu.vector_load %arg5[%get3A_1124] {strides = array<i32>} : memref<4096xi32, #tpu.memory_space<vmem>>, vector<16xi32>,
    %get3A_1126 = arith.constant 880 : index
    %get3A_1127 = tpu.vector_load %arg6[%get3A_1126] {strides = array<i32>} : memref<4096xf32, #tpu.memory_space<vmem>>, vector<16xf32>,
    tpu.vector_store_idx %arg8[%iota3A, %get3A_1125], %get3A_1127 {add = true} : memref<16x1024xf32, #tpu.memory_space<vmem>>[vector<16xi32>, vector<16xi32>], vector<16xf32>,
    %get3A_1128 = arith.constant 1008 : index
    %get3A_1129 = tpu.vector_load %arg5[%get3A_1128] {strides = array<i32>} : memref<4096xi32, #tpu.memory_space<vmem>>, vector<16xi32>,
    %get3A_1130 = arith.constant 1008 : index
    %get3A_1131 = tpu.vector_load %arg6[%get3A_1130] {strides = array<i32>} : memref<4096xf32, #tpu.memory_space<vmem>>, vector<16xf32>,
    tpu.vector_store_idx %arg8[%iota3A, %get3A_1129], %get3A_1131 {add = true} : memref<16x1024xf32, #tpu.memory_space<vmem>>[vector<16xi32>, vector<16xi32>], vector<16xf32>,
    %get3A_1132 = arith.constant 1136 : index
    %get3A_1133 = tpu.vector_load %arg5[%get3A_1132] {strides = array<i32>} : memref<4096xi32, #tpu.memory_space<vmem>>, vector<16xi32>,
    %get3A_1134 = arith.constant 1136 : index
    %get3A_1135 = tpu.vector_load %arg6[%get3A_1134] {strides = array<i32>} : memref<4096xf32, #tpu.memory_space<vmem>>, vector<16xf32>,
    tpu.vector_store_idx %arg8[%iota3A, %get3A_1133], %get3A_1135 {add = true} : memref<16x1024xf32, #tpu.memory_space<vmem>>[vector<16xi32>, vector<16xi32>], vector<16xf32>,
    %get3A_1136 = arith.constant 1264 : index
    %get3A_1137 = tpu.vector_load %arg5[%get3A_1136] {strides = array<i32>} : memref<4096xi32, #tpu.memory_space<vmem>>, vector<16xi32>,
    %get3A_1138 = arith.constant 1264 : index
    %get3A_1139 = tpu.vector_load %arg6[%get3A_1138] {strides = array<i32>} : memref<4096xf32, #tpu.memory_space<vmem>>, vector<16xf32>,
    tpu.vector_store_idx %arg8[%iota3A, %get3A_1137], %get3A_1139 {add = true} : memref<16x1024xf32, #tpu.memory_space<vmem>>[vector<16xi32>, vector<16xi32>], vector<16xf32>,
    %get3A_1140 = arith.constant 1392 : index
    %get3A_1141 = tpu.vector_load %arg5[%get3A_1140] {strides = array<i32>} : memref<4096xi32, #tpu.memory_space<vmem>>, vector<16xi32>,
    %get3A_1142 = arith.constant 1392 : index
    %get3A_1143 = tpu.vector_load %arg6[%get3A_1142] {strides = array<i32>} : memref<4096xf32, #tpu.memory_space<vmem>>, vector<16xf32>,
    tpu.vector_store_idx %arg8[%iota3A, %get3A_1141], %get3A_1143 {add = true} : memref<16x1024xf32, #tpu.memory_space<vmem>>[vector<16xi32>, vector<16xi32>], vector<16xf32>,
    %get3A_1144 = arith.constant 1520 : index
    %get3A_1145 = tpu.vector_load %arg5[%get3A_1144] {strides = array<i32>} : memref<4096xi32, #tpu.memory_space<vmem>>, vector<16xi32>,
    %get3A_1146 = arith.constant 1520 : index
    %get3A_1147 = tpu.vector_load %arg6[%get3A_1146] {strides = array<i32>} : memref<4096xf32, #tpu.memory_space<vmem>>, vector<16xf32>,
    tpu.vector_store_idx %arg8[%iota3A, %get3A_1145], %get3A_1147 {add = true} : memref<16x1024xf32, #tpu.memory_space<vmem>>[vector<16xi32>, vector<16xi32>], vector<16xf32>,
    %get3A_1148 = arith.constant 1648 : index
    %get3A_1149 = tpu.vector_load %arg5[%get3A_1148] {strides = array<i32>} : memref<4096xi32, #tpu.memory_space<vmem>>, vector<16xi32>,
    %get3A_1150 = arith.constant 1648 : index
    %get3A_1151 = tpu.vector_load %arg6[%get3A_1150] {strides = array<i32>} : memref<4096xf32, #tpu.memory_space<vmem>>, vector<16xf32>,
    tpu.vector_store_idx %arg8[%iota3A, %get3A_1149], %get3A_1151 {add = true} : memref<16x1024xf32, #tpu.memory_space<vmem>>[vector<16xi32>, vector<16xi32>], vector<16xf32>,
    %get3A_1152 = arith.constant 1776 : index
    %get3A_1153 = tpu.vector_load %arg5[%get3A_1152] {strides = array<i32>} : memref<4096xi32, #tpu.memory_space<vmem>>, vector<16xi32>,
    %get3A_1154 = arith.constant 1776 : index
    %get3A_1155 = tpu.vector_load %arg6[%get3A_1154] {strides = array<i32>} : memref<4096xf32, #tpu.memory_space<vmem>>, vector<16xf32>,
    tpu.vector_store_idx %arg8[%iota3A, %get3A_1153], %get3A_1155 {add = true} : memref<16x1024xf32, #tpu.memory_space<vmem>>[vector<16xi32>, vector<16xi32>], vector<16xf32>,
    %get3A_1156 = arith.constant 1904 : index
    %get3A_1157 = tpu.vector_load %arg5[%get3A_1156] {strides = array<i32>} : memref<4096xi32, #tpu.memory_space<vmem>>, vector<16xi32>,
    %get3A_1158 = arith.constant 1904 : index
    %get3A_1159 = tpu.vector_load %arg6[%get3A_1158] {strides = array<i32>} : memref<4096xf32, #tpu.memory_space<vmem>>, vector<16xf32>,
    tpu.vector_store_idx %arg8[%iota3A, %get3A_1157], %get3A_1159 {add = true} : memref<16x1024xf32, #tpu.memory_space<vmem>>[vector<16xi32>, vector<16xi32>], vector<16xf32>,
    %get3A_1160 = arith.constant 2032 : index
    %get3A_1161 = tpu.vector_load %arg5[%get3A_1160] {strides = array<i32>} : memref<4096xi32, #tpu.memory_space<vmem>>, vector<16xi32>,
    %get3A_1162 = arith.constant 2032 : index
    %get3A_1163 = tpu.vector_load %arg6[%get3A_1162] {strides = array<i32>} : memref<4096xf32, #tpu.memory_space<vmem>>, vector<16xf32>,
    tpu.vector_store_idx %arg8[%iota3A, %get3A_1161], %get3A_1163 {add = true} : memref<16x1024xf32, #tpu.memory_space<vmem>>[vector<16xi32>, vector<16xi32>], vector<16xf32>,
    %get3A_1164 = arith.constant 2160 : index
    %get3A_1165 = tpu.vector_load %arg5[%get3A_1164] {strides = array<i32>} : memref<4096xi32, #tpu.memory_space<vmem>>, vector<16xi32>,
    %get3A_1166 = arith.constant 2160 : index
    %get3A_1167 = tpu.vector_load %arg6[%get3A_1166] {strides = array<i32>} : memref<4096xf32, #tpu.memory_space<vmem>>, vector<16xf32>,
    tpu.vector_store_idx %arg8[%iota3A, %get3A_1165], %get3A_1167 {add = true} : memref<16x1024xf32, #tpu.memory_space<vmem>>[vector<16xi32>, vector<16xi32>], vector<16xf32>,
    %get3A_1168 = arith.constant 2288 : index
    %get3A_1169 = tpu.vector_load %arg5[%get3A_1168] {strides = array<i32>} : memref<4096xi32, #tpu.memory_space<vmem>>, vector<16xi32>,
    %get3A_1170 = arith.constant 2288 : index
    %get3A_1171 = tpu.vector_load %arg6[%get3A_1170] {strides = array<i32>} : memref<4096xf32, #tpu.memory_space<vmem>>, vector<16xf32>,
    tpu.vector_store_idx %arg8[%iota3A, %get3A_1169], %get3A_1171 {add = true} : memref<16x1024xf32, #tpu.memory_space<vmem>>[vector<16xi32>, vector<16xi32>], vector<16xf32>,
    %get3A_1172 = arith.constant 2416 : index
    %get3A_1173 = tpu.vector_load %arg5[%get3A_1172] {strides = array<i32>} : memref<4096xi32, #tpu.memory_space<vmem>>, vector<16xi32>,
    %get3A_1174 = arith.constant 2416 : index
    %get3A_1175 = tpu.vector_load %arg6[%get3A_1174] {strides = array<i32>} : memref<4096xf32, #tpu.memory_space<vmem>>, vector<16xf32>,
    tpu.vector_store_idx %arg8[%iota3A, %get3A_1173], %get3A_1175 {add = true} : memref<16x1024xf32, #tpu.memory_space<vmem>>[vector<16xi32>, vector<16xi32>], vector<16xf32>,
    %get3A_1176 = arith.constant 2544 : index
    %get3A_1177 = tpu.vector_load %arg5[%get3A_1176] {strides = array<i32>} : memref<4096xi32, #tpu.memory_space<vmem>>, vector<16xi32>,
    %get3A_1178 = arith.constant 2544 : index
    %get3A_1179 = tpu.vector_load %arg6[%get3A_1178] {strides = array<i32>} : memref<4096xf32, #tpu.memory_space<vmem>>, vector<16xf32>,
    tpu.vector_store_idx %arg8[%iota3A, %get3A_1177], %get3A_1179 {add = true} : memref<16x1024xf32, #tpu.memory_space<vmem>>[vector<16xi32>, vector<16xi32>], vector<16xf32>,
    %get3A_1180 = arith.constant 2672 : index
    %get3A_1181 = tpu.vector_load %arg5[%get3A_1180] {strides = array<i32>} : memref<4096xi32, #tpu.memory_space<vmem>>, vector<16xi32>,
    %get3A_1182 = arith.constant 2672 : index
    %get3A_1183 = tpu.vector_load %arg6[%get3A_1182] {strides = array<i32>} : memref<4096xf32, #tpu.memory_space<vmem>>, vector<16xf32>,
    tpu.vector_store_idx %arg8[%iota3A, %get3A_1181], %get3A_1183 {add = true} : memref<16x1024xf32, #tpu.memory_space<vmem>>[vector<16xi32>, vector<16xi32>], vector<16xf32>,
    %get3A_1184 = arith.constant 2800 : index
    %get3A_1185 = tpu.vector_load %arg5[%get3A_1184] {strides = array<i32>} : memref<4096xi32, #tpu.memory_space<vmem>>, vector<16xi32>,
    %get3A_1186 = arith.constant 2800 : index
    %get3A_1187 = tpu.vector_load %arg6[%get3A_1186] {strides = array<i32>} : memref<4096xf32, #tpu.memory_space<vmem>>, vector<16xf32>,
    tpu.vector_store_idx %arg8[%iota3A, %get3A_1185], %get3A_1187 {add = true} : memref<16x1024xf32, #tpu.memory_space<vmem>>[vector<16xi32>, vector<16xi32>], vector<16xf32>,
    %get3A_1188 = arith.constant 2928 : index
    %get3A_1189 = tpu.vector_load %arg5[%get3A_1188] {strides = array<i32>} : memref<4096xi32, #tpu.memory_space<vmem>>, vector<16xi32>,
    %get3A_1190 = arith.constant 2928 : index
    %get3A_1191 = tpu.vector_load %arg6[%get3A_1190] {strides = array<i32>} : memref<4096xf32, #tpu.memory_space<vmem>>, vector<16xf32>,
    tpu.vector_store_idx %arg8[%iota3A, %get3A_1189], %get3A_1191 {add = true} : memref<16x1024xf32, #tpu.memory_space<vmem>>[vector<16xi32>, vector<16xi32>], vector<16xf32>,
    %get3A_1192 = arith.constant 3056 : index
    %get3A_1193 = tpu.vector_load %arg5[%get3A_1192] {strides = array<i32>} : memref<4096xi32, #tpu.memory_space<vmem>>, vector<16xi32>,
    %get3A_1194 = arith.constant 3056 : index
    %get3A_1195 = tpu.vector_load %arg6[%get3A_1194] {strides = array<i32>} : memref<4096xf32, #tpu.memory_space<vmem>>, vector<16xf32>,
    tpu.vector_store_idx %arg8[%iota3A, %get3A_1193], %get3A_1195 {add = true} : memref<16x1024xf32, #tpu.memory_space<vmem>>[vector<16xi32>, vector<16xi32>], vector<16xf32>,
    %get3A_1196 = arith.constant 3184 : index
    %get3A_1197 = tpu.vector_load %arg5[%get3A_1196] {strides = array<i32>} : memref<4096xi32, #tpu.memory_space<vmem>>, vector<16xi32>,
    %get3A_1198 = arith.constant 3184 : index
    %get3A_1199 = tpu.vector_load %arg6[%get3A_1198] {strides = array<i32>} : memref<4096xf32, #tpu.memory_space<vmem>>, vector<16xf32>,
    tpu.vector_store_idx %arg8[%iota3A, %get3A_1197], %get3A_1199 {add = true} : memref<16x1024xf32, #tpu.memory_space<vmem>>[vector<16xi32>, vector<16xi32>], vector<16xf32>,
    %get3A_1200 = arith.constant 3312 : index
    %get3A_1201 = tpu.vector_load %arg5[%get3A_1200] {strides = array<i32>} : memref<4096xi32, #tpu.memory_space<vmem>>, vector<16xi32>,
    %get3A_1202 = arith.constant 3312 : index
    %get3A_1203 = tpu.vector_load %arg6[%get3A_1202] {strides = array<i32>} : memref<4096xf32, #tpu.memory_space<vmem>>, vector<16xf32>,
    tpu.vector_store_idx %arg8[%iota3A, %get3A_1201], %get3A_1203 {add = true} : memref<16x1024xf32, #tpu.memory_space<vmem>>[vector<16xi32>, vector<16xi32>], vector<16xf32>,
    %get3A_1204 = arith.constant 3440 : index
    %get3A_1205 = tpu.vector_load %arg5[%get3A_1204] {strides = array<i32>} : memref<4096xi32, #tpu.memory_space<vmem>>, vector<16xi32>,
    %get3A_1206 = arith.constant 3440 : index
    %get3A_1207 = tpu.vector_load %arg6[%get3A_1206] {strides = array<i32>} : memref<4096xf32, #tpu.memory_space<vmem>>, vector<16xf32>,
    tpu.vector_store_idx %arg8[%iota3A, %get3A_1205], %get3A_1207 {add = true} : memref<16x1024xf32, #tpu.memory_space<vmem>>[vector<16xi32>, vector<16xi32>], vector<16xf32>,
    %get3A_1208 = arith.constant 3568 : index
    %get3A_1209 = tpu.vector_load %arg5[%get3A_1208] {strides = array<i32>} : memref<4096xi32, #tpu.memory_space<vmem>>, vector<16xi32>,
    %get3A_1210 = arith.constant 3568 : index
    %get3A_1211 = tpu.vector_load %arg6[%get3A_1210] {strides = array<i32>} : memref<4096xf32, #tpu.memory_space<vmem>>, vector<16xf32>,
    tpu.vector_store_idx %arg8[%iota3A, %get3A_1209], %get3A_1211 {add = true} : memref<16x1024xf32, #tpu.memory_space<vmem>>[vector<16xi32>, vector<16xi32>], vector<16xf32>,
    %get3A_1212 = arith.constant 3696 : index
    %get3A_1213 = tpu.vector_load %arg5[%get3A_1212] {strides = array<i32>} : memref<4096xi32, #tpu.memory_space<vmem>>, vector<16xi32>,
    %get3A_1214 = arith.constant 3696 : index
    %get3A_1215 = tpu.vector_load %arg6[%get3A_1214] {strides = array<i32>} : memref<4096xf32, #tpu.memory_space<vmem>>, vector<16xf32>,
    tpu.vector_store_idx %arg8[%iota3A, %get3A_1213], %get3A_1215 {add = true} : memref<16x1024xf32, #tpu.memory_space<vmem>>[vector<16xi32>, vector<16xi32>], vector<16xf32>,
    %get3A_1216 = arith.constant 3824 : index
    %get3A_1217 = tpu.vector_load %arg5[%get3A_1216] {strides = array<i32>} : memref<4096xi32, #tpu.memory_space<vmem>>, vector<16xi32>,
    %get3A_1218 = arith.constant 3824 : index
    %get3A_1219 = tpu.vector_load %arg6[%get3A_1218] {strides = array<i32>} : memref<4096xf32, #tpu.memory_space<vmem>>, vector<16xf32>,
    tpu.vector_store_idx %arg8[%iota3A, %get3A_1217], %get3A_1219 {add = true} : memref<16x1024xf32, #tpu.memory_space<vmem>>[vector<16xi32>, vector<16xi32>], vector<16xf32>,
    %get3A_1220 = arith.constant 3952 : index
    %get3A_1221 = tpu.vector_load %arg5[%get3A_1220] {strides = array<i32>} : memref<4096xi32, #tpu.memory_space<vmem>>, vector<16xi32>,
    %get3A_1222 = arith.constant 3952 : index
    %get3A_1223 = tpu.vector_load %arg6[%get3A_1222] {strides = array<i32>} : memref<4096xf32, #tpu.memory_space<vmem>>, vector<16xf32>,
    tpu.vector_store_idx %arg8[%iota3A, %get3A_1221], %get3A_1223 {add = true} : memref<16x1024xf32, #tpu.memory_space<vmem>>[vector<16xi32>, vector<16xi32>], vector<16xf32>,
    %get3A_1224 = arith.constant 4080 : index
    %get3A_1225 = tpu.vector_load %arg5[%get3A_1224] {strides = array<i32>} : memref<4096xi32, #tpu.memory_space<vmem>>, vector<16xi32>,
    %get3A_1226 = arith.constant 4080 : index
    %get3A_1227 = tpu.vector_load %arg6[%get3A_1226] {strides = array<i32>} : memref<4096xf32, #tpu.memory_space<vmem>>, vector<16xf32>,
    tpu.vector_store_idx %arg8[%iota3A, %get3A_1225], %get3A_1227 {add = true} : memref<16x1024xf32, #tpu.memory_space<vmem>>[vector<16xi32>, vector<16xi32>], vector<16xf32>,
    %mul3A_1228 = arith.constant 128 : i32
    %mul3A_1229 = arith.muli %add3A, %mul3A_1228 : i32
    %add3A_1230 = arith.constant 112 : i32
    %add3A_1231 = arith.addi %mul3A_1229, %add3A_1230 : i32
    %dma_start3A_1232 = arith.constant 0 : i32
    %dma_start3A_1233 = tpu.memref_slice %arg4[%add3A_1231, %dma_start3A_1232] : memref<4096x1024xf32, #tpu.memory_space<hbm>> -> memref<16x1024xf32, #tpu.memory_space<hbm>>
    %dma_start3A_1234 = arith.constant 0 : i32
    %dma_start3A_1235 = tpu.memref_slice %arg4[%add3A_1231, %dma_start3A_1234] : memref<4096x1024xf32, #tpu.memory_space<hbm>> -> memref<16x1024xf32, #tpu.memory_space<hbm>>
    tpu.enqueue_dma source(%arg8 : memref<16x1024xf32, #tpu.memory_space<vmem>>) target(%dma_start3A_1235 : memref<16x1024xf32, #tpu.memory_space<hbm>>) target_semaphore(%arg10 : memref<!tpu.dma_semaphore, #tpu.memory_space<semaphore_mem>>)
    %dma_wait3A_1236 = arith.constant 0 : i32
    %dma_wait3A_1237 = tpu.memref_slice %arg4[%add3A_1084, %dma_wait3A_1236] : memref<4096x1024xf32, #tpu.memory_space<hbm>> -> memref<16x1024xf32, #tpu.memory_space<hbm>>
    %dma_wait3A_1238 = arith.constant 0 : i32
    %dma_wait3A_1239 = tpu.memref_slice %arg4[%add3A_1084, %dma_wait3A_1238] : memref<4096x1024xf32, #tpu.memory_space<hbm>> -> memref<16x1024xf32, #tpu.memory_space<hbm>>
    tpu.wait_dma2 semaphore(%arg9 : memref<!tpu.dma_semaphore, #tpu.memory_space<semaphore_mem>>) src(%arg7 : memref<16x1024xf32, #tpu.memory_space<vmem>>) dst(%dma_wait3A_1239 : memref<16x1024xf32, #tpu.memory_space<hbm>>)
    %dma_wait3A_1240 = arith.constant 0 : i32
    %dma_wait3A_1241 = tpu.memref_slice %arg4[%add3A_1231, %dma_wait3A_1240] : memref<4096x1024xf32, #tpu.memory_space<hbm>> -> memref<16x1024xf32, #tpu.memory_space<hbm>>
    %dma_wait3A_1242 = arith.constant 0 : i32
    %dma_wait3A_1243 = tpu.memref_slice %arg4[%add3A_1231, %dma_wait3A_1242] : memref<4096x1024xf32, #tpu.memory_space<hbm>> -> memref<16x1024xf32, #tpu.memory_space<hbm>>
    tpu.wait_dma2 semaphore(%arg10 : memref<!tpu.dma_semaphore, #tpu.memory_space<semaphore_mem>>) src(%arg8 : memref<16x1024xf32, #tpu.memory_space<vmem>>) dst(%dma_wait3A_1243 : memref<16x1024xf32, #tpu.memory_space<hbm>>)
    return
  }
}

module attributes {stable_mosaic.version = 14 : i64} {
  func.func @_out_body(%arg0: i32, %arg1: i32, %arg2: memref<256x1024xf32, #tpu.memory_space<vmem>>, %arg3: memref<1x1024x1024xbf16, #tpu.memory_space<vmem>>, %arg4: memref<1x256x1024xf32, #tpu.memory_space<vmem>>) attributes {dimension_semantics = [#tpu.dimension_semantics<arbitrary>, #tpu.dimension_semantics<arbitrary>], iteration_bounds = array<i64: 4, 4>, scalar_prefetch = 0 : i64, scratch_operands = 0 : i64, tpu.core_type = #tpu.core_type<tc>, window_params = [{transform_indices = @transform_0, window_bounds = array<i64: 256, 1024>}, {transform_indices = @transform_1, window_bounds = array<i64: 1, 1024, 1024>}, {transform_indices = @transform_2, window_bounds = array<i64: 1, 256, 1024>}]} {
    %get3A = arith.constant 0 : index
    %get3A_0 = arith.constant 0 : index
    %get3A_1 = vector.load %arg2[%get3A, %get3A_0] : memref<256x1024xf32, #tpu.memory_space<vmem>>, vector<256x1024xf32>
    %convert_element_type3A = arith.truncf %get3A_1 : vector<256x1024xf32> to vector<256x1024xbf16>
    %get3A_2 = arith.constant 0 : index
    %get3A_3 = arith.constant 0 : index
    %get3A_4 = arith.constant 0 : index
    %get3A_5 = vector.load %arg3[%get3A_2, %get3A_3, %get3A_4] : memref<1x1024x1024xbf16, #tpu.memory_space<vmem>>, vector<1x1024x1024xbf16>
    %get3A_6 = vector.shape_cast %get3A_5 : vector<1x1024x1024xbf16> to vector<1024x1024xbf16>
    %dot_general3A = arith.constant dense<0.000000e+00> : vector<256x1024xf32>
    %dot_general3A_7 = tpu.matmul %convert_element_type3A, %get3A_6, %dot_general3A {dimension_numbers = #tpu.dot_dimension_numbers<[1], [0], [0], [1], [0, 0, 1, 1], [], []>, transpose_lhs_hint = false} : vector<256x1024xbf16>, vector<1024x1024xbf16>, vector<256x1024xf32> -> vector<256x1024xf32>
    %swap3A = arith.constant 0 : index
    %swap3A_8 = arith.constant 0 : index
    %swap3A_9 = arith.constant 0 : index
    %swap3A_10 = vector.load %arg4[%swap3A, %swap3A_8, %swap3A_9] : memref<1x256x1024xf32, #tpu.memory_space<vmem>>, vector<1x256x1024xf32>
    %swap3A_11 = vector.shape_cast %swap3A_10 : vector<1x256x1024xf32> to vector<256x1024xf32>
    %swap3A_12 = vector.shape_cast %dot_general3A_7 : vector<256x1024xf32> to vector<1x256x1024xf32>
    tpu.vector_store %arg4[%swap3A, %swap3A_8, %swap3A_9], %swap3A_12 {strides = array<i32>} : memref<1x256x1024xf32, #tpu.memory_space<vmem>>, vector<1x256x1024xf32>,
    return
  }
  func.func @transform_0(%arg0: i32, %arg1: i32) -> (i32, i32) {
    %mul3A = arith.constant 4 : i32
    %mul3A_0 = arith.muli %arg0, %mul3A : i32
    %add3A = arith.addi %mul3A_0, %arg1 : i32
    %c0_i32 = arith.constant 0 : i32
    %c0_i32_1 = arith.constant 0 : i32
    return %add3A, %c0_i32 : i32, i32
  }
  func.func @transform_1(%arg0: i32, %arg1: i32) -> (i32, i32, i32) {
    %c0_i32 = arith.constant 0 : i32
    %c0_i32_0 = arith.constant 0 : i32
    %c0_i32_1 = arith.constant 0 : i32
    return %arg0, %c0_i32, %c0_i32_0 : i32, i32, i32
  }
  func.func @transform_2(%arg0: i32, %arg1: i32) -> (i32, i32, i32) {
    %c0_i32 = arith.constant 0 : i32
    %c0_i32_0 = arith.constant 0 : i32
    return %arg0, %arg1, %c0_i32 : i32, i32, i32
  }
}

module attributes {stable_mosaic.version = 14 : i64} {
  func.func @_vp_body(%arg0: i32, %arg1: memref<1024x1024xf32, #tpu.memory_space<vmem>>, %arg2: memref<1x1024x1024xf32, #tpu.memory_space<vmem>>, %arg3: memref<1x1024x1024xbf16, #tpu.memory_space<vmem>>) attributes {dimension_semantics = [#tpu.dimension_semantics<arbitrary>], iteration_bounds = array<i64: 4>, scalar_prefetch = 0 : i64, scratch_operands = 0 : i64, tpu.core_type = #tpu.core_type<tc>, window_params = [{pipeline_mode = #tpu.pipeline_mode<synchronous>, transform_indices = @transform_0, window_bounds = array<i64: 1024, 1024>}, {transform_indices = @transform_1, window_bounds = array<i64: 1, 1024, 1024>}, {transform_indices = @transform_2, window_bounds = array<i64: 1, 1024, 1024>}]} {
    %get3A = arith.constant 0 : index
    %get3A_0 = arith.constant 0 : index
    %get3A_1 = vector.load %arg1[%get3A, %get3A_0] : memref<1024x1024xf32, #tpu.memory_space<vmem>>, vector<1024x1024xf32>
    %convert_element_type3A = arith.truncf %get3A_1 : vector<1024x1024xf32> to vector<1024x1024xbf16>
    %get3A_2 = arith.constant 0 : index
    %get3A_3 = arith.constant 0 : index
    %get3A_4 = arith.constant 0 : index
    %get3A_5 = vector.load %arg2[%get3A_2, %get3A_3, %get3A_4] : memref<1x1024x1024xf32, #tpu.memory_space<vmem>>, vector<1x1024x1024xf32>
    %get3A_6 = vector.shape_cast %get3A_5 : vector<1x1024x1024xf32> to vector<1024x1024xf32>
    %convert_element_type3A_7 = arith.truncf %get3A_6 : vector<1024x1024xf32> to vector<1024x1024xbf16>
    %dot_general3A = arith.constant dense<0.000000e+00> : vector<1024x1024xf32>
    %dot_general3A_8 = tpu.matmul %convert_element_type3A, %convert_element_type3A_7, %dot_general3A {dimension_numbers = #tpu.dot_dimension_numbers<[1], [1], [0], [0], [0, 0, 1, 0], [], []>, transpose_lhs_hint = false} : vector<1024x1024xbf16>, vector<1024x1024xbf16>, vector<1024x1024xf32> -> vector<1024x1024xf32>
    %convert_element_type3A_9 = arith.truncf %dot_general3A_8 : vector<1024x1024xf32> to vector<1024x1024xbf16>
    %swap3A = arith.constant 0 : index
    %swap3A_10 = arith.constant 0 : index
    %swap3A_11 = arith.constant 0 : index
    %swap3A_12 = vector.load %arg3[%swap3A, %swap3A_10, %swap3A_11] : memref<1x1024x1024xbf16, #tpu.memory_space<vmem>>, vector<1x1024x1024xbf16>
    %swap3A_13 = vector.shape_cast %swap3A_12 : vector<1x1024x1024xbf16> to vector<1024x1024xbf16>
    %swap3A_14 = vector.shape_cast %convert_element_type3A_9 : vector<1024x1024xbf16> to vector<1x1024x1024xbf16>
    tpu.vector_store %arg3[%swap3A, %swap3A_10, %swap3A_11], %swap3A_14 {strides = array<i32>} : memref<1x1024x1024xbf16, #tpu.memory_space<vmem>>, vector<1x1024x1024xbf16>,
    return
  }
  func.func @transform_0(%arg0: i32) -> (i32, i32) {
    %c0_i32 = arith.constant 0 : i32
    %c0_i32_0 = arith.constant 0 : i32
    %c0_i32_1 = arith.constant 0 : i32
    return %c0_i32, %c0_i32_0 : i32, i32
  }
  func.func @transform_1(%arg0: i32) -> (i32, i32, i32) {
    %c0_i32 = arith.constant 0 : i32
    %c0_i32_0 = arith.constant 0 : i32
    %c0_i32_1 = arith.constant 0 : i32
    return %arg0, %c0_i32, %c0_i32_0 : i32, i32, i32
  }
  func.func @transform_2(%arg0: i32) -> (i32, i32, i32) {
    %c0_i32 = arith.constant 0 : i32
    %c0_i32_0 = arith.constant 0 : i32
    %c0_i32_1 = arith.constant 0 : i32
    return %arg0, %c0_i32, %c0_i32_0 : i32, i32, i32
  }
}

module attributes {stable_mosaic.version = 14 : i64} {
  func.func @_prep_body(%arg0: i32, %arg1: memref<1024x1024xf32, #tpu.memory_space<vmem>>, %arg2: memref<8x1024xf32, #tpu.memory_space<vmem>>, %arg3: memref<8x1024xf32, #tpu.memory_space<vmem>>, %arg4: memref<8x1024xf32, #tpu.memory_space<vmem>>, %arg5: memref<1x8x4096xi32, #tpu.memory_space<vmem>>, %arg6: memref<1x8x4096xf32, #tpu.memory_space<vmem>>) attributes {dimension_semantics = [#tpu.dimension_semantics<arbitrary>], iteration_bounds = array<i64: 4>, scalar_prefetch = 0 : i64, scratch_operands = 0 : i64, tpu.core_type = #tpu.core_type<tc>, window_params = [{transform_indices = @transform_0, window_bounds = array<i64: 1024, 1024>}, {pipeline_mode = #tpu.pipeline_mode<synchronous>, transform_indices = @transform_1, window_bounds = array<i64: 8, 1024>}, {pipeline_mode = #tpu.pipeline_mode<synchronous>, transform_indices = @transform_2, window_bounds = array<i64: 8, 1024>}, {pipeline_mode = #tpu.pipeline_mode<synchronous>, transform_indices = @transform_3, window_bounds = array<i64: 8, 1024>}, {transform_indices = @transform_4, window_bounds = array<i64: 1, 8, 4096>}, {transform_indices = @transform_5, window_bounds = array<i64: 1, 8, 4096>}]} {
    %get3A = arith.constant 0 : index
    %get3A_0 = arith.constant 0 : index
    %get3A_1 = vector.load %arg1[%get3A, %get3A_0] : memref<1024x1024xf32, #tpu.memory_space<vmem>>, vector<1024x1024xf32>
    %get3A_2 = arith.constant 0 : index
    %get3A_3 = arith.constant 0 : index
    %get3A_4 = vector.load %arg2[%get3A_2, %get3A_3] : memref<8x1024xf32, #tpu.memory_space<vmem>>, vector<8x1024xf32>
    %dot_general3A = arith.constant dense<0.000000e+00> : vector<8x1024xf32>
    %dot_general3A_5 = tpu.matmul %get3A_4, %get3A_1, %dot_general3A {dimension_numbers = #tpu.dot_dimension_numbers<[1], [1], [0], [0], [0, 0, 1, 0], [], []>, transpose_lhs_hint = false} : vector<8x1024xf32>, vector<1024x1024xf32>, vector<8x1024xf32> -> vector<8x1024xf32>
    %reduce_max3A = arith.constant dense<0xFF800000> : vector<1024xf32>
    %reduce_max3A_6 = vector.multi_reduction <maximumf>, %dot_general3A_5, %reduce_max3A [0] : vector<8x1024xf32> to vector<1024xf32>
    %max3A = arith.constant 0xFF800000 : f32
    %max3A_7 = vector.broadcast %max3A : f32 to vector<1024xf32>
    %max3A_8 = arith.maximumf %max3A_7, %reduce_max3A_6 : vector<1024xf32>
    %broadcast_in_dim3A = vector.shape_cast %max3A_8 : vector<1024xf32> to vector<1x1024xf32>
    %sub3A = vector.broadcast %broadcast_in_dim3A : vector<1x1024xf32> to vector<8x1024xf32>
    %sub3A_9 = arith.subf %dot_general3A_5, %sub3A : vector<8x1024xf32>
    %exp3A = math.exp %sub3A_9 : vector<8x1024xf32>
    %reduce_sum3A = arith.constant dense<0.000000e+00> : vector<1024xf32>
    %reduce_sum3A_10 = vector.multi_reduction <add>, %exp3A, %reduce_sum3A [0] : vector<8x1024xf32> to vector<1024xf32>
    %broadcast_in_dim3A_11 = vector.shape_cast %reduce_sum3A_10 : vector<1024xf32> to vector<1x1024xf32>
    %div3A = vector.broadcast %broadcast_in_dim3A_11 : vector<1x1024xf32> to vector<8x1024xf32>
    %div3A_12 = arith.divf %exp3A, %div3A : vector<8x1024xf32>
    %get3A_13 = arith.constant 0 : index
    %get3A_14 = arith.constant 0 : index
    %get3A_15 = vector.load %arg3[%get3A_13, %get3A_14] : memref<8x1024xf32, #tpu.memory_space<vmem>>, vector<8x1024xf32>
    %dot_general3A_16 = arith.constant dense<0.000000e+00> : vector<8x1024xf32>
    %dot_general3A_17 = tpu.matmul %get3A_15, %get3A_1, %dot_general3A_16 {dimension_numbers = #tpu.dot_dimension_numbers<[1], [1], [0], [0], [0, 0, 1, 0], [], []>, transpose_lhs_hint = false} : vector<8x1024xf32>, vector<1024x1024xf32>, vector<8x1024xf32> -> vector<8x1024xf32>
    %get3A_18 = arith.constant 0 : index
    %get3A_19 = arith.constant 0 : index
    %get3A_20 = vector.load %arg4[%get3A_18, %get3A_19] : memref<8x1024xf32, #tpu.memory_space<vmem>>, vector<8x1024xf32>
    %dot_general3A_21 = arith.constant dense<0.000000e+00> : vector<8x1024xf32>
    %dot_general3A_22 = tpu.matmul %get3A_20, %get3A_1, %dot_general3A_21 {dimension_numbers = #tpu.dot_dimension_numbers<[1], [1], [0], [0], [0, 0, 1, 0], [], []>, transpose_lhs_hint = false} : vector<8x1024xf32>, vector<1024x1024xf32>, vector<8x1024xf32> -> vector<8x1024xf32>
    %iota3A = tpu.iota {dimensions = array<i32: 1>} : vector<8x1024xi32>
    %mul3A = arith.constant 1024 : i32
    %mul3A_23 = arith.muli %arg0, %mul3A : i32
    %add3A = vector.broadcast %mul3A_23 : i32 to vector<8x1024xi32>
    %add3A_24 = arith.addi %iota3A, %add3A : vector<8x1024xi32>
    %rem3A = arith.constant 1024 : i32
    %rem3A_25 = vector.broadcast %rem3A : i32 to vector<8x1024xi32>
    %rem3A_26 = arith.remsi %add3A_24, %rem3A_25 : vector<8x1024xi32>
    %jit3A = arith.constant 32 : i32
    %div3A_27 = vector.broadcast %jit3A : i32 to vector<8x1024xi32>
    %div3A_28 = arith.divsi %rem3A_26, %div3A_27 : vector<8x1024xi32>
    %sign3A = arith.constant 0 : i32
    %sign3A_29 = vector.broadcast %sign3A : i32 to vector<8x1024xi32>
    %sign3A_30 = arith.cmpi sgt, %rem3A_26, %sign3A_29 : vector<8x1024xi32>
    %sign3A_31 = arith.extui %sign3A_30 : vector<8x1024xi1> to vector<8x1024xi32>
    %sign3A_32 = arith.constant 0 : i32
    %sign3A_33 = vector.broadcast %sign3A_32 : i32 to vector<8x1024xi32>
    %sign3A_34 = arith.cmpi slt, %rem3A_26, %sign3A_33 : vector<8x1024xi32>
    %sign3A_35 = arith.extui %sign3A_34 : vector<8x1024xi1> to vector<8x1024xi32>
    %sign3A_36 = arith.subi %sign3A_31, %sign3A_35 : vector<8x1024xi32>
    %sign3A_37 = arith.constant 0 : i32
    %sign3A_38 = arith.cmpi sgt, %jit3A, %sign3A_37 : i32
    %sign3A_39 = arith.extui %sign3A_38 : i1 to i32
    %sign3A_40 = arith.constant 0 : i32
    %sign3A_41 = arith.cmpi slt, %jit3A, %sign3A_40 : i32
    %sign3A_42 = arith.extui %sign3A_41 : i1 to i32
    %sign3A_43 = arith.subi %sign3A_39, %sign3A_42 : i32
    %ne3A = vector.broadcast %sign3A_43 : i32 to vector<8x1024xi32>
    %ne3A_44 = arith.cmpi ne, %sign3A_36, %ne3A : vector<8x1024xi32>
    %rem3A_45 = vector.broadcast %jit3A : i32 to vector<8x1024xi32>
    %rem3A_46 = arith.remsi %rem3A_26, %rem3A_45 : vector<8x1024xi32>
    %ne3A_47 = arith.constant 0 : i32
    %ne3A_48 = vector.broadcast %ne3A_47 : i32 to vector<8x1024xi32>
    %ne3A_49 = arith.cmpi ne, %rem3A_46, %ne3A_48 : vector<8x1024xi32>
    %and3A = arith.andi %ne3A_44, %ne3A_49 : vector<8x1024xi1>
    %sub3A_50 = arith.constant 1 : i32
    %sub3A_51 = vector.broadcast %sub3A_50 : i32 to vector<8x1024xi32>
    %sub3A_52 = arith.subi %div3A_28, %sub3A_51 : vector<8x1024xi32>
    %select_n3A = arith.select %and3A, %sub3A_52, %div3A_28 : vector<8x1024xi1>, vector<8x1024xi32>
    %convert_element_type3A = arith.sitofp %select_n3A : vector<8x1024xi32> to vector<8x1024xf32>
    %div3A_53 = arith.constant 3.100000e+01 : f32
    %div3A_54 = vector.broadcast %div3A_53 : f32 to vector<8x1024xf32>
    %div3A_55 = arith.divf %convert_element_type3A, %div3A_54 : vector<8x1024xf32>
    %rem3A_56 = arith.constant 32 : i32
    %rem3A_57 = vector.broadcast %rem3A_56 : i32 to vector<8x1024xi32>
    %rem3A_58 = arith.remsi %rem3A_26, %rem3A_57 : vector<8x1024xi32>
    %convert_element_type3A_59 = arith.sitofp %rem3A_58 : vector<8x1024xi32> to vector<8x1024xf32>
    %div3A_60 = arith.constant 3.100000e+01 : f32
    %div3A_61 = vector.broadcast %div3A_60 : f32 to vector<8x1024xf32>
    %div3A_62 = arith.divf %convert_element_type3A_59, %div3A_61 : vector<8x1024xf32>
    %add3A_63 = arith.addf %div3A_55, %dot_general3A_17 : vector<8x1024xf32>
    %mul3A_64 = arith.constant 1.03225803 : f32
    %mul3A_65 = vector.broadcast %mul3A_64 : f32 to vector<8x1024xf32>
    %mul3A_66 = arith.mulf %add3A_63, %mul3A_65 : vector<8x1024xf32>
    %sub3A_67 = arith.constant 5.000000e-01 : f32
    %sub3A_68 = vector.broadcast %sub3A_67 : f32 to vector<8x1024xf32>
    %sub3A_69 = arith.subf %mul3A_66, %sub3A_68 : vector<8x1024xf32>
    %add3A_70 = arith.addf %div3A_62, %dot_general3A_22 : vector<8x1024xf32>
    %mul3A_71 = arith.constant 1.03225803 : f32
    %mul3A_72 = vector.broadcast %mul3A_71 : f32 to vector<8x1024xf32>
    %mul3A_73 = arith.mulf %add3A_70, %mul3A_72 : vector<8x1024xf32>
    %sub3A_74 = arith.constant 5.000000e-01 : f32
    %sub3A_75 = vector.broadcast %sub3A_74 : f32 to vector<8x1024xf32>
    %sub3A_76 = arith.subf %mul3A_73, %sub3A_75 : vector<8x1024xf32>
    %floor3A = math.floor %sub3A_69 : vector<8x1024xf32>
    %floor3A_77 = math.floor %sub3A_76 : vector<8x1024xf32>
    %sub3A_78 = arith.subf %sub3A_69, %floor3A : vector<8x1024xf32>
    %sub3A_79 = arith.subf %sub3A_76, %floor3A_77 : vector<8x1024xf32>
    %ge3A = arith.constant 0.000000e+00 : f32
    %ge3A_80 = vector.broadcast %ge3A : f32 to vector<8x1024xf32>
    %ge3A_81 = arith.cmpf oge, %floor3A, %ge3A_80 : vector<8x1024xf32>
    %le3A = arith.constant 3.100000e+01 : f32
    %le3A_82 = vector.broadcast %le3A : f32 to vector<8x1024xf32>
    %le3A_83 = arith.cmpf ole, %floor3A, %le3A_82 : vector<8x1024xf32>
    %and3A_84 = arith.andi %ge3A_81, %le3A_83 : vector<8x1024xi1>
    %convert_element_type3A_85 = arith.extui %and3A_84 : vector<8x1024xi1> to vector<8x1024xi32>
    %convert_element_type3A_86 = arith.sitofp %convert_element_type3A_85 : vector<8x1024xi32> to vector<8x1024xf32>
    %ge3A_87 = arith.constant -1.000000e+00 : f32
    %ge3A_88 = vector.broadcast %ge3A_87 : f32 to vector<8x1024xf32>
    %ge3A_89 = arith.cmpf oge, %floor3A, %ge3A_88 : vector<8x1024xf32>
    %le3A_90 = arith.constant 3.000000e+01 : f32
    %le3A_91 = vector.broadcast %le3A_90 : f32 to vector<8x1024xf32>
    %le3A_92 = arith.cmpf ole, %floor3A, %le3A_91 : vector<8x1024xf32>
    %and3A_93 = arith.andi %ge3A_89, %le3A_92 : vector<8x1024xi1>
    %convert_element_type3A_94 = arith.extui %and3A_93 : vector<8x1024xi1> to vector<8x1024xi32>
    %convert_element_type3A_95 = arith.sitofp %convert_element_type3A_94 : vector<8x1024xi32> to vector<8x1024xf32>
    %jit3A_96 = arith.constant 0.000000e+00 : f32
    %jit3A_97 = arith.constant 3.100000e+01 : f32
    %max3A_98 = vector.broadcast %jit3A_96 : f32 to vector<8x1024xf32>
    %max3A_99 = arith.maximumf %max3A_98, %floor3A : vector<8x1024xf32>
    %min3A = vector.broadcast %jit3A_97 : f32 to vector<8x1024xf32>
    %min3A_100 = arith.minimumf %min3A, %max3A_99 : vector<8x1024xf32>
    %convert_element_type3A_101 = arith.fptosi %min3A_100 : vector<8x1024xf32> to vector<8x1024xi32>
    %add3A_102 = arith.constant 1.000000e+00 : f32
    %add3A_103 = vector.broadcast %add3A_102 : f32 to vector<8x1024xf32>
    %add3A_104 = arith.addf %floor3A, %add3A_103 : vector<8x1024xf32>
    %jit3A_105 = arith.constant 0.000000e+00 : f32
    %jit3A_106 = arith.constant 3.100000e+01 : f32
    %max3A_107 = vector.broadcast %jit3A_105 : f32 to vector<8x1024xf32>
    %max3A_108 = arith.maximumf %max3A_107, %add3A_104 : vector<8x1024xf32>
    %min3A_109 = vector.broadcast %jit3A_106 : f32 to vector<8x1024xf32>
    %min3A_110 = arith.minimumf %min3A_109, %max3A_108 : vector<8x1024xf32>
    %convert_element_type3A_111 = arith.fptosi %min3A_110 : vector<8x1024xf32> to vector<8x1024xi32>
    %sub3A_112 = arith.constant 1.000000e+00 : f32
    %sub3A_113 = vector.broadcast %sub3A_112 : f32 to vector<8x1024xf32>
    %sub3A_114 = arith.subf %sub3A_113, %sub3A_78 : vector<8x1024xf32>
    %mul3A_115 = arith.mulf %sub3A_114, %convert_element_type3A_86 : vector<8x1024xf32>
    %mul3A_116 = arith.mulf %sub3A_78, %convert_element_type3A_95 : vector<8x1024xf32>
    %ge3A_117 = arith.constant 0.000000e+00 : f32
    %ge3A_118 = vector.broadcast %ge3A_117 : f32 to vector<8x1024xf32>
    %ge3A_119 = arith.cmpf oge, %floor3A_77, %ge3A_118 : vector<8x1024xf32>
    %le3A_120 = arith.constant 3.100000e+01 : f32
    %le3A_121 = vector.broadcast %le3A_120 : f32 to vector<8x1024xf32>
    %le3A_122 = arith.cmpf ole, %floor3A_77, %le3A_121 : vector<8x1024xf32>
    %and3A_123 = arith.andi %ge3A_119, %le3A_122 : vector<8x1024xi1>
    %convert_element_type3A_124 = arith.extui %and3A_123 : vector<8x1024xi1> to vector<8x1024xi32>
    %convert_element_type3A_125 = arith.sitofp %convert_element_type3A_124 : vector<8x1024xi32> to vector<8x1024xf32>
    %ge3A_126 = arith.constant -1.000000e+00 : f32
    %ge3A_127 = vector.broadcast %ge3A_126 : f32 to vector<8x1024xf32>
    %ge3A_128 = arith.cmpf oge, %floor3A_77, %ge3A_127 : vector<8x1024xf32>
    %le3A_129 = arith.constant 3.000000e+01 : f32
    %le3A_130 = vector.broadcast %le3A_129 : f32 to vector<8x1024xf32>
    %le3A_131 = arith.cmpf ole, %floor3A_77, %le3A_130 : vector<8x1024xf32>
    %and3A_132 = arith.andi %ge3A_128, %le3A_131 : vector<8x1024xi1>
    %convert_element_type3A_133 = arith.extui %and3A_132 : vector<8x1024xi1> to vector<8x1024xi32>
    %convert_element_type3A_134 = arith.sitofp %convert_element_type3A_133 : vector<8x1024xi32> to vector<8x1024xf32>
    %jit3A_135 = arith.constant 0.000000e+00 : f32
    %jit3A_136 = arith.constant 3.100000e+01 : f32
    %max3A_137 = vector.broadcast %jit3A_135 : f32 to vector<8x1024xf32>
    %max3A_138 = arith.maximumf %max3A_137, %floor3A_77 : vector<8x1024xf32>
    %min3A_139 = vector.broadcast %jit3A_136 : f32 to vector<8x1024xf32>
    %min3A_140 = arith.minimumf %min3A_139, %max3A_138 : vector<8x1024xf32>
    %convert_element_type3A_141 = arith.fptosi %min3A_140 : vector<8x1024xf32> to vector<8x1024xi32>
    %add3A_142 = arith.constant 1.000000e+00 : f32
    %add3A_143 = vector.broadcast %add3A_142 : f32 to vector<8x1024xf32>
    %add3A_144 = arith.addf %floor3A_77, %add3A_143 : vector<8x1024xf32>
    %jit3A_145 = arith.constant 0.000000e+00 : f32
    %jit3A_146 = arith.constant 3.100000e+01 : f32
    %max3A_147 = vector.broadcast %jit3A_145 : f32 to vector<8x1024xf32>
    %max3A_148 = arith.maximumf %max3A_147, %add3A_144 : vector<8x1024xf32>
    %min3A_149 = vector.broadcast %jit3A_146 : f32 to vector<8x1024xf32>
    %min3A_150 = arith.minimumf %min3A_149, %max3A_148 : vector<8x1024xf32>
    %convert_element_type3A_151 = arith.fptosi %min3A_150 : vector<8x1024xf32> to vector<8x1024xi32>
    %sub3A_152 = arith.constant 1.000000e+00 : f32
    %sub3A_153 = vector.broadcast %sub3A_152 : f32 to vector<8x1024xf32>
    %sub3A_154 = arith.subf %sub3A_153, %sub3A_79 : vector<8x1024xf32>
    %mul3A_155 = arith.mulf %sub3A_154, %convert_element_type3A_125 : vector<8x1024xf32>
    %mul3A_156 = arith.mulf %sub3A_79, %convert_element_type3A_134 : vector<8x1024xf32>
    %mul3A_157 = arith.constant 32 : i32
    %mul3A_158 = vector.broadcast %mul3A_157 : i32 to vector<8x1024xi32>
    %mul3A_159 = arith.muli %convert_element_type3A_141, %mul3A_158 : vector<8x1024xi32>
    %add3A_160 = arith.addi %mul3A_159, %convert_element_type3A_101 : vector<8x1024xi32>
    %mul3A_161 = arith.mulf %div3A_12, %mul3A_155 : vector<8x1024xf32>
    %mul3A_162 = arith.mulf %mul3A_161, %mul3A_115 : vector<8x1024xf32>
    %mul3A_163 = arith.constant 32 : i32
    %mul3A_164 = vector.broadcast %mul3A_163 : i32 to vector<8x1024xi32>
    %mul3A_165 = arith.muli %convert_element_type3A_141, %mul3A_164 : vector<8x1024xi32>
    %add3A_166 = arith.addi %mul3A_165, %convert_element_type3A_111 : vector<8x1024xi32>
    %mul3A_167 = arith.mulf %div3A_12, %mul3A_155 : vector<8x1024xf32>
    %mul3A_168 = arith.mulf %mul3A_167, %mul3A_116 : vector<8x1024xf32>
    %mul3A_169 = arith.constant 32 : i32
    %mul3A_170 = vector.broadcast %mul3A_169 : i32 to vector<8x1024xi32>
    %mul3A_171 = arith.muli %convert_element_type3A_151, %mul3A_170 : vector<8x1024xi32>
    %add3A_172 = arith.addi %mul3A_171, %convert_element_type3A_101 : vector<8x1024xi32>
    %mul3A_173 = arith.mulf %div3A_12, %mul3A_156 : vector<8x1024xf32>
    %mul3A_174 = arith.mulf %mul3A_173, %mul3A_115 : vector<8x1024xf32>
    %mul3A_175 = arith.constant 32 : i32
    %mul3A_176 = vector.broadcast %mul3A_175 : i32 to vector<8x1024xi32>
    %mul3A_177 = arith.muli %convert_element_type3A_151, %mul3A_176 : vector<8x1024xi32>
    %add3A_178 = arith.addi %mul3A_177, %convert_element_type3A_111 : vector<8x1024xi32>
    %mul3A_179 = arith.mulf %div3A_12, %mul3A_156 : vector<8x1024xf32>
    %mul3A_180 = arith.mulf %mul3A_179, %mul3A_116 : vector<8x1024xf32>
    %concatenate3A = tpu.concatenate %add3A_160, %add3A_166, %add3A_172, %add3A_178 in 0 : vector<8x1024xi32>, vector<8x1024xi32>, vector<8x1024xi32>, vector<8x1024xi32> -> vector<32x1024xi32>
    %concatenate3A_181 = tpu.concatenate %mul3A_162, %mul3A_168, %mul3A_174, %mul3A_180 in 0 : vector<8x1024xf32>, vector<8x1024xf32>, vector<8x1024xf32>, vector<8x1024xf32> -> vector<32x1024xf32>
    %slice3A = vector.extract_strided_slice %concatenate3A {offsets = [0, 0], sizes = [32, 128], strides = [1, 1]} : vector<32x1024xi32> to vector<32x128xi32>
    %reshape3A = vector.shape_cast %slice3A : vector<32x128xi32> to vector<4096xi32>
    %slice3A_182 = vector.extract_strided_slice %concatenate3A {offsets = [0, 128], sizes = [32, 128], strides = [1, 1]} : vector<32x1024xi32> to vector<32x128xi32>
    %reshape3A_183 = vector.shape_cast %slice3A_182 : vector<32x128xi32> to vector<4096xi32>
    %slice3A_184 = vector.extract_strided_slice %concatenate3A {offsets = [0, 256], sizes = [32, 128], strides = [1, 1]} : vector<32x1024xi32> to vector<32x128xi32>
    %reshape3A_185 = vector.shape_cast %slice3A_184 : vector<32x128xi32> to vector<4096xi32>
    %slice3A_186 = vector.extract_strided_slice %concatenate3A {offsets = [0, 384], sizes = [32, 128], strides = [1, 1]} : vector<32x1024xi32> to vector<32x128xi32>
    %reshape3A_187 = vector.shape_cast %slice3A_186 : vector<32x128xi32> to vector<4096xi32>
    %slice3A_188 = vector.extract_strided_slice %concatenate3A {offsets = [0, 512], sizes = [32, 128], strides = [1, 1]} : vector<32x1024xi32> to vector<32x128xi32>
    %reshape3A_189 = vector.shape_cast %slice3A_188 : vector<32x128xi32> to vector<4096xi32>
    %slice3A_190 = vector.extract_strided_slice %concatenate3A {offsets = [0, 640], sizes = [32, 128], strides = [1, 1]} : vector<32x1024xi32> to vector<32x128xi32>
    %reshape3A_191 = vector.shape_cast %slice3A_190 : vector<32x128xi32> to vector<4096xi32>
    %slice3A_192 = vector.extract_strided_slice %concatenate3A {offsets = [0, 768], sizes = [32, 128], strides = [1, 1]} : vector<32x1024xi32> to vector<32x128xi32>
    %reshape3A_193 = vector.shape_cast %slice3A_192 : vector<32x128xi32> to vector<4096xi32>
    %slice3A_194 = vector.extract_strided_slice %concatenate3A {offsets = [0, 896], sizes = [32, 128], strides = [1, 1]} : vector<32x1024xi32> to vector<32x128xi32>
    %reshape3A_195 = vector.shape_cast %slice3A_194 : vector<32x128xi32> to vector<4096xi32>
    %stack3A = vector.shape_cast %reshape3A : vector<4096xi32> to vector<1x4096xi32>
    %stack3A_196 = vector.shape_cast %reshape3A_183 : vector<4096xi32> to vector<1x4096xi32>
    %stack3A_197 = vector.shape_cast %reshape3A_185 : vector<4096xi32> to vector<1x4096xi32>
    %stack3A_198 = vector.shape_cast %reshape3A_187 : vector<4096xi32> to vector<1x4096xi32>
    %stack3A_199 = vector.shape_cast %reshape3A_189 : vector<4096xi32> to vector<1x4096xi32>
    %stack3A_200 = vector.shape_cast %reshape3A_191 : vector<4096xi32> to vector<1x4096xi32>
    %stack3A_201 = vector.shape_cast %reshape3A_193 : vector<4096xi32> to vector<1x4096xi32>
    %stack3A_202 = vector.shape_cast %reshape3A_195 : vector<4096xi32> to vector<1x4096xi32>
    %stack3A_203 = tpu.concatenate %stack3A, %stack3A_196, %stack3A_197, %stack3A_198, %stack3A_199, %stack3A_200, %stack3A_201, %stack3A_202 in 0 : vector<1x4096xi32>, vector<1x4096xi32>, vector<1x4096xi32>, vector<1x4096xi32>, vector<1x4096xi32>, vector<1x4096xi32>, vector<1x4096xi32>, vector<1x4096xi32> -> vector<8x4096xi32>
    %broadcast_in_dim3A_204 = vector.shape_cast %stack3A_203 : vector<8x4096xi32> to vector<1x8x4096xi32>
    %swap3A = arith.constant 0 : index
    %swap3A_205 = arith.constant 0 : index
    %swap3A_206 = arith.constant 0 : index
    %swap3A_207 = vector.load %arg5[%swap3A, %swap3A_205, %swap3A_206] : memref<1x8x4096xi32, #tpu.memory_space<vmem>>, vector<1x8x4096xi32>
    tpu.vector_store %arg5[%swap3A, %swap3A_205, %swap3A_206], %broadcast_in_dim3A_204 {strides = array<i32>} : memref<1x8x4096xi32, #tpu.memory_space<vmem>>, vector<1x8x4096xi32>,
    %slice3A_208 = vector.extract_strided_slice %concatenate3A_181 {offsets = [0, 0], sizes = [32, 128], strides = [1, 1]} : vector<32x1024xf32> to vector<32x128xf32>
    %reshape3A_209 = vector.shape_cast %slice3A_208 : vector<32x128xf32> to vector<4096xf32>
    %slice3A_210 = vector.extract_strided_slice %concatenate3A_181 {offsets = [0, 128], sizes = [32, 128], strides = [1, 1]} : vector<32x1024xf32> to vector<32x128xf32>
    %reshape3A_211 = vector.shape_cast %slice3A_210 : vector<32x128xf32> to vector<4096xf32>
    %slice3A_212 = vector.extract_strided_slice %concatenate3A_181 {offsets = [0, 256], sizes = [32, 128], strides = [1, 1]} : vector<32x1024xf32> to vector<32x128xf32>
    %reshape3A_213 = vector.shape_cast %slice3A_212 : vector<32x128xf32> to vector<4096xf32>
    %slice3A_214 = vector.extract_strided_slice %concatenate3A_181 {offsets = [0, 384], sizes = [32, 128], strides = [1, 1]} : vector<32x1024xf32> to vector<32x128xf32>
    %reshape3A_215 = vector.shape_cast %slice3A_214 : vector<32x128xf32> to vector<4096xf32>
    %slice3A_216 = vector.extract_strided_slice %concatenate3A_181 {offsets = [0, 512], sizes = [32, 128], strides = [1, 1]} : vector<32x1024xf32> to vector<32x128xf32>
    %reshape3A_217 = vector.shape_cast %slice3A_216 : vector<32x128xf32> to vector<4096xf32>
    %slice3A_218 = vector.extract_strided_slice %concatenate3A_181 {offsets = [0, 640], sizes = [32, 128], strides = [1, 1]} : vector<32x1024xf32> to vector<32x128xf32>
    %reshape3A_219 = vector.shape_cast %slice3A_218 : vector<32x128xf32> to vector<4096xf32>
    %slice3A_220 = vector.extract_strided_slice %concatenate3A_181 {offsets = [0, 768], sizes = [32, 128], strides = [1, 1]} : vector<32x1024xf32> to vector<32x128xf32>
    %reshape3A_221 = vector.shape_cast %slice3A_220 : vector<32x128xf32> to vector<4096xf32>
    %slice3A_222 = vector.extract_strided_slice %concatenate3A_181 {offsets = [0, 896], sizes = [32, 128], strides = [1, 1]} : vector<32x1024xf32> to vector<32x128xf32>
    %reshape3A_223 = vector.shape_cast %slice3A_222 : vector<32x128xf32> to vector<4096xf32>
    %stack3A_224 = vector.shape_cast %reshape3A_209 : vector<4096xf32> to vector<1x4096xf32>
    %stack3A_225 = vector.shape_cast %reshape3A_211 : vector<4096xf32> to vector<1x4096xf32>
    %stack3A_226 = vector.shape_cast %reshape3A_213 : vector<4096xf32> to vector<1x4096xf32>
    %stack3A_227 = vector.shape_cast %reshape3A_215 : vector<4096xf32> to vector<1x4096xf32>
    %stack3A_228 = vector.shape_cast %reshape3A_217 : vector<4096xf32> to vector<1x4096xf32>
    %stack3A_229 = vector.shape_cast %reshape3A_219 : vector<4096xf32> to vector<1x4096xf32>
    %stack3A_230 = vector.shape_cast %reshape3A_221 : vector<4096xf32> to vector<1x4096xf32>
    %stack3A_231 = vector.shape_cast %reshape3A_223 : vector<4096xf32> to vector<1x4096xf32>
    %stack3A_232 = tpu.concatenate %stack3A_224, %stack3A_225, %stack3A_226, %stack3A_227, %stack3A_228, %stack3A_229, %stack3A_230, %stack3A_231 in 0 : vector<1x4096xf32>, vector<1x4096xf32>, vector<1x4096xf32>, vector<1x4096xf32>, vector<1x4096xf32>, vector<1x4096xf32>, vector<1x4096xf32>, vector<1x4096xf32> -> vector<8x4096xf32>
    %broadcast_in_dim3A_233 = vector.shape_cast %stack3A_232 : vector<8x4096xf32> to vector<1x8x4096xf32>
    %swap3A_234 = arith.constant 0 : index
    %swap3A_235 = arith.constant 0 : index
    %swap3A_236 = arith.constant 0 : index
    %swap3A_237 = vector.load %arg6[%swap3A_234, %swap3A_235, %swap3A_236] : memref<1x8x4096xf32, #tpu.memory_space<vmem>>, vector<1x8x4096xf32>
    tpu.vector_store %arg6[%swap3A_234, %swap3A_235, %swap3A_236], %broadcast_in_dim3A_233 {strides = array<i32>} : memref<1x8x4096xf32, #tpu.memory_space<vmem>>, vector<1x8x4096xf32>,
    return
  }
  func.func @transform_0(%arg0: i32) -> (i32, i32) {
    %c0_i32 = arith.constant 0 : i32
    %c0_i32_0 = arith.constant 0 : i32
    return %arg0, %c0_i32 : i32, i32
  }
  func.func @transform_1(%arg0: i32) -> (i32, i32) {
    %c0_i32 = arith.constant 0 : i32
    %c0_i32_0 = arith.constant 0 : i32
    %c0_i32_1 = arith.constant 0 : i32
    return %c0_i32, %c0_i32_0 : i32, i32
  }
  func.func @transform_2(%arg0: i32) -> (i32, i32) {
    %c0_i32 = arith.constant 0 : i32
    %c0_i32_0 = arith.constant 0 : i32
    %c0_i32_1 = arith.constant 0 : i32
    return %c0_i32, %c0_i32_0 : i32, i32
  }
  func.func @transform_3(%arg0: i32) -> (i32, i32) {
    %c0_i32 = arith.constant 0 : i32
    %c0_i32_0 = arith.constant 0 : i32
    %c0_i32_1 = arith.constant 0 : i32
    return %c0_i32, %c0_i32_0 : i32, i32
  }
  func.func @transform_4(%arg0: i32) -> (i32, i32, i32) {
    %c0_i32 = arith.constant 0 : i32
    %c0_i32_0 = arith.constant 0 : i32
    %c0_i32_1 = arith.constant 0 : i32
    return %arg0, %c0_i32, %c0_i32_0 : i32, i32, i32
  }
  func.func @transform_5(%arg0: i32) -> (i32, i32, i32) {
    %c0_i32 = arith.constant 0 : i32
    %c0_i32_0 = arith.constant 0 : i32
    %c0_i32_1 = arith.constant 0 : i32
    return %arg0, %c0_i32, %c0_i32_0 : i32, i32, i32
  }
}

</mosaic_0001>

<sc_bundles>
// kernel: kernel.6.cloned.1.call-start
scs
__scs_entry_jumppad:
0x0: {  	(pc) =	sbr.rel $0x88, $3  }
0x1: {  	(tag) =	ssettag $0x0;
	lr =	simm.s32 $0x1  }
0x2: {  	[smem:$0x3F9C] =	sst lr;
	_ =	strace $0xD0000000  }
0x3: {  	_ = 	snop  }
0x4: {  	_ = 	snop  }
0x5: {  	_ = 	snop  }
0x6: {  	_ = 	snop  }
0x7: {  	_ = 	snop  }
__scs_overlays_trampoline_lowered:
0x8: {  	[smem:$0x3FAB] =	sst s0  }
0x9: {  	[smem:$0x3FAC] =	sst s1  }
0xa: {  	[smem:$0x3FAD] =	sst s2  }
0xb: {  	[smem:$0x3FAE] =	sst s3  }
0xc: {  	[smem:$0x3FAF] =	sst s4  }
0xd: {  	[smem:$0x3FB0] =	sst s5  }
0xe: {  	[smem:$0x3FB1] =	sst s6  }
0xf: {  	[smem:$0x3FB2] =	sst s7  }
0x10: {  	[smem:$0x3FB3] =	sst s8  }
0x11: {  	[smem:$0x3FB4] =	sst s9;
	s0 =	simm.s32 @!p0 $0x0  }
0x12: {  	s1 =	sld [smem:$0x3F9A];
	s0 =	simm.s32 @p0 $0x1  }
0x13: {  	[smem:$0x3FB5] =	sst s0;
	s0 =	simm.s32 @!p1 $0x0  }
0x14: {  	s2 =	sld [smem:$0x3F99];
	s0 =	simm.s32 @p1 $0x1  }
0x15: {  	[smem:$0x3FB6] =	sst s0;
	s0 =	simm.s32 @!p2 $0x0  }
0x16: {  	s3 =	sld [smem:$0x3FDB];
	s0 =	simm.s32 @p2 $0x1  }
0x17: {  	s4 =	simm.s32 $0x1BF5;
	[smem:$0x3FB8] =	sst s0  }
0x18: {  	s0 =	sld [smem:$0x3F9B];
	_ =	swait.ge [sflag:s4], $0x0  }
0x19: {  	s7 =	sld [smem:$0x3F9C]  }
0x1a: {  	s8 =	sadd.s32 $0xFFFFE003, lr  }
0x1b: {  	s9 =	sadd.s32 $0xFFFFFEF7, lr;
	s5 =	simm.s32 $0xFFFFFFFF;
	p2 =	slt.u32 s8, $0xFFFFF086  }
0x1c: {  	p1 =	slt.u32 s9, $0xF7A;
	s5 =	simm.s32 @!p2 $0x0  }
0x1d: {  	s5 =	simm.s32 @p1 $0x1;
	p0 =	seq.s32 s7, s2  }
0x1e: {  	s7 =	smul.u32 @!p0 $0xF7A, s2;
	p2 =	seq.s32 @!p0 s5, $0x0  }
0x1f: {  	s9 =	smul.u32 $0xF7A, s1;
	s8 =	simm.s32 @!p0 $0x1BF5;
	p2 =	por !p2, p0  }
0x20: {  	[sflag:s8] =	ssyncset.s32 @!p0 $0xFFFFF086;
	s6 =	sadd.s32 @!p0 s3, s7;
	s7 =	simm.s32 @!p0 $0x108  }
0x21: {  	s3 =	sadd.s32 s3, s9;
	s6 =	sadd.s32 @!p0 $0x88, s6;
	s7 =	simm.s32 @p2 $0x1082  }
0x22: {  	[simem:s7], [sflag:s8] =	dma.local @!p0 [hbm:s6], $0xF7A  }
0x23: {  	s9 =	sor.u32 $0xD0000000, s2;
	s6 =	simm.s32 $0x108;
	_ =	swait.ge @!p0 [sflag:s8], $0x0  }
0x24: {  	s3 =	sadd.s32 $0x88, s3;
	s6 =	simm.s32 @!p1 $0x1082;
	[sflag:s4] =	ssyncset.s32 $0xFFFFF086  }
0x25: {  	[simem:s6], [sflag:s4] =	dma.local [hbm:s3], $0xF7A  }
0x26: {  	[smem:$0x3F9C] =	sst s1;
	(tag) =	ssettag s2;
	_ =	strace s9  }
0x27: {  	s1 =	sld [smem:$0x3FAC]  }
0x28: {  	s2 =	sld [smem:$0x3FAD]  }
0x29: {  	s4 =	sld [smem:$0x3FAF]  }
0x2a: {  	p0 =	seq.s32 s5, $0x0;
	s5 =	sld [smem:$0x3FB0]  }
0x2b: {  	s6 =	sld [smem:$0x3FB1]  }
0x2c: {  	s7 =	sld [smem:$0x3FB2]  }
0x2d: {  	s3 =	simm.s32 $0x108;
	s8 =	sld [smem:$0x3FB3]  }
0x2e: {  	s3 =	simm.s32 @!p0 $0x1082;
	s9 =	sld [smem:$0x3FB4]  }
0x2f: {  	lr =	sadd.s32 s0, s3;
	s0 =	sld [smem:$0x3FAB]  }
0x30: {  	s3 =	sld [smem:$0x3FAE]  }
0x31: {  	[smem:$0x3FB7] =	sst s10  }
0x32: {  	s10 =	sld [smem:$0x3FB5];
	_ =	sdelay $0x3  }
0x33: {  	p0 =	seq.s32 s10, $0x1;
	s10 =	sld [smem:$0x3FB7];
	_ =	sdelay $0x3  }
0x34: {  	[smem:$0x3FB7] =	sst s10  }
0x35: {  	s10 =	sld [smem:$0x3FB6];
	_ =	sdelay $0x3  }
0x36: {  	p1 =	seq.s32 s10, $0x1;
	s10 =	sld [smem:$0x3FB7];
	_ =	sdelay $0x3  }
0x37: {  	[smem:$0x3FB7] =	sst s10  }
0x38: {  	s10 =	sld [smem:$0x3FB8]  }
0x39: {  	_ = 	snop;
	(pc) =	sbr.ind lr, $3  }
0x3a: {  	_ = 	snop  }
0x3b: {  	_ = 	snop  }
0x3c: {  	p2 =	seq.s32 s10, $0x1;
	s10 =	sld [smem:$0x3FB7]  }
0x3d: {  	_ =	shalt  }
0x3e: {  	_ =	shalt  }
0x3f: {  	_ =	shalt  }
0x40: {  	_ =	shalt  }
0x41: {  	_ =	shalt  }
0x42: {  	_ =	shalt  }
0x43: {  	_ =	shalt  }
0x44: {  	_ =	shalt  }
0x45: {  	_ =	shalt  }
0x46: {  	_ =	shalt  }
0x47: {  	_ =	shalt  }
0x48: {  	_ =	shalt  }
0x49: {  	_ =	shalt  }
0x4a: {  	_ =	shalt  }
0x4b: {  	_ =	shalt  }
0x4c: {  	_ =	shalt  }
0x4d: {  	_ =	shalt  }
0x4e: {  	_ =	shalt  }
0x4f: {  	_ =	shalt  }
0x50: {  	_ =	shalt  }
0x51: {  	_ =	shalt  }
0x52: {  	_ =	shalt  }
0x53: {  	_ =	shalt  }
0x54: {  	_ =	shalt  }
0x55: {  	_ =	shalt  }
0x56: {  	_ =	shalt  }
0x57: {  	_ =	shalt  }
0x58: {  	_ =	shalt  }
0x59: {  	_ =	shalt  }
0x5a: {  	_ =	shalt  }
0x5b: {  	_ =	shalt  }
0x5c: {  	_ =	shalt  }
0x5d: {  	_ =	shalt  }
0x5e: {  	_ =	shalt  }
0x5f: {  	_ =	shalt  }
0x60: {  	_ =	shalt  }
0x61: {  	_ =	shalt  }
0x62: {  	_ =	shalt  }
0x63: {  	_ =	shalt  }
0x64: {  	_ =	shalt  }
0x65: {  	_ =	shalt  }
0x66: {  	_ =	shalt  }
0x67: {  	_ =	shalt  }
0x68: {  	_ =	shalt  }
0x69: {  	_ =	shalt  }
0x6a: {  	_ =	shalt  }
0x6b: {  	_ =	shalt  }
0x6c: {  	_ =	shalt  }
0x6d: {  	_ =	shalt  }
0x6e: {  	_ =	shalt  }
0x6f: {  	_ =	shalt  }
0x70: {  	_ =	shalt  }
0x71: {  	_ =	shalt  }
0x72: {  	_ =	shalt  }
0x73: {  	_ =	shalt  }
0x74: {  	_ =	shalt  }
0x75: {  	_ =	shalt  }
0x76: {  	_ =	shalt  }
0x77: {  	_ =	shalt  }
0x78: {  	_ =	shalt  }
0x79: {  	_ =	shalt  }
0x7a: {  	_ =	shalt  }
0x7b: {  	_ =	shalt  }
0x7c: {  	_ =	shalt  }
0x7d: {  	_ =	shalt  }
0x7e: {  	_ =	shalt  }
0x7f: {  	_ =	shalt  }
0x80: {  	_ =	shalt  }
0x81: {  	_ =	shalt  }
0x82: {  	_ =	shalt  }
0x83: {  	_ =	shalt  }
0x84: {  	_ =	shalt  }
0x85: {  	_ =	shalt  }
0x86: {  	_ =	shalt  }
0x87: {  	_ =	shalt  }
.Lfunc_end0:
.L_simem_size_0:
called_computation_lowered:
.L_overlay_start_0:
0x88: {  	s2 =	sld [smem:$0x3FD9]  }
0x89: {  	s3 =	sld [smem:$0x3FFE];
	_ =	sdelay $0x1  }
0x8a: {  	s1 =	srdreg.scid  }
0x8b: {  	s0 =	sand.u32 $0x1, s1  }
0x8c: {  	s17 =	sshll.u32 s0, $0xA;
	s2 =	sadd.s32 s3, s2  }
0x8d: {  	s2 =	sadd.s32 s2, s17  }
0x8e: {  	[smem:$0x3FC3] =	sst s2  }
0x8f: {  	_ = 	snop  }
0x90: {  	s2 =	sld [smem:$0x3FD0];
	(tm) =	ssettm $0x1  }
0x91: {  	s18 =	sld [smem:$0x3FFB];
	_ =	sdelay $0x3  }
0x92: {  	_ =	strace s18  }
0x93: {  	s3 =	sld [smem:$0x3FFC];
	_ =	sdelay $0x3  }
0x94: {  	_ =	strace s3  }
0x95: {  	s3 =	sld [smem:$0x3FFD];
	_ =	sdelay $0x3  }
0x96: {  	_ =	strace s3  }
0x97: {  	_ =	strace $0x8FFFFFFF  }
0x98: {  	s19 =	sld [smem:$0x3FDB];
	_ =	sdelay $0x1  }
0x99: {  	s4 =	simm.s32 $_scs_section_size  }
0x9a: {  	s5 =	simm.s32 $_size__tile_overlayer_lowered;
	s6 =	simm.s32 $_tile_overlayer_lowered  }
0x9b: {  	s22 =	simm.s32 $0x1BFF;
	s21 =	sshll.u32 s6, $0x1;
	s3 =	sadd.s32 s4, s19  }
0x9c: {  	s7 =	simm.s32 $0x0;
	s20 =	sshll.u32 s5, $0x1;
	s5 =	sadd.s32 s21, s3  }
0x9d: {  	[timem:s7], [sflag:s22] =	dma.local [hbm:s5], s20  }
0x9e: {  	_ =	swait.ge [sflag:s22], s20  }
0x9f: {  	s4 =	ssub.s32 $0x0, s20;
	[sflag:s22] =	ssyncset.done $0x0  }
0xa0: {  	[sflag:s22] =	ssyncadd.s32 s4;
	_ =	sdelay $0x1  }
0xa1: {  	s23 =	simm.s32 $0x1B8B  }
0xa2: {  	_ =	swait.ge [sflag:s23], $0x1  }
0xa3: {  	[sflag:s23] =	ssyncset.done $0x0  }
0xa4: {  	s25 =	simm.s32 $0x1B8E;
	s24 =	sld [smem:$0x3FFE];
	[sflag:s23] =	ssyncadd.s32 $0xFFFFFFFF  }
0xa5: {  	s26 =	simm.s32 $execute0_lowered;
	[smem:$0x3FD2] =	sst s25  }
0xa6: {  	s5 =	sshll.u32 s26, $0x1;
	_ =	strace $0x80000046;
	[dreg:$0x1] =	wrdreg $0xFFFFFFFF  }
0xa7: {  	s28 =	simm.s32 $_size_execute0_lowered;
	s3 =	sadd.s32 s3, s5;
	[dreg:$0x0] =	wrdreg $0x0  }
0xa8: {  	s5 =	sshll.u32 s28, $0x1;
	[dreg:$0x2] =	wrdreg s3  }
0xa9: {  	[dreg:$0x3] =	wrdreg s5  }
0xaa: {  	[dreg:$0x4] =	wrdreg $0xC0  }
0xab: {  	_ =	task [dreg:s7], $0x5FFFF  }
0xac: {  	[dreg:$0x1] =	wrdreg $0xFFFFFFFF  }
0xad: {  	[dreg:$0x0] =	wrdreg $0x60  }
0xae: {  	[dreg:$0x2] =	wrdreg s2  }
0xaf: {  	[dreg:$0x3] =	wrdreg s24  }
0xb0: {  	[dreg:$0x4] =	wrdreg $0x9  }
0xb1: {  	_ =	task.clear_ibuf [dreg:s7], $0x5FFFF;
	_ =	strace $0x90000046  }
0xb2: {  	s29 =	simm.s32 $0x9;
	_ =	strace $0x80000048  }
0xb3: {  	_ =	swait.ge [sflag:s29], $0x1  }
0xb4: {  	[sflag:s29] =	ssyncadd.s32 $0xFFFFFFFF  }
0xb5: {  	_ =	strace $0x90000048  }
0xb6: {  	_ =	sfence  }
0xb7: {  	s30 =	sld [smem:$0x0];
	_ =	sdelay $0x2  }
0xb8: {  	s31 =	sshll.u32 s1, $0xD;
	s1 =	sshrl.u32 s1, $0x2  }
0xb9: {  	s3 =	sand.u32 $0x4000, s31;
	s1 =	sadd.s32 s1, s30  }
0xba: {  	s0 =	sor.u32 s3, s0;
	s1 =	sshll.u32 s1, $0x11  }
0xbb: {  	s0 =	sor.u32 s1, s0  }
0xbc: {  	s0 =	sadd.s32 $0x8F2B, s0  }
0xbd: {  	[sflag:s0] =	ssyncadd.remote.s32 $0x1  }
0xbe: {  	_ =	sfence.sel $0xFFFF  }
0xbf: {  	[dreg:$0x0] =	wrdreg $0xFFFFFFFF;
	(pc) =	sbr.abs _section_cstart, $3  }
0xc0: {  	[dreg:$0x1] =	wrdreg $0xFFFFFFFF  }
0xc1: {  	_ =	task.clear_ibuf [dreg:s7], $0x2FFFF;
	_ =	strace $0x9FFFFFFF  }
0xc2: {  	(tm) =	ssettm $0x7FFFFFFF  }
0xc3: {  	_ =	shalt  }
tec
execute0_lowered:
.L_overlay_start_1:
0x0: {  	(tag) =	ssettag $0x1  }
0x1: {  	v0 =	vimm.s32 $0x2380;
	vm0 =	vcmask $0x300  }
0x2: {  	vm14 =	vcmask $0x704;
	v0 =	vsel vm0, $0x0, v0  }
0x3: {  	s3 =	rddreg [dreg:$0x0];
	s1 =	srdreg.scid;
	vm15 =	vcmask $0xB08;
	v0 =	vsel vm14, $0x80, v0  }
0x4: {  	s0 =	stileid.u32;
	s4 =	rddreg [dreg:$0x1];
	vm4 =	vcmask $0xF0C;
	s2 =	simm.s32 $0x0;
	v0 =	vsel vm15, $0x100, v0  }
0x5: {  	vm5 =	vcmask $0x1310;
	s14 =	simm.s32 $0x80;
	s15 =	simm.s32 $0x400;
	s16 =	simm.s32 $0x3;
	v0 =	vsel vm4, $0x180, v0  }
0x6: {  	vm6 =	vcmask $0x1714;
	s17 =	simm.s32 $0x1000;
	s18 =	simm.s32 $0x2000;
	s19 =	simm.s32 $0x6000;
	v0 =	vsel vm5, $0x200, v0  }
0x7: {  	vm7 =	vcmask $0x1B18;
	s20 =	simm.s32 $0x1;
	s21 =	simm.s32 $0x2;
	s22 =	simm.s32 $0x0;
	v0 =	vsel vm6, $0x280, v0  }
0x8: {  	vm8 =	vcmask $0x1F1C;
	s5 =	sand.u32 $0x1, s1;
	s6 =	sshll.u32 s0, $0x1;
	s1 =	rddreg [dreg:$0x2];
	v0 =	vsel vm7, $0x300, v0  }
0x9: {  	vm9 =	vcmask $0x2320;
	[smem:$0x7FF] =	sst s2;
	s7 =	sshll.u32 s0, $0xA;
	s6 =	sor.u32 s5, s6;
	v0 =	vsel vm8, $0x380, v0  }
0xa: {  	vm10 =	vcmask $0x2724;
	_ =	strace $0x80000047;
	s5 =	ssub.s32 $0x2, s5;
	s8 =	sshll.u32 s6, $0x4;
	v0 =	vsel vm9, $0x2000, v0  }
0xb: {  	vm11 =	vcmask $0x2B28;
	s6 =	sshll.u32 s6, $0xE;
	s31 =	sshrl.u32 s5, $0x1;
	s7 =	sor.u32 s7, s8;
	v0 =	vsel vm10, $0x2080, v0  }
0xc: {  	vm12 =	vcmask $0x2F2C;
	s12 =	sadd.s32 s6, s4;
	s13 =	ssub.s32 s5, s31;
	s7 =	sand.u32 $0x3070, s7;
	v0 =	vsel vm11, $0x2100, v0  }
0xd: {  	vm13 =	vcmask $0x3330;
	s5 =	sadd.s32 $0x5000, s12;
	s6 =	sadd.s32 $0x5800, s12;
	s8 =	sadd.s32 $0x6800, s12;
	v0 =	vsel vm12, $0x2180, v0  }
0xe: {  	vm14 =	vcmask $0x3734;
	s9 =	sadd.s32 $0x7000, s12;
	s10 =	sadd.s32 $0x7800, s12;
	s11 =	sadd.s32 $0x8000, s12;
	v0 =	vsel vm13, $0x2200, v0  }
0xf: {  	vm15 =	vcmask $0x3B38;
	s13 =	smax.u32 s13, $0x1;
	s30 =	sadd.s32 s7, s4;
	s3 =	sadd.s32 s3, s7;
	v1 =	vsel vm14, $0x2280, v0  }
0x10: {  	s7 =	sadd.s32 $0x6000, s12;
	s12 =	sadd.s32 $0x8800, s12;
	s4 =	sadd.s32 $0x1000, s30;
	v0 =	vimm.f32 $0.0e+00;
	v1 =	vsel vm15, $0x2300, v1  }
.LBB2_1:
0x11: {  	[tilespmem:s2], [sflag:$0x3] =	stream.strided.gather [hbm4b:s3+s14], $0x1000, s15, s14, $0x38;
	[tilespmem:$0xA000] =	vst v63  }
0x12: {  	_ =	swait.ge [sflag:s16], $0x1000  }
0x13: {  	[sflag:s16] =	ssyncset.done $0x0  }
0x14: {  	[sflag:s16] =	ssyncadd.s32 $0xFFFFF000  }
0x15: {  	[tilespmem:s17], [sflag:$0x3] =	stream.strided.gather [hbm4b:s4+s14], $0x1000, s15, s14, $0x38;
	[tilespmem:$0xA000] =	vst v63  }
0x16: {  	_ =	swait.ge [sflag:s16], $0x1000  }
0x17: {  	s23 =	sand.u32 $0x70, s2;
	s24 =	sand.u32 $0x1C00, s2;
	[sflag:s16] =	ssyncset.done $0x0  }
0x18: {  	s23 =	sor.u32 s23, s24;
	[sflag:s16] =	ssyncadd.s32 $0xFFFFF000  }
0x19: {  	[tilespmem:s23+$0x2080] =	vst v0  }
0x1a: {  	[tilespmem:s23+$0x2100] =	vst v0  }
0x1b: {  	[tilespmem:s23+$0x2180] =	vst v0  }
0x1c: {  	[tilespmem:s23+$0x2200] =	vst v0  }
0x1d: {  	[tilespmem:s23+$0x2280] =	vst v0  }
0x1e: {  	s26 =	sor.u32 s2, s2;
	s25 =	simm.s32 $0x0;
	s24 =	simm.s32 $0x10;
	[tilespmem:s23+$0x2300] =	vst v0  }
.LBB2_2:
0x1f: {  	p0 =	sne.s32 s24, $0x3F0;
	[tilespmem:s23+$0x2000] =	vst v0;
	s26 =	sor.u32 $0x380, s26  }
0x20: {  	[tilespmem:s26+$0x2000] =	vst v0  }
0x21: {  	[tilespmem:s23+$0x4000] =	vst v0  }
0x22: {  	[tilespmem:s23+$0x4080] =	vst v0  }
0x23: {  	[tilespmem:s23+$0x4100] =	vst v0  }
0x24: {  	[tilespmem:s23+$0x4180] =	vst v0  }
0x25: {  	[tilespmem:s23+$0x4200] =	vst v0  }
0x26: {  	s25 =	sadd.s32 $0x80, s25;
	[tilespmem:s23+$0x4280] =	vst v0  }
0x27: {  	s26 =	sand.u32 $0x70, s24;
	s28 =	sand.u32 $0x1C00, s25;
	[tilespmem:s23+$0x4300] =	vst v0  }
0x28: {  	[tilespmem:s23+$0x4380] =	vst v0;
	s23 =	sor.u32 s26, s28  }
0x29: {  	[tilespmem:s23+$0x2080] =	vst v0  }
.Ltmp0:
0x2a: {  	[tilespmem:s23+$0x2100] =	vst v0;
	(pc) =	sbr.rel @p0 .LBB2_2-.Ltmp0, $4  }
0x2b: {  	[tilespmem:s23+$0x2180] =	vst v0  }
0x2c: {  	[tilespmem:s23+$0x2200] =	vst v0  }
0x2d: {  	[tilespmem:s23+$0x2280] =	vst v0  }
0x2e: {  	s26 =	sor.u32 s25, s24;
	s24 =	sadd.s32 $0x10, s24;
	[tilespmem:s23+$0x2300] =	vst v0  }
0x2f: {  	[tilespmem:s23+$0x2000] =	vst v0;
	s24 =	sor.u32 $0x380, s26  }
0x30: {  	[tilespmem:s24+$0x2000] =	vst v0  }
0x31: {  	[tilespmem:s23+$0x4000] =	vst v0  }
0x32: {  	[tilespmem:s23+$0x4080] =	vst v0  }
0x33: {  	[tilespmem:s23+$0x4100] =	vst v0  }
0x34: {  	[tilespmem:s23+$0x4180] =	vst v0  }
0x35: {  	[tilespmem:s23+$0x4200] =	vst v0  }
0x36: {  	[tilespmem:s23+$0x4280] =	vst v0  }
0x37: {  	[tilespmem:s23+$0x4300] =	vst v0  }
0x38: {  	[tilespmem:s23+$0x4380] =	vst v0  }
0x39: {  	v2 =	vld [tilespmem:$0x0];
	_ =	sdelay $0x4  }
0x3a: {  	v3 =	vshll.u32 v2, $0x3  }
0x3b: {  	v2 =	vand.u32 $0x7F, v2;
	v3 =	vand.u32 $0xFFFFFC00, v3  }
0x3c: {  	v2 =	vor.u32 v2, v3  }
0x3d: {  	v3 =	vld [tilespmem:$0x1000];
	v2 =	vadd.s32 v1, v2;
	_ =	sdelay $0x4  }
0x3e: {  	[tilespmem:v2+s18+$0x0] =	vst.idx.add.f32.msk $0xffff, v3  }
0x3f: {  	v2 =	vld [tilespmem:$0x80];
	_ =	sdelay $0x4  }
0x40: {  	v3 =	vshll.u32 v2, $0x3  }
0x41: {  	v2 =	vand.u32 $0x7F, v2;
	v3 =	vand.u32 $0xFFFFFC00, v3  }
0x42: {  	v2 =	vor.u32 v2, v3  }
0x43: {  	v3 =	vld [tilespmem:$0x1080];
	v2 =	vadd.s32 v1, v2;
	_ =	sdelay $0x4  }
0x44: {  	[tilespmem:v2+s18+$0x0] =	vst.idx.add.f32.msk $0xffff, v3  }
0x45: {  	v2 =	vld [tilespmem:$0x100];
	_ =	sdelay $0x4  }
0x46: {  	v3 =	vshll.u32 v2, $0x3  }
0x47: {  	v2 =	vand.u32 $0x7F, v2;
	v3 =	vand.u32 $0xFFFFFC00, v3  }
0x48: {  	v2 =	vor.u32 v2, v3  }
0x49: {  	v3 =	vld [tilespmem:$0x1100];
	v2 =	vadd.s32 v1, v2;
	_ =	sdelay $0x4  }
0x4a: {  	[tilespmem:v2+s18+$0x0] =	vst.idx.add.f32.msk $0xffff, v3  }
0x4b: {  	v2 =	vld [tilespmem:$0x180];
	_ =	sdelay $0x4  }
0x4c: {  	v3 =	vshll.u32 v2, $0x3  }
0x4d: {  	v2 =	vand.u32 $0x7F, v2;
	v3 =	vand.u32 $0xFFFFFC00, v3  }
0x4e: {  	v2 =	vor.u32 v2, v3  }
0x4f: {  	v3 =	vld [tilespmem:$0x1180];
	v2 =	vadd.s32 v1, v2;
	_ =	sdelay $0x4  }
0x50: {  	[tilespmem:v2+s18+$0x0] =	vst.idx.add.f32.msk $0xffff, v3  }
0x51: {  	v2 =	vld [tilespmem:$0x200];
	_ =	sdelay $0x4  }
0x52: {  	v3 =	vshll.u32 v2, $0x3  }
0x53: {  	v2 =	vand.u32 $0x7F, v2;
	v3 =	vand.u32 $0xFFFFFC00, v3  }
0x54: {  	v2 =	vor.u32 v2, v3  }
0x55: {  	v3 =	vld [tilespmem:$0x1200];
	v2 =	vadd.s32 v1, v2;
	_ =	sdelay $0x4  }
0x56: {  	[tilespmem:v2+s18+$0x0] =	vst.idx.add.f32.msk $0xffff, v3  }
0x57: {  	v2 =	vld [tilespmem:$0x280];
	_ =	sdelay $0x4  }
0x58: {  	v3 =	vshll.u32 v2, $0x3  }
0x59: {  	v2 =	vand.u32 $0x7F, v2;
	v3 =	vand.u32 $0xFFFFFC00, v3  }
0x5a: {  	v2 =	vor.u32 v2, v3  }
0x5b: {  	v3 =	vld [tilespmem:$0x1280];
	v2 =	vadd.s32 v1, v2;
	_ =	sdelay $0x4  }
0x5c: {  	[tilespmem:v2+s18+$0x0] =	vst.idx.add.f32.msk $0xffff, v3  }
0x5d: {  	v2 =	vld [tilespmem:$0x300];
	_ =	sdelay $0x4  }
0x5e: {  	v3 =	vshll.u32 v2, $0x3  }
0x5f: {  	v2 =	vand.u32 $0x7F, v2;
	v3 =	vand.u32 $0xFFFFFC00, v3  }
0x60: {  	v2 =	vor.u32 v2, v3  }
0x61: {  	v3 =	vld [tilespmem:$0x1300];
	v2 =	vadd.s32 v1, v2;
	_ =	sdelay $0x4  }
0x62: {  	[tilespmem:v2+s18+$0x0] =	vst.idx.add.f32.msk $0xffff, v3  }
0x63: {  	v2 =	vld [tilespmem:$0x380];
	_ =	sdelay $0x4  }
0x64: {  	v3 =	vshll.u32 v2, $0x3  }
0x65: {  	v2 =	vand.u32 $0x7F, v2;
	v3 =	vand.u32 $0xFFFFFC00, v3  }
0x66: {  	v2 =	vor.u32 v2, v3  }
0x67: {  	v3 =	vld [tilespmem:$0x1380];
	v2 =	vadd.s32 v1, v2;
	_ =	sdelay $0x4  }
0x68: {  	[tilespmem:v2+s18+$0x0] =	vst.idx.add.f32.msk $0xffff, v3  }
0x69: {  	v2 =	vld [tilespmem:$0x400];
	_ =	sdelay $0x4  }
0x6a: {  	v3 =	vshll.u32 v2, $0x3  }
0x6b: {  	v2 =	vand.u32 $0x7F, v2;
	v3 =	vand.u32 $0xFFFFFC00, v3  }
0x6c: {  	v2 =	vor.u32 v2, v3  }
0x6d: {  	v3 =	vld [tilespmem:$0x1400];
	v2 =	vadd.s32 v1, v2;
	_ =	sdelay $0x4  }
0x6e: {  	[tilespmem:v2+s18+$0x0] =	vst.idx.add.f32.msk $0xffff, v3  }
0x6f: {  	v2 =	vld [tilespmem:$0x480];
	_ =	sdelay $0x4  }
0x70: {  	v3 =	vshll.u32 v2, $0x3  }
0x71: {  	v2 =	vand.u32 $0x7F, v2;
	v3 =	vand.u32 $0xFFFFFC00, v3  }
0x72: {  	v2 =	vor.u32 v2, v3  }
0x73: {  	v3 =	vld [tilespmem:$0x1480];
	v2 =	vadd.s32 v1, v2;
	_ =	sdelay $0x4  }
0x74: {  	[tilespmem:v2+s18+$0x0] =	vst.idx.add.f32.msk $0xffff, v3  }
0x75: {  	v2 =	vld [tilespmem:$0x500];
	_ =	sdelay $0x4  }
0x76: {  	v3 =	vshll.u32 v2, $0x3  }
0x77: {  	v2 =	vand.u32 $0x7F, v2;
	v3 =	vand.u32 $0xFFFFFC00, v3  }
0x78: {  	v2 =	vor.u32 v2, v3  }
0x79: {  	v3 =	vld [tilespmem:$0x1500];
	v2 =	vadd.s32 v1, v2;
	_ =	sdelay $0x4  }
0x7a: {  	[tilespmem:v2+s18+$0x0] =	vst.idx.add.f32.msk $0xffff, v3  }
0x7b: {  	v2 =	vld [tilespmem:$0x580];
	_ =	sdelay $0x4  }
0x7c: {  	v3 =	vshll.u32 v2, $0x3  }
0x7d: {  	v2 =	vand.u32 $0x7F, v2;
	v3 =	vand.u32 $0xFFFFFC00, v3  }
0x7e: {  	v2 =	vor.u32 v2, v3  }
0x7f: {  	v3 =	vld [tilespmem:$0x1580];
	v2 =	vadd.s32 v1, v2;
	_ =	sdelay $0x4  }
0x80: {  	[tilespmem:v2+s18+$0x0] =	vst.idx.add.f32.msk $0xffff, v3  }
0x81: {  	v2 =	vld [tilespmem:$0x600];
	_ =	sdelay $0x4  }
0x82: {  	v3 =	vshll.u32 v2, $0x3  }
0x83: {  	v2 =	vand.u32 $0x7F, v2;
	v3 =	vand.u32 $0xFFFFFC00, v3  }
0x84: {  	v2 =	vor.u32 v2, v3  }
0x85: {  	v3 =	vld [tilespmem:$0x1600];
	v2 =	vadd.s32 v1, v2;
	_ =	sdelay $0x4  }
0x86: {  	[tilespmem:v2+s18+$0x0] =	vst.idx.add.f32.msk $0xffff, v3  }
0x87: {  	v2 =	vld [tilespmem:$0x680];
	_ =	sdelay $0x4  }
0x88: {  	v3 =	vshll.u32 v2, $0x3  }
0x89: {  	v2 =	vand.u32 $0x7F, v2;
	v3 =	vand.u32 $0xFFFFFC00, v3  }
0x8a: {  	v2 =	vor.u32 v2, v3  }
0x8b: {  	v3 =	vld [tilespmem:$0x1680];
	v2 =	vadd.s32 v1, v2;
	_ =	sdelay $0x4  }
0x8c: {  	[tilespmem:v2+s18+$0x0] =	vst.idx.add.f32.msk $0xffff, v3  }
0x8d: {  	v2 =	vld [tilespmem:$0x700];
	_ =	sdelay $0x4  }
0x8e: {  	v3 =	vshll.u32 v2, $0x3  }
0x8f: {  	v2 =	vand.u32 $0x7F, v2;
	v3 =	vand.u32 $0xFFFFFC00, v3  }
0x90: {  	v2 =	vor.u32 v2, v3  }
0x91: {  	v3 =	vld [tilespmem:$0x1700];
	v2 =	vadd.s32 v1, v2;
	_ =	sdelay $0x4  }
0x92: {  	[tilespmem:v2+s18+$0x0] =	vst.idx.add.f32.msk $0xffff, v3  }
0x93: {  	v2 =	vld [tilespmem:$0x780];
	_ =	sdelay $0x4  }
0x94: {  	v3 =	vshll.u32 v2, $0x3  }
0x95: {  	v2 =	vand.u32 $0x7F, v2;
	v3 =	vand.u32 $0xFFFFFC00, v3  }
0x96: {  	v2 =	vor.u32 v2, v3  }
0x97: {  	v3 =	vld [tilespmem:$0x1780];
	v2 =	vadd.s32 v1, v2;
	_ =	sdelay $0x4  }
0x98: {  	[tilespmem:v2+s18+$0x0] =	vst.idx.add.f32.msk $0xffff, v3  }
0x99: {  	v2 =	vld [tilespmem:$0x800];
	_ =	sdelay $0x4  }
0x9a: {  	v3 =	vshll.u32 v2, $0x3  }
0x9b: {  	v2 =	vand.u32 $0x7F, v2;
	v3 =	vand.u32 $0xFFFFFC00, v3  }
0x9c: {  	v2 =	vor.u32 v2, v3  }
0x9d: {  	v3 =	vld [tilespmem:$0x1800];
	v2 =	vadd.s32 v1, v2;
	_ =	sdelay $0x4  }
0x9e: {  	[tilespmem:v2+s18+$0x0] =	vst.idx.add.f32.msk $0xffff, v3  }
0x9f: {  	v2 =	vld [tilespmem:$0x880];
	_ =	sdelay $0x4  }
0xa0: {  	v3 =	vshll.u32 v2, $0x3  }
0xa1: {  	v2 =	vand.u32 $0x7F, v2;
	v3 =	vand.u32 $0xFFFFFC00, v3  }
0xa2: {  	v2 =	vor.u32 v2, v3  }
0xa3: {  	v3 =	vld [tilespmem:$0x1880];
	v2 =	vadd.s32 v1, v2;
	_ =	sdelay $0x4  }
0xa4: {  	[tilespmem:v2+s18+$0x0] =	vst.idx.add.f32.msk $0xffff, v3  }
0xa5: {  	v2 =	vld [tilespmem:$0x900];
	_ =	sdelay $0x4  }
0xa6: {  	v3 =	vshll.u32 v2, $0x3  }
0xa7: {  	v2 =	vand.u32 $0x7F, v2;
	v3 =	vand.u32 $0xFFFFFC00, v3  }
0xa8: {  	v2 =	vor.u32 v2, v3  }
0xa9: {  	v3 =	vld [tilespmem:$0x1900];
	v2 =	vadd.s32 v1, v2;
	_ =	sdelay $0x4  }
0xaa: {  	[tilespmem:v2+s18+$0x0] =	vst.idx.add.f32.msk $0xffff, v3  }
0xab: {  	v2 =	vld [tilespmem:$0x980];
	_ =	sdelay $0x4  }
0xac: {  	v3 =	vshll.u32 v2, $0x3  }
0xad: {  	v2 =	vand.u32 $0x7F, v2;
	v3 =	vand.u32 $0xFFFFFC00, v3  }
0xae: {  	v2 =	vor.u32 v2, v3  }
0xaf: {  	v3 =	vld [tilespmem:$0x1980];
	v2 =	vadd.s32 v1, v2;
	_ =	sdelay $0x4  }
0xb0: {  	[tilespmem:v2+s18+$0x0] =	vst.idx.add.f32.msk $0xffff, v3  }
0xb1: {  	v2 =	vld [tilespmem:$0xA00];
	_ =	sdelay $0x4  }
0xb2: {  	v3 =	vshll.u32 v2, $0x3  }
0xb3: {  	v2 =	vand.u32 $0x7F, v2;
	v3 =	vand.u32 $0xFFFFFC00, v3  }
0xb4: {  	v2 =	vor.u32 v2, v3  }
0xb5: {  	v3 =	vld [tilespmem:$0x1A00];
	v2 =	vadd.s32 v1, v2;
	_ =	sdelay $0x4  }
0xb6: {  	[tilespmem:v2+s18+$0x0] =	vst.idx.add.f32.msk $0xffff, v3  }
0xb7: {  	v2 =	vld [tilespmem:$0xA80];
	_ =	sdelay $0x4  }
0xb8: {  	v3 =	vshll.u32 v2, $0x3  }
0xb9: {  	v2 =	vand.u32 $0x7F, v2;
	v3 =	vand.u32 $0xFFFFFC00, v3  }
0xba: {  	v2 =	vor.u32 v2, v3  }
0xbb: {  	v3 =	vld [tilespmem:$0x1A80];
	v2 =	vadd.s32 v1, v2;
	_ =	sdelay $0x4  }
0xbc: {  	[tilespmem:v2+s18+$0x0] =	vst.idx.add.f32.msk $0xffff, v3  }
0xbd: {  	v2 =	vld [tilespmem:$0xB00];
	_ =	sdelay $0x4  }
0xbe: {  	v3 =	vshll.u32 v2, $0x3  }
0xbf: {  	v2 =	vand.u32 $0x7F, v2;
	v3 =	vand.u32 $0xFFFFFC00, v3  }
0xc0: {  	v2 =	vor.u32 v2, v3  }
0xc1: {  	v3 =	vld [tilespmem:$0x1B00];
	v2 =	vadd.s32 v1, v2;
	_ =	sdelay $0x4  }
0xc2: {  	[tilespmem:v2+s18+$0x0] =	vst.idx.add.f32.msk $0xffff, v3  }
0xc3: {  	v2 =	vld [tilespmem:$0xB80];
	_ =	sdelay $0x4  }
0xc4: {  	v3 =	vshll.u32 v2, $0x3  }
0xc5: {  	v2 =	vand.u32 $0x7F, v2;
	v3 =	vand.u32 $0xFFFFFC00, v3  }
0xc6: {  	v2 =	vor.u32 v2, v3  }
0xc7: {  	v3 =	vld [tilespmem:$0x1B80];
	v2 =	vadd.s32 v1, v2;
	_ =	sdelay $0x4  }
0xc8: {  	[tilespmem:v2+s18+$0x0] =	vst.idx.add.f32.msk $0xffff, v3  }
0xc9: {  	v2 =	vld [tilespmem:$0xC00];
	_ =	sdelay $0x4  }
0xca: {  	v3 =	vshll.u32 v2, $0x3  }
0xcb: {  	v2 =	vand.u32 $0x7F, v2;
	v3 =	vand.u32 $0xFFFFFC00, v3  }
0xcc: {  	v2 =	vor.u32 v2, v3  }
0xcd: {  	v3 =	vld [tilespmem:$0x1C00];
	v2 =	vadd.s32 v1, v2;
	_ =	sdelay $0x4  }
0xce: {  	[tilespmem:v2+s18+$0x0] =	vst.idx.add.f32.msk $0xffff, v3  }
0xcf: {  	v2 =	vld [tilespmem:$0xC80];
	_ =	sdelay $0x4  }
0xd0: {  	v3 =	vshll.u32 v2, $0x3  }
0xd1: {  	v2 =	vand.u32 $0x7F, v2;
	v3 =	vand.u32 $0xFFFFFC00, v3  }
0xd2: {  	v2 =	vor.u32 v2, v3  }
0xd3: {  	v3 =	vld [tilespmem:$0x1C80];
	v2 =	vadd.s32 v1, v2;
	_ =	sdelay $0x4  }
0xd4: {  	[tilespmem:v2+s18+$0x0] =	vst.idx.add.f32.msk $0xffff, v3  }
0xd5: {  	v2 =	vld [tilespmem:$0xD00];
	_ =	sdelay $0x4  }
0xd6: {  	v3 =	vshll.u32 v2, $0x3  }
0xd7: {  	v2 =	vand.u32 $0x7F, v2;
	v3 =	vand.u32 $0xFFFFFC00, v3  }
0xd8: {  	v2 =	vor.u32 v2, v3  }
0xd9: {  	v3 =	vld [tilespmem:$0x1D00];
	v2 =	vadd.s32 v1, v2;
	_ =	sdelay $0x4  }
0xda: {  	[tilespmem:v2+s18+$0x0] =	vst.idx.add.f32.msk $0xffff, v3  }
0xdb: {  	v2 =	vld [tilespmem:$0xD80];
	_ =	sdelay $0x4  }
0xdc: {  	v3 =	vshll.u32 v2, $0x3  }
0xdd: {  	v2 =	vand.u32 $0x7F, v2;
	v3 =	vand.u32 $0xFFFFFC00, v3  }
0xde: {  	v2 =	vor.u32 v2, v3  }
0xdf: {  	v3 =	vld [tilespmem:$0x1D80];
	v2 =	vadd.s32 v1, v2;
	_ =	sdelay $0x4  }
0xe0: {  	[tilespmem:v2+s18+$0x0] =	vst.idx.add.f32.msk $0xffff, v3  }
0xe1: {  	v2 =	vld [tilespmem:$0xE00];
	_ =	sdelay $0x4  }
0xe2: {  	v3 =	vshll.u32 v2, $0x3  }
0xe3: {  	v2 =	vand.u32 $0x7F, v2;
	v3 =	vand.u32 $0xFFFFFC00, v3  }
0xe4: {  	v2 =	vor.u32 v2, v3  }
0xe5: {  	v3 =	vld [tilespmem:$0x1E00];
	v2 =	vadd.s32 v1, v2;
	_ =	sdelay $0x4  }
0xe6: {  	[tilespmem:v2+s18+$0x0] =	vst.idx.add.f32.msk $0xffff, v3  }
0xe7: {  	v2 =	vld [tilespmem:$0xE80];
	_ =	sdelay $0x4  }
0xe8: {  	v3 =	vshll.u32 v2, $0x3  }
0xe9: {  	v2 =	vand.u32 $0x7F, v2;
	v3 =	vand.u32 $0xFFFFFC00, v3  }
0xea: {  	v2 =	vor.u32 v2, v3  }
0xeb: {  	v3 =	vld [tilespmem:$0x1E80];
	v2 =	vadd.s32 v1, v2;
	_ =	sdelay $0x4  }
0xec: {  	[tilespmem:v2+s18+$0x0] =	vst.idx.add.f32.msk $0xffff, v3  }
0xed: {  	v2 =	vld [tilespmem:$0xF00];
	_ =	sdelay $0x4  }
0xee: {  	v3 =	vshll.u32 v2, $0x3  }
0xef: {  	v2 =	vand.u32 $0x7F, v2;
	v3 =	vand.u32 $0xFFFFFC00, v3  }
0xf0: {  	v2 =	vor.u32 v2, v3  }
0xf1: {  	v3 =	vld [tilespmem:$0x1F00];
	v2 =	vadd.s32 v1, v2;
	_ =	sdelay $0x4  }
0xf2: {  	[tilespmem:v2+s18+$0x0] =	vst.idx.add.f32.msk $0xffff, v3  }
0xf3: {  	v2 =	vld [tilespmem:$0xF80];
	_ =	sdelay $0x4  }
0xf4: {  	v3 =	vshll.u32 v2, $0x3  }
0xf5: {  	v2 =	vand.u32 $0x7F, v2;
	v3 =	vand.u32 $0xFFFFFC00, v3  }
0xf6: {  	v2 =	vor.u32 v2, v3  }
0xf7: {  	v3 =	vld [tilespmem:$0x1F80];
	v2 =	vadd.s32 v1, v2;
	_ =	sdelay $0x2  }
0xf8: {  	s24 =	simm.s32 $0x0  }
0xf9: {  	s31 =	sand.u32 $0x70, s24;
	s25 =	sand.u32 $0x1C00, s24  }
0xfa: {  	s23 =	sor.u32 s31, s25;
	[tilespmem:v2+s18+$0x0] =	vst.idx.add.f32.msk $0xffff, v3  }
0xfb: {  	[hbm4b:s5+s24] =	stream.linear.scatter [tilespmem:s18], [sflag:$0x1], $0x4000, $0x38;
	[tilespmem:$0xA000] =	vst v63  }
0xfc: {  	[tilespmem:s23+$0x6080] =	vst v0  }
0xfd: {  	[tilespmem:s23+$0x6100] =	vst v0  }
0xfe: {  	[tilespmem:s23+$0x6180] =	vst v0  }
0xff: {  	[tilespmem:s23+$0x6200] =	vst v0  }
0x100: {  	[tilespmem:s23+$0x6280] =	vst v0  }
0x101: {  	s26 =	sor.u32 s24, s24;
	s25 =	simm.s32 $0x10;
	[tilespmem:s23+$0x6300] =	vst v0  }
.LBB2_4:
0x102: {  	p0 =	sne.s32 s25, $0x3F0;
	[tilespmem:s23+$0x6000] =	vst v0;
	s26 =	sor.u32 $0x380, s26  }
0x103: {  	[tilespmem:s26+$0x6000] =	vst v0  }
0x104: {  	[tilespmem:s23+$0x8000] =	vst v0  }
0x105: {  	[tilespmem:s23+$0x8080] =	vst v0  }
0x106: {  	[tilespmem:s23+$0x8100] =	vst v0  }
0x107: {  	[tilespmem:s23+$0x8180] =	vst v0  }
0x108: {  	[tilespmem:s23+$0x8200] =	vst v0  }
0x109: {  	s24 =	sadd.s32 $0x80, s24;
	[tilespmem:s23+$0x8280] =	vst v0  }
0x10a: {  	s26 =	sand.u32 $0x70, s25;
	s28 =	sand.u32 $0x1C00, s24;
	[tilespmem:s23+$0x8300] =	vst v0  }
0x10b: {  	[tilespmem:s23+$0x8380] =	vst v0;
	s23 =	sor.u32 s26, s28  }
0x10c: {  	[tilespmem:s23+$0x6080] =	vst v0  }
.Ltmp1:
0x10d: {  	[tilespmem:s23+$0x6100] =	vst v0;
	(pc) =	sbr.rel @p0 .LBB2_4-.Ltmp1, $4  }
0x10e: {  	[tilespmem:s23+$0x6180] =	vst v0  }
0x10f: {  	[tilespmem:s23+$0x6200] =	vst v0  }
0x110: {  	[tilespmem:s23+$0x6280] =	vst v0  }
0x111: {  	s26 =	sor.u32 s24, s25;
	s25 =	sadd.s32 $0x10, s25;
	[tilespmem:s23+$0x6300] =	vst v0  }
0x112: {  	[tilespmem:s23+$0x6000] =	vst v0;
	s24 =	sor.u32 $0x380, s26  }
0x113: {  	[tilespmem:s24+$0x6000] =	vst v0  }
0x114: {  	[tilespmem:s23+$0x8000] =	vst v0  }
0x115: {  	[tilespmem:s23+$0x8080] =	vst v0  }
0x116: {  	[tilespmem:s23+$0x8100] =	vst v0  }
0x117: {  	[tilespmem:s23+$0x8180] =	vst v0  }
0x118: {  	[tilespmem:s23+$0x8200] =	vst v0  }
0x119: {  	[tilespmem:s23+$0x8280] =	vst v0  }
0x11a: {  	[tilespmem:s23+$0x8300] =	vst v0  }
0x11b: {  	[tilespmem:s23+$0x8380] =	vst v0  }
0x11c: {  	v2 =	vld [tilespmem:$0x10];
	_ =	sdelay $0x4  }
0x11d: {  	v3 =	vshll.u32 v2, $0x3  }
0x11e: {  	v2 =	vand.u32 $0x7F, v2;
	v3 =	vand.u32 $0xFFFFFC00, v3  }
0x11f: {  	v2 =	vor.u32 v2, v3  }
0x120: {  	v3 =	vld [tilespmem:$0x1010];
	v2 =	vadd.s32 v1, v2;
	_ =	sdelay $0x4  }
0x121: {  	[tilespmem:v2+s19+$0x0] =	vst.idx.add.f32.msk $0xffff, v3  }
0x122: {  	v2 =	vld [tilespmem:$0x90];
	_ =	sdelay $0x4  }
0x123: {  	v3 =	vshll.u32 v2, $0x3  }
0x124: {  	v2 =	vand.u32 $0x7F, v2;
	v3 =	vand.u32 $0xFFFFFC00, v3  }
0x125: {  	v2 =	vor.u32 v2, v3  }
0x126: {  	v3 =	vld [tilespmem:$0x1090];
	v2 =	vadd.s32 v1, v2;
	_ =	sdelay $0x4  }
0x127: {  	[tilespmem:v2+s19+$0x0] =	vst.idx.add.f32.msk $0xffff, v3  }
0x128: {  	v2 =	vld [tilespmem:$0x110];
	_ =	sdelay $0x4  }
0x129: {  	v3 =	vshll.u32 v2, $0x3  }
0x12a: {  	v2 =	vand.u32 $0x7F, v2;
	v3 =	vand.u32 $0xFFFFFC00, v3  }
0x12b: {  	v2 =	vor.u32 v2, v3  }
0x12c: {  	v3 =	vld [tilespmem:$0x1110];
	v2 =	vadd.s32 v1, v2;
	_ =	sdelay $0x4  }
0x12d: {  	[tilespmem:v2+s19+$0x0] =	vst.idx.add.f32.msk $0xffff, v3  }
0x12e: {  	v2 =	vld [tilespmem:$0x190];
	_ =	sdelay $0x4  }
0x12f: {  	v3 =	vshll.u32 v2, $0x3  }
0x130: {  	v2 =	vand.u32 $0x7F, v2;
	v3 =	vand.u32 $0xFFFFFC00, v3  }
0x131: {  	v2 =	vor.u32 v2, v3  }
0x132: {  	v3 =	vld [tilespmem:$0x1190];
	v2 =	vadd.s32 v1, v2;
	_ =	sdelay $0x4  }
0x133: {  	[tilespmem:v2+s19+$0x0] =	vst.idx.add.f32.msk $0xffff, v3  }
0x134: {  	v2 =	vld [tilespmem:$0x210];
	_ =	sdelay $0x4  }
0x135: {  	v3 =	vshll.u32 v2, $0x3  }
0x136: {  	v2 =	vand.u32 $0x7F, v2;
	v3 =	vand.u32 $0xFFFFFC00, v3  }
0x137: {  	v2 =	vor.u32 v2, v3  }
0x138: {  	v3 =	vld [tilespmem:$0x1210];
	v2 =	vadd.s32 v1, v2;
	_ =	sdelay $0x4  }
0x139: {  	[tilespmem:v2+s19+$0x0] =	vst.idx.add.f32.msk $0xffff, v3  }
0x13a: {  	v2 =	vld [tilespmem:$0x290];
	_ =	sdelay $0x4  }
0x13b: {  	v3 =	vshll.u32 v2, $0x3  }
0x13c: {  	v2 =	vand.u32 $0x7F, v2;
	v3 =	vand.u32 $0xFFFFFC00, v3  }
0x13d: {  	v2 =	vor.u32 v2, v3  }
0x13e: {  	v3 =	vld [tilespmem:$0x1290];
	v2 =	vadd.s32 v1, v2;
	_ =	sdelay $0x4  }
0x13f: {  	[tilespmem:v2+s19+$0x0] =	vst.idx.add.f32.msk $0xffff, v3  }
0x140: {  	v2 =	vld [tilespmem:$0x310];
	_ =	sdelay $0x4  }
0x141: {  	v3 =	vshll.u32 v2, $0x3  }
0x142: {  	v2 =	vand.u32 $0x7F, v2;
	v3 =	vand.u32 $0xFFFFFC00, v3  }
0x143: {  	v2 =	vor.u32 v2, v3  }
0x144: {  	v3 =	vld [tilespmem:$0x1310];
	v2 =	vadd.s32 v1, v2;
	_ =	sdelay $0x4  }
0x145: {  	[tilespmem:v2+s19+$0x0] =	vst.idx.add.f32.msk $0xffff, v3  }
0x146: {  	v2 =	vld [tilespmem:$0x390];
	_ =	sdelay $0x4  }
0x147: {  	v3 =	vshll.u32 v2, $0x3  }
0x148: {  	v2 =	vand.u32 $0x7F, v2;
	v3 =	vand.u32 $0xFFFFFC00, v3  }
0x149: {  	v2 =	vor.u32 v2, v3  }
0x14a: {  	v3 =	vld [tilespmem:$0x1390];
	v2 =	vadd.s32 v1, v2;
	_ =	sdelay $0x4  }
0x14b: {  	[tilespmem:v2+s19+$0x0] =	vst.idx.add.f32.msk $0xffff, v3  }
0x14c: {  	v2 =	vld [tilespmem:$0x410];
	_ =	sdelay $0x4  }
0x14d: {  	v3 =	vshll.u32 v2, $0x3  }
0x14e: {  	v2 =	vand.u32 $0x7F, v2;
	v3 =	vand.u32 $0xFFFFFC00, v3  }
0x14f: {  	v2 =	vor.u32 v2, v3  }
0x150: {  	v3 =	vld [tilespmem:$0x1410];
	v2 =	vadd.s32 v1, v2;
	_ =	sdelay $0x4  }
0x151: {  	[tilespmem:v2+s19+$0x0] =	vst.idx.add.f32.msk $0xffff, v3  }
0x152: {  	v2 =	vld [tilespmem:$0x490];
	_ =	sdelay $0x4  }
0x153: {  	v3 =	vshll.u32 v2, $0x3  }
0x154: {  	v2 =	vand.u32 $0x7F, v2;
	v3 =	vand.u32 $0xFFFFFC00, v3  }
0x155: {  	v2 =	vor.u32 v2, v3  }
0x156: {  	v3 =	vld [tilespmem:$0x1490];
	v2 =	vadd.s32 v1, v2;
	_ =	sdelay $0x4  }
0x157: {  	[tilespmem:v2+s19+$0x0] =	vst.idx.add.f32.msk $0xffff, v3  }
0x158: {  	v2 =	vld [tilespmem:$0x510];
	_ =	sdelay $0x4  }
0x159: {  	v3 =	vshll.u32 v2, $0x3  }
0x15a: {  	v2 =	vand.u32 $0x7F, v2;
	v3 =	vand.u32 $0xFFFFFC00, v3  }
0x15b: {  	v2 =	vor.u32 v2, v3  }
0x15c: {  	v3 =	vld [tilespmem:$0x1510];
	v2 =	vadd.s32 v1, v2;
	_ =	sdelay $0x4  }
0x15d: {  	[tilespmem:v2+s19+$0x0] =	vst.idx.add.f32.msk $0xffff, v3  }
0x15e: {  	v2 =	vld [tilespmem:$0x590];
	_ =	sdelay $0x4  }
0x15f: {  	v3 =	vshll.u32 v2, $0x3  }
0x160: {  	v2 =	vand.u32 $0x7F, v2;
	v3 =	vand.u32 $0xFFFFFC00, v3  }
0x161: {  	v2 =	vor.u32 v2, v3  }
0x162: {  	v3 =	vld [tilespmem:$0x1590];
	v2 =	vadd.s32 v1, v2;
	_ =	sdelay $0x4  }
0x163: {  	[tilespmem:v2+s19+$0x0] =	vst.idx.add.f32.msk $0xffff, v3  }
0x164: {  	v2 =	vld [tilespmem:$0x610];
	_ =	sdelay $0x4  }
0x165: {  	v3 =	vshll.u32 v2, $0x3  }
0x166: {  	v2 =	vand.u32 $0x7F, v2;
	v3 =	vand.u32 $0xFFFFFC00, v3  }
0x167: {  	v2 =	vor.u32 v2, v3  }
0x168: {  	v3 =	vld [tilespmem:$0x1610];
	v2 =	vadd.s32 v1, v2;
	_ =	sdelay $0x4  }
0x169: {  	[tilespmem:v2+s19+$0x0] =	vst.idx.add.f32.msk $0xffff, v3  }
0x16a: {  	v2 =	vld [tilespmem:$0x690];
	_ =	sdelay $0x4  }
0x16b: {  	v3 =	vshll.u32 v2, $0x3  }
0x16c: {  	v2 =	vand.u32 $0x7F, v2;
	v3 =	vand.u32 $0xFFFFFC00, v3  }
0x16d: {  	v2 =	vor.u32 v2, v3  }
0x16e: {  	v3 =	vld [tilespmem:$0x1690];
	v2 =	vadd.s32 v1, v2;
	_ =	sdelay $0x4  }
0x16f: {  	[tilespmem:v2+s19+$0x0] =	vst.idx.add.f32.msk $0xffff, v3  }
0x170: {  	v2 =	vld [tilespmem:$0x710];
	_ =	sdelay $0x4  }
0x171: {  	v3 =	vshll.u32 v2, $0x3  }
0x172: {  	v2 =	vand.u32 $0x7F, v2;
	v3 =	vand.u32 $0xFFFFFC00, v3  }
0x173: {  	v2 =	vor.u32 v2, v3  }
0x174: {  	v3 =	vld [tilespmem:$0x1710];
	v2 =	vadd.s32 v1, v2;
	_ =	sdelay $0x4  }
0x175: {  	[tilespmem:v2+s19+$0x0] =	vst.idx.add.f32.msk $0xffff, v3  }
0x176: {  	v2 =	vld [tilespmem:$0x790];
	_ =	sdelay $0x4  }
0x177: {  	v3 =	vshll.u32 v2, $0x3  }
0x178: {  	v2 =	vand.u32 $0x7F, v2;
	v3 =	vand.u32 $0xFFFFFC00, v3  }
0x179: {  	v2 =	vor.u32 v2, v3  }
0x17a: {  	v3 =	vld [tilespmem:$0x1790];
	v2 =	vadd.s32 v1, v2;
	_ =	sdelay $0x4  }
0x17b: {  	[tilespmem:v2+s19+$0x0] =	vst.idx.add.f32.msk $0xffff, v3  }
0x17c: {  	v2 =	vld [tilespmem:$0x810];
	_ =	sdelay $0x4  }
0x17d: {  	v3 =	vshll.u32 v2, $0x3  }
0x17e: {  	v2 =	vand.u32 $0x7F, v2;
	v3 =	vand.u32 $0xFFFFFC00, v3  }
0x17f: {  	v2 =	vor.u32 v2, v3  }
0x180: {  	v3 =	vld [tilespmem:$0x1810];
	v2 =	vadd.s32 v1, v2;
	_ =	sdelay $0x4  }
0x181: {  	[tilespmem:v2+s19+$0x0] =	vst.idx.add.f32.msk $0xffff, v3  }
0x182: {  	v2 =	vld [tilespmem:$0x890];
	_ =	sdelay $0x4  }
0x183: {  	v3 =	vshll.u32 v2, $0x3  }
0x184: {  	v2 =	vand.u32 $0x7F, v2;
	v3 =	vand.u32 $0xFFFFFC00, v3  }
0x185: {  	v2 =	vor.u32 v2, v3  }
0x186: {  	v3 =	vld [tilespmem:$0x1890];
	v2 =	vadd.s32 v1, v2;
	_ =	sdelay $0x4  }
0x187: {  	[tilespmem:v2+s19+$0x0] =	vst.idx.add.f32.msk $0xffff, v3  }
0x188: {  	v2 =	vld [tilespmem:$0x910];
	_ =	sdelay $0x4  }
0x189: {  	v3 =	vshll.u32 v2, $0x3  }
0x18a: {  	v2 =	vand.u32 $0x7F, v2;
	v3 =	vand.u32 $0xFFFFFC00, v3  }
0x18b: {  	v2 =	vor.u32 v2, v3  }
0x18c: {  	v3 =	vld [tilespmem:$0x1910];
	v2 =	vadd.s32 v1, v2;
	_ =	sdelay $0x4  }
0x18d: {  	[tilespmem:v2+s19+$0x0] =	vst.idx.add.f32.msk $0xffff, v3  }
0x18e: {  	v2 =	vld [tilespmem:$0x990];
	_ =	sdelay $0x4  }
0x18f: {  	v3 =	vshll.u32 v2, $0x3  }
0x190: {  	v2 =	vand.u32 $0x7F, v2;
	v3 =	vand.u32 $0xFFFFFC00, v3  }
0x191: {  	v2 =	vor.u32 v2, v3  }
0x192: {  	v3 =	vld [tilespmem:$0x1990];
	v2 =	vadd.s32 v1, v2;
	_ =	sdelay $0x4  }
0x193: {  	[tilespmem:v2+s19+$0x0] =	vst.idx.add.f32.msk $0xffff, v3  }
0x194: {  	v2 =	vld [tilespmem:$0xA10];
	_ =	sdelay $0x4  }
0x195: {  	v3 =	vshll.u32 v2, $0x3  }
0x196: {  	v2 =	vand.u32 $0x7F, v2;
	v3 =	vand.u32 $0xFFFFFC00, v3  }
0x197: {  	v2 =	vor.u32 v2, v3  }
0x198: {  	v3 =	vld [tilespmem:$0x1A10];
	v2 =	vadd.s32 v1, v2;
	_ =	sdelay $0x4  }
0x199: {  	[tilespmem:v2+s19+$0x0] =	vst.idx.add.f32.msk $0xffff, v3  }
0x19a: {  	v2 =	vld [tilespmem:$0xA90];
	_ =	sdelay $0x4  }
0x19b: {  	v3 =	vshll.u32 v2, $0x3  }
0x19c: {  	v2 =	vand.u32 $0x7F, v2;
	v3 =	vand.u32 $0xFFFFFC00, v3  }
0x19d: {  	v2 =	vor.u32 v2, v3  }
0x19e: {  	v3 =	vld [tilespmem:$0x1A90];
	v2 =	vadd.s32 v1, v2;
	_ =	sdelay $0x4  }
0x19f: {  	[tilespmem:v2+s19+$0x0] =	vst.idx.add.f32.msk $0xffff, v3  }
0x1a0: {  	v2 =	vld [tilespmem:$0xB10];
	_ =	sdelay $0x4  }
0x1a1: {  	v3 =	vshll.u32 v2, $0x3  }
0x1a2: {  	v2 =	vand.u32 $0x7F, v2;
	v3 =	vand.u32 $0xFFFFFC00, v3  }
0x1a3: {  	v2 =	vor.u32 v2, v3  }
0x1a4: {  	v3 =	vld [tilespmem:$0x1B10];
	v2 =	vadd.s32 v1, v2;
	_ =	sdelay $0x4  }
0x1a5: {  	[tilespmem:v2+s19+$0x0] =	vst.idx.add.f32.msk $0xffff, v3  }
0x1a6: {  	v2 =	vld [tilespmem:$0xB90];
	_ =	sdelay $0x4  }
0x1a7: {  	v3 =	vshll.u32 v2, $0x3  }
0x1a8: {  	v2 =	vand.u32 $0x7F, v2;
	v3 =	vand.u32 $0xFFFFFC00, v3  }
0x1a9: {  	v2 =	vor.u32 v2, v3  }
0x1aa: {  	v3 =	vld [tilespmem:$0x1B90];
	v2 =	vadd.s32 v1, v2;
	_ =	sdelay $0x4  }
0x1ab: {  	[tilespmem:v2+s19+$0x0] =	vst.idx.add.f32.msk $0xffff, v3  }
0x1ac: {  	v2 =	vld [tilespmem:$0xC10];
	_ =	sdelay $0x4  }
0x1ad: {  	v3 =	vshll.u32 v2, $0x3  }
0x1ae: {  	v2 =	vand.u32 $0x7F, v2;
	v3 =	vand.u32 $0xFFFFFC00, v3  }
0x1af: {  	v2 =	vor.u32 v2, v3  }
0x1b0: {  	v3 =	vld [tilespmem:$0x1C10];
	v2 =	vadd.s32 v1, v2;
	_ =	sdelay $0x4  }
0x1b1: {  	[tilespmem:v2+s19+$0x0] =	vst.idx.add.f32.msk $0xffff, v3  }
0x1b2: {  	v2 =	vld [tilespmem:$0xC90];
	_ =	sdelay $0x4  }
0x1b3: {  	v3 =	vshll.u32 v2, $0x3  }
0x1b4: {  	v2 =	vand.u32 $0x7F, v2;
	v3 =	vand.u32 $0xFFFFFC00, v3  }
0x1b5: {  	v2 =	vor.u32 v2, v3  }
0x1b6: {  	v3 =	vld [tilespmem:$0x1C90];
	v2 =	vadd.s32 v1, v2;
	_ =	sdelay $0x4  }
0x1b7: {  	[tilespmem:v2+s19+$0x0] =	vst.idx.add.f32.msk $0xffff, v3  }
0x1b8: {  	v2 =	vld [tilespmem:$0xD10];
	_ =	sdelay $0x4  }
0x1b9: {  	v3 =	vshll.u32 v2, $0x3  }
0x1ba: {  	v2 =	vand.u32 $0x7F, v2;
	v3 =	vand.u32 $0xFFFFFC00, v3  }
0x1bb: {  	v2 =	vor.u32 v2, v3  }
0x1bc: {  	v3 =	vld [tilespmem:$0x1D10];
	v2 =	vadd.s32 v1, v2;
	_ =	sdelay $0x4  }
0x1bd: {  	[tilespmem:v2+s19+$0x0] =	vst.idx.add.f32.msk $0xffff, v3  }
0x1be: {  	v2 =	vld [tilespmem:$0xD90];
	_ =	sdelay $0x4  }
0x1bf: {  	v3 =	vshll.u32 v2, $0x3  }
0x1c0: {  	v2 =	vand.u32 $0x7F, v2;
	v3 =	vand.u32 $0xFFFFFC00, v3  }
0x1c1: {  	v2 =	vor.u32 v2, v3  }
0x1c2: {  	v3 =	vld [tilespmem:$0x1D90];
	v2 =	vadd.s32 v1, v2;
	_ =	sdelay $0x4  }
0x1c3: {  	[tilespmem:v2+s19+$0x0] =	vst.idx.add.f32.msk $0xffff, v3  }
0x1c4: {  	v2 =	vld [tilespmem:$0xE10];
	_ =	sdelay $0x4  }
0x1c5: {  	v3 =	vshll.u32 v2, $0x3  }
0x1c6: {  	v2 =	vand.u32 $0x7F, v2;
	v3 =	vand.u32 $0xFFFFFC00, v3  }
0x1c7: {  	v2 =	vor.u32 v2, v3  }
0x1c8: {  	v3 =	vld [tilespmem:$0x1E10];
	v2 =	vadd.s32 v1, v2;
	_ =	sdelay $0x4  }
0x1c9: {  	[tilespmem:v2+s19+$0x0] =	vst.idx.add.f32.msk $0xffff, v3  }
0x1ca: {  	v2 =	vld [tilespmem:$0xE90];
	_ =	sdelay $0x4  }
0x1cb: {  	v3 =	vshll.u32 v2, $0x3  }
0x1cc: {  	v2 =	vand.u32 $0x7F, v2;
	v3 =	vand.u32 $0xFFFFFC00, v3  }
0x1cd: {  	v2 =	vor.u32 v2, v3  }
0x1ce: {  	v3 =	vld [tilespmem:$0x1E90];
	v2 =	vadd.s32 v1, v2;
	_ =	sdelay $0x4  }
0x1cf: {  	[tilespmem:v2+s19+$0x0] =	vst.idx.add.f32.msk $0xffff, v3  }
0x1d0: {  	v2 =	vld [tilespmem:$0xF10];
	_ =	sdelay $0x4  }
0x1d1: {  	v3 =	vshll.u32 v2, $0x3  }
0x1d2: {  	v2 =	vand.u32 $0x7F, v2;
	v3 =	vand.u32 $0xFFFFFC00, v3  }
0x1d3: {  	v2 =	vor.u32 v2, v3  }
0x1d4: {  	v3 =	vld [tilespmem:$0x1F10];
	v2 =	vadd.s32 v1, v2;
	_ =	sdelay $0x4  }
0x1d5: {  	[tilespmem:v2+s19+$0x0] =	vst.idx.add.f32.msk $0xffff, v3  }
0x1d6: {  	v2 =	vld [tilespmem:$0xF90];
	_ =	sdelay $0x4  }
0x1d7: {  	v3 =	vshll.u32 v2, $0x3  }
0x1d8: {  	v2 =	vand.u32 $0x7F, v2;
	v3 =	vand.u32 $0xFFFFFC00, v3  }
0x1d9: {  	v2 =	vor.u32 v2, v3  }
0x1da: {  	v3 =	vld [tilespmem:$0x1F90];
	v2 =	vadd.s32 v1, v2;
	_ =	sdelay $0x4  }
0x1db: {  	s24 =	simm.s32 $0x0;
	[tilespmem:v2+s19+$0x0] =	vst.idx.add.f32.msk $0xffff, v3  }
0x1dc: {  	[hbm4b:s6+s24] =	stream.linear.scatter [tilespmem:s19], [sflag:$0x2], $0x4000, $0x38;
	[tilespmem:$0xA000] =	vst v63  }
0x1dd: {  	_ =	swait.ge [sflag:s20], $0x4000  }
0x1de: {  	s31 =	sand.u32 $0x70, s24;
	s25 =	sand.u32 $0x1C00, s24;
	[sflag:s20] =	ssyncset.done $0x0  }
0x1df: {  	s23 =	sor.u32 s31, s25;
	[sflag:s20] =	ssyncadd.s32 $0xFFFFC000  }
0x1e0: {  	[tilespmem:s23+$0x2080] =	vst v0  }
0x1e1: {  	[tilespmem:s23+$0x2100] =	vst v0  }
0x1e2: {  	[tilespmem:s23+$0x2180] =	vst v0  }
0x1e3: {  	[tilespmem:s23+$0x2200] =	vst v0  }
0x1e4: {  	[tilespmem:s23+$0x2280] =	vst v0  }
0x1e5: {  	s26 =	sor.u32 s24, s24;
	s25 =	simm.s32 $0x10;
	[tilespmem:s23+$0x2300] =	vst v0  }
.LBB2_6:
0x1e6: {  	p0 =	sne.s32 s25, $0x3F0;
	[tilespmem:s23+$0x2000] =	vst v0;
	s26 =	sor.u32 $0x380, s26  }
0x1e7: {  	[tilespmem:s26+$0x2000] =	vst v0  }
0x1e8: {  	[tilespmem:s23+$0x4000] =	vst v0  }
0x1e9: {  	[tilespmem:s23+$0x4080] =	vst v0  }
0x1ea: {  	[tilespmem:s23+$0x4100] =	vst v0  }
0x1eb: {  	[tilespmem:s23+$0x4180] =	vst v0  }
0x1ec: {  	[tilespmem:s23+$0x4200] =	vst v0  }
0x1ed: {  	s24 =	sadd.s32 $0x80, s24;
	[tilespmem:s23+$0x4280] =	vst v0  }
0x1ee: {  	s26 =	sand.u32 $0x70, s25;
	s28 =	sand.u32 $0x1C00, s24;
	[tilespmem:s23+$0x4300] =	vst v0  }
0x1ef: {  	[tilespmem:s23+$0x4380] =	vst v0;
	s23 =	sor.u32 s26, s28  }
0x1f0: {  	[tilespmem:s23+$0x2080] =	vst v0  }
.Ltmp2:
0x1f1: {  	[tilespmem:s23+$0x2100] =	vst v0;
	(pc) =	sbr.rel @p0 .LBB2_6-.Ltmp2, $4  }
0x1f2: {  	[tilespmem:s23+$0x2180] =	vst v0  }
0x1f3: {  	[tilespmem:s23+$0x2200] =	vst v0  }
0x1f4: {  	[tilespmem:s23+$0x2280] =	vst v0  }
0x1f5: {  	s26 =	sor.u32 s24, s25;
	s25 =	sadd.s32 $0x10, s25;
	[tilespmem:s23+$0x2300] =	vst v0  }
0x1f6: {  	[tilespmem:s23+$0x2000] =	vst v0;
	s24 =	sor.u32 $0x380, s26  }
0x1f7: {  	[tilespmem:s24+$0x2000] =	vst v0  }
0x1f8: {  	[tilespmem:s23+$0x4000] =	vst v0  }
0x1f9: {  	[tilespmem:s23+$0x4080] =	vst v0  }
0x1fa: {  	[tilespmem:s23+$0x4100] =	vst v0  }
0x1fb: {  	[tilespmem:s23+$0x4180] =	vst v0  }
0x1fc: {  	[tilespmem:s23+$0x4200] =	vst v0  }
0x1fd: {  	[tilespmem:s23+$0x4280] =	vst v0  }
0x1fe: {  	[tilespmem:s23+$0x4300] =	vst v0  }
0x1ff: {  	[tilespmem:s23+$0x4380] =	vst v0  }
0x200: {  	v2 =	vld [tilespmem:$0x20];
	_ =	sdelay $0x4  }
0x201: {  	v3 =	vshll.u32 v2, $0x3  }
0x202: {  	v2 =	vand.u32 $0x7F, v2;
	v3 =	vand.u32 $0xFFFFFC00, v3  }
0x203: {  	v2 =	vor.u32 v2, v3  }
0x204: {  	v3 =	vld [tilespmem:$0x1020];
	v2 =	vadd.s32 v1, v2;
	_ =	sdelay $0x4  }
0x205: {  	[tilespmem:v2+s18+$0x0] =	vst.idx.add.f32.msk $0xffff, v3  }
0x206: {  	v2 =	vld [tilespmem:$0xA0];
	_ =	sdelay $0x4  }
0x207: {  	v3 =	vshll.u32 v2, $0x3  }
0x208: {  	v2 =	vand.u32 $0x7F, v2;
	v3 =	vand.u32 $0xFFFFFC00, v3  }
0x209: {  	v2 =	vor.u32 v2, v3  }
0x20a: {  	v3 =	vld [tilespmem:$0x10A0];
	v2 =	vadd.s32 v1, v2;
	_ =	sdelay $0x4  }
0x20b: {  	[tilespmem:v2+s18+$0x0] =	vst.idx.add.f32.msk $0xffff, v3  }
0x20c: {  	v2 =	vld [tilespmem:$0x120];
	_ =	sdelay $0x4  }
0x20d: {  	v3 =	vshll.u32 v2, $0x3  }
0x20e: {  	v2 =	vand.u32 $0x7F, v2;
	v3 =	vand.u32 $0xFFFFFC00, v3  }
0x20f: {  	v2 =	vor.u32 v2, v3  }
0x210: {  	v3 =	vld [tilespmem:$0x1120];
	v2 =	vadd.s32 v1, v2;
	_ =	sdelay $0x4  }
0x211: {  	[tilespmem:v2+s18+$0x0] =	vst.idx.add.f32.msk $0xffff, v3  }
0x212: {  	v2 =	vld [tilespmem:$0x1A0];
	_ =	sdelay $0x4  }
0x213: {  	v3 =	vshll.u32 v2, $0x3  }
0x214: {  	v2 =	vand.u32 $0x7F, v2;
	v3 =	vand.u32 $0xFFFFFC00, v3  }
0x215: {  	v2 =	vor.u32 v2, v3  }
0x216: {  	v3 =	vld [tilespmem:$0x11A0];
	v2 =	vadd.s32 v1, v2;
	_ =	sdelay $0x4  }
0x217: {  	[tilespmem:v2+s18+$0x0] =	vst.idx.add.f32.msk $0xffff, v3  }
0x218: {  	v2 =	vld [tilespmem:$0x220];
	_ =	sdelay $0x4  }
0x219: {  	v3 =	vshll.u32 v2, $0x3  }
0x21a: {  	v2 =	vand.u32 $0x7F, v2;
	v3 =	vand.u32 $0xFFFFFC00, v3  }
0x21b: {  	v2 =	vor.u32 v2, v3  }
0x21c: {  	v3 =	vld [tilespmem:$0x1220];
	v2 =	vadd.s32 v1, v2;
	_ =	sdelay $0x4  }
0x21d: {  	[tilespmem:v2+s18+$0x0] =	vst.idx.add.f32.msk $0xffff, v3  }
0x21e: {  	v2 =	vld [tilespmem:$0x2A0];
	_ =	sdelay $0x4  }
0x21f: {  	v3 =	vshll.u32 v2, $0x3  }
0x220: {  	v2 =	vand.u32 $0x7F, v2;
	v3 =	vand.u32 $0xFFFFFC00, v3  }
0x221: {  	v2 =	vor.u32 v2, v3  }
0x222: {  	v3 =	vld [tilespmem:$0x12A0];
	v2 =	vadd.s32 v1, v2;
	_ =	sdelay $0x4  }
0x223: {  	[tilespmem:v2+s18+$0x0] =	vst.idx.add.f32.msk $0xffff, v3  }
0x224: {  	v2 =	vld [tilespmem:$0x320];
	_ =	sdelay $0x4  }
0x225: {  	v3 =	vshll.u32 v2, $0x3  }
0x226: {  	v2 =	vand.u32 $0x7F, v2;
	v3 =	vand.u32 $0xFFFFFC00, v3  }
0x227: {  	v2 =	vor.u32 v2, v3  }
0x228: {  	v3 =	vld [tilespmem:$0x1320];
	v2 =	vadd.s32 v1, v2;
	_ =	sdelay $0x4  }
0x229: {  	[tilespmem:v2+s18+$0x0] =	vst.idx.add.f32.msk $0xffff, v3  }
0x22a: {  	v2 =	vld [tilespmem:$0x3A0];
	_ =	sdelay $0x4  }
0x22b: {  	v3 =	vshll.u32 v2, $0x3  }
0x22c: {  	v2 =	vand.u32 $0x7F, v2;
	v3 =	vand.u32 $0xFFFFFC00, v3  }
0x22d: {  	v2 =	vor.u32 v2, v3  }
0x22e: {  	v3 =	vld [tilespmem:$0x13A0];
	v2 =	vadd.s32 v1, v2;
	_ =	sdelay $0x4  }
0x22f: {  	[tilespmem:v2+s18+$0x0] =	vst.idx.add.f32.msk $0xffff, v3  }
0x230: {  	v2 =	vld [tilespmem:$0x420];
	_ =	sdelay $0x4  }
0x231: {  	v3 =	vshll.u32 v2, $0x3  }
0x232: {  	v2 =	vand.u32 $0x7F, v2;
	v3 =	vand.u32 $0xFFFFFC00, v3  }
0x233: {  	v2 =	vor.u32 v2, v3  }
0x234: {  	v3 =	vld [tilespmem:$0x1420];
	v2 =	vadd.s32 v1, v2;
	_ =	sdelay $0x4  }
0x235: {  	[tilespmem:v2+s18+$0x0] =	vst.idx.add.f32.msk $0xffff, v3  }
0x236: {  	v2 =	vld [tilespmem:$0x4A0];
	_ =	sdelay $0x4  }
0x237: {  	v3 =	vshll.u32 v2, $0x3  }
0x238: {  	v2 =	vand.u32 $0x7F, v2;
	v3 =	vand.u32 $0xFFFFFC00, v3  }
0x239: {  	v2 =	vor.u32 v2, v3  }
0x23a: {  	v3 =	vld [tilespmem:$0x14A0];
	v2 =	vadd.s32 v1, v2;
	_ =	sdelay $0x4  }
0x23b: {  	[tilespmem:v2+s18+$0x0] =	vst.idx.add.f32.msk $0xffff, v3  }
0x23c: {  	v2 =	vld [tilespmem:$0x520];
	_ =	sdelay $0x4  }
0x23d: {  	v3 =	vshll.u32 v2, $0x3  }
0x23e: {  	v2 =	vand.u32 $0x7F, v2;
	v3 =	vand.u32 $0xFFFFFC00, v3  }
0x23f: {  	v2 =	vor.u32 v2, v3  }
0x240: {  	v3 =	vld [tilespmem:$0x1520];
	v2 =	vadd.s32 v1, v2;
	_ =	sdelay $0x4  }
0x241: {  	[tilespmem:v2+s18+$0x0] =	vst.idx.add.f32.msk $0xffff, v3  }
0x242: {  	v2 =	vld [tilespmem:$0x5A0];
	_ =	sdelay $0x4  }
0x243: {  	v3 =	vshll.u32 v2, $0x3  }
0x244: {  	v2 =	vand.u32 $0x7F, v2;
	v3 =	vand.u32 $0xFFFFFC00, v3  }
0x245: {  	v2 =	vor.u32 v2, v3  }
0x246: {  	v3 =	vld [tilespmem:$0x15A0];
	v2 =	vadd.s32 v1, v2;
	_ =	sdelay $0x4  }
0x247: {  	[tilespmem:v2+s18+$0x0] =	vst.idx.add.f32.msk $0xffff, v3  }
0x248: {  	v2 =	vld [tilespmem:$0x620];
	_ =	sdelay $0x4  }
0x249: {  	v3 =	vshll.u32 v2, $0x3  }
0x24a: {  	v2 =	vand.u32 $0x7F, v2;
	v3 =	vand.u32 $0xFFFFFC00, v3  }
0x24b: {  	v2 =	vor.u32 v2, v3  }
0x24c: {  	v3 =	vld [tilespmem:$0x1620];
	v2 =	vadd.s32 v1, v2;
	_ =	sdelay $0x4  }
0x24d: {  	[tilespmem:v2+s18+$0x0] =	vst.idx.add.f32.msk $0xffff, v3  }
0x24e: {  	v2 =	vld [tilespmem:$0x6A0];
	_ =	sdelay $0x4  }
0x24f: {  	v3 =	vshll.u32 v2, $0x3  }
0x250: {  	v2 =	vand.u32 $0x7F, v2;
	v3 =	vand.u32 $0xFFFFFC00, v3  }
0x251: {  	v2 =	vor.u32 v2, v3  }
0x252: {  	v3 =	vld [tilespmem:$0x16A0];
	v2 =	vadd.s32 v1, v2;
	_ =	sdelay $0x4  }
0x253: {  	[tilespmem:v2+s18+$0x0] =	vst.idx.add.f32.msk $0xffff, v3  }
0x254: {  	v2 =	vld [tilespmem:$0x720];
	_ =	sdelay $0x4  }
0x255: {  	v3 =	vshll.u32 v2, $0x3  }
0x256: {  	v2 =	vand.u32 $0x7F, v2;
	v3 =	vand.u32 $0xFFFFFC00, v3  }
0x257: {  	v2 =	vor.u32 v2, v3  }
0x258: {  	v3 =	vld [tilespmem:$0x1720];
	v2 =	vadd.s32 v1, v2;
	_ =	sdelay $0x4  }
0x259: {  	[tilespmem:v2+s18+$0x0] =	vst.idx.add.f32.msk $0xffff, v3  }
0x25a: {  	v2 =	vld [tilespmem:$0x7A0];
	_ =	sdelay $0x4  }
0x25b: {  	v3 =	vshll.u32 v2, $0x3  }
0x25c: {  	v2 =	vand.u32 $0x7F, v2;
	v3 =	vand.u32 $0xFFFFFC00, v3  }
0x25d: {  	v2 =	vor.u32 v2, v3  }
0x25e: {  	v3 =	vld [tilespmem:$0x17A0];
	v2 =	vadd.s32 v1, v2;
	_ =	sdelay $0x4  }
0x25f: {  	[tilespmem:v2+s18+$0x0] =	vst.idx.add.f32.msk $0xffff, v3  }
0x260: {  	v2 =	vld [tilespmem:$0x820];
	_ =	sdelay $0x4  }
0x261: {  	v3 =	vshll.u32 v2, $0x3  }
0x262: {  	v2 =	vand.u32 $0x7F, v2;
	v3 =	vand.u32 $0xFFFFFC00, v3  }
0x263: {  	v2 =	vor.u32 v2, v3  }
0x264: {  	v3 =	vld [tilespmem:$0x1820];
	v2 =	vadd.s32 v1, v2;
	_ =	sdelay $0x4  }
0x265: {  	[tilespmem:v2+s18+$0x0] =	vst.idx.add.f32.msk $0xffff, v3  }
0x266: {  	v2 =	vld [tilespmem:$0x8A0];
	_ =	sdelay $0x4  }
0x267: {  	v3 =	vshll.u32 v2, $0x3  }
0x268: {  	v2 =	vand.u32 $0x7F, v2;
	v3 =	vand.u32 $0xFFFFFC00, v3  }
0x269: {  	v2 =	vor.u32 v2, v3  }
0x26a: {  	v3 =	vld [tilespmem:$0x18A0];
	v2 =	vadd.s32 v1, v2;
	_ =	sdelay $0x4  }
0x26b: {  	[tilespmem:v2+s18+$0x0] =	vst.idx.add.f32.msk $0xffff, v3  }
0x26c: {  	v2 =	vld [tilespmem:$0x920];
	_ =	sdelay $0x4  }
0x26d: {  	v3 =	vshll.u32 v2, $0x3  }
0x26e: {  	v2 =	vand.u32 $0x7F, v2;
	v3 =	vand.u32 $0xFFFFFC00, v3  }
0x26f: {  	v2 =	vor.u32 v2, v3  }
0x270: {  	v3 =	vld [tilespmem:$0x1920];
	v2 =	vadd.s32 v1, v2;
	_ =	sdelay $0x4  }
0x271: {  	[tilespmem:v2+s18+$0x0] =	vst.idx.add.f32.msk $0xffff, v3  }
0x272: {  	v2 =	vld [tilespmem:$0x9A0];
	_ =	sdelay $0x4  }
0x273: {  	v3 =	vshll.u32 v2, $0x3  }
0x274: {  	v2 =	vand.u32 $0x7F, v2;
	v3 =	vand.u32 $0xFFFFFC00, v3  }
0x275: {  	v2 =	vor.u32 v2, v3  }
0x276: {  	v3 =	vld [tilespmem:$0x19A0];
	v2 =	vadd.s32 v1, v2;
	_ =	sdelay $0x4  }
0x277: {  	[tilespmem:v2+s18+$0x0] =	vst.idx.add.f32.msk $0xffff, v3  }
0x278: {  	v2 =	vld [tilespmem:$0xA20];
	_ =	sdelay $0x4  }
0x279: {  	v3 =	vshll.u32 v2, $0x3  }
0x27a: {  	v2 =	vand.u32 $0x7F, v2;
	v3 =	vand.u32 $0xFFFFFC00, v3  }
0x27b: {  	v2 =	vor.u32 v2, v3  }
0x27c: {  	v3 =	vld [tilespmem:$0x1A20];
	v2 =	vadd.s32 v1, v2;
	_ =	sdelay $0x4  }
0x27d: {  	[tilespmem:v2+s18+$0x0] =	vst.idx.add.f32.msk $0xffff, v3  }
0x27e: {  	v2 =	vld [tilespmem:$0xAA0];
	_ =	sdelay $0x4  }
0x27f: {  	v3 =	vshll.u32 v2, $0x3  }
0x280: {  	v2 =	vand.u32 $0x7F, v2;
	v3 =	vand.u32 $0xFFFFFC00, v3  }
0x281: {  	v2 =	vor.u32 v2, v3  }
0x282: {  	v3 =	vld [tilespmem:$0x1AA0];
	v2 =	vadd.s32 v1, v2;
	_ =	sdelay $0x4  }
0x283: {  	[tilespmem:v2+s18+$0x0] =	vst.idx.add.f32.msk $0xffff, v3  }
0x284: {  	v2 =	vld [tilespmem:$0xB20];
	_ =	sdelay $0x4  }
0x285: {  	v3 =	vshll.u32 v2, $0x3  }
0x286: {  	v2 =	vand.u32 $0x7F, v2;
	v3 =	vand.u32 $0xFFFFFC00, v3  }
0x287: {  	v2 =	vor.u32 v2, v3  }
0x288: {  	v3 =	vld [tilespmem:$0x1B20];
	v2 =	vadd.s32 v1, v2;
	_ =	sdelay $0x4  }
0x289: {  	[tilespmem:v2+s18+$0x0] =	vst.idx.add.f32.msk $0xffff, v3  }
0x28a: {  	v2 =	vld [tilespmem:$0xBA0];
	_ =	sdelay $0x4  }
0x28b: {  	v3 =	vshll.u32 v2, $0x3  }
0x28c: {  	v2 =	vand.u32 $0x7F, v2;
	v3 =	vand.u32 $0xFFFFFC00, v3  }
0x28d: {  	v2 =	vor.u32 v2, v3  }
0x28e: {  	v3 =	vld [tilespmem:$0x1BA0];
	v2 =	vadd.s32 v1, v2;
	_ =	sdelay $0x4  }
0x28f: {  	[tilespmem:v2+s18+$0x0] =	vst.idx.add.f32.msk $0xffff, v3  }
0x290: {  	v2 =	vld [tilespmem:$0xC20];
	_ =	sdelay $0x4  }
0x291: {  	v3 =	vshll.u32 v2, $0x3  }
0x292: {  	v2 =	vand.u32 $0x7F, v2;
	v3 =	vand.u32 $0xFFFFFC00, v3  }
0x293: {  	v2 =	vor.u32 v2, v3  }
0x294: {  	v3 =	vld [tilespmem:$0x1C20];
	v2 =	vadd.s32 v1, v2;
	_ =	sdelay $0x4  }
0x295: {  	[tilespmem:v2+s18+$0x0] =	vst.idx.add.f32.msk $0xffff, v3  }
0x296: {  	v2 =	vld [tilespmem:$0xCA0];
	_ =	sdelay $0x4  }
0x297: {  	v3 =	vshll.u32 v2, $0x3  }
0x298: {  	v2 =	vand.u32 $0x7F, v2;
	v3 =	vand.u32 $0xFFFFFC00, v3  }
0x299: {  	v2 =	vor.u32 v2, v3  }
0x29a: {  	v3 =	vld [tilespmem:$0x1CA0];
	v2 =	vadd.s32 v1, v2;
	_ =	sdelay $0x4  }
0x29b: {  	[tilespmem:v2+s18+$0x0] =	vst.idx.add.f32.msk $0xffff, v3  }
0x29c: {  	v2 =	vld [tilespmem:$0xD20];
	_ =	sdelay $0x4  }
0x29d: {  	v3 =	vshll.u32 v2, $0x3  }
0x29e: {  	v2 =	vand.u32 $0x7F, v2;
	v3 =	vand.u32 $0xFFFFFC00, v3  }
0x29f: {  	v2 =	vor.u32 v2, v3  }
0x2a0: {  	v3 =	vld [tilespmem:$0x1D20];
	v2 =	vadd.s32 v1, v2;
	_ =	sdelay $0x4  }
0x2a1: {  	[tilespmem:v2+s18+$0x0] =	vst.idx.add.f32.msk $0xffff, v3  }
0x2a2: {  	v2 =	vld [tilespmem:$0xDA0];
	_ =	sdelay $0x4  }
0x2a3: {  	v3 =	vshll.u32 v2, $0x3  }
0x2a4: {  	v2 =	vand.u32 $0x7F, v2;
	v3 =	vand.u32 $0xFFFFFC00, v3  }
0x2a5: {  	v2 =	vor.u32 v2, v3  }
0x2a6: {  	v3 =	vld [tilespmem:$0x1DA0];
	v2 =	vadd.s32 v1, v2;
	_ =	sdelay $0x4  }
0x2a7: {  	[tilespmem:v2+s18+$0x0] =	vst.idx.add.f32.msk $0xffff, v3  }
0x2a8: {  	v2 =	vld [tilespmem:$0xE20];
	_ =	sdelay $0x4  }
0x2a9: {  	v3 =	vshll.u32 v2, $0x3  }
0x2aa: {  	v2 =	vand.u32 $0x7F, v2;
	v3 =	vand.u32 $0xFFFFFC00, v3  }
0x2ab: {  	v2 =	vor.u32 v2, v3  }
0x2ac: {  	v3 =	vld [tilespmem:$0x1E20];
	v2 =	vadd.s32 v1, v2;
	_ =	sdelay $0x4  }
0x2ad: {  	[tilespmem:v2+s18+$0x0] =	vst.idx.add.f32.msk $0xffff, v3  }
0x2ae: {  	v2 =	vld [tilespmem:$0xEA0];
	_ =	sdelay $0x4  }
0x2af: {  	v3 =	vshll.u32 v2, $0x3  }
0x2b0: {  	v2 =	vand.u32 $0x7F, v2;
	v3 =	vand.u32 $0xFFFFFC00, v3  }
0x2b1: {  	v2 =	vor.u32 v2, v3  }
0x2b2: {  	v3 =	vld [tilespmem:$0x1EA0];
	v2 =	vadd.s32 v1, v2;
	_ =	sdelay $0x4  }
0x2b3: {  	[tilespmem:v2+s18+$0x0] =	vst.idx.add.f32.msk $0xffff, v3  }
0x2b4: {  	v2 =	vld [tilespmem:$0xF20];
	_ =	sdelay $0x4  }
0x2b5: {  	v3 =	vshll.u32 v2, $0x3  }
0x2b6: {  	v2 =	vand.u32 $0x7F, v2;
	v3 =	vand.u32 $0xFFFFFC00, v3  }
0x2b7: {  	v2 =	vor.u32 v2, v3  }
0x2b8: {  	v3 =	vld [tilespmem:$0x1F20];
	v2 =	vadd.s32 v1, v2;
	_ =	sdelay $0x4  }
0x2b9: {  	[tilespmem:v2+s18+$0x0] =	vst.idx.add.f32.msk $0xffff, v3  }
0x2ba: {  	v2 =	vld [tilespmem:$0xFA0];
	_ =	sdelay $0x4  }
0x2bb: {  	v3 =	vshll.u32 v2, $0x3  }
0x2bc: {  	v2 =	vand.u32 $0x7F, v2;
	v3 =	vand.u32 $0xFFFFFC00, v3  }
0x2bd: {  	v2 =	vor.u32 v2, v3  }
0x2be: {  	v3 =	vld [tilespmem:$0x1FA0];
	v2 =	vadd.s32 v1, v2;
	_ =	sdelay $0x4  }
0x2bf: {  	s24 =	simm.s32 $0x0;
	[tilespmem:v2+s18+$0x0] =	vst.idx.add.f32.msk $0xffff, v3  }
0x2c0: {  	[hbm4b:s7+s24] =	stream.linear.scatter [tilespmem:s18], [sflag:$0x1], $0x4000, $0x38;
	[tilespmem:$0xA000] =	vst v63  }
0x2c1: {  	_ =	swait.ge [sflag:s21], $0x4000  }
0x2c2: {  	s31 =	sand.u32 $0x70, s24;
	s25 =	sand.u32 $0x1C00, s24;
	[sflag:s21] =	ssyncset.done $0x0  }
0x2c3: {  	s23 =	sor.u32 s31, s25;
	[sflag:s21] =	ssyncadd.s32 $0xFFFFC000  }
0x2c4: {  	[tilespmem:s23+$0x6080] =	vst v0  }
0x2c5: {  	[tilespmem:s23+$0x6100] =	vst v0  }
0x2c6: {  	[tilespmem:s23+$0x6180] =	vst v0  }
0x2c7: {  	[tilespmem:s23+$0x6200] =	vst v0  }
0x2c8: {  	[tilespmem:s23+$0x6280] =	vst v0  }
0x2c9: {  	s26 =	sor.u32 s24, s24;
	s25 =	simm.s32 $0x10;
	[tilespmem:s23+$0x6300] =	vst v0  }
.LBB2_8:
0x2ca: {  	p0 =	sne.s32 s25, $0x3F0;
	[tilespmem:s23+$0x6000] =	vst v0;
	s26 =	sor.u32 $0x380, s26  }
0x2cb: {  	[tilespmem:s26+$0x6000] =	vst v0  }
0x2cc: {  	[tilespmem:s23+$0x8000] =	vst v0  }
0x2cd: {  	[tilespmem:s23+$0x8080] =	vst v0  }
0x2ce: {  	[tilespmem:s23+$0x8100] =	vst v0  }
0x2cf: {  	[tilespmem:s23+$0x8180] =	vst v0  }
0x2d0: {  	[tilespmem:s23+$0x8200] =	vst v0  }
0x2d1: {  	s24 =	sadd.s32 $0x80, s24;
	[tilespmem:s23+$0x8280] =	vst v0  }
0x2d2: {  	s26 =	sand.u32 $0x70, s25;
	s28 =	sand.u32 $0x1C00, s24;
	[tilespmem:s23+$0x8300] =	vst v0  }
0x2d3: {  	[tilespmem:s23+$0x8380] =	vst v0;
	s23 =	sor.u32 s26, s28  }
0x2d4: {  	[tilespmem:s23+$0x6080] =	vst v0  }
.Ltmp3:
0x2d5: {  	[tilespmem:s23+$0x6100] =	vst v0;
	(pc) =	sbr.rel @p0 .LBB2_8-.Ltmp3, $4  }
0x2d6: {  	[tilespmem:s23+$0x6180] =	vst v0  }
0x2d7: {  	[tilespmem:s23+$0x6200] =	vst v0  }
0x2d8: {  	[tilespmem:s23+$0x6280] =	vst v0  }
0x2d9: {  	s26 =	sor.u32 s24, s25;
	s25 =	sadd.s32 $0x10, s25;
	[tilespmem:s23+$0x6300] =	vst v0  }
0x2da: {  	[tilespmem:s23+$0x6000] =	vst v0;
	s24 =	sor.u32 $0x380, s26  }
0x2db: {  	[tilespmem:s24+$0x6000] =	vst v0  }
0x2dc: {  	[tilespmem:s23+$0x8000] =	vst v0  }
0x2dd: {  	[tilespmem:s23+$0x8080] =	vst v0  }
0x2de: {  	[tilespmem:s23+$0x8100] =	vst v0  }
0x2df: {  	[tilespmem:s23+$0x8180] =	vst v0  }
0x2e0: {  	[tilespmem:s23+$0x8200] =	vst v0  }
0x2e1: {  	[tilespmem:s23+$0x8280] =	vst v0  }
0x2e2: {  	[tilespmem:s23+$0x8300] =	vst v0  }
0x2e3: {  	[tilespmem:s23+$0x8380] =	vst v0  }
0x2e4: {  	v2 =	vld [tilespmem:$0x30];
	_ =	sdelay $0x4  }
0x2e5: {  	v3 =	vshll.u32 v2, $0x3  }
0x2e6: {  	v2 =	vand.u32 $0x7F, v2;
	v3 =	vand.u32 $0xFFFFFC00, v3  }
0x2e7: {  	v2 =	vor.u32 v2, v3  }
0x2e8: {  	v3 =	vld [tilespmem:$0x1030];
	v2 =	vadd.s32 v1, v2;
	_ =	sdelay $0x4  }
0x2e9: {  	[tilespmem:v2+s19+$0x0] =	vst.idx.add.f32.msk $0xffff, v3  }
0x2ea: {  	v2 =	vld [tilespmem:$0xB0];
	_ =	sdelay $0x4  }
0x2eb: {  	v3 =	vshll.u32 v2, $0x3  }
0x2ec: {  	v2 =	vand.u32 $0x7F, v2;
	v3 =	vand.u32 $0xFFFFFC00, v3  }
0x2ed: {  	v2 =	vor.u32 v2, v3  }
0x2ee: {  	v3 =	vld [tilespmem:$0x10B0];
	v2 =	vadd.s32 v1, v2;
	_ =	sdelay $0x4  }
0x2ef: {  	[tilespmem:v2+s19+$0x0] =	vst.idx.add.f32.msk $0xffff, v3  }
0x2f0: {  	v2 =	vld [tilespmem:$0x130];
	_ =	sdelay $0x4  }
0x2f1: {  	v3 =	vshll.u32 v2, $0x3  }
0x2f2: {  	v2 =	vand.u32 $0x7F, v2;
	v3 =	vand.u32 $0xFFFFFC00, v3  }
0x2f3: {  	v2 =	vor.u32 v2, v3  }
0x2f4: {  	v3 =	vld [tilespmem:$0x1130];
	v2 =	vadd.s32 v1, v2;
	_ =	sdelay $0x4  }
0x2f5: {  	[tilespmem:v2+s19+$0x0] =	vst.idx.add.f32.msk $0xffff, v3  }
0x2f6: {  	v2 =	vld [tilespmem:$0x1B0];
	_ =	sdelay $0x4  }
0x2f7: {  	v3 =	vshll.u32 v2, $0x3  }
0x2f8: {  	v2 =	vand.u32 $0x7F, v2;
	v3 =	vand.u32 $0xFFFFFC00, v3  }
0x2f9: {  	v2 =	vor.u32 v2, v3  }
0x2fa: {  	v3 =	vld [tilespmem:$0x11B0];
	v2 =	vadd.s32 v1, v2;
	_ =	sdelay $0x4  }
0x2fb: {  	[tilespmem:v2+s19+$0x0] =	vst.idx.add.f32.msk $0xffff, v3  }
0x2fc: {  	v2 =	vld [tilespmem:$0x230];
	_ =	sdelay $0x4  }
0x2fd: {  	v3 =	vshll.u32 v2, $0x3  }
0x2fe: {  	v2 =	vand.u32 $0x7F, v2;
	v3 =	vand.u32 $0xFFFFFC00, v3  }
0x2ff: {  	v2 =	vor.u32 v2, v3  }
0x300: {  	v3 =	vld [tilespmem:$0x1230];
	v2 =	vadd.s32 v1, v2;
	_ =	sdelay $0x4  }
0x301: {  	[tilespmem:v2+s19+$0x0] =	vst.idx.add.f32.msk $0xffff, v3  }
0x302: {  	v2 =	vld [tilespmem:$0x2B0];
	_ =	sdelay $0x4  }
0x303: {  	v3 =	vshll.u32 v2, $0x3  }
0x304: {  	v2 =	vand.u32 $0x7F, v2;
	v3 =	vand.u32 $0xFFFFFC00, v3  }
0x305: {  	v2 =	vor.u32 v2, v3  }
0x306: {  	v3 =	vld [tilespmem:$0x12B0];
	v2 =	vadd.s32 v1, v2;
	_ =	sdelay $0x4  }
0x307: {  	[tilespmem:v2+s19+$0x0] =	vst.idx.add.f32.msk $0xffff, v3  }
0x308: {  	v2 =	vld [tilespmem:$0x330];
	_ =	sdelay $0x4  }
0x309: {  	v3 =	vshll.u32 v2, $0x3  }
0x30a: {  	v2 =	vand.u32 $0x7F, v2;
	v3 =	vand.u32 $0xFFFFFC00, v3  }
0x30b: {  	v2 =	vor.u32 v2, v3  }
0x30c: {  	v3 =	vld [tilespmem:$0x1330];
	v2 =	vadd.s32 v1, v2;
	_ =	sdelay $0x4  }
0x30d: {  	[tilespmem:v2+s19+$0x0] =	vst.idx.add.f32.msk $0xffff, v3  }
0x30e: {  	v2 =	vld [tilespmem:$0x3B0];
	_ =	sdelay $0x4  }
0x30f: {  	v3 =	vshll.u32 v2, $0x3  }
0x310: {  	v2 =	vand.u32 $0x7F, v2;
	v3 =	vand.u32 $0xFFFFFC00, v3  }
0x311: {  	v2 =	vor.u32 v2, v3  }
0x312: {  	v3 =	vld [tilespmem:$0x13B0];
	v2 =	vadd.s32 v1, v2;
	_ =	sdelay $0x4  }
0x313: {  	[tilespmem:v2+s19+$0x0] =	vst.idx.add.f32.msk $0xffff, v3  }
0x314: {  	v2 =	vld [tilespmem:$0x430];
	_ =	sdelay $0x4  }
0x315: {  	v3 =	vshll.u32 v2, $0x3  }
0x316: {  	v2 =	vand.u32 $0x7F, v2;
	v3 =	vand.u32 $0xFFFFFC00, v3  }
0x317: {  	v2 =	vor.u32 v2, v3  }
0x318: {  	v3 =	vld [tilespmem:$0x1430];
	v2 =	vadd.s32 v1, v2;
	_ =	sdelay $0x4  }
0x319: {  	[tilespmem:v2+s19+$0x0] =	vst.idx.add.f32.msk $0xffff, v3  }
0x31a: {  	v2 =	vld [tilespmem:$0x4B0];
	_ =	sdelay $0x4  }
0x31b: {  	v3 =	vshll.u32 v2, $0x3  }
0x31c: {  	v2 =	vand.u32 $0x7F, v2;
	v3 =	vand.u32 $0xFFFFFC00, v3  }
0x31d: {  	v2 =	vor.u32 v2, v3  }
0x31e: {  	v3 =	vld [tilespmem:$0x14B0];
	v2 =	vadd.s32 v1, v2;
	_ =	sdelay $0x4  }
0x31f: {  	[tilespmem:v2+s19+$0x0] =	vst.idx.add.f32.msk $0xffff, v3  }
0x320: {  	v2 =	vld [tilespmem:$0x530];
	_ =	sdelay $0x4  }
0x321: {  	v3 =	vshll.u32 v2, $0x3  }
0x322: {  	v2 =	vand.u32 $0x7F, v2;
	v3 =	vand.u32 $0xFFFFFC00, v3  }
0x323: {  	v2 =	vor.u32 v2, v3  }
0x324: {  	v3 =	vld [tilespmem:$0x1530];
	v2 =	vadd.s32 v1, v2;
	_ =	sdelay $0x4  }
0x325: {  	[tilespmem:v2+s19+$0x0] =	vst.idx.add.f32.msk $0xffff, v3  }
0x326: {  	v2 =	vld [tilespmem:$0x5B0];
	_ =	sdelay $0x4  }
0x327: {  	v3 =	vshll.u32 v2, $0x3  }
0x328: {  	v2 =	vand.u32 $0x7F, v2;
	v3 =	vand.u32 $0xFFFFFC00, v3  }
0x329: {  	v2 =	vor.u32 v2, v3  }
0x32a: {  	v3 =	vld [tilespmem:$0x15B0];
	v2 =	vadd.s32 v1, v2;
	_ =	sdelay $0x4  }
0x32b: {  	[tilespmem:v2+s19+$0x0] =	vst.idx.add.f32.msk $0xffff, v3  }
0x32c: {  	v2 =	vld [tilespmem:$0x630];
	_ =	sdelay $0x4  }
0x32d: {  	v3 =	vshll.u32 v2, $0x3  }
0x32e: {  	v2 =	vand.u32 $0x7F, v2;
	v3 =	vand.u32 $0xFFFFFC00, v3  }
0x32f: {  	v2 =	vor.u32 v2, v3  }
0x330: {  	v3 =	vld [tilespmem:$0x1630];
	v2 =	vadd.s32 v1, v2;
	_ =	sdelay $0x4  }
0x331: {  	[tilespmem:v2+s19+$0x0] =	vst.idx.add.f32.msk $0xffff, v3  }
0x332: {  	v2 =	vld [tilespmem:$0x6B0];
	_ =	sdelay $0x4  }
0x333: {  	v3 =	vshll.u32 v2, $0x3  }
0x334: {  	v2 =	vand.u32 $0x7F, v2;
	v3 =	vand.u32 $0xFFFFFC00, v3  }
0x335: {  	v2 =	vor.u32 v2, v3  }
0x336: {  	v3 =	vld [tilespmem:$0x16B0];
	v2 =	vadd.s32 v1, v2;
	_ =	sdelay $0x4  }
0x337: {  	[tilespmem:v2+s19+$0x0] =	vst.idx.add.f32.msk $0xffff, v3  }
0x338: {  	v2 =	vld [tilespmem:$0x730];
	_ =	sdelay $0x4  }
0x339: {  	v3 =	vshll.u32 v2, $0x3  }
0x33a: {  	v2 =	vand.u32 $0x7F, v2;
	v3 =	vand.u32 $0xFFFFFC00, v3  }
0x33b: {  	v2 =	vor.u32 v2, v3  }
0x33c: {  	v3 =	vld [tilespmem:$0x1730];
	v2 =	vadd.s32 v1, v2;
	_ =	sdelay $0x4  }
0x33d: {  	[tilespmem:v2+s19+$0x0] =	vst.idx.add.f32.msk $0xffff, v3  }
0x33e: {  	v2 =	vld [tilespmem:$0x7B0];
	_ =	sdelay $0x4  }
0x33f: {  	v3 =	vshll.u32 v2, $0x3  }
0x340: {  	v2 =	vand.u32 $0x7F, v2;
	v3 =	vand.u32 $0xFFFFFC00, v3  }
0x341: {  	v2 =	vor.u32 v2, v3  }
0x342: {  	v3 =	vld [tilespmem:$0x17B0];
	v2 =	vadd.s32 v1, v2;
	_ =	sdelay $0x4  }
0x343: {  	[tilespmem:v2+s19+$0x0] =	vst.idx.add.f32.msk $0xffff, v3  }
0x344: {  	v2 =	vld [tilespmem:$0x830];
	_ =	sdelay $0x4  }
0x345: {  	v3 =	vshll.u32 v2, $0x3  }
0x346: {  	v2 =	vand.u32 $0x7F, v2;
	v3 =	vand.u32 $0xFFFFFC00, v3  }
0x347: {  	v2 =	vor.u32 v2, v3  }
0x348: {  	v3 =	vld [tilespmem:$0x1830];
	v2 =	vadd.s32 v1, v2;
	_ =	sdelay $0x4  }
0x349: {  	[tilespmem:v2+s19+$0x0] =	vst.idx.add.f32.msk $0xffff, v3  }
0x34a: {  	v2 =	vld [tilespmem:$0x8B0];
	_ =	sdelay $0x4  }
0x34b: {  	v3 =	vshll.u32 v2, $0x3  }
0x34c: {  	v2 =	vand.u32 $0x7F, v2;
	v3 =	vand.u32 $0xFFFFFC00, v3  }
0x34d: {  	v2 =	vor.u32 v2, v3  }
0x34e: {  	v3 =	vld [tilespmem:$0x18B0];
	v2 =	vadd.s32 v1, v2;
	_ =	sdelay $0x4  }
0x34f: {  	[tilespmem:v2+s19+$0x0] =	vst.idx.add.f32.msk $0xffff, v3  }
0x350: {  	v2 =	vld [tilespmem:$0x930];
	_ =	sdelay $0x4  }
0x351: {  	v3 =	vshll.u32 v2, $0x3  }
0x352: {  	v2 =	vand.u32 $0x7F, v2;
	v3 =	vand.u32 $0xFFFFFC00, v3  }
0x353: {  	v2 =	vor.u32 v2, v3  }
0x354: {  	v3 =	vld [tilespmem:$0x1930];
	v2 =	vadd.s32 v1, v2;
	_ =	sdelay $0x4  }
0x355: {  	[tilespmem:v2+s19+$0x0] =	vst.idx.add.f32.msk $0xffff, v3  }
0x356: {  	v2 =	vld [tilespmem:$0x9B0];
	_ =	sdelay $0x4  }
0x357: {  	v3 =	vshll.u32 v2, $0x3  }
0x358: {  	v2 =	vand.u32 $0x7F, v2;
	v3 =	vand.u32 $0xFFFFFC00, v3  }
0x359: {  	v2 =	vor.u32 v2, v3  }
0x35a: {  	v3 =	vld [tilespmem:$0x19B0];
	v2 =	vadd.s32 v1, v2;
	_ =	sdelay $0x4  }
0x35b: {  	[tilespmem:v2+s19+$0x0] =	vst.idx.add.f32.msk $0xffff, v3  }
0x35c: {  	v2 =	vld [tilespmem:$0xA30];
	_ =	sdelay $0x4  }
0x35d: {  	v3 =	vshll.u32 v2, $0x3  }
0x35e: {  	v2 =	vand.u32 $0x7F, v2;
	v3 =	vand.u32 $0xFFFFFC00, v3  }
0x35f: {  	v2 =	vor.u32 v2, v3  }
0x360: {  	v3 =	vld [tilespmem:$0x1A30];
	v2 =	vadd.s32 v1, v2;
	_ =	sdelay $0x4  }
0x361: {  	[tilespmem:v2+s19+$0x0] =	vst.idx.add.f32.msk $0xffff, v3  }
0x362: {  	v2 =	vld [tilespmem:$0xAB0];
	_ =	sdelay $0x4  }
0x363: {  	v3 =	vshll.u32 v2, $0x3  }
0x364: {  	v2 =	vand.u32 $0x7F, v2;
	v3 =	vand.u32 $0xFFFFFC00, v3  }
0x365: {  	v2 =	vor.u32 v2, v3  }
0x366: {  	v3 =	vld [tilespmem:$0x1AB0];
	v2 =	vadd.s32 v1, v2;
	_ =	sdelay $0x4  }
0x367: {  	[tilespmem:v2+s19+$0x0] =	vst.idx.add.f32.msk $0xffff, v3  }
0x368: {  	v2 =	vld [tilespmem:$0xB30];
	_ =	sdelay $0x4  }
0x369: {  	v3 =	vshll.u32 v2, $0x3  }
0x36a: {  	v2 =	vand.u32 $0x7F, v2;
	v3 =	vand.u32 $0xFFFFFC00, v3  }
0x36b: {  	v2 =	vor.u32 v2, v3  }
0x36c: {  	v3 =	vld [tilespmem:$0x1B30];
	v2 =	vadd.s32 v1, v2;
	_ =	sdelay $0x4  }
0x36d: {  	[tilespmem:v2+s19+$0x0] =	vst.idx.add.f32.msk $0xffff, v3  }
0x36e: {  	v2 =	vld [tilespmem:$0xBB0];
	_ =	sdelay $0x4  }
0x36f: {  	v3 =	vshll.u32 v2, $0x3  }
0x370: {  	v2 =	vand.u32 $0x7F, v2;
	v3 =	vand.u32 $0xFFFFFC00, v3  }
0x371: {  	v2 =	vor.u32 v2, v3  }
0x372: {  	v3 =	vld [tilespmem:$0x1BB0];
	v2 =	vadd.s32 v1, v2;
	_ =	sdelay $0x4  }
0x373: {  	[tilespmem:v2+s19+$0x0] =	vst.idx.add.f32.msk $0xffff, v3  }
0x374: {  	v2 =	vld [tilespmem:$0xC30];
	_ =	sdelay $0x4  }
0x375: {  	v3 =	vshll.u32 v2, $0x3  }
0x376: {  	v2 =	vand.u32 $0x7F, v2;
	v3 =	vand.u32 $0xFFFFFC00, v3  }
0x377: {  	v2 =	vor.u32 v2, v3  }
0x378: {  	v3 =	vld [tilespmem:$0x1C30];
	v2 =	vadd.s32 v1, v2;
	_ =	sdelay $0x4  }
0x379: {  	[tilespmem:v2+s19+$0x0] =	vst.idx.add.f32.msk $0xffff, v3  }
0x37a: {  	v2 =	vld [tilespmem:$0xCB0];
	_ =	sdelay $0x4  }
0x37b: {  	v3 =	vshll.u32 v2, $0x3  }
0x37c: {  	v2 =	vand.u32 $0x7F, v2;
	v3 =	vand.u32 $0xFFFFFC00, v3  }
0x37d: {  	v2 =	vor.u32 v2, v3  }
0x37e: {  	v3 =	vld [tilespmem:$0x1CB0];
	v2 =	vadd.s32 v1, v2;
	_ =	sdelay $0x4  }
0x37f: {  	[tilespmem:v2+s19+$0x0] =	vst.idx.add.f32.msk $0xffff, v3  }
0x380: {  	v2 =	vld [tilespmem:$0xD30];
	_ =	sdelay $0x4  }
0x381: {  	v3 =	vshll.u32 v2, $0x3  }
0x382: {  	v2 =	vand.u32 $0x7F, v2;
	v3 =	vand.u32 $0xFFFFFC00, v3  }
0x383: {  	v2 =	vor.u32 v2, v3  }
0x384: {  	v3 =	vld [tilespmem:$0x1D30];
	v2 =	vadd.s32 v1, v2;
	_ =	sdelay $0x4  }
0x385: {  	[tilespmem:v2+s19+$0x0] =	vst.idx.add.f32.msk $0xffff, v3  }
0x386: {  	v2 =	vld [tilespmem:$0xDB0];
	_ =	sdelay $0x4  }
0x387: {  	v3 =	vshll.u32 v2, $0x3  }
0x388: {  	v2 =	vand.u32 $0x7F, v2;
	v3 =	vand.u32 $0xFFFFFC00, v3  }
0x389: {  	v2 =	vor.u32 v2, v3  }
0x38a: {  	v3 =	vld [tilespmem:$0x1DB0];
	v2 =	vadd.s32 v1, v2;
	_ =	sdelay $0x4  }
0x38b: {  	[tilespmem:v2+s19+$0x0] =	vst.idx.add.f32.msk $0xffff, v3  }
0x38c: {  	v2 =	vld [tilespmem:$0xE30];
	_ =	sdelay $0x4  }
0x38d: {  	v3 =	vshll.u32 v2, $0x3  }
0x38e: {  	v2 =	vand.u32 $0x7F, v2;
	v3 =	vand.u32 $0xFFFFFC00, v3  }
0x38f: {  	v2 =	vor.u32 v2, v3  }
0x390: {  	v3 =	vld [tilespmem:$0x1E30];
	v2 =	vadd.s32 v1, v2;
	_ =	sdelay $0x4  }
0x391: {  	[tilespmem:v2+s19+$0x0] =	vst.idx.add.f32.msk $0xffff, v3  }
0x392: {  	v2 =	vld [tilespmem:$0xEB0];
	_ =	sdelay $0x4  }
0x393: {  	v3 =	vshll.u32 v2, $0x3  }
0x394: {  	v2 =	vand.u32 $0x7F, v2;
	v3 =	vand.u32 $0xFFFFFC00, v3  }
0x395: {  	v2 =	vor.u32 v2, v3  }
0x396: {  	v3 =	vld [tilespmem:$0x1EB0];
	v2 =	vadd.s32 v1, v2;
	_ =	sdelay $0x4  }
0x397: {  	[tilespmem:v2+s19+$0x0] =	vst.idx.add.f32.msk $0xffff, v3  }
0x398: {  	v2 =	vld [tilespmem:$0xF30];
	_ =	sdelay $0x4  }
0x399: {  	v3 =	vshll.u32 v2, $0x3  }
0x39a: {  	v2 =	vand.u32 $0x7F, v2;
	v3 =	vand.u32 $0xFFFFFC00, v3  }
0x39b: {  	v2 =	vor.u32 v2, v3  }
0x39c: {  	v3 =	vld [tilespmem:$0x1F30];
	v2 =	vadd.s32 v1, v2;
	_ =	sdelay $0x4  }
0x39d: {  	[tilespmem:v2+s19+$0x0] =	vst.idx.add.f32.msk $0xffff, v3  }
0x39e: {  	v2 =	vld [tilespmem:$0xFB0];
	_ =	sdelay $0x4  }
0x39f: {  	v3 =	vshll.u32 v2, $0x3  }
0x3a0: {  	v2 =	vand.u32 $0x7F, v2;
	v3 =	vand.u32 $0xFFFFFC00, v3  }
0x3a1: {  	v2 =	vor.u32 v2, v3  }
0x3a2: {  	v3 =	vld [tilespmem:$0x1FB0];
	v2 =	vadd.s32 v1, v2;
	_ =	sdelay $0x4  }
0x3a3: {  	s24 =	simm.s32 $0x0;
	[tilespmem:v2+s19+$0x0] =	vst.idx.add.f32.msk $0xffff, v3  }
0x3a4: {  	[hbm4b:s8+s24] =	stream.linear.scatter [tilespmem:s19], [sflag:$0x2], $0x4000, $0x38;
	[tilespmem:$0xA000] =	vst v63  }
0x3a5: {  	_ =	swait.ge [sflag:s20], $0x4000  }
0x3a6: {  	s31 =	sand.u32 $0x70, s24;
	s25 =	sand.u32 $0x1C00, s24;
	[sflag:s20] =	ssyncset.done $0x0  }
0x3a7: {  	s23 =	sor.u32 s31, s25;
	[sflag:s20] =	ssyncadd.s32 $0xFFFFC000  }
0x3a8: {  	[tilespmem:s23+$0x2080] =	vst v0  }
0x3a9: {  	[tilespmem:s23+$0x2100] =	vst v0  }
0x3aa: {  	[tilespmem:s23+$0x2180] =	vst v0  }
0x3ab: {  	[tilespmem:s23+$0x2200] =	vst v0  }
0x3ac: {  	[tilespmem:s23+$0x2280] =	vst v0  }
0x3ad: {  	s26 =	sor.u32 s24, s24;
	s25 =	simm.s32 $0x10;
	[tilespmem:s23+$0x2300] =	vst v0  }
.LBB2_10:
0x3ae: {  	p0 =	sne.s32 s25, $0x3F0;
	[tilespmem:s23+$0x2000] =	vst v0;
	s26 =	sor.u32 $0x380, s26  }
0x3af: {  	[tilespmem:s26+$0x2000] =	vst v0  }
0x3b0: {  	[tilespmem:s23+$0x4000] =	vst v0  }
0x3b1: {  	[tilespmem:s23+$0x4080] =	vst v0  }
0x3b2: {  	[tilespmem:s23+$0x4100] =	vst v0  }
0x3b3: {  	[tilespmem:s23+$0x4180] =	vst v0  }
0x3b4: {  	[tilespmem:s23+$0x4200] =	vst v0  }
0x3b5: {  	s24 =	sadd.s32 $0x80, s24;
	[tilespmem:s23+$0x4280] =	vst v0  }
0x3b6: {  	s26 =	sand.u32 $0x70, s25;
	s28 =	sand.u32 $0x1C00, s24;
	[tilespmem:s23+$0x4300] =	vst v0  }
0x3b7: {  	[tilespmem:s23+$0x4380] =	vst v0;
	s23 =	sor.u32 s26, s28  }
0x3b8: {  	[tilespmem:s23+$0x2080] =	vst v0  }
.Ltmp4:
0x3b9: {  	[tilespmem:s23+$0x2100] =	vst v0;
	(pc) =	sbr.rel @p0 .LBB2_10-.Ltmp4, $4  }
0x3ba: {  	[tilespmem:s23+$0x2180] =	vst v0  }
0x3bb: {  	[tilespmem:s23+$0x2200] =	vst v0  }
0x3bc: {  	[tilespmem:s23+$0x2280] =	vst v0  }
0x3bd: {  	s26 =	sor.u32 s24, s25;
	s25 =	sadd.s32 $0x10, s25;
	[tilespmem:s23+$0x2300] =	vst v0  }
0x3be: {  	[tilespmem:s23+$0x2000] =	vst v0;
	s24 =	sor.u32 $0x380, s26  }
0x3bf: {  	[tilespmem:s24+$0x2000] =	vst v0  }
0x3c0: {  	[tilespmem:s23+$0x4000] =	vst v0  }
0x3c1: {  	[tilespmem:s23+$0x4080] =	vst v0  }
0x3c2: {  	[tilespmem:s23+$0x4100] =	vst v0  }
0x3c3: {  	[tilespmem:s23+$0x4180] =	vst v0  }
0x3c4: {  	[tilespmem:s23+$0x4200] =	vst v0  }
0x3c5: {  	[tilespmem:s23+$0x4280] =	vst v0  }
0x3c6: {  	[tilespmem:s23+$0x4300] =	vst v0  }
0x3c7: {  	[tilespmem:s23+$0x4380] =	vst v0  }
0x3c8: {  	v2 =	vld [tilespmem:$0x40];
	_ =	sdelay $0x4  }
0x3c9: {  	v3 =	vshll.u32 v2, $0x3  }
0x3ca: {  	v2 =	vand.u32 $0x7F, v2;
	v3 =	vand.u32 $0xFFFFFC00, v3  }
0x3cb: {  	v2 =	vor.u32 v2, v3  }
0x3cc: {  	v3 =	vld [tilespmem:$0x1040];
	v2 =	vadd.s32 v1, v2;
	_ =	sdelay $0x4  }
0x3cd: {  	[tilespmem:v2+s18+$0x0] =	vst.idx.add.f32.msk $0xffff, v3  }
0x3ce: {  	v2 =	vld [tilespmem:$0xC0];
	_ =	sdelay $0x4  }
0x3cf: {  	v3 =	vshll.u32 v2, $0x3  }
0x3d0: {  	v2 =	vand.u32 $0x7F, v2;
	v3 =	vand.u32 $0xFFFFFC00, v3  }
0x3d1: {  	v2 =	vor.u32 v2, v3  }
0x3d2: {  	v3 =	vld [tilespmem:$0x10C0];
	v2 =	vadd.s32 v1, v2;
	_ =	sdelay $0x4  }
0x3d3: {  	[tilespmem:v2+s18+$0x0] =	vst.idx.add.f32.msk $0xffff, v3  }
0x3d4: {  	v2 =	vld [tilespmem:$0x140];
	_ =	sdelay $0x4  }
0x3d5: {  	v3 =	vshll.u32 v2, $0x3  }
0x3d6: {  	v2 =	vand.u32 $0x7F, v2;
	v3 =	vand.u32 $0xFFFFFC00, v3  }
0x3d7: {  	v2 =	vor.u32 v2, v3  }
0x3d8: {  	v3 =	vld [tilespmem:$0x1140];
	v2 =	vadd.s32 v1, v2;
	_ =	sdelay $0x4  }
0x3d9: {  	[tilespmem:v2+s18+$0x0] =	vst.idx.add.f32.msk $0xffff, v3  }
0x3da: {  	v2 =	vld [tilespmem:$0x1C0];
	_ =	sdelay $0x4  }
0x3db: {  	v3 =	vshll.u32 v2, $0x3  }
0x3dc: {  	v2 =	vand.u32 $0x7F, v2;
	v3 =	vand.u32 $0xFFFFFC00, v3  }
0x3dd: {  	v2 =	vor.u32 v2, v3  }
0x3de: {  	v3 =	vld [tilespmem:$0x11C0];
	v2 =	vadd.s32 v1, v2;
	_ =	sdelay $0x4  }
0x3df: {  	[tilespmem:v2+s18+$0x0] =	vst.idx.add.f32.msk $0xffff, v3  }
0x3e0: {  	v2 =	vld [tilespmem:$0x240];
	_ =	sdelay $0x4  }
0x3e1: {  	v3 =	vshll.u32 v2, $0x3  }
0x3e2: {  	v2 =	vand.u32 $0x7F, v2;
	v3 =	vand.u32 $0xFFFFFC00, v3  }
0x3e3: {  	v2 =	vor.u32 v2, v3  }
0x3e4: {  	v3 =	vld [tilespmem:$0x1240];
	v2 =	vadd.s32 v1, v2;
	_ =	sdelay $0x4  }
0x3e5: {  	[tilespmem:v2+s18+$0x0] =	vst.idx.add.f32.msk $0xffff, v3  }
0x3e6: {  	v2 =	vld [tilespmem:$0x2C0];
	_ =	sdelay $0x4  }
0x3e7: {  	v3 =	vshll.u32 v2, $0x3  }
0x3e8: {  	v2 =	vand.u32 $0x7F, v2;
	v3 =	vand.u32 $0xFFFFFC00, v3  }
0x3e9: {  	v2 =	vor.u32 v2, v3  }
0x3ea: {  	v3 =	vld [tilespmem:$0x12C0];
	v2 =	vadd.s32 v1, v2;
	_ =	sdelay $0x4  }
0x3eb: {  	[tilespmem:v2+s18+$0x0] =	vst.idx.add.f32.msk $0xffff, v3  }
0x3ec: {  	v2 =	vld [tilespmem:$0x340];
	_ =	sdelay $0x4  }
0x3ed: {  	v3 =	vshll.u32 v2, $0x3  }
0x3ee: {  	v2 =	vand.u32 $0x7F, v2;
	v3 =	vand.u32 $0xFFFFFC00, v3  }
0x3ef: {  	v2 =	vor.u32 v2, v3  }
0x3f0: {  	v3 =	vld [tilespmem:$0x1340];
	v2 =	vadd.s32 v1, v2;
	_ =	sdelay $0x4  }
0x3f1: {  	[tilespmem:v2+s18+$0x0] =	vst.idx.add.f32.msk $0xffff, v3  }
0x3f2: {  	v2 =	vld [tilespmem:$0x3C0];
	_ =	sdelay $0x4  }
0x3f3: {  	v3 =	vshll.u32 v2, $0x3  }
0x3f4: {  	v2 =	vand.u32 $0x7F, v2;
	v3 =	vand.u32 $0xFFFFFC00, v3  }
0x3f5: {  	v2 =	vor.u32 v2, v3  }
0x3f6: {  	v3 =	vld [tilespmem:$0x13C0];
	v2 =	vadd.s32 v1, v2;
	_ =	sdelay $0x4  }
0x3f7: {  	[tilespmem:v2+s18+$0x0] =	vst.idx.add.f32.msk $0xffff, v3  }
0x3f8: {  	v2 =	vld [tilespmem:$0x440];
	_ =	sdelay $0x4  }
0x3f9: {  	v3 =	vshll.u32 v2, $0x3  }
0x3fa: {  	v2 =	vand.u32 $0x7F, v2;
	v3 =	vand.u32 $0xFFFFFC00, v3  }
0x3fb: {  	v2 =	vor.u32 v2, v3  }
0x3fc: {  	v3 =	vld [tilespmem:$0x1440];
	v2 =	vadd.s32 v1, v2;
	_ =	sdelay $0x4  }
0x3fd: {  	[tilespmem:v2+s18+$0x0] =	vst.idx.add.f32.msk $0xffff, v3  }
0x3fe: {  	v2 =	vld [tilespmem:$0x4C0];
	_ =	sdelay $0x4  }
0x3ff: {  	v3 =	vshll.u32 v2, $0x3  }
0x400: {  	v2 =	vand.u32 $0x7F, v2;
	v3 =	vand.u32 $0xFFFFFC00, v3  }
0x401: {  	v2 =	vor.u32 v2, v3  }
0x402: {  	v3 =	vld [tilespmem:$0x14C0];
	v2 =	vadd.s32 v1, v2;
	_ =	sdelay $0x4  }
0x403: {  	[tilespmem:v2+s18+$0x0] =	vst.idx.add.f32.msk $0xffff, v3  }
0x404: {  	v2 =	vld [tilespmem:$0x540];
	_ =	sdelay $0x4  }
0x405: {  	v3 =	vshll.u32 v2, $0x3  }
0x406: {  	v2 =	vand.u32 $0x7F, v2;
	v3 =	vand.u32 $0xFFFFFC00, v3  }
0x407: {  	v2 =	vor.u32 v2, v3  }
0x408: {  	v3 =	vld [tilespmem:$0x1540];
	v2 =	vadd.s32 v1, v2;
	_ =	sdelay $0x4  }
0x409: {  	[tilespmem:v2+s18+$0x0] =	vst.idx.add.f32.msk $0xffff, v3  }
0x40a: {  	v2 =	vld [tilespmem:$0x5C0];
	_ =	sdelay $0x4  }
0x40b: {  	v3 =	vshll.u32 v2, $0x3  }
0x40c: {  	v2 =	vand.u32 $0x7F, v2;
	v3 =	vand.u32 $0xFFFFFC00, v3  }
0x40d: {  	v2 =	vor.u32 v2, v3  }
0x40e: {  	v3 =	vld [tilespmem:$0x15C0];
	v2 =	vadd.s32 v1, v2;
	_ =	sdelay $0x4  }
0x40f: {  	[tilespmem:v2+s18+$0x0] =	vst.idx.add.f32.msk $0xffff, v3  }
0x410: {  	v2 =	vld [tilespmem:$0x640];
	_ =	sdelay $0x4  }
0x411: {  	v3 =	vshll.u32 v2, $0x3  }
0x412: {  	v2 =	vand.u32 $0x7F, v2;
	v3 =	vand.u32 $0xFFFFFC00, v3  }
0x413: {  	v2 =	vor.u32 v2, v3  }
0x414: {  	v3 =	vld [tilespmem:$0x1640];
	v2 =	vadd.s32 v1, v2;
	_ =	sdelay $0x4  }
0x415: {  	[tilespmem:v2+s18+$0x0] =	vst.idx.add.f32.msk $0xffff, v3  }
0x416: {  	v2 =	vld [tilespmem:$0x6C0];
	_ =	sdelay $0x4  }
0x417: {  	v3 =	vshll.u32 v2, $0x3  }
0x418: {  	v2 =	vand.u32 $0x7F, v2;
	v3 =	vand.u32 $0xFFFFFC00, v3  }
0x419: {  	v2 =	vor.u32 v2, v3  }
0x41a: {  	v3 =	vld [tilespmem:$0x16C0];
	v2 =	vadd.s32 v1, v2;
	_ =	sdelay $0x4  }
0x41b: {  	[tilespmem:v2+s18+$0x0] =	vst.idx.add.f32.msk $0xffff, v3  }
0x41c: {  	v2 =	vld [tilespmem:$0x740];
	_ =	sdelay $0x4  }
0x41d: {  	v3 =	vshll.u32 v2, $0x3  }
0x41e: {  	v2 =	vand.u32 $0x7F, v2;
	v3 =	vand.u32 $0xFFFFFC00, v3  }
0x41f: {  	v2 =	vor.u32 v2, v3  }
0x420: {  	v3 =	vld [tilespmem:$0x1740];
	v2 =	vadd.s32 v1, v2;
	_ =	sdelay $0x4  }
0x421: {  	[tilespmem:v2+s18+$0x0] =	vst.idx.add.f32.msk $0xffff, v3  }
0x422: {  	v2 =	vld [tilespmem:$0x7C0];
	_ =	sdelay $0x4  }
0x423: {  	v3 =	vshll.u32 v2, $0x3  }
0x424: {  	v2 =	vand.u32 $0x7F, v2;
	v3 =	vand.u32 $0xFFFFFC00, v3  }
0x425: {  	v2 =	vor.u32 v2, v3  }
0x426: {  	v3 =	vld [tilespmem:$0x17C0];
	v2 =	vadd.s32 v1, v2;
	_ =	sdelay $0x4  }
0x427: {  	[tilespmem:v2+s18+$0x0] =	vst.idx.add.f32.msk $0xffff, v3  }
0x428: {  	v2 =	vld [tilespmem:$0x840];
	_ =	sdelay $0x4  }
0x429: {  	v3 =	vshll.u32 v2, $0x3  }
0x42a: {  	v2 =	vand.u32 $0x7F, v2;
	v3 =	vand.u32 $0xFFFFFC00, v3  }
0x42b: {  	v2 =	vor.u32 v2, v3  }
0x42c: {  	v3 =	vld [tilespmem:$0x1840];
	v2 =	vadd.s32 v1, v2;
	_ =	sdelay $0x4  }
0x42d: {  	[tilespmem:v2+s18+$0x0] =	vst.idx.add.f32.msk $0xffff, v3  }
0x42e: {  	v2 =	vld [tilespmem:$0x8C0];
	_ =	sdelay $0x4  }
0x42f: {  	v3 =	vshll.u32 v2, $0x3  }
0x430: {  	v2 =	vand.u32 $0x7F, v2;
	v3 =	vand.u32 $0xFFFFFC00, v3  }
0x431: {  	v2 =	vor.u32 v2, v3  }
0x432: {  	v3 =	vld [tilespmem:$0x18C0];
	v2 =	vadd.s32 v1, v2;
	_ =	sdelay $0x4  }
0x433: {  	[tilespmem:v2+s18+$0x0] =	vst.idx.add.f32.msk $0xffff, v3  }
0x434: {  	v2 =	vld [tilespmem:$0x940];
	_ =	sdelay $0x4  }
0x435: {  	v3 =	vshll.u32 v2, $0x3  }
0x436: {  	v2 =	vand.u32 $0x7F, v2;
	v3 =	vand.u32 $0xFFFFFC00, v3  }
0x437: {  	v2 =	vor.u32 v2, v3  }
0x438: {  	v3 =	vld [tilespmem:$0x1940];
	v2 =	vadd.s32 v1, v2;
	_ =	sdelay $0x4  }
0x439: {  	[tilespmem:v2+s18+$0x0] =	vst.idx.add.f32.msk $0xffff, v3  }
0x43a: {  	v2 =	vld [tilespmem:$0x9C0];
	_ =	sdelay $0x4  }
0x43b: {  	v3 =	vshll.u32 v2, $0x3  }
0x43c: {  	v2 =	vand.u32 $0x7F, v2;
	v3 =	vand.u32 $0xFFFFFC00, v3  }
0x43d: {  	v2 =	vor.u32 v2, v3  }
0x43e: {  	v3 =	vld [tilespmem:$0x19C0];
	v2 =	vadd.s32 v1, v2;
	_ =	sdelay $0x4  }
0x43f: {  	[tilespmem:v2+s18+$0x0] =	vst.idx.add.f32.msk $0xffff, v3  }
0x440: {  	v2 =	vld [tilespmem:$0xA40];
	_ =	sdelay $0x4  }
0x441: {  	v3 =	vshll.u32 v2, $0x3  }
0x442: {  	v2 =	vand.u32 $0x7F, v2;
	v3 =	vand.u32 $0xFFFFFC00, v3  }
0x443: {  	v2 =	vor.u32 v2, v3  }
0x444: {  	v3 =	vld [tilespmem:$0x1A40];
	v2 =	vadd.s32 v1, v2;
	_ =	sdelay $0x4  }
0x445: {  	[tilespmem:v2+s18+$0x0] =	vst.idx.add.f32.msk $0xffff, v3  }
0x446: {  	v2 =	vld [tilespmem:$0xAC0];
	_ =	sdelay $0x4  }
0x447: {  	v3 =	vshll.u32 v2, $0x3  }
0x448: {  	v2 =	vand.u32 $0x7F, v2;
	v3 =	vand.u32 $0xFFFFFC00, v3  }
0x449: {  	v2 =	vor.u32 v2, v3  }
0x44a: {  	v3 =	vld [tilespmem:$0x1AC0];
	v2 =	vadd.s32 v1, v2;
	_ =	sdelay $0x4  }
0x44b: {  	[tilespmem:v2+s18+$0x0] =	vst.idx.add.f32.msk $0xffff, v3  }
0x44c: {  	v2 =	vld [tilespmem:$0xB40];
	_ =	sdelay $0x4  }
0x44d: {  	v3 =	vshll.u32 v2, $0x3  }
0x44e: {  	v2 =	vand.u32 $0x7F, v2;
	v3 =	vand.u32 $0xFFFFFC00, v3  }
0x44f: {  	v2 =	vor.u32 v2, v3  }
0x450: {  	v3 =	vld [tilespmem:$0x1B40];
	v2 =	vadd.s32 v1, v2;
	_ =	sdelay $0x4  }
0x451: {  	[tilespmem:v2+s18+$0x0] =	vst.idx.add.f32.msk $0xffff, v3  }
0x452: {  	v2 =	vld [tilespmem:$0xBC0];
	_ =	sdelay $0x4  }
0x453: {  	v3 =	vshll.u32 v2, $0x3  }
0x454: {  	v2 =	vand.u32 $0x7F, v2;
	v3 =	vand.u32 $0xFFFFFC00, v3  }
0x455: {  	v2 =	vor.u32 v2, v3  }
0x456: {  	v3 =	vld [tilespmem:$0x1BC0];
	v2 =	vadd.s32 v1, v2;
	_ =	sdelay $0x4  }
0x457: {  	[tilespmem:v2+s18+$0x0] =	vst.idx.add.f32.msk $0xffff, v3  }
0x458: {  	v2 =	vld [tilespmem:$0xC40];
	_ =	sdelay $0x4  }
0x459: {  	v3 =	vshll.u32 v2, $0x3  }
0x45a: {  	v2 =	vand.u32 $0x7F, v2;
	v3 =	vand.u32 $0xFFFFFC00, v3  }
0x45b: {  	v2 =	vor.u32 v2, v3  }
0x45c: {  	v3 =	vld [tilespmem:$0x1C40];
	v2 =	vadd.s32 v1, v2;
	_ =	sdelay $0x4  }
0x45d: {  	[tilespmem:v2+s18+$0x0] =	vst.idx.add.f32.msk $0xffff, v3  }
0x45e: {  	v2 =	vld [tilespmem:$0xCC0];
	_ =	sdelay $0x4  }
0x45f: {  	v3 =	vshll.u32 v2, $0x3  }
0x460: {  	v2 =	vand.u32 $0x7F, v2;
	v3 =	vand.u32 $0xFFFFFC00, v3  }
0x461: {  	v2 =	vor.u32 v2, v3  }
0x462: {  	v3 =	vld [tilespmem:$0x1CC0];
	v2 =	vadd.s32 v1, v2;
	_ =	sdelay $0x4  }
0x463: {  	[tilespmem:v2+s18+$0x0] =	vst.idx.add.f32.msk $0xffff, v3  }
0x464: {  	v2 =	vld [tilespmem:$0xD40];
	_ =	sdelay $0x4  }
0x465: {  	v3 =	vshll.u32 v2, $0x3  }
0x466: {  	v2 =	vand.u32 $0x7F, v2;
	v3 =	vand.u32 $0xFFFFFC00, v3  }
0x467: {  	v2 =	vor.u32 v2, v3  }
0x468: {  	v3 =	vld [tilespmem:$0x1D40];
	v2 =	vadd.s32 v1, v2;
	_ =	sdelay $0x4  }
0x469: {  	[tilespmem:v2+s18+$0x0] =	vst.idx.add.f32.msk $0xffff, v3  }
0x46a: {  	v2 =	vld [tilespmem:$0xDC0];
	_ =	sdelay $0x4  }
0x46b: {  	v3 =	vshll.u32 v2, $0x3  }
0x46c: {  	v2 =	vand.u32 $0x7F, v2;
	v3 =	vand.u32 $0xFFFFFC00, v3  }
0x46d: {  	v2 =	vor.u32 v2, v3  }
0x46e: {  	v3 =	vld [tilespmem:$0x1DC0];
	v2 =	vadd.s32 v1, v2;
	_ =	sdelay $0x4  }
0x46f: {  	[tilespmem:v2+s18+$0x0] =	vst.idx.add.f32.msk $0xffff, v3  }
0x470: {  	v2 =	vld [tilespmem:$0xE40];
	_ =	sdelay $0x4  }
0x471: {  	v3 =	vshll.u32 v2, $0x3  }
0x472: {  	v2 =	vand.u32 $0x7F, v2;
	v3 =	vand.u32 $0xFFFFFC00, v3  }
0x473: {  	v2 =	vor.u32 v2, v3  }
0x474: {  	v3 =	vld [tilespmem:$0x1E40];
	v2 =	vadd.s32 v1, v2;
	_ =	sdelay $0x4  }
0x475: {  	[tilespmem:v2+s18+$0x0] =	vst.idx.add.f32.msk $0xffff, v3  }
0x476: {  	v2 =	vld [tilespmem:$0xEC0];
	_ =	sdelay $0x4  }
0x477: {  	v3 =	vshll.u32 v2, $0x3  }
0x478: {  	v2 =	vand.u32 $0x7F, v2;
	v3 =	vand.u32 $0xFFFFFC00, v3  }
0x479: {  	v2 =	vor.u32 v2, v3  }
0x47a: {  	v3 =	vld [tilespmem:$0x1EC0];
	v2 =	vadd.s32 v1, v2;
	_ =	sdelay $0x4  }
0x47b: {  	[tilespmem:v2+s18+$0x0] =	vst.idx.add.f32.msk $0xffff, v3  }
0x47c: {  	v2 =	vld [tilespmem:$0xF40];
	_ =	sdelay $0x4  }
0x47d: {  	v3 =	vshll.u32 v2, $0x3  }
0x47e: {  	v2 =	vand.u32 $0x7F, v2;
	v3 =	vand.u32 $0xFFFFFC00, v3  }
0x47f: {  	v2 =	vor.u32 v2, v3  }
0x480: {  	v3 =	vld [tilespmem:$0x1F40];
	v2 =	vadd.s32 v1, v2;
	_ =	sdelay $0x4  }
0x481: {  	[tilespmem:v2+s18+$0x0] =	vst.idx.add.f32.msk $0xffff, v3  }
0x482: {  	v2 =	vld [tilespmem:$0xFC0];
	_ =	sdelay $0x4  }
0x483: {  	v3 =	vshll.u32 v2, $0x3  }
0x484: {  	v2 =	vand.u32 $0x7F, v2;
	v3 =	vand.u32 $0xFFFFFC00, v3  }
0x485: {  	v2 =	vor.u32 v2, v3  }
0x486: {  	v3 =	vld [tilespmem:$0x1FC0];
	v2 =	vadd.s32 v1, v2;
	_ =	sdelay $0x4  }
0x487: {  	s24 =	simm.s32 $0x0;
	[tilespmem:v2+s18+$0x0] =	vst.idx.add.f32.msk $0xffff, v3  }
0x488: {  	[hbm4b:s9+s24] =	stream.linear.scatter [tilespmem:s18], [sflag:$0x1], $0x4000, $0x38;
	[tilespmem:$0xA000] =	vst v63  }
0x489: {  	_ =	swait.ge [sflag:s21], $0x4000  }
0x48a: {  	s31 =	sand.u32 $0x70, s24;
	s25 =	sand.u32 $0x1C00, s24;
	[sflag:s21] =	ssyncset.done $0x0  }
0x48b: {  	s23 =	sor.u32 s31, s25;
	[sflag:s21] =	ssyncadd.s32 $0xFFFFC000  }
0x48c: {  	[tilespmem:s23+$0x6080] =	vst v0  }
0x48d: {  	[tilespmem:s23+$0x6100] =	vst v0  }
0x48e: {  	[tilespmem:s23+$0x6180] =	vst v0  }
0x48f: {  	[tilespmem:s23+$0x6200] =	vst v0  }
0x490: {  	[tilespmem:s23+$0x6280] =	vst v0  }
0x491: {  	s26 =	sor.u32 s24, s24;
	s25 =	simm.s32 $0x10;
	[tilespmem:s23+$0x6300] =	vst v0  }
.LBB2_12:
0x492: {  	p0 =	sne.s32 s25, $0x3F0;
	[tilespmem:s23+$0x6000] =	vst v0;
	s26 =	sor.u32 $0x380, s26  }
0x493: {  	[tilespmem:s26+$0x6000] =	vst v0  }
0x494: {  	[tilespmem:s23+$0x8000] =	vst v0  }
0x495: {  	[tilespmem:s23+$0x8080] =	vst v0  }
0x496: {  	[tilespmem:s23+$0x8100] =	vst v0  }
0x497: {  	[tilespmem:s23+$0x8180] =	vst v0  }
0x498: {  	[tilespmem:s23+$0x8200] =	vst v0  }
0x499: {  	s24 =	sadd.s32 $0x80, s24;
	[tilespmem:s23+$0x8280] =	vst v0  }
0x49a: {  	s26 =	sand.u32 $0x70, s25;
	s28 =	sand.u32 $0x1C00, s24;
	[tilespmem:s23+$0x8300] =	vst v0  }
0x49b: {  	[tilespmem:s23+$0x8380] =	vst v0;
	s23 =	sor.u32 s26, s28  }
0x49c: {  	[tilespmem:s23+$0x6080] =	vst v0  }
.Ltmp5:
0x49d: {  	[tilespmem:s23+$0x6100] =	vst v0;
	(pc) =	sbr.rel @p0 .LBB2_12-.Ltmp5, $4  }
0x49e: {  	[tilespmem:s23+$0x6180] =	vst v0  }
0x49f: {  	[tilespmem:s23+$0x6200] =	vst v0  }
0x4a0: {  	[tilespmem:s23+$0x6280] =	vst v0  }
0x4a1: {  	s26 =	sor.u32 s24, s25;
	s25 =	sadd.s32 $0x10, s25;
	[tilespmem:s23+$0x6300] =	vst v0  }
0x4a2: {  	[tilespmem:s23+$0x6000] =	vst v0;
	s24 =	sor.u32 $0x380, s26  }
0x4a3: {  	[tilespmem:s24+$0x6000] =	vst v0  }
0x4a4: {  	[tilespmem:s23+$0x8000] =	vst v0  }
0x4a5: {  	[tilespmem:s23+$0x8080] =	vst v0  }
0x4a6: {  	[tilespmem:s23+$0x8100] =	vst v0  }
0x4a7: {  	[tilespmem:s23+$0x8180] =	vst v0  }
0x4a8: {  	[tilespmem:s23+$0x8200] =	vst v0  }
0x4a9: {  	[tilespmem:s23+$0x8280] =	vst v0  }
0x4aa: {  	[tilespmem:s23+$0x8300] =	vst v0  }
0x4ab: {  	[tilespmem:s23+$0x8380] =	vst v0  }
0x4ac: {  	v2 =	vld [tilespmem:$0x50];
	_ =	sdelay $0x4  }
0x4ad: {  	v3 =	vshll.u32 v2, $0x3  }
0x4ae: {  	v2 =	vand.u32 $0x7F, v2;
	v3 =	vand.u32 $0xFFFFFC00, v3  }
0x4af: {  	v2 =	vor.u32 v2, v3  }
0x4b0: {  	v3 =	vld [tilespmem:$0x1050];
	v2 =	vadd.s32 v1, v2;
	_ =	sdelay $0x4  }
0x4b1: {  	[tilespmem:v2+s19+$0x0] =	vst.idx.add.f32.msk $0xffff, v3  }
0x4b2: {  	v2 =	vld [tilespmem:$0xD0];
	_ =	sdelay $0x4  }
0x4b3: {  	v3 =	vshll.u32 v2, $0x3  }
0x4b4: {  	v2 =	vand.u32 $0x7F, v2;
	v3 =	vand.u32 $0xFFFFFC00, v3  }
0x4b5: {  	v2 =	vor.u32 v2, v3  }
0x4b6: {  	v3 =	vld [tilespmem:$0x10D0];
	v2 =	vadd.s32 v1, v2;
	_ =	sdelay $0x4  }
0x4b7: {  	[tilespmem:v2+s19+$0x0] =	vst.idx.add.f32.msk $0xffff, v3  }
0x4b8: {  	v2 =	vld [tilespmem:$0x150];
	_ =	sdelay $0x4  }
0x4b9: {  	v3 =	vshll.u32 v2, $0x3  }
0x4ba: {  	v2 =	vand.u32 $0x7F, v2;
	v3 =	vand.u32 $0xFFFFFC00, v3  }
0x4bb: {  	v2 =	vor.u32 v2, v3  }
0x4bc: {  	v3 =	vld [tilespmem:$0x1150];
	v2 =	vadd.s32 v1, v2;
	_ =	sdelay $0x4  }
0x4bd: {  	[tilespmem:v2+s19+$0x0] =	vst.idx.add.f32.msk $0xffff, v3  }
0x4be: {  	v2 =	vld [tilespmem:$0x1D0];
	_ =	sdelay $0x4  }
0x4bf: {  	v3 =	vshll.u32 v2, $0x3  }
0x4c0: {  	v2 =	vand.u32 $0x7F, v2;
	v3 =	vand.u32 $0xFFFFFC00, v3  }
0x4c1: {  	v2 =	vor.u32 v2, v3  }
0x4c2: {  	v3 =	vld [tilespmem:$0x11D0];
	v2 =	vadd.s32 v1, v2;
	_ =	sdelay $0x4  }
0x4c3: {  	[tilespmem:v2+s19+$0x0] =	vst.idx.add.f32.msk $0xffff, v3  }
0x4c4: {  	v2 =	vld [tilespmem:$0x250];
	_ =	sdelay $0x4  }
0x4c5: {  	v3 =	vshll.u32 v2, $0x3  }
0x4c6: {  	v2 =	vand.u32 $0x7F, v2;
	v3 =	vand.u32 $0xFFFFFC00, v3  }
0x4c7: {  	v2 =	vor.u32 v2, v3  }
0x4c8: {  	v3 =	vld [tilespmem:$0x1250];
	v2 =	vadd.s32 v1, v2;
	_ =	sdelay $0x4  }
0x4c9: {  	[tilespmem:v2+s19+$0x0] =	vst.idx.add.f32.msk $0xffff, v3  }
0x4ca: {  	v2 =	vld [tilespmem:$0x2D0];
	_ =	sdelay $0x4  }
0x4cb: {  	v3 =	vshll.u32 v2, $0x3  }
0x4cc: {  	v2 =	vand.u32 $0x7F, v2;
	v3 =	vand.u32 $0xFFFFFC00, v3  }
0x4cd: {  	v2 =	vor.u32 v2, v3  }
0x4ce: {  	v3 =	vld [tilespmem:$0x12D0];
	v2 =	vadd.s32 v1, v2;
	_ =	sdelay $0x4  }
0x4cf: {  	[tilespmem:v2+s19+$0x0] =	vst.idx.add.f32.msk $0xffff, v3  }
0x4d0: {  	v2 =	vld [tilespmem:$0x350];
	_ =	sdelay $0x4  }
0x4d1: {  	v3 =	vshll.u32 v2, $0x3  }
0x4d2: {  	v2 =	vand.u32 $0x7F, v2;
	v3 =	vand.u32 $0xFFFFFC00, v3  }
0x4d3: {  	v2 =	vor.u32 v2, v3  }
0x4d4: {  	v3 =	vld [tilespmem:$0x1350];
	v2 =	vadd.s32 v1, v2;
	_ =	sdelay $0x4  }
0x4d5: {  	[tilespmem:v2+s19+$0x0] =	vst.idx.add.f32.msk $0xffff, v3  }
0x4d6: {  	v2 =	vld [tilespmem:$0x3D0];
	_ =	sdelay $0x4  }
0x4d7: {  	v3 =	vshll.u32 v2, $0x3  }
0x4d8: {  	v2 =	vand.u32 $0x7F, v2;
	v3 =	vand.u32 $0xFFFFFC00, v3  }
0x4d9: {  	v2 =	vor.u32 v2, v3  }
0x4da: {  	v3 =	vld [tilespmem:$0x13D0];
	v2 =	vadd.s32 v1, v2;
	_ =	sdelay $0x4  }
0x4db: {  	[tilespmem:v2+s19+$0x0] =	vst.idx.add.f32.msk $0xffff, v3  }
0x4dc: {  	v2 =	vld [tilespmem:$0x450];
	_ =	sdelay $0x4  }
0x4dd: {  	v3 =	vshll.u32 v2, $0x3  }
0x4de: {  	v2 =	vand.u32 $0x7F, v2;
	v3 =	vand.u32 $0xFFFFFC00, v3  }
0x4df: {  	v2 =	vor.u32 v2, v3  }
0x4e0: {  	v3 =	vld [tilespmem:$0x1450];
	v2 =	vadd.s32 v1, v2;
	_ =	sdelay $0x4  }
0x4e1: {  	[tilespmem:v2+s19+$0x0] =	vst.idx.add.f32.msk $0xffff, v3  }
0x4e2: {  	v2 =	vld [tilespmem:$0x4D0];
	_ =	sdelay $0x4  }
0x4e3: {  	v3 =	vshll.u32 v2, $0x3  }
0x4e4: {  	v2 =	vand.u32 $0x7F, v2;
	v3 =	vand.u32 $0xFFFFFC00, v3  }
0x4e5: {  	v2 =	vor.u32 v2, v3  }
0x4e6: {  	v3 =	vld [tilespmem:$0x14D0];
	v2 =	vadd.s32 v1, v2;
	_ =	sdelay $0x4  }
0x4e7: {  	[tilespmem:v2+s19+$0x0] =	vst.idx.add.f32.msk $0xffff, v3  }
0x4e8: {  	v2 =	vld [tilespmem:$0x550];
	_ =	sdelay $0x4  }
0x4e9: {  	v3 =	vshll.u32 v2, $0x3  }
0x4ea: {  	v2 =	vand.u32 $0x7F, v2;
	v3 =	vand.u32 $0xFFFFFC00, v3  }
0x4eb: {  	v2 =	vor.u32 v2, v3  }
0x4ec: {  	v3 =	vld [tilespmem:$0x1550];
	v2 =	vadd.s32 v1, v2;
	_ =	sdelay $0x4  }
0x4ed: {  	[tilespmem:v2+s19+$0x0] =	vst.idx.add.f32.msk $0xffff, v3  }
0x4ee: {  	v2 =	vld [tilespmem:$0x5D0];
	_ =	sdelay $0x4  }
0x4ef: {  	v3 =	vshll.u32 v2, $0x3  }
0x4f0: {  	v2 =	vand.u32 $0x7F, v2;
	v3 =	vand.u32 $0xFFFFFC00, v3  }
0x4f1: {  	v2 =	vor.u32 v2, v3  }
0x4f2: {  	v3 =	vld [tilespmem:$0x15D0];
	v2 =	vadd.s32 v1, v2;
	_ =	sdelay $0x4  }
0x4f3: {  	[tilespmem:v2+s19+$0x0] =	vst.idx.add.f32.msk $0xffff, v3  }
0x4f4: {  	v2 =	vld [tilespmem:$0x650];
	_ =	sdelay $0x4  }
0x4f5: {  	v3 =	vshll.u32 v2, $0x3  }
0x4f6: {  	v2 =	vand.u32 $0x7F, v2;
	v3 =	vand.u32 $0xFFFFFC00, v3  }
0x4f7: {  	v2 =	vor.u32 v2, v3  }
0x4f8: {  	v3 =	vld [tilespmem:$0x1650];
	v2 =	vadd.s32 v1, v2;
	_ =	sdelay $0x4  }
0x4f9: {  	[tilespmem:v2+s19+$0x0] =	vst.idx.add.f32.msk $0xffff, v3  }
0x4fa: {  	v2 =	vld [tilespmem:$0x6D0];
	_ =	sdelay $0x4  }
0x4fb: {  	v3 =	vshll.u32 v2, $0x3  }
0x4fc: {  	v2 =	vand.u32 $0x7F, v2;
	v3 =	vand.u32 $0xFFFFFC00, v3  }
0x4fd: {  	v2 =	vor.u32 v2, v3  }
0x4fe: {  	v3 =	vld [tilespmem:$0x16D0];
	v2 =	vadd.s32 v1, v2;
	_ =	sdelay $0x4  }
0x4ff: {  	[tilespmem:v2+s19+$0x0] =	vst.idx.add.f32.msk $0xffff, v3  }
0x500: {  	v2 =	vld [tilespmem:$0x750];
	_ =	sdelay $0x4  }
0x501: {  	v3 =	vshll.u32 v2, $0x3  }
0x502: {  	v2 =	vand.u32 $0x7F, v2;
	v3 =	vand.u32 $0xFFFFFC00, v3  }
0x503: {  	v2 =	vor.u32 v2, v3  }
0x504: {  	v3 =	vld [tilespmem:$0x1750];
	v2 =	vadd.s32 v1, v2;
	_ =	sdelay $0x4  }
0x505: {  	[tilespmem:v2+s19+$0x0] =	vst.idx.add.f32.msk $0xffff, v3  }
0x506: {  	v2 =	vld [tilespmem:$0x7D0];
	_ =	sdelay $0x4  }
0x507: {  	v3 =	vshll.u32 v2, $0x3  }
0x508: {  	v2 =	vand.u32 $0x7F, v2;
	v3 =	vand.u32 $0xFFFFFC00, v3  }
0x509: {  	v2 =	vor.u32 v2, v3  }
0x50a: {  	v3 =	vld [tilespmem:$0x17D0];
	v2 =	vadd.s32 v1, v2;
	_ =	sdelay $0x4  }
0x50b: {  	[tilespmem:v2+s19+$0x0] =	vst.idx.add.f32.msk $0xffff, v3  }
0x50c: {  	v2 =	vld [tilespmem:$0x850];
	_ =	sdelay $0x4  }
0x50d: {  	v3 =	vshll.u32 v2, $0x3  }
0x50e: {  	v2 =	vand.u32 $0x7F, v2;
	v3 =	vand.u32 $0xFFFFFC00, v3  }
0x50f: {  	v2 =	vor.u32 v2, v3  }
0x510: {  	v3 =	vld [tilespmem:$0x1850];
	v2 =	vadd.s32 v1, v2;
	_ =	sdelay $0x4  }
0x511: {  	[tilespmem:v2+s19+$0x0] =	vst.idx.add.f32.msk $0xffff, v3  }
0x512: {  	v2 =	vld [tilespmem:$0x8D0];
	_ =	sdelay $0x4  }
0x513: {  	v3 =	vshll.u32 v2, $0x3  }
0x514: {  	v2 =	vand.u32 $0x7F, v2;
	v3 =	vand.u32 $0xFFFFFC00, v3  }
0x515: {  	v2 =	vor.u32 v2, v3  }
0x516: {  	v3 =	vld [tilespmem:$0x18D0];
	v2 =	vadd.s32 v1, v2;
	_ =	sdelay $0x4  }
0x517: {  	[tilespmem:v2+s19+$0x0] =	vst.idx.add.f32.msk $0xffff, v3  }
0x518: {  	v2 =	vld [tilespmem:$0x950];
	_ =	sdelay $0x4  }
0x519: {  	v3 =	vshll.u32 v2, $0x3  }
0x51a: {  	v2 =	vand.u32 $0x7F, v2;
	v3 =	vand.u32 $0xFFFFFC00, v3  }
0x51b: {  	v2 =	vor.u32 v2, v3  }
0x51c: {  	v3 =	vld [tilespmem:$0x1950];
	v2 =	vadd.s32 v1, v2;
	_ =	sdelay $0x4  }
0x51d: {  	[tilespmem:v2+s19+$0x0] =	vst.idx.add.f32.msk $0xffff, v3  }
0x51e: {  	v2 =	vld [tilespmem:$0x9D0];
	_ =	sdelay $0x4  }
0x51f: {  	v3 =	vshll.u32 v2, $0x3  }
0x520: {  	v2 =	vand.u32 $0x7F, v2;
	v3 =	vand.u32 $0xFFFFFC00, v3  }
0x521: {  	v2 =	vor.u32 v2, v3  }
0x522: {  	v3 =	vld [tilespmem:$0x19D0];
	v2 =	vadd.s32 v1, v2;
	_ =	sdelay $0x4  }
0x523: {  	[tilespmem:v2+s19+$0x0] =	vst.idx.add.f32.msk $0xffff, v3  }
0x524: {  	v2 =	vld [tilespmem:$0xA50];
	_ =	sdelay $0x4  }
0x525: {  	v3 =	vshll.u32 v2, $0x3  }
0x526: {  	v2 =	vand.u32 $0x7F, v2;
	v3 =	vand.u32 $0xFFFFFC00, v3  }
0x527: {  	v2 =	vor.u32 v2, v3  }
0x528: {  	v3 =	vld [tilespmem:$0x1A50];
	v2 =	vadd.s32 v1, v2;
	_ =	sdelay $0x4  }
0x529: {  	[tilespmem:v2+s19+$0x0] =	vst.idx.add.f32.msk $0xffff, v3  }
0x52a: {  	v2 =	vld [tilespmem:$0xAD0];
	_ =	sdelay $0x4  }
0x52b: {  	v3 =	vshll.u32 v2, $0x3  }
0x52c: {  	v2 =	vand.u32 $0x7F, v2;
	v3 =	vand.u32 $0xFFFFFC00, v3  }
0x52d: {  	v2 =	vor.u32 v2, v3  }
0x52e: {  	v3 =	vld [tilespmem:$0x1AD0];
	v2 =	vadd.s32 v1, v2;
	_ =	sdelay $0x4  }
0x52f: {  	[tilespmem:v2+s19+$0x0] =	vst.idx.add.f32.msk $0xffff, v3  }
0x530: {  	v2 =	vld [tilespmem:$0xB50];
	_ =	sdelay $0x4  }
0x531: {  	v3 =	vshll.u32 v2, $0x3  }
0x532: {  	v2 =	vand.u32 $0x7F, v2;
	v3 =	vand.u32 $0xFFFFFC00, v3  }
0x533: {  	v2 =	vor.u32 v2, v3  }
0x534: {  	v3 =	vld [tilespmem:$0x1B50];
	v2 =	vadd.s32 v1, v2;
	_ =	sdelay $0x4  }
0x535: {  	[tilespmem:v2+s19+$0x0] =	vst.idx.add.f32.msk $0xffff, v3  }
0x536: {  	v2 =	vld [tilespmem:$0xBD0];
	_ =	sdelay $0x4  }
0x537: {  	v3 =	vshll.u32 v2, $0x3  }
0x538: {  	v2 =	vand.u32 $0x7F, v2;
	v3 =	vand.u32 $0xFFFFFC00, v3  }
0x539: {  	v2 =	vor.u32 v2, v3  }
0x53a: {  	v3 =	vld [tilespmem:$0x1BD0];
	v2 =	vadd.s32 v1, v2;
	_ =	sdelay $0x4  }
0x53b: {  	[tilespmem:v2+s19+$0x0] =	vst.idx.add.f32.msk $0xffff, v3  }
0x53c: {  	v2 =	vld [tilespmem:$0xC50];
	_ =	sdelay $0x4  }
0x53d: {  	v3 =	vshll.u32 v2, $0x3  }
0x53e: {  	v2 =	vand.u32 $0x7F, v2;
	v3 =	vand.u32 $0xFFFFFC00, v3  }
0x53f: {  	v2 =	vor.u32 v2, v3  }
0x540: {  	v3 =	vld [tilespmem:$0x1C50];
	v2 =	vadd.s32 v1, v2;
	_ =	sdelay $0x4  }
0x541: {  	[tilespmem:v2+s19+$0x0] =	vst.idx.add.f32.msk $0xffff, v3  }
0x542: {  	v2 =	vld [tilespmem:$0xCD0];
	_ =	sdelay $0x4  }
0x543: {  	v3 =	vshll.u32 v2, $0x3  }
0x544: {  	v2 =	vand.u32 $0x7F, v2;
	v3 =	vand.u32 $0xFFFFFC00, v3  }
0x545: {  	v2 =	vor.u32 v2, v3  }
0x546: {  	v3 =	vld [tilespmem:$0x1CD0];
	v2 =	vadd.s32 v1, v2;
	_ =	sdelay $0x4  }
0x547: {  	[tilespmem:v2+s19+$0x0] =	vst.idx.add.f32.msk $0xffff, v3  }
0x548: {  	v2 =	vld [tilespmem:$0xD50];
	_ =	sdelay $0x4  }
0x549: {  	v3 =	vshll.u32 v2, $0x3  }
0x54a: {  	v2 =	vand.u32 $0x7F, v2;
	v3 =	vand.u32 $0xFFFFFC00, v3  }
0x54b: {  	v2 =	vor.u32 v2, v3  }
0x54c: {  	v3 =	vld [tilespmem:$0x1D50];
	v2 =	vadd.s32 v1, v2;
	_ =	sdelay $0x4  }
0x54d: {  	[tilespmem:v2+s19+$0x0] =	vst.idx.add.f32.msk $0xffff, v3  }
0x54e: {  	v2 =	vld [tilespmem:$0xDD0];
	_ =	sdelay $0x4  }
0x54f: {  	v3 =	vshll.u32 v2, $0x3  }
0x550: {  	v2 =	vand.u32 $0x7F, v2;
	v3 =	vand.u32 $0xFFFFFC00, v3  }
0x551: {  	v2 =	vor.u32 v2, v3  }
0x552: {  	v3 =	vld [tilespmem:$0x1DD0];
	v2 =	vadd.s32 v1, v2;
	_ =	sdelay $0x4  }
0x553: {  	[tilespmem:v2+s19+$0x0] =	vst.idx.add.f32.msk $0xffff, v3  }
0x554: {  	v2 =	vld [tilespmem:$0xE50];
	_ =	sdelay $0x4  }
0x555: {  	v3 =	vshll.u32 v2, $0x3  }
0x556: {  	v2 =	vand.u32 $0x7F, v2;
	v3 =	vand.u32 $0xFFFFFC00, v3  }
0x557: {  	v2 =	vor.u32 v2, v3  }
0x558: {  	v3 =	vld [tilespmem:$0x1E50];
	v2 =	vadd.s32 v1, v2;
	_ =	sdelay $0x4  }
0x559: {  	[tilespmem:v2+s19+$0x0] =	vst.idx.add.f32.msk $0xffff, v3  }
0x55a: {  	v2 =	vld [tilespmem:$0xED0];
	_ =	sdelay $0x4  }
0x55b: {  	v3 =	vshll.u32 v2, $0x3  }
0x55c: {  	v2 =	vand.u32 $0x7F, v2;
	v3 =	vand.u32 $0xFFFFFC00, v3  }
0x55d: {  	v2 =	vor.u32 v2, v3  }
0x55e: {  	v3 =	vld [tilespmem:$0x1ED0];
	v2 =	vadd.s32 v1, v2;
	_ =	sdelay $0x4  }
0x55f: {  	[tilespmem:v2+s19+$0x0] =	vst.idx.add.f32.msk $0xffff, v3  }
0x560: {  	v2 =	vld [tilespmem:$0xF50];
	_ =	sdelay $0x4  }
0x561: {  	v3 =	vshll.u32 v2, $0x3  }
0x562: {  	v2 =	vand.u32 $0x7F, v2;
	v3 =	vand.u32 $0xFFFFFC00, v3  }
0x563: {  	v2 =	vor.u32 v2, v3  }
0x564: {  	v3 =	vld [tilespmem:$0x1F50];
	v2 =	vadd.s32 v1, v2;
	_ =	sdelay $0x4  }
0x565: {  	[tilespmem:v2+s19+$0x0] =	vst.idx.add.f32.msk $0xffff, v3  }
0x566: {  	v2 =	vld [tilespmem:$0xFD0];
	_ =	sdelay $0x4  }
0x567: {  	v3 =	vshll.u32 v2, $0x3  }
0x568: {  	v2 =	vand.u32 $0x7F, v2;
	v3 =	vand.u32 $0xFFFFFC00, v3  }
0x569: {  	v2 =	vor.u32 v2, v3  }
0x56a: {  	v3 =	vld [tilespmem:$0x1FD0];
	v2 =	vadd.s32 v1, v2;
	_ =	sdelay $0x4  }
0x56b: {  	s24 =	simm.s32 $0x0;
	[tilespmem:v2+s19+$0x0] =	vst.idx.add.f32.msk $0xffff, v3  }
0x56c: {  	[hbm4b:s10+s24] =	stream.linear.scatter [tilespmem:s19], [sflag:$0x2], $0x4000, $0x38;
	[tilespmem:$0xA000] =	vst v63  }
0x56d: {  	_ =	swait.ge [sflag:s20], $0x4000  }
0x56e: {  	s31 =	sand.u32 $0x70, s24;
	s25 =	sand.u32 $0x1C00, s24;
	[sflag:s20] =	ssyncset.done $0x0  }
0x56f: {  	s23 =	sor.u32 s31, s25;
	[sflag:s20] =	ssyncadd.s32 $0xFFFFC000  }
0x570: {  	[tilespmem:s23+$0x2080] =	vst v0  }
0x571: {  	[tilespmem:s23+$0x2100] =	vst v0  }
0x572: {  	[tilespmem:s23+$0x2180] =	vst v0  }
0x573: {  	[tilespmem:s23+$0x2200] =	vst v0  }
0x574: {  	[tilespmem:s23+$0x2280] =	vst v0  }
0x575: {  	s26 =	sor.u32 s24, s24;
	s25 =	simm.s32 $0x10;
	[tilespmem:s23+$0x2300] =	vst v0  }
.LBB2_14:
0x576: {  	p0 =	sne.s32 s25, $0x3F0;
	[tilespmem:s23+$0x2000] =	vst v0;
	s26 =	sor.u32 $0x380, s26  }
0x577: {  	[tilespmem:s26+$0x2000] =	vst v0  }
0x578: {  	[tilespmem:s23+$0x4000] =	vst v0  }
0x579: {  	[tilespmem:s23+$0x4080] =	vst v0  }
0x57a: {  	[tilespmem:s23+$0x4100] =	vst v0  }
0x57b: {  	[tilespmem:s23+$0x4180] =	vst v0  }
0x57c: {  	[tilespmem:s23+$0x4200] =	vst v0  }
0x57d: {  	s24 =	sadd.s32 $0x80, s24;
	[tilespmem:s23+$0x4280] =	vst v0  }
0x57e: {  	s26 =	sand.u32 $0x70, s25;
	s28 =	sand.u32 $0x1C00, s24;
	[tilespmem:s23+$0x4300] =	vst v0  }
0x57f: {  	[tilespmem:s23+$0x4380] =	vst v0;
	s23 =	sor.u32 s26, s28  }
0x580: {  	[tilespmem:s23+$0x2080] =	vst v0  }
.Ltmp6:
0x581: {  	[tilespmem:s23+$0x2100] =	vst v0;
	(pc) =	sbr.rel @p0 .LBB2_14-.Ltmp6, $4  }
0x582: {  	[tilespmem:s23+$0x2180] =	vst v0  }
0x583: {  	[tilespmem:s23+$0x2200] =	vst v0  }
0x584: {  	[tilespmem:s23+$0x2280] =	vst v0  }
0x585: {  	s26 =	sor.u32 s24, s25;
	s25 =	sadd.s32 $0x10, s25;
	[tilespmem:s23+$0x2300] =	vst v0  }
0x586: {  	[tilespmem:s23+$0x2000] =	vst v0;
	s24 =	sor.u32 $0x380, s26  }
0x587: {  	[tilespmem:s24+$0x2000] =	vst v0  }
0x588: {  	[tilespmem:s23+$0x4000] =	vst v0  }
0x589: {  	[tilespmem:s23+$0x4080] =	vst v0  }
0x58a: {  	[tilespmem:s23+$0x4100] =	vst v0  }
0x58b: {  	[tilespmem:s23+$0x4180] =	vst v0  }
0x58c: {  	[tilespmem:s23+$0x4200] =	vst v0  }
0x58d: {  	[tilespmem:s23+$0x4280] =	vst v0  }
0x58e: {  	[tilespmem:s23+$0x4300] =	vst v0  }
0x58f: {  	[tilespmem:s23+$0x4380] =	vst v0  }
0x590: {  	v2 =	vld [tilespmem:$0x60];
	_ =	sdelay $0x4  }
0x591: {  	v3 =	vshll.u32 v2, $0x3  }
0x592: {  	v2 =	vand.u32 $0x7F, v2;
	v3 =	vand.u32 $0xFFFFFC00, v3  }
0x593: {  	v2 =	vor.u32 v2, v3  }
0x594: {  	v3 =	vld [tilespmem:$0x1060];
	v2 =	vadd.s32 v1, v2;
	_ =	sdelay $0x4  }
0x595: {  	[tilespmem:v2+s18+$0x0] =	vst.idx.add.f32.msk $0xffff, v3  }
0x596: {  	v2 =	vld [tilespmem:$0xE0];
	_ =	sdelay $0x4  }
0x597: {  	v3 =	vshll.u32 v2, $0x3  }
0x598: {  	v2 =	vand.u32 $0x7F, v2;
	v3 =	vand.u32 $0xFFFFFC00, v3  }
0x599: {  	v2 =	vor.u32 v2, v3  }
0x59a: {  	v3 =	vld [tilespmem:$0x10E0];
	v2 =	vadd.s32 v1, v2;
	_ =	sdelay $0x4  }
0x59b: {  	[tilespmem:v2+s18+$0x0] =	vst.idx.add.f32.msk $0xffff, v3  }
0x59c: {  	v2 =	vld [tilespmem:$0x160];
	_ =	sdelay $0x4  }
0x59d: {  	v3 =	vshll.u32 v2, $0x3  }
0x59e: {  	v2 =	vand.u32 $0x7F, v2;
	v3 =	vand.u32 $0xFFFFFC00, v3  }
0x59f: {  	v2 =	vor.u32 v2, v3  }
0x5a0: {  	v3 =	vld [tilespmem:$0x1160];
	v2 =	vadd.s32 v1, v2;
	_ =	sdelay $0x4  }
0x5a1: {  	[tilespmem:v2+s18+$0x0] =	vst.idx.add.f32.msk $0xffff, v3  }
0x5a2: {  	v2 =	vld [tilespmem:$0x1E0];
	_ =	sdelay $0x4  }
0x5a3: {  	v3 =	vshll.u32 v2, $0x3  }
0x5a4: {  	v2 =	vand.u32 $0x7F, v2;
	v3 =	vand.u32 $0xFFFFFC00, v3  }
0x5a5: {  	v2 =	vor.u32 v2, v3  }
0x5a6: {  	v3 =	vld [tilespmem:$0x11E0];
	v2 =	vadd.s32 v1, v2;
	_ =	sdelay $0x4  }
0x5a7: {  	[tilespmem:v2+s18+$0x0] =	vst.idx.add.f32.msk $0xffff, v3  }
0x5a8: {  	v2 =	vld [tilespmem:$0x260];
	_ =	sdelay $0x4  }
0x5a9: {  	v3 =	vshll.u32 v2, $0x3  }
0x5aa: {  	v2 =	vand.u32 $0x7F, v2;
	v3 =	vand.u32 $0xFFFFFC00, v3  }
0x5ab: {  	v2 =	vor.u32 v2, v3  }
0x5ac: {  	v3 =	vld [tilespmem:$0x1260];
	v2 =	vadd.s32 v1, v2;
	_ =	sdelay $0x4  }
0x5ad: {  	[tilespmem:v2+s18+$0x0] =	vst.idx.add.f32.msk $0xffff, v3  }
0x5ae: {  	v2 =	vld [tilespmem:$0x2E0];
	_ =	sdelay $0x4  }
0x5af: {  	v3 =	vshll.u32 v2, $0x3  }
0x5b0: {  	v2 =	vand.u32 $0x7F, v2;
	v3 =	vand.u32 $0xFFFFFC00, v3  }
0x5b1: {  	v2 =	vor.u32 v2, v3  }
0x5b2: {  	v3 =	vld [tilespmem:$0x12E0];
	v2 =	vadd.s32 v1, v2;
	_ =	sdelay $0x4  }
0x5b3: {  	[tilespmem:v2+s18+$0x0] =	vst.idx.add.f32.msk $0xffff, v3  }
0x5b4: {  	v2 =	vld [tilespmem:$0x360];
	_ =	sdelay $0x4  }
0x5b5: {  	v3 =	vshll.u32 v2, $0x3  }
0x5b6: {  	v2 =	vand.u32 $0x7F, v2;
	v3 =	vand.u32 $0xFFFFFC00, v3  }
0x5b7: {  	v2 =	vor.u32 v2, v3  }
0x5b8: {  	v3 =	vld [tilespmem:$0x1360];
	v2 =	vadd.s32 v1, v2;
	_ =	sdelay $0x4  }
0x5b9: {  	[tilespmem:v2+s18+$0x0] =	vst.idx.add.f32.msk $0xffff, v3  }
0x5ba: {  	v2 =	vld [tilespmem:$0x3E0];
	_ =	sdelay $0x4  }
0x5bb: {  	v3 =	vshll.u32 v2, $0x3  }
0x5bc: {  	v2 =	vand.u32 $0x7F, v2;
	v3 =	vand.u32 $0xFFFFFC00, v3  }
0x5bd: {  	v2 =	vor.u32 v2, v3  }
0x5be: {  	v3 =	vld [tilespmem:$0x13E0];
	v2 =	vadd.s32 v1, v2;
	_ =	sdelay $0x4  }
0x5bf: {  	[tilespmem:v2+s18+$0x0] =	vst.idx.add.f32.msk $0xffff, v3  }
0x5c0: {  	v2 =	vld [tilespmem:$0x460];
	_ =	sdelay $0x4  }
0x5c1: {  	v3 =	vshll.u32 v2, $0x3  }
0x5c2: {  	v2 =	vand.u32 $0x7F, v2;
	v3 =	vand.u32 $0xFFFFFC00, v3  }
0x5c3: {  	v2 =	vor.u32 v2, v3  }
0x5c4: {  	v3 =	vld [tilespmem:$0x1460];
	v2 =	vadd.s32 v1, v2;
	_ =	sdelay $0x4  }
0x5c5: {  	[tilespmem:v2+s18+$0x0] =	vst.idx.add.f32.msk $0xffff, v3  }
0x5c6: {  	v2 =	vld [tilespmem:$0x4E0];
	_ =	sdelay $0x4  }
0x5c7: {  	v3 =	vshll.u32 v2, $0x3  }
0x5c8: {  	v2 =	vand.u32 $0x7F, v2;
	v3 =	vand.u32 $0xFFFFFC00, v3  }
0x5c9: {  	v2 =	vor.u32 v2, v3  }
0x5ca: {  	v3 =	vld [tilespmem:$0x14E0];
	v2 =	vadd.s32 v1, v2;
	_ =	sdelay $0x4  }
0x5cb: {  	[tilespmem:v2+s18+$0x0] =	vst.idx.add.f32.msk $0xffff, v3  }
0x5cc: {  	v2 =	vld [tilespmem:$0x560];
	_ =	sdelay $0x4  }
0x5cd: {  	v3 =	vshll.u32 v2, $0x3  }
0x5ce: {  	v2 =	vand.u32 $0x7F, v2;
	v3 =	vand.u32 $0xFFFFFC00, v3  }
0x5cf: {  	v2 =	vor.u32 v2, v3  }
0x5d0: {  	v3 =	vld [tilespmem:$0x1560];
	v2 =	vadd.s32 v1, v2;
	_ =	sdelay $0x4  }
0x5d1: {  	[tilespmem:v2+s18+$0x0] =	vst.idx.add.f32.msk $0xffff, v3  }
0x5d2: {  	v2 =	vld [tilespmem:$0x5E0];
	_ =	sdelay $0x4  }
0x5d3: {  	v3 =	vshll.u32 v2, $0x3  }
0x5d4: {  	v2 =	vand.u32 $0x7F, v2;
	v3 =	vand.u32 $0xFFFFFC00, v3  }
0x5d5: {  	v2 =	vor.u32 v2, v3  }
0x5d6: {  	v3 =	vld [tilespmem:$0x15E0];
	v2 =	vadd.s32 v1, v2;
	_ =	sdelay $0x4  }
0x5d7: {  	[tilespmem:v2+s18+$0x0] =	vst.idx.add.f32.msk $0xffff, v3  }
0x5d8: {  	v2 =	vld [tilespmem:$0x660];
	_ =	sdelay $0x4  }
0x5d9: {  	v3 =	vshll.u32 v2, $0x3  }
0x5da: {  	v2 =	vand.u32 $0x7F, v2;
	v3 =	vand.u32 $0xFFFFFC00, v3  }
0x5db: {  	v2 =	vor.u32 v2, v3  }
0x5dc: {  	v3 =	vld [tilespmem:$0x1660];
	v2 =	vadd.s32 v1, v2;
	_ =	sdelay $0x4  }
0x5dd: {  	[tilespmem:v2+s18+$0x0] =	vst.idx.add.f32.msk $0xffff, v3  }
0x5de: {  	v2 =	vld [tilespmem:$0x6E0];
	_ =	sdelay $0x4  }
0x5df: {  	v3 =	vshll.u32 v2, $0x3  }
0x5e0: {  	v2 =	vand.u32 $0x7F, v2;
	v3 =	vand.u32 $0xFFFFFC00, v3  }
0x5e1: {  	v2 =	vor.u32 v2, v3  }
0x5e2: {  	v3 =	vld [tilespmem:$0x16E0];
	v2 =	vadd.s32 v1, v2;
	_ =	sdelay $0x4  }
0x5e3: {  	[tilespmem:v2+s18+$0x0] =	vst.idx.add.f32.msk $0xffff, v3  }
0x5e4: {  	v2 =	vld [tilespmem:$0x760];
	_ =	sdelay $0x4  }
0x5e5: {  	v3 =	vshll.u32 v2, $0x3  }
0x5e6: {  	v2 =	vand.u32 $0x7F, v2;
	v3 =	vand.u32 $0xFFFFFC00, v3  }
0x5e7: {  	v2 =	vor.u32 v2, v3  }
0x5e8: {  	v3 =	vld [tilespmem:$0x1760];
	v2 =	vadd.s32 v1, v2;
	_ =	sdelay $0x4  }
0x5e9: {  	[tilespmem:v2+s18+$0x0] =	vst.idx.add.f32.msk $0xffff, v3  }
0x5ea: {  	v2 =	vld [tilespmem:$0x7E0];
	_ =	sdelay $0x4  }
0x5eb: {  	v3 =	vshll.u32 v2, $0x3  }
0x5ec: {  	v2 =	vand.u32 $0x7F, v2;
	v3 =	vand.u32 $0xFFFFFC00, v3  }
0x5ed: {  	v2 =	vor.u32 v2, v3  }
0x5ee: {  	v3 =	vld [tilespmem:$0x17E0];
	v2 =	vadd.s32 v1, v2;
	_ =	sdelay $0x4  }
0x5ef: {  	[tilespmem:v2+s18+$0x0] =	vst.idx.add.f32.msk $0xffff, v3  }
0x5f0: {  	v2 =	vld [tilespmem:$0x860];
	_ =	sdelay $0x4  }
0x5f1: {  	v3 =	vshll.u32 v2, $0x3  }
0x5f2: {  	v2 =	vand.u32 $0x7F, v2;
	v3 =	vand.u32 $0xFFFFFC00, v3  }
0x5f3: {  	v2 =	vor.u32 v2, v3  }
0x5f4: {  	v3 =	vld [tilespmem:$0x1860];
	v2 =	vadd.s32 v1, v2;
	_ =	sdelay $0x4  }
0x5f5: {  	[tilespmem:v2+s18+$0x0] =	vst.idx.add.f32.msk $0xffff, v3  }
0x5f6: {  	v2 =	vld [tilespmem:$0x8E0];
	_ =	sdelay $0x4  }
0x5f7: {  	v3 =	vshll.u32 v2, $0x3  }
0x5f8: {  	v2 =	vand.u32 $0x7F, v2;
	v3 =	vand.u32 $0xFFFFFC00, v3  }
0x5f9: {  	v2 =	vor.u32 v2, v3  }
0x5fa: {  	v3 =	vld [tilespmem:$0x18E0];
	v2 =	vadd.s32 v1, v2;
	_ =	sdelay $0x4  }
0x5fb: {  	[tilespmem:v2+s18+$0x0] =	vst.idx.add.f32.msk $0xffff, v3  }
0x5fc: {  	v2 =	vld [tilespmem:$0x960];
	_ =	sdelay $0x4  }
0x5fd: {  	v3 =	vshll.u32 v2, $0x3  }
0x5fe: {  	v2 =	vand.u32 $0x7F, v2;
	v3 =	vand.u32 $0xFFFFFC00, v3  }
0x5ff: {  	v2 =	vor.u32 v2, v3  }
0x600: {  	v3 =	vld [tilespmem:$0x1960];
	v2 =	vadd.s32 v1, v2;
	_ =	sdelay $0x4  }
0x601: {  	[tilespmem:v2+s18+$0x0] =	vst.idx.add.f32.msk $0xffff, v3  }
0x602: {  	v2 =	vld [tilespmem:$0x9E0];
	_ =	sdelay $0x4  }
0x603: {  	v3 =	vshll.u32 v2, $0x3  }
0x604: {  	v2 =	vand.u32 $0x7F, v2;
	v3 =	vand.u32 $0xFFFFFC00, v3  }
0x605: {  	v2 =	vor.u32 v2, v3  }
0x606: {  	v3 =	vld [tilespmem:$0x19E0];
	v2 =	vadd.s32 v1, v2;
	_ =	sdelay $0x4  }
0x607: {  	[tilespmem:v2+s18+$0x0] =	vst.idx.add.f32.msk $0xffff, v3  }
0x608: {  	v2 =	vld [tilespmem:$0xA60];
	_ =	sdelay $0x4  }
0x609: {  	v3 =	vshll.u32 v2, $0x3  }
0x60a: {  	v2 =	vand.u32 $0x7F, v2;
	v3 =	vand.u32 $0xFFFFFC00, v3  }
0x60b: {  	v2 =	vor.u32 v2, v3  }
0x60c: {  	v3 =	vld [tilespmem:$0x1A60];
	v2 =	vadd.s32 v1, v2;
	_ =	sdelay $0x4  }
0x60d: {  	[tilespmem:v2+s18+$0x0] =	vst.idx.add.f32.msk $0xffff, v3  }
0x60e: {  	v2 =	vld [tilespmem:$0xAE0];
	_ =	sdelay $0x4  }
0x60f: {  	v3 =	vshll.u32 v2, $0x3  }
0x610: {  	v2 =	vand.u32 $0x7F, v2;
	v3 =	vand.u32 $0xFFFFFC00, v3  }
0x611: {  	v2 =	vor.u32 v2, v3  }
0x612: {  	v3 =	vld [tilespmem:$0x1AE0];
	v2 =	vadd.s32 v1, v2;
	_ =	sdelay $0x4  }
0x613: {  	[tilespmem:v2+s18+$0x0] =	vst.idx.add.f32.msk $0xffff, v3  }
0x614: {  	v2 =	vld [tilespmem:$0xB60];
	_ =	sdelay $0x4  }
0x615: {  	v3 =	vshll.u32 v2, $0x3  }
0x616: {  	v2 =	vand.u32 $0x7F, v2;
	v3 =	vand.u32 $0xFFFFFC00, v3  }
0x617: {  	v2 =	vor.u32 v2, v3  }
0x618: {  	v3 =	vld [tilespmem:$0x1B60];
	v2 =	vadd.s32 v1, v2;
	_ =	sdelay $0x4  }
0x619: {  	[tilespmem:v2+s18+$0x0] =	vst.idx.add.f32.msk $0xffff, v3  }
0x61a: {  	v2 =	vld [tilespmem:$0xBE0];
	_ =	sdelay $0x4  }
0x61b: {  	v3 =	vshll.u32 v2, $0x3  }
0x61c: {  	v2 =	vand.u32 $0x7F, v2;
	v3 =	vand.u32 $0xFFFFFC00, v3  }
0x61d: {  	v2 =	vor.u32 v2, v3  }
0x61e: {  	v3 =	vld [tilespmem:$0x1BE0];
	v2 =	vadd.s32 v1, v2;
	_ =	sdelay $0x4  }
0x61f: {  	[tilespmem:v2+s18+$0x0] =	vst.idx.add.f32.msk $0xffff, v3  }
0x620: {  	v2 =	vld [tilespmem:$0xC60];
	_ =	sdelay $0x4  }
0x621: {  	v3 =	vshll.u32 v2, $0x3  }
0x622: {  	v2 =	vand.u32 $0x7F, v2;
	v3 =	vand.u32 $0xFFFFFC00, v3  }
0x623: {  	v2 =	vor.u32 v2, v3  }
0x624: {  	v3 =	vld [tilespmem:$0x1C60];
	v2 =	vadd.s32 v1, v2;
	_ =	sdelay $0x4  }
0x625: {  	[tilespmem:v2+s18+$0x0] =	vst.idx.add.f32.msk $0xffff, v3  }
0x626: {  	v2 =	vld [tilespmem:$0xCE0];
	_ =	sdelay $0x4  }
0x627: {  	v3 =	vshll.u32 v2, $0x3  }
0x628: {  	v2 =	vand.u32 $0x7F, v2;
	v3 =	vand.u32 $0xFFFFFC00, v3  }
0x629: {  	v2 =	vor.u32 v2, v3  }
0x62a: {  	v3 =	vld [tilespmem:$0x1CE0];
	v2 =	vadd.s32 v1, v2;
	_ =	sdelay $0x4  }
0x62b: {  	[tilespmem:v2+s18+$0x0] =	vst.idx.add.f32.msk $0xffff, v3  }
0x62c: {  	v2 =	vld [tilespmem:$0xD60];
	_ =	sdelay $0x4  }
0x62d: {  	v3 =	vshll.u32 v2, $0x3  }
0x62e: {  	v2 =	vand.u32 $0x7F, v2;
	v3 =	vand.u32 $0xFFFFFC00, v3  }
0x62f: {  	v2 =	vor.u32 v2, v3  }
0x630: {  	v3 =	vld [tilespmem:$0x1D60];
	v2 =	vadd.s32 v1, v2;
	_ =	sdelay $0x4  }
0x631: {  	[tilespmem:v2+s18+$0x0] =	vst.idx.add.f32.msk $0xffff, v3  }
0x632: {  	v2 =	vld [tilespmem:$0xDE0];
	_ =	sdelay $0x4  }
0x633: {  	v3 =	vshll.u32 v2, $0x3  }
0x634: {  	v2 =	vand.u32 $0x7F, v2;
	v3 =	vand.u32 $0xFFFFFC00, v3  }
0x635: {  	v2 =	vor.u32 v2, v3  }
0x636: {  	v3 =	vld [tilespmem:$0x1DE0];
	v2 =	vadd.s32 v1, v2;
	_ =	sdelay $0x4  }
0x637: {  	[tilespmem:v2+s18+$0x0] =	vst.idx.add.f32.msk $0xffff, v3  }
0x638: {  	v2 =	vld [tilespmem:$0xE60];
	_ =	sdelay $0x4  }
0x639: {  	v3 =	vshll.u32 v2, $0x3  }
0x63a: {  	v2 =	vand.u32 $0x7F, v2;
	v3 =	vand.u32 $0xFFFFFC00, v3  }
0x63b: {  	v2 =	vor.u32 v2, v3  }
0x63c: {  	v3 =	vld [tilespmem:$0x1E60];
	v2 =	vadd.s32 v1, v2;
	_ =	sdelay $0x4  }
0x63d: {  	[tilespmem:v2+s18+$0x0] =	vst.idx.add.f32.msk $0xffff, v3  }
0x63e: {  	v2 =	vld [tilespmem:$0xEE0];
	_ =	sdelay $0x4  }
0x63f: {  	v3 =	vshll.u32 v2, $0x3  }
0x640: {  	v2 =	vand.u32 $0x7F, v2;
	v3 =	vand.u32 $0xFFFFFC00, v3  }
0x641: {  	v2 =	vor.u32 v2, v3  }
0x642: {  	v3 =	vld [tilespmem:$0x1EE0];
	v2 =	vadd.s32 v1, v2;
	_ =	sdelay $0x4  }
0x643: {  	[tilespmem:v2+s18+$0x0] =	vst.idx.add.f32.msk $0xffff, v3  }
0x644: {  	v2 =	vld [tilespmem:$0xF60];
	_ =	sdelay $0x4  }
0x645: {  	v3 =	vshll.u32 v2, $0x3  }
0x646: {  	v2 =	vand.u32 $0x7F, v2;
	v3 =	vand.u32 $0xFFFFFC00, v3  }
0x647: {  	v2 =	vor.u32 v2, v3  }
0x648: {  	v3 =	vld [tilespmem:$0x1F60];
	v2 =	vadd.s32 v1, v2;
	_ =	sdelay $0x4  }
0x649: {  	[tilespmem:v2+s18+$0x0] =	vst.idx.add.f32.msk $0xffff, v3  }
0x64a: {  	v2 =	vld [tilespmem:$0xFE0];
	_ =	sdelay $0x4  }
0x64b: {  	v3 =	vshll.u32 v2, $0x3  }
0x64c: {  	v2 =	vand.u32 $0x7F, v2;
	v3 =	vand.u32 $0xFFFFFC00, v3  }
0x64d: {  	v2 =	vor.u32 v2, v3  }
0x64e: {  	v3 =	vld [tilespmem:$0x1FE0];
	v2 =	vadd.s32 v1, v2;
	_ =	sdelay $0x4  }
0x64f: {  	s24 =	simm.s32 $0x0;
	[tilespmem:v2+s18+$0x0] =	vst.idx.add.f32.msk $0xffff, v3  }
0x650: {  	[hbm4b:s11+s24] =	stream.linear.scatter [tilespmem:s18], [sflag:$0x1], $0x4000, $0x38;
	[tilespmem:$0xA000] =	vst v63  }
0x651: {  	_ =	swait.ge [sflag:s21], $0x4000  }
0x652: {  	s31 =	sand.u32 $0x70, s24;
	s25 =	sand.u32 $0x1C00, s24;
	[sflag:s21] =	ssyncset.done $0x0  }
0x653: {  	s23 =	sor.u32 s31, s25;
	[sflag:s21] =	ssyncadd.s32 $0xFFFFC000  }
0x654: {  	[tilespmem:s23+$0x6080] =	vst v0  }
0x655: {  	[tilespmem:s23+$0x6100] =	vst v0  }
0x656: {  	[tilespmem:s23+$0x6180] =	vst v0  }
0x657: {  	[tilespmem:s23+$0x6200] =	vst v0  }
0x658: {  	[tilespmem:s23+$0x6280] =	vst v0  }
0x659: {  	s26 =	sor.u32 s24, s24;
	s25 =	simm.s32 $0x10;
	[tilespmem:s23+$0x6300] =	vst v0  }
.LBB2_16:
0x65a: {  	p0 =	sne.s32 s25, $0x3F0;
	[tilespmem:s23+$0x6000] =	vst v0;
	s26 =	sor.u32 $0x380, s26  }
0x65b: {  	[tilespmem:s26+$0x6000] =	vst v0  }
0x65c: {  	[tilespmem:s23+$0x8000] =	vst v0  }
0x65d: {  	[tilespmem:s23+$0x8080] =	vst v0  }
0x65e: {  	[tilespmem:s23+$0x8100] =	vst v0  }
0x65f: {  	[tilespmem:s23+$0x8180] =	vst v0  }
0x660: {  	[tilespmem:s23+$0x8200] =	vst v0  }
0x661: {  	s24 =	sadd.s32 $0x80, s24;
	[tilespmem:s23+$0x8280] =	vst v0  }
0x662: {  	s26 =	sand.u32 $0x70, s25;
	s28 =	sand.u32 $0x1C00, s24;
	[tilespmem:s23+$0x8300] =	vst v0  }
0x663: {  	[tilespmem:s23+$0x8380] =	vst v0;
	s23 =	sor.u32 s26, s28  }
0x664: {  	[tilespmem:s23+$0x6080] =	vst v0  }
.Ltmp7:
0x665: {  	[tilespmem:s23+$0x6100] =	vst v0;
	(pc) =	sbr.rel @p0 .LBB2_16-.Ltmp7, $4  }
0x666: {  	[tilespmem:s23+$0x6180] =	vst v0  }
0x667: {  	[tilespmem:s23+$0x6200] =	vst v0  }
0x668: {  	[tilespmem:s23+$0x6280] =	vst v0  }
0x669: {  	s26 =	sor.u32 s24, s25;
	s25 =	sadd.s32 $0x10, s25;
	[tilespmem:s23+$0x6300] =	vst v0  }
0x66a: {  	[tilespmem:s23+$0x6000] =	vst v0;
	s24 =	sor.u32 $0x380, s26  }
0x66b: {  	[tilespmem:s24+$0x6000] =	vst v0  }
0x66c: {  	[tilespmem:s23+$0x8000] =	vst v0  }
0x66d: {  	[tilespmem:s23+$0x8080] =	vst v0  }
0x66e: {  	[tilespmem:s23+$0x8100] =	vst v0  }
0x66f: {  	[tilespmem:s23+$0x8180] =	vst v0  }
0x670: {  	[tilespmem:s23+$0x8200] =	vst v0  }
0x671: {  	[tilespmem:s23+$0x8280] =	vst v0  }
0x672: {  	[tilespmem:s23+$0x8300] =	vst v0  }
0x673: {  	[tilespmem:s23+$0x8380] =	vst v0  }
0x674: {  	v2 =	vld [tilespmem:$0x70];
	_ =	sdelay $0x4  }
0x675: {  	v3 =	vshll.u32 v2, $0x3  }
0x676: {  	v2 =	vand.u32 $0x7F, v2;
	v3 =	vand.u32 $0xFFFFFC00, v3  }
0x677: {  	v2 =	vor.u32 v2, v3  }
0x678: {  	v3 =	vld [tilespmem:$0x1070];
	v2 =	vadd.s32 v1, v2;
	_ =	sdelay $0x4  }
0x679: {  	[tilespmem:v2+s19+$0x0] =	vst.idx.add.f32.msk $0xffff, v3  }
0x67a: {  	v2 =	vld [tilespmem:$0xF0];
	_ =	sdelay $0x4  }
0x67b: {  	v3 =	vshll.u32 v2, $0x3  }
0x67c: {  	v2 =	vand.u32 $0x7F, v2;
	v3 =	vand.u32 $0xFFFFFC00, v3  }
0x67d: {  	v2 =	vor.u32 v2, v3  }
0x67e: {  	v3 =	vld [tilespmem:$0x10F0];
	v2 =	vadd.s32 v1, v2;
	_ =	sdelay $0x4  }
0x67f: {  	[tilespmem:v2+s19+$0x0] =	vst.idx.add.f32.msk $0xffff, v3  }
0x680: {  	v2 =	vld [tilespmem:$0x170];
	_ =	sdelay $0x4  }
0x681: {  	v3 =	vshll.u32 v2, $0x3  }
0x682: {  	v2 =	vand.u32 $0x7F, v2;
	v3 =	vand.u32 $0xFFFFFC00, v3  }
0x683: {  	v2 =	vor.u32 v2, v3  }
0x684: {  	v3 =	vld [tilespmem:$0x1170];
	v2 =	vadd.s32 v1, v2;
	_ =	sdelay $0x4  }
0x685: {  	[tilespmem:v2+s19+$0x0] =	vst.idx.add.f32.msk $0xffff, v3  }
0x686: {  	v2 =	vld [tilespmem:$0x1F0];
	_ =	sdelay $0x4  }
0x687: {  	v3 =	vshll.u32 v2, $0x3  }
0x688: {  	v2 =	vand.u32 $0x7F, v2;
	v3 =	vand.u32 $0xFFFFFC00, v3  }
0x689: {  	v2 =	vor.u32 v2, v3  }
0x68a: {  	v3 =	vld [tilespmem:$0x11F0];
	v2 =	vadd.s32 v1, v2;
	_ =	sdelay $0x4  }
0x68b: {  	[tilespmem:v2+s19+$0x0] =	vst.idx.add.f32.msk $0xffff, v3  }
0x68c: {  	v2 =	vld [tilespmem:$0x270];
	_ =	sdelay $0x4  }
0x68d: {  	v3 =	vshll.u32 v2, $0x3  }
0x68e: {  	v2 =	vand.u32 $0x7F, v2;
	v3 =	vand.u32 $0xFFFFFC00, v3  }
0x68f: {  	v2 =	vor.u32 v2, v3  }
0x690: {  	v3 =	vld [tilespmem:$0x1270];
	v2 =	vadd.s32 v1, v2;
	_ =	sdelay $0x4  }
0x691: {  	[tilespmem:v2+s19+$0x0] =	vst.idx.add.f32.msk $0xffff, v3  }
0x692: {  	v2 =	vld [tilespmem:$0x2F0];
	_ =	sdelay $0x4  }
0x693: {  	v3 =	vshll.u32 v2, $0x3  }
0x694: {  	v2 =	vand.u32 $0x7F, v2;
	v3 =	vand.u32 $0xFFFFFC00, v3  }
0x695: {  	v2 =	vor.u32 v2, v3  }
0x696: {  	v3 =	vld [tilespmem:$0x12F0];
	v2 =	vadd.s32 v1, v2;
	_ =	sdelay $0x4  }
0x697: {  	[tilespmem:v2+s19+$0x0] =	vst.idx.add.f32.msk $0xffff, v3  }
0x698: {  	v2 =	vld [tilespmem:$0x370];
	_ =	sdelay $0x4  }
0x699: {  	v3 =	vshll.u32 v2, $0x3  }
0x69a: {  	v2 =	vand.u32 $0x7F, v2;
	v3 =	vand.u32 $0xFFFFFC00, v3  }
0x69b: {  	v2 =	vor.u32 v2, v3  }
0x69c: {  	v3 =	vld [tilespmem:$0x1370];
	v2 =	vadd.s32 v1, v2;
	_ =	sdelay $0x4  }
0x69d: {  	[tilespmem:v2+s19+$0x0] =	vst.idx.add.f32.msk $0xffff, v3  }
0x69e: {  	v2 =	vld [tilespmem:$0x3F0];
	_ =	sdelay $0x4  }
0x69f: {  	v3 =	vshll.u32 v2, $0x3  }
0x6a0: {  	v2 =	vand.u32 $0x7F, v2;
	v3 =	vand.u32 $0xFFFFFC00, v3  }
0x6a1: {  	v2 =	vor.u32 v2, v3  }
0x6a2: {  	v3 =	vld [tilespmem:$0x13F0];
	v2 =	vadd.s32 v1, v2;
	_ =	sdelay $0x4  }
0x6a3: {  	[tilespmem:v2+s19+$0x0] =	vst.idx.add.f32.msk $0xffff, v3  }
0x6a4: {  	v2 =	vld [tilespmem:$0x470];
	_ =	sdelay $0x4  }
0x6a5: {  	v3 =	vshll.u32 v2, $0x3  }
0x6a6: {  	v2 =	vand.u32 $0x7F, v2;
	v3 =	vand.u32 $0xFFFFFC00, v3  }
0x6a7: {  	v2 =	vor.u32 v2, v3  }
0x6a8: {  	v3 =	vld [tilespmem:$0x1470];
	v2 =	vadd.s32 v1, v2;
	_ =	sdelay $0x4  }
0x6a9: {  	[tilespmem:v2+s19+$0x0] =	vst.idx.add.f32.msk $0xffff, v3  }
0x6aa: {  	v2 =	vld [tilespmem:$0x4F0];
	_ =	sdelay $0x4  }
0x6ab: {  	v3 =	vshll.u32 v2, $0x3  }
0x6ac: {  	v2 =	vand.u32 $0x7F, v2;
	v3 =	vand.u32 $0xFFFFFC00, v3  }
0x6ad: {  	v2 =	vor.u32 v2, v3  }
0x6ae: {  	v3 =	vld [tilespmem:$0x14F0];
	v2 =	vadd.s32 v1, v2;
	_ =	sdelay $0x4  }
0x6af: {  	[tilespmem:v2+s19+$0x0] =	vst.idx.add.f32.msk $0xffff, v3  }
0x6b0: {  	v2 =	vld [tilespmem:$0x570];
	_ =	sdelay $0x4  }
0x6b1: {  	v3 =	vshll.u32 v2, $0x3  }
0x6b2: {  	v2 =	vand.u32 $0x7F, v2;
	v3 =	vand.u32 $0xFFFFFC00, v3  }
0x6b3: {  	v2 =	vor.u32 v2, v3  }
0x6b4: {  	v3 =	vld [tilespmem:$0x1570];
	v2 =	vadd.s32 v1, v2;
	_ =	sdelay $0x4  }
0x6b5: {  	[tilespmem:v2+s19+$0x0] =	vst.idx.add.f32.msk $0xffff, v3  }
0x6b6: {  	v2 =	vld [tilespmem:$0x5F0];
	_ =	sdelay $0x4  }
0x6b7: {  	v3 =	vshll.u32 v2, $0x3  }
0x6b8: {  	v2 =	vand.u32 $0x7F, v2;
	v3 =	vand.u32 $0xFFFFFC00, v3  }
0x6b9: {  	v2 =	vor.u32 v2, v3  }
0x6ba: {  	v3 =	vld [tilespmem:$0x15F0];
	v2 =	vadd.s32 v1, v2;
	_ =	sdelay $0x4  }
0x6bb: {  	[tilespmem:v2+s19+$0x0] =	vst.idx.add.f32.msk $0xffff, v3  }
0x6bc: {  	v2 =	vld [tilespmem:$0x670];
	_ =	sdelay $0x4  }
0x6bd: {  	v3 =	vshll.u32 v2, $0x3  }
0x6be: {  	v2 =	vand.u32 $0x7F, v2;
	v3 =	vand.u32 $0xFFFFFC00, v3  }
0x6bf: {  	v2 =	vor.u32 v2, v3  }
0x6c0: {  	v3 =	vld [tilespmem:$0x1670];
	v2 =	vadd.s32 v1, v2;
	_ =	sdelay $0x4  }
0x6c1: {  	[tilespmem:v2+s19+$0x0] =	vst.idx.add.f32.msk $0xffff, v3  }
0x6c2: {  	v2 =	vld [tilespmem:$0x6F0];
	_ =	sdelay $0x4  }
0x6c3: {  	v3 =	vshll.u32 v2, $0x3  }
0x6c4: {  	v2 =	vand.u32 $0x7F, v2;
	v3 =	vand.u32 $0xFFFFFC00, v3  }
0x6c5: {  	v2 =	vor.u32 v2, v3  }
0x6c6: {  	v3 =	vld [tilespmem:$0x16F0];
	v2 =	vadd.s32 v1, v2;
	_ =	sdelay $0x4  }
0x6c7: {  	[tilespmem:v2+s19+$0x0] =	vst.idx.add.f32.msk $0xffff, v3  }
0x6c8: {  	v2 =	vld [tilespmem:$0x770];
	_ =	sdelay $0x4  }
0x6c9: {  	v3 =	vshll.u32 v2, $0x3  }
0x6ca: {  	v2 =	vand.u32 $0x7F, v2;
	v3 =	vand.u32 $0xFFFFFC00, v3  }
0x6cb: {  	v2 =	vor.u32 v2, v3  }
0x6cc: {  	v3 =	vld [tilespmem:$0x1770];
	v2 =	vadd.s32 v1, v2;
	_ =	sdelay $0x4  }
0x6cd: {  	[tilespmem:v2+s19+$0x0] =	vst.idx.add.f32.msk $0xffff, v3  }
0x6ce: {  	v2 =	vld [tilespmem:$0x7F0];
	_ =	sdelay $0x4  }
0x6cf: {  	v3 =	vshll.u32 v2, $0x3  }
0x6d0: {  	v2 =	vand.u32 $0x7F, v2;
	v3 =	vand.u32 $0xFFFFFC00, v3  }
0x6d1: {  	v2 =	vor.u32 v2, v3  }
0x6d2: {  	v3 =	vld [tilespmem:$0x17F0];
	v2 =	vadd.s32 v1, v2;
	_ =	sdelay $0x4  }
0x6d3: {  	[tilespmem:v2+s19+$0x0] =	vst.idx.add.f32.msk $0xffff, v3  }
0x6d4: {  	v2 =	vld [tilespmem:$0x870];
	_ =	sdelay $0x4  }
0x6d5: {  	v3 =	vshll.u32 v2, $0x3  }
0x6d6: {  	v2 =	vand.u32 $0x7F, v2;
	v3 =	vand.u32 $0xFFFFFC00, v3  }
0x6d7: {  	v2 =	vor.u32 v2, v3  }
0x6d8: {  	v3 =	vld [tilespmem:$0x1870];
	v2 =	vadd.s32 v1, v2;
	_ =	sdelay $0x4  }
0x6d9: {  	[tilespmem:v2+s19+$0x0] =	vst.idx.add.f32.msk $0xffff, v3  }
0x6da: {  	v2 =	vld [tilespmem:$0x8F0];
	_ =	sdelay $0x4  }
0x6db: {  	v3 =	vshll.u32 v2, $0x3  }
0x6dc: {  	v2 =	vand.u32 $0x7F, v2;
	v3 =	vand.u32 $0xFFFFFC00, v3  }
0x6dd: {  	v2 =	vor.u32 v2, v3  }
0x6de: {  	v3 =	vld [tilespmem:$0x18F0];
	v2 =	vadd.s32 v1, v2;
	_ =	sdelay $0x4  }
0x6df: {  	[tilespmem:v2+s19+$0x0] =	vst.idx.add.f32.msk $0xffff, v3  }
0x6e0: {  	v2 =	vld [tilespmem:$0x970];
	_ =	sdelay $0x4  }
0x6e1: {  	v3 =	vshll.u32 v2, $0x3  }
0x6e2: {  	v2 =	vand.u32 $0x7F, v2;
	v3 =	vand.u32 $0xFFFFFC00, v3  }
0x6e3: {  	v2 =	vor.u32 v2, v3  }
0x6e4: {  	v3 =	vld [tilespmem:$0x1970];
	v2 =	vadd.s32 v1, v2;
	_ =	sdelay $0x4  }
0x6e5: {  	[tilespmem:v2+s19+$0x0] =	vst.idx.add.f32.msk $0xffff, v3  }
0x6e6: {  	v2 =	vld [tilespmem:$0x9F0];
	_ =	sdelay $0x4  }
0x6e7: {  	v3 =	vshll.u32 v2, $0x3  }
0x6e8: {  	v2 =	vand.u32 $0x7F, v2;
	v3 =	vand.u32 $0xFFFFFC00, v3  }
0x6e9: {  	v2 =	vor.u32 v2, v3  }
0x6ea: {  	v3 =	vld [tilespmem:$0x19F0];
	v2 =	vadd.s32 v1, v2;
	_ =	sdelay $0x4  }
0x6eb: {  	[tilespmem:v2+s19+$0x0] =	vst.idx.add.f32.msk $0xffff, v3  }
0x6ec: {  	v2 =	vld [tilespmem:$0xA70];
	_ =	sdelay $0x4  }
0x6ed: {  	v3 =	vshll.u32 v2, $0x3  }
0x6ee: {  	v2 =	vand.u32 $0x7F, v2;
	v3 =	vand.u32 $0xFFFFFC00, v3  }
0x6ef: {  	v2 =	vor.u32 v2, v3  }
0x6f0: {  	v3 =	vld [tilespmem:$0x1A70];
	v2 =	vadd.s32 v1, v2;
	_ =	sdelay $0x4  }
0x6f1: {  	[tilespmem:v2+s19+$0x0] =	vst.idx.add.f32.msk $0xffff, v3  }
0x6f2: {  	v2 =	vld [tilespmem:$0xAF0];
	_ =	sdelay $0x4  }
0x6f3: {  	v3 =	vshll.u32 v2, $0x3  }
0x6f4: {  	v2 =	vand.u32 $0x7F, v2;
	v3 =	vand.u32 $0xFFFFFC00, v3  }
0x6f5: {  	v2 =	vor.u32 v2, v3  }
0x6f6: {  	v3 =	vld [tilespmem:$0x1AF0];
	v2 =	vadd.s32 v1, v2;
	_ =	sdelay $0x4  }
0x6f7: {  	[tilespmem:v2+s19+$0x0] =	vst.idx.add.f32.msk $0xffff, v3  }
0x6f8: {  	v2 =	vld [tilespmem:$0xB70];
	_ =	sdelay $0x4  }
0x6f9: {  	v3 =	vshll.u32 v2, $0x3  }
0x6fa: {  	v2 =	vand.u32 $0x7F, v2;
	v3 =	vand.u32 $0xFFFFFC00, v3  }
0x6fb: {  	v2 =	vor.u32 v2, v3  }
0x6fc: {  	v3 =	vld [tilespmem:$0x1B70];
	v2 =	vadd.s32 v1, v2;
	_ =	sdelay $0x4  }
0x6fd: {  	[tilespmem:v2+s19+$0x0] =	vst.idx.add.f32.msk $0xffff, v3  }
0x6fe: {  	v2 =	vld [tilespmem:$0xBF0];
	_ =	sdelay $0x4  }
0x6ff: {  	v3 =	vshll.u32 v2, $0x3  }
0x700: {  	v2 =	vand.u32 $0x7F, v2;
	v3 =	vand.u32 $0xFFFFFC00, v3  }
0x701: {  	v2 =	vor.u32 v2, v3  }
0x702: {  	v3 =	vld [tilespmem:$0x1BF0];
	v2 =	vadd.s32 v1, v2;
	_ =	sdelay $0x4  }
0x703: {  	[tilespmem:v2+s19+$0x0] =	vst.idx.add.f32.msk $0xffff, v3  }
0x704: {  	v2 =	vld [tilespmem:$0xC70];
	_ =	sdelay $0x4  }
0x705: {  	v3 =	vshll.u32 v2, $0x3  }
0x706: {  	v2 =	vand.u32 $0x7F, v2;
	v3 =	vand.u32 $0xFFFFFC00, v3  }
0x707: {  	v2 =	vor.u32 v2, v3  }
0x708: {  	v3 =	vld [tilespmem:$0x1C70];
	v2 =	vadd.s32 v1, v2;
	_ =	sdelay $0x4  }
0x709: {  	[tilespmem:v2+s19+$0x0] =	vst.idx.add.f32.msk $0xffff, v3  }
0x70a: {  	v2 =	vld [tilespmem:$0xCF0];
	_ =	sdelay $0x4  }
0x70b: {  	v3 =	vshll.u32 v2, $0x3  }
0x70c: {  	v2 =	vand.u32 $0x7F, v2;
	v3 =	vand.u32 $0xFFFFFC00, v3  }
0x70d: {  	v2 =	vor.u32 v2, v3  }
0x70e: {  	v3 =	vld [tilespmem:$0x1CF0];
	v2 =	vadd.s32 v1, v2;
	_ =	sdelay $0x4  }
0x70f: {  	[tilespmem:v2+s19+$0x0] =	vst.idx.add.f32.msk $0xffff, v3  }
0x710: {  	v2 =	vld [tilespmem:$0xD70];
	_ =	sdelay $0x4  }
0x711: {  	v3 =	vshll.u32 v2, $0x3  }
0x712: {  	v2 =	vand.u32 $0x7F, v2;
	v3 =	vand.u32 $0xFFFFFC00, v3  }
0x713: {  	v2 =	vor.u32 v2, v3  }
0x714: {  	v3 =	vld [tilespmem:$0x1D70];
	v2 =	vadd.s32 v1, v2;
	_ =	sdelay $0x4  }
0x715: {  	[tilespmem:v2+s19+$0x0] =	vst.idx.add.f32.msk $0xffff, v3  }
0x716: {  	v2 =	vld [tilespmem:$0xDF0];
	_ =	sdelay $0x4  }
0x717: {  	v3 =	vshll.u32 v2, $0x3  }
0x718: {  	v2 =	vand.u32 $0x7F, v2;
	v3 =	vand.u32 $0xFFFFFC00, v3  }
0x719: {  	v2 =	vor.u32 v2, v3  }
0x71a: {  	v3 =	vld [tilespmem:$0x1DF0];
	v2 =	vadd.s32 v1, v2;
	_ =	sdelay $0x4  }
0x71b: {  	[tilespmem:v2+s19+$0x0] =	vst.idx.add.f32.msk $0xffff, v3  }
0x71c: {  	v2 =	vld [tilespmem:$0xE70];
	_ =	sdelay $0x4  }
0x71d: {  	v3 =	vshll.u32 v2, $0x3  }
0x71e: {  	v2 =	vand.u32 $0x7F, v2;
	v3 =	vand.u32 $0xFFFFFC00, v3  }
0x71f: {  	v2 =	vor.u32 v2, v3  }
0x720: {  	v3 =	vld [tilespmem:$0x1E70];
	v2 =	vadd.s32 v1, v2;
	_ =	sdelay $0x4  }
0x721: {  	[tilespmem:v2+s19+$0x0] =	vst.idx.add.f32.msk $0xffff, v3  }
0x722: {  	v2 =	vld [tilespmem:$0xEF0];
	_ =	sdelay $0x4  }
0x723: {  	v3 =	vshll.u32 v2, $0x3  }
0x724: {  	v2 =	vand.u32 $0x7F, v2;
	v3 =	vand.u32 $0xFFFFFC00, v3  }
0x725: {  	v2 =	vor.u32 v2, v3  }
0x726: {  	v3 =	vld [tilespmem:$0x1EF0];
	v2 =	vadd.s32 v1, v2;
	_ =	sdelay $0x4  }
0x727: {  	[tilespmem:v2+s19+$0x0] =	vst.idx.add.f32.msk $0xffff, v3  }
0x728: {  	v2 =	vld [tilespmem:$0xF70];
	_ =	sdelay $0x4  }
0x729: {  	v3 =	vshll.u32 v2, $0x3  }
0x72a: {  	v2 =	vand.u32 $0x7F, v2;
	v3 =	vand.u32 $0xFFFFFC00, v3  }
0x72b: {  	v2 =	vor.u32 v2, v3  }
0x72c: {  	v3 =	vld [tilespmem:$0x1F70];
	v2 =	vadd.s32 v1, v2;
	_ =	sdelay $0x4  }
0x72d: {  	[tilespmem:v2+s19+$0x0] =	vst.idx.add.f32.msk $0xffff, v3  }
0x72e: {  	v2 =	vld [tilespmem:$0xFF0];
	_ =	sdelay $0x4  }
0x72f: {  	v3 =	vshll.u32 v2, $0x3  }
0x730: {  	v2 =	vand.u32 $0x7F, v2;
	v3 =	vand.u32 $0xFFFFFC00, v3  }
0x731: {  	v2 =	vor.u32 v2, v3  }
0x732: {  	v3 =	vld [tilespmem:$0x1FF0];
	v2 =	vadd.s32 v1, v2;
	_ =	sdelay $0x4  }
0x733: {  	s22 =	sadd.s32 $0x1, s22;
	[tilespmem:v2+s19+$0x0] =	vst.idx.add.f32.msk $0xffff, v3  }
0x734: {  	[hbm4b:s12+s2] =	stream.linear.scatter [tilespmem:s19], [sflag:$0x2], $0x4000, $0x38;
	[tilespmem:$0xA000] =	vst v63  }
0x735: {  	p0 =	sne.s32 s22, s13;
	_ =	swait.ge [sflag:s20], $0x4000  }
.Ltmp8:
0x736: {  	[sflag:s20] =	ssyncset.done $0x0;
	(pc) =	sbr.rel @p0 .LBB2_1-.Ltmp8, $4  }
0x737: {  	[sflag:s20] =	ssyncadd.s32 $0xFFFFC000  }
0x738: {  	_ =	swait.ge [sflag:s21], $0x4000  }
0x739: {  	[sflag:s21] =	ssyncset.done $0x0  }
0x73a: {  	[sflag:s21] =	ssyncadd.s32 $0xFFFFC000  }
0x73b: {  	_ =	sfence.sel $0x180000  }
0x73c: {  	[bflag:$0x0] =	sbarrier.arrive $0xFFFF  }
0x73d: {  	p0 =	sne.s32 s0, $0x0;
	_ =	strace $0x90000047  }
0x73e: {  	s0 =	sadd.s32 @!p0 $0x100000, s1;
	[bflag:$0x2] =	sbarrier.arrive $0xFFFF  }
0x73f: {  	[sflag:s0] =	ssyncadd.tile.s32 @!p0 $0x1;
	_ =	shalt  }
.Lfunc_end2:
_tile_overlayer_lowered:
.L_overlay_start_2:
0x740: {  	(tag) =	ssettag $0x2  }
0x741: {  	s0 =	rddreg [dreg:$0x0];
	s2 =	stileid.u32  }
0x742: {  	s1 =	rddreg [dreg:$0x1];
	p0 =	sne.s32 s2, $0x0  }
0x743: {  	s3 =	rddreg [dreg:$0x2];
	[bflag:$0x3] =	sbarrier.arrive $0xFFFF;
	s2 =	simm.s32 @!p0 $0x1C03  }
0x744: {  	[timem:s3], [sflag:s2] =	dma.local @!p0 [hbm:s0], s1  }
0x745: {  	s0 =	simm.s32 @!p0 $0x3  }
0x746: {  	_ =	swait.ge @!p0 [sflag:s0], s1  }
0x747: {  	s1 =	ssub.s32 @!p0 $0x0, s1;
	[sflag:s0] =	ssyncset.done @!p0 $0x0  }
0x748: {  	[sflag:s0] =	ssyncadd.s32 @!p0 s1  }
0x749: {  	[bflag:$0x3] =	sbarrier.arrive $0xFFFF  }
0x74a: {  	_ =	shalt  }

</sc_bundles>
